<compile_context>
chip_gen: v7x
topology: tpu7x:2x2x1
jax: 0.10.2.dev20260603
libtpu: 0.0.44.dev20260713+nightly
codegen_flags: <defaults>
</compile_context>

<pallas_src>
import functools

import numpy as np
import jax
import jax.numpy as jnp
from jax import lax
from jax.experimental import pallas as pl
from jax.experimental.pallas import tpu as pltpu
from jax.experimental.pallas import tpu_sc as plsc

_MIN_LEN_SEG = 19
_MAX_LEN_SEG = 32
_MAX_LEN_SEQ = 2048
_MAX_LEN_PAD = 4096
_MAX_NUM_SEG = _MAX_LEN_SEQ // _MIN_LEN_SEG + 1
_B = 16
_D = 512

_NC, _NS, _L = 2, 16, 16
_KT = 32


_ROT = ((13, 15, 26, 6), (17, 29, 16, 24))


def _fry2(k0, k1, x0, x1):
    x0 = x0.astype(np.uint32).copy()
    x1 = x1.astype(np.uint32).copy()
    ks = [np.uint32(k0), np.uint32(k1),
          np.uint32(np.uint32(k0) ^ np.uint32(k1) ^ np.uint32(0x1BD11BDA))]
    with np.errstate(over="ignore"):
        x0 += ks[0]
        x1 += ks[1]
        for i in range(5):
            for r in _ROT[i % 2]:
                x0 += x1
                x1 = (x1 << np.uint32(r)) | (x1 >> np.uint32(32 - r))
                x1 ^= x0
            x0 += ks[(i + 1) % 3]
            x1 += ks[(i + 2) % 3] + np.uint32(i + 1)
    return x0, x1


def _fry_split(k0, k1, num=2):
    y0, y1 = _fry2(k0, k1, np.zeros(num, np.uint32),
                   np.arange(num, dtype=np.uint32))
    return np.stack([y0, y1], axis=1)


def _fry_bits(k0, k1, n):
    y0, y1 = _fry2(k0, k1, np.zeros(n, np.uint32), np.arange(n, dtype=np.uint32))
    return y0 ^ y1


def _fry_uniform(k0, k1, n):
    bits = _fry_bits(k0, k1, n)
    f = ((bits >> np.uint32(9)) | np.uint32(0x3F800000)).view(np.float32)
    return np.maximum(np.float32(0.0), f - np.float32(1.0))


def _fry_randint(k0, k1, n, minval, maxval):
    keys = _fry_split(k0, k1)
    u = _fry_bits(keys[0, 0], keys[0, 1], n)
    v = _fry_bits(keys[1, 0], keys[1, 1], n)
    span = np.uint32(maxval - minval)
    with np.errstate(over="ignore"):
        mult = ((np.uint32(65536) % span) ** 2) % span
        out = ((u % span) * mult + (v % span)) % span
    return minval + out.astype(np.int32)


@functools.lru_cache(maxsize=None)
def _consts():
    n = _B * _MAX_NUM_SEG
    keys = _fry_split(0, 42)
    scales = _fry_uniform(keys[0, 0], keys[0, 1], n) + np.float32(0.5)
    len_seg = _fry_randint(keys[1, 0], keys[1, 1], n,
                           _MIN_LEN_SEG, _MAX_LEN_SEG).reshape(n, 1)
    j = np.arange(_MAX_LEN_SEG * 2, dtype=np.int32)[None, :]
    idx_scaled = j.astype(np.float32) / scales[:, None]
    idx_fl = np.floor(idx_scaled)
    lam = (idx_scaled - idx_fl).astype(np.float32)
    static_mask = idx_fl < (len_seg.astype(np.float32) - np.float32(1.0))
    off = np.cumsum(len_seg.reshape(_B, -1), axis=-1)
    off = np.pad(off[:, :-1], ((0, 0), (1, 0))).reshape(-1, 1)
    src = (idx_fl + off.astype(np.float32)).astype(np.int32)
    grid = _MAX_NUM_SEG * _MAX_LEN_SEG * 2
    src = src.reshape(_B, grid)
    lam = lam.reshape(_B, grid)
    static_mask = static_mask.reshape(_B, grid)
    rows, lams, counts = [], [], []
    for b in range(_B):
        sel = static_mask[b] & (src[b] < _MAX_LEN_SEQ - 2)
        rows.append(src[b][sel])
        lams.append(lam[b][sel])
        counts.append(int(sel.sum()))
    K = -(-max(counts) // 128) * 128
    sg = np.full((_B, K), 4000, np.int32)
    lm = np.zeros((_B, K), np.float32)
    for b in range(_B):
        sg[b, : counts[b]] = rows[b]
        lm[b, : counts[b]] = lams[b]
    sg = sg + (np.arange(_B, dtype=np.int32) * _MAX_LEN_PAD)[:, None]
    return sg, sg + 1, lm, K


def kernel(x, len_seq):
    sg_np, sc_np, lm_np, K = _consts()
    tiles_per_half = (K // _KT) // _NC
    zrows = _MAX_LEN_PAD - K
    zper_half = zrows // _NC

    xf = x.reshape(_B * _MAX_LEN_PAD, _D)
    mesh = plsc.VectorSubcoreMesh(core_axis_name="c", subcore_axis_name="s")

    @functools.partial(
        pl.kernel,
        mesh=mesh,
        compiler_params=pltpu.CompilerParams(needs_layout_passes=False),
        out_type=jax.ShapeDtypeStruct((_B * _MAX_LEN_PAD, _D), jnp.float32),
        scratch_types=[
            pltpu.VMEM((K,), jnp.int32),
            pltpu.VMEM((K,), jnp.int32),
            pltpu.VMEM((K,), jnp.float32),
            pltpu.VMEM((_KT, _D), jnp.float32),
            pltpu.VMEM((_KT, _D), jnp.float32),
            pltpu.VMEM((_KT, _D), jnp.float32),
            pltpu.VMEM((_KT, _D), jnp.float32),
            pltpu.VMEM((_KT, _D), jnp.float32),
            pltpu.VMEM((_L,), jnp.int32),
            pltpu.SemaphoreType.DMA,
            pltpu.SemaphoreType.DMA,
            pltpu.SemaphoreType.DMA,
            pltpu.SemaphoreType.DMA,
            pltpu.SemaphoreType.DMA,
            pltpu.SemaphoreType.DMA,
            pltpu.SemaphoreType.DMA,
        ],
    )
    def _k(xf_hbm, lseq_hbm, sfl_hbm, scl_hbm, lam_hbm, out_hbm,
           sfl_r, scl_r, lam_r, fl0, cl0, fl1, cl1, zero_v, lseq_v,
           ga0, gb0, ga1, gb1, wb0, wb1, zsem):
        b = lax.axis_index("s")
        half = lax.axis_index("c")
        pltpu.sync_copy(lseq_hbm, lseq_v)
        pltpu.sync_copy(sfl_hbm.at[b], sfl_r)
        pltpu.sync_copy(scl_hbm.at[b], scl_r)
        pltpu.sync_copy(lam_hbm.at[b], lam_r)

        zeros16 = jnp.zeros((_L,), jnp.float32)

        def _memset_row(r, c):
            for cidx in range(_D // _L):
                zero_v[r, pl.ds(cidx * _L, _L)] = zeros16
            return c

        lax.fori_loop(0, _KT, _memset_row, 0)

        thr = (plsc.load_gather(lseq_v, [jnp.full((_L,), b, jnp.int32)])
               + b * _MAX_LEN_PAD - 1)

        def _cnt(i, acc):
            s16 = sfl_r[pl.ds(i * _L, _L)]
            return acc + jnp.where(s16 < thr, jnp.int32(1), jnp.int32(0))

        nvec = lax.fori_loop(0, K // _L, _cnt, jnp.zeros((_L,), jnp.int32))
        n_b = jnp.sum(nvec)
        stride = _NC * _KT
        nt = jnp.minimum((jnp.maximum(n_b - half * _KT, 0) + (stride - 1))
                         // stride, tiles_per_half)

        obase = b * _MAX_LEN_PAD

        def _ztile(i, c):
            koff = i * stride + half * _KT
            pltpu.async_copy(zero_v, out_hbm.at[pl.ds(obase + koff, _KT)], zsem)
            return c

        lax.fori_loop(nt, tiles_per_half, _ztile, 0)

        zbase = obase + K + half * zper_half
        for j in range(zper_half // _KT):
            pltpu.async_copy(zero_v, out_hbm.at[pl.ds(zbase + j * _KT, _KT)], zsem)

        bufs = ((fl0, cl0, ga0, gb0, wb0), (fl1, cl1, ga1, gb1, wb1))

        def _issue(i, flb, clb, ga, gb):
            koff = i * stride + half * _KT
            pltpu.async_copy(xf_hbm.at[sfl_r.at[pl.ds(koff, _KT)]], flb, ga)
            pltpu.async_copy(xf_hbm.at[scl_r.at[pl.ds(koff, _KT)]], clb, gb)

        def _wait_gather(flb, clb, ga, gb):
            pltpu.make_async_copy(xf_hbm.at[sfl_r.at[pl.ds(0, _KT)]], flb, ga).wait()
            pltpu.make_async_copy(xf_hbm.at[scl_r.at[pl.ds(0, _KT)]], clb, gb).wait()

        def _wait_wb(flb, wb):
            pltpu.make_async_copy(flb, out_hbm.at[pl.ds(0, _KT)], wb).wait()

        def _blend(i, flb, clb):
            koff = i * stride + half * _KT

            def _row(k, cc):
                kk = jnp.full((_L,), koff + k, jnp.int32)
                sk = plsc.load_gather(sfl_r, [kk])
                lamk = plsc.load_gather(lam_r, [kk])
                m = jnp.where(sk < thr, jnp.float32(1.0), jnp.float32(0.0))
                wc = lamk * m
                wf = m - wc
                for cidx in range(_D // _L):
                    sl = pl.ds(cidx * _L, _L)
                    flb[k, sl] = wf * flb[k, sl] + wc * clb[k, sl]
                return cc

            lax.fori_loop(0, _KT, _row, 0)

        @pl.when(nt > 0)
        def _():
            _issue(0, fl0, cl0, ga0, gb0)

        def _pair(p, c):
            for b2 in range(2):
                i = p * 2 + b2
                flb, clb, ga, gb, wb = bufs[b2]
                nflb, nclb, nga, ngb, nwb = bufs[1 - b2]

                @pl.when(i < nt)
                def _():
                    @pl.when(i + 1 < nt)
                    def _():
                        @pl.when(i >= 1)
                        def _():
                            _wait_wb(nflb, nwb)

                        _issue(i + 1, nflb, nclb, nga, ngb)

                    _wait_gather(flb, clb, ga, gb)
                    _blend(i, flb, clb)
                    koff = i * stride + half * _KT
                    pltpu.async_copy(flb, out_hbm.at[pl.ds(obase + koff, _KT)], wb)
            return c

        lax.fori_loop(0, (nt + 1) // 2, _pair, 0)

        @pl.when(nt >= 2)
        def _():
            _wait_wb(fl0, wb0)
            _wait_wb(fl1, wb1)

        @pl.when(nt == 1)
        def _():
            _wait_wb(fl0, wb0)

        def _zdrain(i, c):
            pltpu.make_async_copy(zero_v, out_hbm.at[pl.ds(obase, _KT)], zsem).wait()
            return c

        lax.fori_loop(nt, tiles_per_half, _zdrain, 0)
        for j in range(zper_half // _KT):
            pltpu.make_async_copy(zero_v, out_hbm.at[pl.ds(obase, _KT)], zsem).wait()

    out = _k(xf, len_seq, jnp.asarray(sg_np), jnp.asarray(sc_np), jnp.asarray(lm_np))
    return out.reshape(_B, _MAX_LEN_PAD, _D)

# --- scband reference (transcript-rebuilt; emitter-appended) ---
"""Pipeline reference for scband-interp-lnr-44976897524415 (READ-ONLY COPY).

The authoritative reference and input builder live on the scoring server;
editing this copy changes nothing except your own understanding.
"""

import jax, jax.numpy as jnp
import numpy as np

MIN_LEN_SEG = 19
MAX_LEN_SEG = 32
MIN_LEN_SEQ = 1024
MAX_LEN_SEQ = 2048
MAX_LEN_PAD = 4096
MAX_NUM_SEG = MAX_LEN_SEQ // MIN_LEN_SEG + 1
BATCH = 16
D_FEAT = 512


def setup_inputs(seed: int = 0) -> dict:
    key = jax.random.key(seed)
    k1, k2 = jax.random.split(key)
    x = jax.random.normal(k1, (BATCH, MAX_LEN_PAD, D_FEAT), dtype=jnp.float32)
    len_seq = jax.random.randint(k2, (BATCH,), MIN_LEN_SEQ, MAX_LEN_SEQ, dtype=jnp.int32)
    return {"x": x, "len_seq": len_seq}


def _precompute(batch_size, len_seq):
    # Random segmentation state (fixed key => deterministic), matching the
    # original module's tf.random / torch.rand usage in training mode.
    key = jax.random.key(42)
    ks, kl = jax.random.split(key)
    indices = jnp.tile(jnp.arange(MAX_LEN_SEG * 2)[None, :], (batch_size * MAX_NUM_SEG, 1))
    scales = jax.random.uniform(ks, (batch_size * MAX_NUM_SEG,), dtype=jnp.float32) + 0.5
    idx_scaled = indices.astype(jnp.float32) / scales[:, None]
    idx_scaled_fl = jnp.floor(idx_scaled)
    lambda_ = idx_scaled - idx_scaled_fl
    len_seg = jax.random.randint(kl, (batch_size * MAX_NUM_SEG, 1), MIN_LEN_SEG, MAX_LEN_SEG, dtype=jnp.int32)
    idx_mask = idx_scaled_fl < (len_seg.astype(jnp.float32) - 1.0)
    offset = jnp.cumsum(len_seg.reshape(batch_size, -1), axis=-1)
    offset = jnp.pad(offset[:, :-1], ((0, 0), (1, 0))).reshape(-1, 1)
    idx_scaled_org = idx_scaled_fl + offset.astype(jnp.float32)
    len_seq_rp = jnp.repeat(len_seq.astype(jnp.int32), MAX_NUM_SEG)
    idx_mask_org = idx_scaled_org < (len_seq_rp.astype(jnp.float32) - 1.0)[:, None]
    idx_mask_final = idx_mask & idx_mask_org
    grid = MAX_NUM_SEG * MAX_LEN_SEG * 2
    mask_b = idx_mask_final.reshape(batch_size, grid)
    index_1 = jnp.repeat(jnp.arange(batch_size), grid)
    index_2_fl = idx_scaled_org.astype(jnp.int32).reshape(-1)
    index_2_cl = index_2_fl + 1
    lambda_f = lambda_.reshape(-1)[:, None]
    # positions within each output row (pad_sequence to MAX_LEN_PAD)
    pos = jnp.cumsum(mask_b.astype(jnp.int32), axis=-1) - 1
    pos = jnp.where(mask_b, pos, MAX_LEN_PAD)  # unmasked -> dropped by scatter
    pos = jnp.where(pos < MAX_LEN_PAD, pos, MAX_LEN_PAD)  # overflow -> dropped by scatter
    pos = pos.reshape(-1)
    return index_1, index_2_fl, index_2_cl, lambda_f, pos


def reference(x, len_seq):
    batch_size = x.shape[0]
    index_1, index_2_fl, index_2_cl, lambda_f, pos = _precompute(batch_size, len_seq)
    y_fl = x[index_1, index_2_fl, :]
    y_cl = x[index_1, index_2_cl, :]
    y = (1.0 - lambda_f) * y_fl + lambda_f * y_cl
    out = jnp.zeros((batch_size, MAX_LEN_PAD, x.shape[-1]), x.dtype)
    out = out.at[index_1, pos].set(y, mode='drop')
    return out

if __name__ == "__main__":
    import jax
    _d = setup_inputs()
    print(jax.jit(kernel)(*tuple(_d.values())))

</pallas_src>

<mosaic_0001>
#map = affine_map<(d0, d1) -> (0, 0)>
#map1 = affine_map<(d0, d1) -> (0)>
module attributes {stable_mosaic.version = 14 : i64} {
  func.func @_k(%arg0: i32, %arg1: i32, %arg2: memref<65536x512xf32, #tpu.memory_space<hbm>>, %arg3: memref<16xi32, #tpu.memory_space<hbm>>, %arg4: memref<16x2176xi32, #tpu.memory_space<hbm>>, %arg5: memref<16x2176xi32, #tpu.memory_space<hbm>>, %arg6: memref<16x2176xf32, #tpu.memory_space<hbm>>, %arg7: memref<65536x512xf32, #tpu.memory_space<hbm>>, %arg8: memref<2176xi32, #tpu.memory_space<vmem>>, %arg9: memref<2176xi32, #tpu.memory_space<vmem>>, %arg10: memref<2176xf32, #tpu.memory_space<vmem>>, %arg11: memref<32x512xf32, #tpu.memory_space<vmem>>, %arg12: memref<32x512xf32, #tpu.memory_space<vmem>>, %arg13: memref<32x512xf32, #tpu.memory_space<vmem>>, %arg14: memref<32x512xf32, #tpu.memory_space<vmem>>, %arg15: memref<32x512xf32, #tpu.memory_space<vmem>>, %arg16: memref<16xi32, #tpu.memory_space<vmem>>, %arg17: memref<!tpu.dma_semaphore, #tpu.memory_space<semaphore_mem>>, %arg18: memref<!tpu.dma_semaphore, #tpu.memory_space<semaphore_mem>>, %arg19: memref<!tpu.dma_semaphore, #tpu.memory_space<semaphore_mem>>, %arg20: memref<!tpu.dma_semaphore, #tpu.memory_space<semaphore_mem>>, %arg21: memref<!tpu.dma_semaphore, #tpu.memory_space<semaphore_mem>>, %arg22: memref<!tpu.dma_semaphore, #tpu.memory_space<semaphore_mem>>, %arg23: memref<!tpu.dma_semaphore, #tpu.memory_space<semaphore_mem>>) attributes {dimension_semantics = [#tpu.dimension_semantics<core_parallel>, #tpu.dimension_semantics<subcore_parallel>], iteration_bounds = array<i64: 2, 16>, scalar_prefetch = 0 : i64, scratch_operands = 16 : i64, tpu.core_type = #tpu.core_type<sc_vector_subcore>, window_params = [{transform_indices = #map}, {transform_indices = #map1}, {transform_indices = #map}, {transform_indices = #map}, {transform_indices = #map}, {transform_indices = #map}]} {
    "tpu.region"() ({
      %run_scoped3A = tpu.sem_alloc : memref<!tpu.dma_semaphore, #tpu.memory_space<semaphore_mem>>
      tpu.enqueue_dma source(%arg3 : memref<16xi32, #tpu.memory_space<hbm>>) target(%arg16 : memref<16xi32, #tpu.memory_space<vmem>>) target_semaphore(%run_scoped3A : memref<!tpu.dma_semaphore, #tpu.memory_space<semaphore_mem>>)
      tpu.wait_dma2 semaphore(%run_scoped3A : memref<!tpu.dma_semaphore, #tpu.memory_space<semaphore_mem>>) src(%arg3 : memref<16xi32, #tpu.memory_space<hbm>>) dst(%arg16 : memref<16xi32, #tpu.memory_space<vmem>>)
      tpu.yield
    }) : () -> ()
    "tpu.region"() ({
      %run_scoped3A = tpu.sem_alloc : memref<!tpu.dma_semaphore, #tpu.memory_space<semaphore_mem>>
      %dma_start3A_416 = arith.constant 0 : i32
      %dma_start3A_417 = tpu.memref_slice %arg4[%arg1, %dma_start3A_416] : memref<16x2176xi32, #tpu.memory_space<hbm>> -> memref<1x2176xi32, #tpu.memory_space<hbm>>
      %dma_start3A_418 = tpu.memref_squeeze %dma_start3A_417 : memref<1x2176xi32, #tpu.memory_space<hbm>> -> memref<2176xi32, #tpu.memory_space<hbm>>
      %dma_start3A_419 = arith.constant 0 : i32
      %dma_start3A_420 = tpu.memref_slice %arg4[%arg1, %dma_start3A_419] : memref<16x2176xi32, #tpu.memory_space<hbm>> -> memref<1x2176xi32, #tpu.memory_space<hbm>>
      %dma_start3A_421 = tpu.memref_squeeze %dma_start3A_420 : memref<1x2176xi32, #tpu.memory_space<hbm>> -> memref<2176xi32, #tpu.memory_space<hbm>>
      tpu.enqueue_dma source(%dma_start3A_421 : memref<2176xi32, #tpu.memory_space<hbm>>) target(%arg8 : memref<2176xi32, #tpu.memory_space<vmem>>) target_semaphore(%run_scoped3A : memref<!tpu.dma_semaphore, #tpu.memory_space<semaphore_mem>>)
      %dma_wait3A_422 = arith.constant 0 : i32
      %dma_wait3A_423 = tpu.memref_slice %arg4[%arg1, %dma_wait3A_422] : memref<16x2176xi32, #tpu.memory_space<hbm>> -> memref<1x2176xi32, #tpu.memory_space<hbm>>
      %dma_wait3A_424 = tpu.memref_squeeze %dma_wait3A_423 : memref<1x2176xi32, #tpu.memory_space<hbm>> -> memref<2176xi32, #tpu.memory_space<hbm>>
      %dma_wait3A_425 = arith.constant 0 : i32
      %dma_wait3A_426 = tpu.memref_slice %arg4[%arg1, %dma_wait3A_425] : memref<16x2176xi32, #tpu.memory_space<hbm>> -> memref<1x2176xi32, #tpu.memory_space<hbm>>
      %dma_wait3A_427 = tpu.memref_squeeze %dma_wait3A_426 : memref<1x2176xi32, #tpu.memory_space<hbm>> -> memref<2176xi32, #tpu.memory_space<hbm>>
      tpu.wait_dma2 semaphore(%run_scoped3A : memref<!tpu.dma_semaphore, #tpu.memory_space<semaphore_mem>>) src(%dma_wait3A_427 : memref<2176xi32, #tpu.memory_space<hbm>>) dst(%arg8 : memref<2176xi32, #tpu.memory_space<vmem>>)
      tpu.yield
    }) : () -> ()
    "tpu.region"() ({
      %run_scoped3A = tpu.sem_alloc : memref<!tpu.dma_semaphore, #tpu.memory_space<semaphore_mem>>
      %dma_start3A_416 = arith.constant 0 : i32
      %dma_start3A_417 = tpu.memref_slice %arg5[%arg1, %dma_start3A_416] : memref<16x2176xi32, #tpu.memory_space<hbm>> -> memref<1x2176xi32, #tpu.memory_space<hbm>>
      %dma_start3A_418 = tpu.memref_squeeze %dma_start3A_417 : memref<1x2176xi32, #tpu.memory_space<hbm>> -> memref<2176xi32, #tpu.memory_space<hbm>>
      %dma_start3A_419 = arith.constant 0 : i32
      %dma_start3A_420 = tpu.memref_slice %arg5[%arg1, %dma_start3A_419] : memref<16x2176xi32, #tpu.memory_space<hbm>> -> memref<1x2176xi32, #tpu.memory_space<hbm>>
      %dma_start3A_421 = tpu.memref_squeeze %dma_start3A_420 : memref<1x2176xi32, #tpu.memory_space<hbm>> -> memref<2176xi32, #tpu.memory_space<hbm>>
      tpu.enqueue_dma source(%dma_start3A_421 : memref<2176xi32, #tpu.memory_space<hbm>>) target(%arg9 : memref<2176xi32, #tpu.memory_space<vmem>>) target_semaphore(%run_scoped3A : memref<!tpu.dma_semaphore, #tpu.memory_space<semaphore_mem>>)
      %dma_wait3A_422 = arith.constant 0 : i32
      %dma_wait3A_423 = tpu.memref_slice %arg5[%arg1, %dma_wait3A_422] : memref<16x2176xi32, #tpu.memory_space<hbm>> -> memref<1x2176xi32, #tpu.memory_space<hbm>>
      %dma_wait3A_424 = tpu.memref_squeeze %dma_wait3A_423 : memref<1x2176xi32, #tpu.memory_space<hbm>> -> memref<2176xi32, #tpu.memory_space<hbm>>
      %dma_wait3A_425 = arith.constant 0 : i32
      %dma_wait3A_426 = tpu.memref_slice %arg5[%arg1, %dma_wait3A_425] : memref<16x2176xi32, #tpu.memory_space<hbm>> -> memref<1x2176xi32, #tpu.memory_space<hbm>>
      %dma_wait3A_427 = tpu.memref_squeeze %dma_wait3A_426 : memref<1x2176xi32, #tpu.memory_space<hbm>> -> memref<2176xi32, #tpu.memory_space<hbm>>
      tpu.wait_dma2 semaphore(%run_scoped3A : memref<!tpu.dma_semaphore, #tpu.memory_space<semaphore_mem>>) src(%dma_wait3A_427 : memref<2176xi32, #tpu.memory_space<hbm>>) dst(%arg9 : memref<2176xi32, #tpu.memory_space<vmem>>)
      tpu.yield
    }) : () -> ()
    "tpu.region"() ({
      %run_scoped3A = tpu.sem_alloc : memref<!tpu.dma_semaphore, #tpu.memory_space<semaphore_mem>>
      %dma_start3A_416 = arith.constant 0 : i32
      %dma_start3A_417 = tpu.memref_slice %arg6[%arg1, %dma_start3A_416] : memref<16x2176xf32, #tpu.memory_space<hbm>> -> memref<1x2176xf32, #tpu.memory_space<hbm>>
      %dma_start3A_418 = tpu.memref_squeeze %dma_start3A_417 : memref<1x2176xf32, #tpu.memory_space<hbm>> -> memref<2176xf32, #tpu.memory_space<hbm>>
      %dma_start3A_419 = arith.constant 0 : i32
      %dma_start3A_420 = tpu.memref_slice %arg6[%arg1, %dma_start3A_419] : memref<16x2176xf32, #tpu.memory_space<hbm>> -> memref<1x2176xf32, #tpu.memory_space<hbm>>
      %dma_start3A_421 = tpu.memref_squeeze %dma_start3A_420 : memref<1x2176xf32, #tpu.memory_space<hbm>> -> memref<2176xf32, #tpu.memory_space<hbm>>
      tpu.enqueue_dma source(%dma_start3A_421 : memref<2176xf32, #tpu.memory_space<hbm>>) target(%arg10 : memref<2176xf32, #tpu.memory_space<vmem>>) target_semaphore(%run_scoped3A : memref<!tpu.dma_semaphore, #tpu.memory_space<semaphore_mem>>)
      %dma_wait3A_422 = arith.constant 0 : i32
      %dma_wait3A_423 = tpu.memref_slice %arg6[%arg1, %dma_wait3A_422] : memref<16x2176xf32, #tpu.memory_space<hbm>> -> memref<1x2176xf32, #tpu.memory_space<hbm>>
      %dma_wait3A_424 = tpu.memref_squeeze %dma_wait3A_423 : memref<1x2176xf32, #tpu.memory_space<hbm>> -> memref<2176xf32, #tpu.memory_space<hbm>>
      %dma_wait3A_425 = arith.constant 0 : i32
      %dma_wait3A_426 = tpu.memref_slice %arg6[%arg1, %dma_wait3A_425] : memref<16x2176xf32, #tpu.memory_space<hbm>> -> memref<1x2176xf32, #tpu.memory_space<hbm>>
      %dma_wait3A_427 = tpu.memref_squeeze %dma_wait3A_426 : memref<1x2176xf32, #tpu.memory_space<hbm>> -> memref<2176xf32, #tpu.memory_space<hbm>>
      tpu.wait_dma2 semaphore(%run_scoped3A : memref<!tpu.dma_semaphore, #tpu.memory_space<semaphore_mem>>) src(%dma_wait3A_427 : memref<2176xf32, #tpu.memory_space<hbm>>) dst(%arg10 : memref<2176xf32, #tpu.memory_space<vmem>>)
      tpu.yield
    }) : () -> ()
    %broadcast_in_dim3A = arith.constant 0.000000e+00 : f32
    %broadcast_in_dim3A_0 = vector.broadcast %broadcast_in_dim3A : f32 to vector<16xf32>
    %scan3A = arith.constant 0 : i32
    %scan3A_1 = arith.constant 0 : i32
    %scan3A_2 = arith.constant 32 : i32
    %scan3A_3 = arith.addi %scan3A_1, %scan3A_2 : i32
    %scan3A_4 = arith.constant 1 : i32
    scf.for %scan3A_416 = %scan3A_1 to %scan3A_3 step %scan3A_4  : i32 {
      %swap3A = arith.index_cast %scan3A_416 : i32 to index
      %swap3A_417 = arith.constant 0 : index
      %swap3A_418 = tpu.vector_load %arg15[%swap3A, %swap3A_417] {strides = array<i32>} : memref<32x512xf32, #tpu.memory_space<vmem>>, vector<16xf32>,
      tpu.vector_store %arg15[%swap3A, %swap3A_417], %broadcast_in_dim3A_0 {strides = array<i32>} : memref<32x512xf32, #tpu.memory_space<vmem>>, vector<16xf32>,
      %swap3A_419 = arith.index_cast %scan3A_416 : i32 to index
      %swap3A_420 = arith.constant 16 : index
      %swap3A_421 = tpu.vector_load %arg15[%swap3A_419, %swap3A_420] {strides = array<i32>} : memref<32x512xf32, #tpu.memory_space<vmem>>, vector<16xf32>,
      tpu.vector_store %arg15[%swap3A_419, %swap3A_420], %broadcast_in_dim3A_0 {strides = array<i32>} : memref<32x512xf32, #tpu.memory_space<vmem>>, vector<16xf32>,
      %swap3A_422 = arith.index_cast %scan3A_416 : i32 to index
      %swap3A_423 = arith.constant 32 : index
      %swap3A_424 = tpu.vector_load %arg15[%swap3A_422, %swap3A_423] {strides = array<i32>} : memref<32x512xf32, #tpu.memory_space<vmem>>, vector<16xf32>,
      tpu.vector_store %arg15[%swap3A_422, %swap3A_423], %broadcast_in_dim3A_0 {strides = array<i32>} : memref<32x512xf32, #tpu.memory_space<vmem>>, vector<16xf32>,
      %swap3A_425 = arith.index_cast %scan3A_416 : i32 to index
      %swap3A_426 = arith.constant 48 : index
      %swap3A_427 = tpu.vector_load %arg15[%swap3A_425, %swap3A_426] {strides = array<i32>} : memref<32x512xf32, #tpu.memory_space<vmem>>, vector<16xf32>,
      tpu.vector_store %arg15[%swap3A_425, %swap3A_426], %broadcast_in_dim3A_0 {strides = array<i32>} : memref<32x512xf32, #tpu.memory_space<vmem>>, vector<16xf32>,
      %swap3A_428 = arith.index_cast %scan3A_416 : i32 to index
      %swap3A_429 = arith.constant 64 : index
      %swap3A_430 = tpu.vector_load %arg15[%swap3A_428, %swap3A_429] {strides = array<i32>} : memref<32x512xf32, #tpu.memory_space<vmem>>, vector<16xf32>,
      tpu.vector_store %arg15[%swap3A_428, %swap3A_429], %broadcast_in_dim3A_0 {strides = array<i32>} : memref<32x512xf32, #tpu.memory_space<vmem>>, vector<16xf32>,
      %swap3A_431 = arith.index_cast %scan3A_416 : i32 to index
      %swap3A_432 = arith.constant 80 : index
      %swap3A_433 = tpu.vector_load %arg15[%swap3A_431, %swap3A_432] {strides = array<i32>} : memref<32x512xf32, #tpu.memory_space<vmem>>, vector<16xf32>,
      tpu.vector_store %arg15[%swap3A_431, %swap3A_432], %broadcast_in_dim3A_0 {strides = array<i32>} : memref<32x512xf32, #tpu.memory_space<vmem>>, vector<16xf32>,
      %swap3A_434 = arith.index_cast %scan3A_416 : i32 to index
      %swap3A_435 = arith.constant 96 : index
      %swap3A_436 = tpu.vector_load %arg15[%swap3A_434, %swap3A_435] {strides = array<i32>} : memref<32x512xf32, #tpu.memory_space<vmem>>, vector<16xf32>,
      tpu.vector_store %arg15[%swap3A_434, %swap3A_435], %broadcast_in_dim3A_0 {strides = array<i32>} : memref<32x512xf32, #tpu.memory_space<vmem>>, vector<16xf32>,
      %swap3A_437 = arith.index_cast %scan3A_416 : i32 to index
      %swap3A_438 = arith.constant 112 : index
      %swap3A_439 = tpu.vector_load %arg15[%swap3A_437, %swap3A_438] {strides = array<i32>} : memref<32x512xf32, #tpu.memory_space<vmem>>, vector<16xf32>,
      tpu.vector_store %arg15[%swap3A_437, %swap3A_438], %broadcast_in_dim3A_0 {strides = array<i32>} : memref<32x512xf32, #tpu.memory_space<vmem>>, vector<16xf32>,
      %swap3A_440 = arith.index_cast %scan3A_416 : i32 to index
      %swap3A_441 = arith.constant 128 : index
      %swap3A_442 = tpu.vector_load %arg15[%swap3A_440, %swap3A_441] {strides = array<i32>} : memref<32x512xf32, #tpu.memory_space<vmem>>, vector<16xf32>,
      tpu.vector_store %arg15[%swap3A_440, %swap3A_441], %broadcast_in_dim3A_0 {strides = array<i32>} : memref<32x512xf32, #tpu.memory_space<vmem>>, vector<16xf32>,
      %swap3A_443 = arith.index_cast %scan3A_416 : i32 to index
      %swap3A_444 = arith.constant 144 : index
      %swap3A_445 = tpu.vector_load %arg15[%swap3A_443, %swap3A_444] {strides = array<i32>} : memref<32x512xf32, #tpu.memory_space<vmem>>, vector<16xf32>,
      tpu.vector_store %arg15[%swap3A_443, %swap3A_444], %broadcast_in_dim3A_0 {strides = array<i32>} : memref<32x512xf32, #tpu.memory_space<vmem>>, vector<16xf32>,
      %swap3A_446 = arith.index_cast %scan3A_416 : i32 to index
      %swap3A_447 = arith.constant 160 : index
      %swap3A_448 = tpu.vector_load %arg15[%swap3A_446, %swap3A_447] {strides = array<i32>} : memref<32x512xf32, #tpu.memory_space<vmem>>, vector<16xf32>,
      tpu.vector_store %arg15[%swap3A_446, %swap3A_447], %broadcast_in_dim3A_0 {strides = array<i32>} : memref<32x512xf32, #tpu.memory_space<vmem>>, vector<16xf32>,
      %swap3A_449 = arith.index_cast %scan3A_416 : i32 to index
      %swap3A_450 = arith.constant 176 : index
      %swap3A_451 = tpu.vector_load %arg15[%swap3A_449, %swap3A_450] {strides = array<i32>} : memref<32x512xf32, #tpu.memory_space<vmem>>, vector<16xf32>,
      tpu.vector_store %arg15[%swap3A_449, %swap3A_450], %broadcast_in_dim3A_0 {strides = array<i32>} : memref<32x512xf32, #tpu.memory_space<vmem>>, vector<16xf32>,
      %swap3A_452 = arith.index_cast %scan3A_416 : i32 to index
      %swap3A_453 = arith.constant 192 : index
      %swap3A_454 = tpu.vector_load %arg15[%swap3A_452, %swap3A_453] {strides = array<i32>} : memref<32x512xf32, #tpu.memory_space<vmem>>, vector<16xf32>,
      tpu.vector_store %arg15[%swap3A_452, %swap3A_453], %broadcast_in_dim3A_0 {strides = array<i32>} : memref<32x512xf32, #tpu.memory_space<vmem>>, vector<16xf32>,
      %swap3A_455 = arith.index_cast %scan3A_416 : i32 to index
      %swap3A_456 = arith.constant 208 : index
      %swap3A_457 = tpu.vector_load %arg15[%swap3A_455, %swap3A_456] {strides = array<i32>} : memref<32x512xf32, #tpu.memory_space<vmem>>, vector<16xf32>,
      tpu.vector_store %arg15[%swap3A_455, %swap3A_456], %broadcast_in_dim3A_0 {strides = array<i32>} : memref<32x512xf32, #tpu.memory_space<vmem>>, vector<16xf32>,
      %swap3A_458 = arith.index_cast %scan3A_416 : i32 to index
      %swap3A_459 = arith.constant 224 : index
      %swap3A_460 = tpu.vector_load %arg15[%swap3A_458, %swap3A_459] {strides = array<i32>} : memref<32x512xf32, #tpu.memory_space<vmem>>, vector<16xf32>,
      tpu.vector_store %arg15[%swap3A_458, %swap3A_459], %broadcast_in_dim3A_0 {strides = array<i32>} : memref<32x512xf32, #tpu.memory_space<vmem>>, vector<16xf32>,
      %swap3A_461 = arith.index_cast %scan3A_416 : i32 to index
      %swap3A_462 = arith.constant 240 : index
      %swap3A_463 = tpu.vector_load %arg15[%swap3A_461, %swap3A_462] {strides = array<i32>} : memref<32x512xf32, #tpu.memory_space<vmem>>, vector<16xf32>,
      tpu.vector_store %arg15[%swap3A_461, %swap3A_462], %broadcast_in_dim3A_0 {strides = array<i32>} : memref<32x512xf32, #tpu.memory_space<vmem>>, vector<16xf32>,
      %swap3A_464 = arith.index_cast %scan3A_416 : i32 to index
      %swap3A_465 = arith.constant 256 : index
      %swap3A_466 = tpu.vector_load %arg15[%swap3A_464, %swap3A_465] {strides = array<i32>} : memref<32x512xf32, #tpu.memory_space<vmem>>, vector<16xf32>,
      tpu.vector_store %arg15[%swap3A_464, %swap3A_465], %broadcast_in_dim3A_0 {strides = array<i32>} : memref<32x512xf32, #tpu.memory_space<vmem>>, vector<16xf32>,
      %swap3A_467 = arith.index_cast %scan3A_416 : i32 to index
      %swap3A_468 = arith.constant 272 : index
      %swap3A_469 = tpu.vector_load %arg15[%swap3A_467, %swap3A_468] {strides = array<i32>} : memref<32x512xf32, #tpu.memory_space<vmem>>, vector<16xf32>,
      tpu.vector_store %arg15[%swap3A_467, %swap3A_468], %broadcast_in_dim3A_0 {strides = array<i32>} : memref<32x512xf32, #tpu.memory_space<vmem>>, vector<16xf32>,
      %swap3A_470 = arith.index_cast %scan3A_416 : i32 to index
      %swap3A_471 = arith.constant 288 : index
      %swap3A_472 = tpu.vector_load %arg15[%swap3A_470, %swap3A_471] {strides = array<i32>} : memref<32x512xf32, #tpu.memory_space<vmem>>, vector<16xf32>,
      tpu.vector_store %arg15[%swap3A_470, %swap3A_471], %broadcast_in_dim3A_0 {strides = array<i32>} : memref<32x512xf32, #tpu.memory_space<vmem>>, vector<16xf32>,
      %swap3A_473 = arith.index_cast %scan3A_416 : i32 to index
      %swap3A_474 = arith.constant 304 : index
      %swap3A_475 = tpu.vector_load %arg15[%swap3A_473, %swap3A_474] {strides = array<i32>} : memref<32x512xf32, #tpu.memory_space<vmem>>, vector<16xf32>,
      tpu.vector_store %arg15[%swap3A_473, %swap3A_474], %broadcast_in_dim3A_0 {strides = array<i32>} : memref<32x512xf32, #tpu.memory_space<vmem>>, vector<16xf32>,
      %swap3A_476 = arith.index_cast %scan3A_416 : i32 to index
      %swap3A_477 = arith.constant 320 : index
      %swap3A_478 = tpu.vector_load %arg15[%swap3A_476, %swap3A_477] {strides = array<i32>} : memref<32x512xf32, #tpu.memory_space<vmem>>, vector<16xf32>,
      tpu.vector_store %arg15[%swap3A_476, %swap3A_477], %broadcast_in_dim3A_0 {strides = array<i32>} : memref<32x512xf32, #tpu.memory_space<vmem>>, vector<16xf32>,
      %swap3A_479 = arith.index_cast %scan3A_416 : i32 to index
      %swap3A_480 = arith.constant 336 : index
      %swap3A_481 = tpu.vector_load %arg15[%swap3A_479, %swap3A_480] {strides = array<i32>} : memref<32x512xf32, #tpu.memory_space<vmem>>, vector<16xf32>,
      tpu.vector_store %arg15[%swap3A_479, %swap3A_480], %broadcast_in_dim3A_0 {strides = array<i32>} : memref<32x512xf32, #tpu.memory_space<vmem>>, vector<16xf32>,
      %swap3A_482 = arith.index_cast %scan3A_416 : i32 to index
      %swap3A_483 = arith.constant 352 : index
      %swap3A_484 = tpu.vector_load %arg15[%swap3A_482, %swap3A_483] {strides = array<i32>} : memref<32x512xf32, #tpu.memory_space<vmem>>, vector<16xf32>,
      tpu.vector_store %arg15[%swap3A_482, %swap3A_483], %broadcast_in_dim3A_0 {strides = array<i32>} : memref<32x512xf32, #tpu.memory_space<vmem>>, vector<16xf32>,
      %swap3A_485 = arith.index_cast %scan3A_416 : i32 to index
      %swap3A_486 = arith.constant 368 : index
      %swap3A_487 = tpu.vector_load %arg15[%swap3A_485, %swap3A_486] {strides = array<i32>} : memref<32x512xf32, #tpu.memory_space<vmem>>, vector<16xf32>,
      tpu.vector_store %arg15[%swap3A_485, %swap3A_486], %broadcast_in_dim3A_0 {strides = array<i32>} : memref<32x512xf32, #tpu.memory_space<vmem>>, vector<16xf32>,
      %swap3A_488 = arith.index_cast %scan3A_416 : i32 to index
      %swap3A_489 = arith.constant 384 : index
      %swap3A_490 = tpu.vector_load %arg15[%swap3A_488, %swap3A_489] {strides = array<i32>} : memref<32x512xf32, #tpu.memory_space<vmem>>, vector<16xf32>,
      tpu.vector_store %arg15[%swap3A_488, %swap3A_489], %broadcast_in_dim3A_0 {strides = array<i32>} : memref<32x512xf32, #tpu.memory_space<vmem>>, vector<16xf32>,
      %swap3A_491 = arith.index_cast %scan3A_416 : i32 to index
      %swap3A_492 = arith.constant 400 : index
      %swap3A_493 = tpu.vector_load %arg15[%swap3A_491, %swap3A_492] {strides = array<i32>} : memref<32x512xf32, #tpu.memory_space<vmem>>, vector<16xf32>,
      tpu.vector_store %arg15[%swap3A_491, %swap3A_492], %broadcast_in_dim3A_0 {strides = array<i32>} : memref<32x512xf32, #tpu.memory_space<vmem>>, vector<16xf32>,
      %swap3A_494 = arith.index_cast %scan3A_416 : i32 to index
      %swap3A_495 = arith.constant 416 : index
      %swap3A_496 = tpu.vector_load %arg15[%swap3A_494, %swap3A_495] {strides = array<i32>} : memref<32x512xf32, #tpu.memory_space<vmem>>, vector<16xf32>,
      tpu.vector_store %arg15[%swap3A_494, %swap3A_495], %broadcast_in_dim3A_0 {strides = array<i32>} : memref<32x512xf32, #tpu.memory_space<vmem>>, vector<16xf32>,
      %swap3A_497 = arith.index_cast %scan3A_416 : i32 to index
      %swap3A_498 = arith.constant 432 : index
      %swap3A_499 = tpu.vector_load %arg15[%swap3A_497, %swap3A_498] {strides = array<i32>} : memref<32x512xf32, #tpu.memory_space<vmem>>, vector<16xf32>,
      tpu.vector_store %arg15[%swap3A_497, %swap3A_498], %broadcast_in_dim3A_0 {strides = array<i32>} : memref<32x512xf32, #tpu.memory_space<vmem>>, vector<16xf32>,
      %swap3A_500 = arith.index_cast %scan3A_416 : i32 to index
      %swap3A_501 = arith.constant 448 : index
      %swap3A_502 = tpu.vector_load %arg15[%swap3A_500, %swap3A_501] {strides = array<i32>} : memref<32x512xf32, #tpu.memory_space<vmem>>, vector<16xf32>,
      tpu.vector_store %arg15[%swap3A_500, %swap3A_501], %broadcast_in_dim3A_0 {strides = array<i32>} : memref<32x512xf32, #tpu.memory_space<vmem>>, vector<16xf32>,
      %swap3A_503 = arith.index_cast %scan3A_416 : i32 to index
      %swap3A_504 = arith.constant 464 : index
      %swap3A_505 = tpu.vector_load %arg15[%swap3A_503, %swap3A_504] {strides = array<i32>} : memref<32x512xf32, #tpu.memory_space<vmem>>, vector<16xf32>,
      tpu.vector_store %arg15[%swap3A_503, %swap3A_504], %broadcast_in_dim3A_0 {strides = array<i32>} : memref<32x512xf32, #tpu.memory_space<vmem>>, vector<16xf32>,
      %swap3A_506 = arith.index_cast %scan3A_416 : i32 to index
      %swap3A_507 = arith.constant 480 : index
      %swap3A_508 = tpu.vector_load %arg15[%swap3A_506, %swap3A_507] {strides = array<i32>} : memref<32x512xf32, #tpu.memory_space<vmem>>, vector<16xf32>,
      tpu.vector_store %arg15[%swap3A_506, %swap3A_507], %broadcast_in_dim3A_0 {strides = array<i32>} : memref<32x512xf32, #tpu.memory_space<vmem>>, vector<16xf32>,
      %swap3A_509 = arith.index_cast %scan3A_416 : i32 to index
      %swap3A_510 = arith.constant 496 : index
      %swap3A_511 = tpu.vector_load %arg15[%swap3A_509, %swap3A_510] {strides = array<i32>} : memref<32x512xf32, #tpu.memory_space<vmem>>, vector<16xf32>,
      tpu.vector_store %arg15[%swap3A_509, %swap3A_510], %broadcast_in_dim3A_0 {strides = array<i32>} : memref<32x512xf32, #tpu.memory_space<vmem>>, vector<16xf32>,
    }
    %scan3A_5 = arith.constant 32 : i32
    %broadcast_in_dim3A_6 = vector.broadcast %arg1 : i32 to vector<16xi32>
    %gather3A = tpu.vector_load_idx %arg16[%broadcast_in_dim3A_6] : memref<16xi32, #tpu.memory_space<vmem>>[vector<16xi32>], vector<16xi32>,
    %mul3A = arith.constant 4096 : i32
    %mul3A_7 = arith.muli %arg1, %mul3A : i32
    %add3A = vector.broadcast %mul3A_7 : i32 to vector<16xi32>
    %add3A_8 = arith.addi %gather3A, %add3A : vector<16xi32>
    %sub3A = arith.constant 1 : i32
    %sub3A_9 = vector.broadcast %sub3A : i32 to vector<16xi32>
    %sub3A_10 = arith.subi %add3A_8, %sub3A_9 : vector<16xi32>
    %broadcast_in_dim3A_11 = arith.constant 0 : i32
    %broadcast_in_dim3A_12 = vector.broadcast %broadcast_in_dim3A_11 : i32 to vector<16xi32>
    %scan3A_13 = arith.constant 0 : i32
    %scan3A_14 = arith.constant 136 : i32
    %scan3A_15 = arith.addi %scan3A_13, %scan3A_14 : i32
    %scan3A_16 = arith.constant 1 : i32
    %scan3A_17 = scf.for %scan3A_416 = %scan3A_13 to %scan3A_15 step %scan3A_16 iter_args(%scan3A_417 = %broadcast_in_dim3A_12) -> (vector<16xi32>)  : i32 {
      %mul3A_418 = arith.constant 16 : i32
      %mul3A_419 = arith.muli %scan3A_416, %mul3A_418 : i32
      %get3A = arith.index_cast %mul3A_419 : i32 to index
      %get3A_420 = tpu.vector_load %arg8[%get3A] {strides = array<i32>} : memref<2176xi32, #tpu.memory_space<vmem>>, vector<16xi32>,
      %lt3A = arith.cmpi slt, %get3A_420, %sub3A_10 : vector<16xi32>
      %jit3A_421 = arith.constant 1 : i32
      %jit3A_422 = arith.constant 0 : i32
      %broadcast_in_dim3A_423 = vector.broadcast %jit3A_421 : i32 to vector<16xi32>
      %broadcast_in_dim3A_424 = vector.broadcast %jit3A_422 : i32 to vector<16xi32>
      %select_n3A_425 = arith.select %lt3A, %broadcast_in_dim3A_423, %broadcast_in_dim3A_424 : vector<16xi1>, vector<16xi32>
      %add3A_426 = arith.addi %scan3A_417, %select_n3A_425 : vector<16xi32>
      scf.yield %add3A_426 : vector<16xi32>
    }
    %scan3A_18 = arith.constant 136 : i32
    %reduce_sum3A = arith.constant true
    %reduce_sum3A_19 = vector.broadcast %reduce_sum3A : i1 to vector<16xi1>
    %reduce_sum3A_20 = tpu.scan <sum>, %scan3A_17 masked %reduce_sum3A_19 : vector<16xi32>, vector<16xi1> -> vector<16xi32>
    %reduce_sum3A_21 = vector.extract %reduce_sum3A_20[15] : i32 from vector<16xi32>
    %mul3A_22 = arith.constant 32 : i32
    %mul3A_23 = arith.muli %arg0, %mul3A_22 : i32
    %sub3A_24 = arith.subi %reduce_sum3A_21, %mul3A_23 : i32
    %max3A = arith.constant 0 : i32
    %max3A_25 = arith.maxsi %sub3A_24, %max3A : i32
    %add3A_26 = arith.constant 63 : i32
    %add3A_27 = arith.addi %max3A_25, %add3A_26 : i32
    %jit3A = arith.constant 64 : i32
    %div3A = arith.divsi %add3A_27, %jit3A : i32
    %sign3A = arith.constant 0 : i32
    %sign3A_28 = arith.cmpi sgt, %add3A_27, %sign3A : i32
    %sign3A_29 = arith.extui %sign3A_28 : i1 to i32
    %sign3A_30 = arith.constant 0 : i32
    %sign3A_31 = arith.cmpi slt, %add3A_27, %sign3A_30 : i32
    %sign3A_32 = arith.extui %sign3A_31 : i1 to i32
    %sign3A_33 = arith.subi %sign3A_29, %sign3A_32 : i32
    %sign3A_34 = arith.constant 0 : i32
    %sign3A_35 = arith.cmpi sgt, %jit3A, %sign3A_34 : i32
    %sign3A_36 = arith.extui %sign3A_35 : i1 to i32
    %sign3A_37 = arith.constant 0 : i32
    %sign3A_38 = arith.cmpi slt, %jit3A, %sign3A_37 : i32
    %sign3A_39 = arith.extui %sign3A_38 : i1 to i32
    %sign3A_40 = arith.subi %sign3A_36, %sign3A_39 : i32
    %ne3A = arith.cmpi ne, %sign3A_33, %sign3A_40 : i32
    %rem3A = arith.remsi %add3A_27, %jit3A : i32
    %ne3A_41 = arith.constant 0 : i32
    %ne3A_42 = arith.cmpi ne, %rem3A, %ne3A_41 : i32
    %and3A = arith.andi %ne3A, %ne3A_42 : i1
    %sub3A_43 = arith.constant 1 : i32
    %sub3A_44 = arith.subi %div3A, %sub3A_43 : i32
    %select_n3A = arith.select %and3A, %sub3A_44, %div3A : i32
    %min3A = arith.constant 34 : i32
    %min3A_45 = arith.minsi %select_n3A, %min3A : i32
    %mul3A_46 = arith.constant 4096 : i32
    %mul3A_47 = arith.muli %arg1, %mul3A_46 : i32
    %while3A = arith.constant 0 : i32
    %while3A_48 = arith.constant 34 : i32
    %while3A_49 = arith.subi %while3A_48, %min3A_45 : i32
    %while3A_50 = arith.addi %min3A_45, %while3A_49 : i32
    %while3A_51 = arith.constant 1 : i32
    %while3A_52 = arith.divsi %while3A_49, %while3A_51 : i32
    %while3A_53 = arith.muli %while3A_52, %while3A_51 : i32
    %while3A_54 = arith.addi %min3A_45, %while3A_53 : i32
    %while3A_55 = arith.constant 1 : i32
    scf.for %while3A_416 = %min3A_45 to %while3A_54 step %while3A_55  : i32 {
      %mul3A_417 = arith.constant 64 : i32
      %mul3A_418 = arith.muli %while3A_416, %mul3A_417 : i32
      %mul3A_419 = arith.constant 32 : i32
      %mul3A_420 = arith.muli %arg0, %mul3A_419 : i32
      %add3A_421 = arith.addi %mul3A_418, %mul3A_420 : i32
      %add3A_422 = arith.addi %mul3A_47, %add3A_421 : i32
      %dma_start3A_423 = arith.constant 0 : i32
      %dma_start3A_424 = tpu.memref_slice %arg7[%add3A_422, %dma_start3A_423] : memref<65536x512xf32, #tpu.memory_space<hbm>> -> memref<32x512xf32, #tpu.memory_space<hbm>>
      %dma_start3A_425 = arith.constant 0 : i32
      %dma_start3A_426 = tpu.memref_slice %arg7[%add3A_422, %dma_start3A_425] : memref<65536x512xf32, #tpu.memory_space<hbm>> -> memref<32x512xf32, #tpu.memory_space<hbm>>
      tpu.enqueue_dma source(%arg15 : memref<32x512xf32, #tpu.memory_space<vmem>>) target(%dma_start3A_426 : memref<32x512xf32, #tpu.memory_space<hbm>>) target_semaphore(%arg23 : memref<!tpu.dma_semaphore, #tpu.memory_space<semaphore_mem>>)
    }
    %while3A_56 = arith.constant 1 : i32
    scf.for %while3A_416 = %while3A_54 to %while3A_50 step %while3A_56  : i32 {
      %mul3A_417 = arith.constant 64 : i32
      %mul3A_418 = arith.muli %while3A_416, %mul3A_417 : i32
      %mul3A_419 = arith.constant 32 : i32
      %mul3A_420 = arith.muli %arg0, %mul3A_419 : i32
      %add3A_421 = arith.addi %mul3A_418, %mul3A_420 : i32
      %add3A_422 = arith.addi %mul3A_47, %add3A_421 : i32
      %dma_start3A_423 = arith.constant 0 : i32
      %dma_start3A_424 = tpu.memref_slice %arg7[%add3A_422, %dma_start3A_423] : memref<65536x512xf32, #tpu.memory_space<hbm>> -> memref<32x512xf32, #tpu.memory_space<hbm>>
      %dma_start3A_425 = arith.constant 0 : i32
      %dma_start3A_426 = tpu.memref_slice %arg7[%add3A_422, %dma_start3A_425] : memref<65536x512xf32, #tpu.memory_space<hbm>> -> memref<32x512xf32, #tpu.memory_space<hbm>>
      tpu.enqueue_dma source(%arg15 : memref<32x512xf32, #tpu.memory_space<vmem>>) target(%dma_start3A_426 : memref<32x512xf32, #tpu.memory_space<hbm>>) target_semaphore(%arg23 : memref<!tpu.dma_semaphore, #tpu.memory_space<semaphore_mem>>)
    }
    %add3A_57 = arith.constant 2176 : i32
    %add3A_58 = arith.addi %mul3A_47, %add3A_57 : i32
    %mul3A_59 = arith.constant 960 : i32
    %mul3A_60 = arith.muli %arg0, %mul3A_59 : i32
    %add3A_61 = arith.addi %add3A_58, %mul3A_60 : i32
    %add3A_62 = arith.constant 0 : i32
    %add3A_63 = arith.addi %add3A_61, %add3A_62 : i32
    %dma_start3A = arith.constant 0 : i32
    %dma_start3A_64 = tpu.memref_slice %arg7[%add3A_63, %dma_start3A] : memref<65536x512xf32, #tpu.memory_space<hbm>> -> memref<32x512xf32, #tpu.memory_space<hbm>>
    %dma_start3A_65 = arith.constant 0 : i32
    %dma_start3A_66 = tpu.memref_slice %arg7[%add3A_63, %dma_start3A_65] : memref<65536x512xf32, #tpu.memory_space<hbm>> -> memref<32x512xf32, #tpu.memory_space<hbm>>
    tpu.enqueue_dma source(%arg15 : memref<32x512xf32, #tpu.memory_space<vmem>>) target(%dma_start3A_66 : memref<32x512xf32, #tpu.memory_space<hbm>>) target_semaphore(%arg23 : memref<!tpu.dma_semaphore, #tpu.memory_space<semaphore_mem>>)
    %add3A_67 = arith.constant 32 : i32
    %add3A_68 = arith.addi %add3A_61, %add3A_67 : i32
    %dma_start3A_69 = arith.constant 0 : i32
    %dma_start3A_70 = tpu.memref_slice %arg7[%add3A_68, %dma_start3A_69] : memref<65536x512xf32, #tpu.memory_space<hbm>> -> memref<32x512xf32, #tpu.memory_space<hbm>>
    %dma_start3A_71 = arith.constant 0 : i32
    %dma_start3A_72 = tpu.memref_slice %arg7[%add3A_68, %dma_start3A_71] : memref<65536x512xf32, #tpu.memory_space<hbm>> -> memref<32x512xf32, #tpu.memory_space<hbm>>
    tpu.enqueue_dma source(%arg15 : memref<32x512xf32, #tpu.memory_space<vmem>>) target(%dma_start3A_72 : memref<32x512xf32, #tpu.memory_space<hbm>>) target_semaphore(%arg23 : memref<!tpu.dma_semaphore, #tpu.memory_space<semaphore_mem>>)
    %add3A_73 = arith.constant 64 : i32
    %add3A_74 = arith.addi %add3A_61, %add3A_73 : i32
    %dma_start3A_75 = arith.constant 0 : i32
    %dma_start3A_76 = tpu.memref_slice %arg7[%add3A_74, %dma_start3A_75] : memref<65536x512xf32, #tpu.memory_space<hbm>> -> memref<32x512xf32, #tpu.memory_space<hbm>>
    %dma_start3A_77 = arith.constant 0 : i32
    %dma_start3A_78 = tpu.memref_slice %arg7[%add3A_74, %dma_start3A_77] : memref<65536x512xf32, #tpu.memory_space<hbm>> -> memref<32x512xf32, #tpu.memory_space<hbm>>
    tpu.enqueue_dma source(%arg15 : memref<32x512xf32, #tpu.memory_space<vmem>>) target(%dma_start3A_78 : memref<32x512xf32, #tpu.memory_space<hbm>>) target_semaphore(%arg23 : memref<!tpu.dma_semaphore, #tpu.memory_space<semaphore_mem>>)
    %add3A_79 = arith.constant 96 : i32
    %add3A_80 = arith.addi %add3A_61, %add3A_79 : i32
    %dma_start3A_81 = arith.constant 0 : i32
    %dma_start3A_82 = tpu.memref_slice %arg7[%add3A_80, %dma_start3A_81] : memref<65536x512xf32, #tpu.memory_space<hbm>> -> memref<32x512xf32, #tpu.memory_space<hbm>>
    %dma_start3A_83 = arith.constant 0 : i32
    %dma_start3A_84 = tpu.memref_slice %arg7[%add3A_80, %dma_start3A_83] : memref<65536x512xf32, #tpu.memory_space<hbm>> -> memref<32x512xf32, #tpu.memory_space<hbm>>
    tpu.enqueue_dma source(%arg15 : memref<32x512xf32, #tpu.memory_space<vmem>>) target(%dma_start3A_84 : memref<32x512xf32, #tpu.memory_space<hbm>>) target_semaphore(%arg23 : memref<!tpu.dma_semaphore, #tpu.memory_space<semaphore_mem>>)
    %add3A_85 = arith.constant 128 : i32
    %add3A_86 = arith.addi %add3A_61, %add3A_85 : i32
    %dma_start3A_87 = arith.constant 0 : i32
    %dma_start3A_88 = tpu.memref_slice %arg7[%add3A_86, %dma_start3A_87] : memref<65536x512xf32, #tpu.memory_space<hbm>> -> memref<32x512xf32, #tpu.memory_space<hbm>>
    %dma_start3A_89 = arith.constant 0 : i32
    %dma_start3A_90 = tpu.memref_slice %arg7[%add3A_86, %dma_start3A_89] : memref<65536x512xf32, #tpu.memory_space<hbm>> -> memref<32x512xf32, #tpu.memory_space<hbm>>
    tpu.enqueue_dma source(%arg15 : memref<32x512xf32, #tpu.memory_space<vmem>>) target(%dma_start3A_90 : memref<32x512xf32, #tpu.memory_space<hbm>>) target_semaphore(%arg23 : memref<!tpu.dma_semaphore, #tpu.memory_space<semaphore_mem>>)
    %add3A_91 = arith.constant 160 : i32
    %add3A_92 = arith.addi %add3A_61, %add3A_91 : i32
    %dma_start3A_93 = arith.constant 0 : i32
    %dma_start3A_94 = tpu.memref_slice %arg7[%add3A_92, %dma_start3A_93] : memref<65536x512xf32, #tpu.memory_space<hbm>> -> memref<32x512xf32, #tpu.memory_space<hbm>>
    %dma_start3A_95 = arith.constant 0 : i32
    %dma_start3A_96 = tpu.memref_slice %arg7[%add3A_92, %dma_start3A_95] : memref<65536x512xf32, #tpu.memory_space<hbm>> -> memref<32x512xf32, #tpu.memory_space<hbm>>
    tpu.enqueue_dma source(%arg15 : memref<32x512xf32, #tpu.memory_space<vmem>>) target(%dma_start3A_96 : memref<32x512xf32, #tpu.memory_space<hbm>>) target_semaphore(%arg23 : memref<!tpu.dma_semaphore, #tpu.memory_space<semaphore_mem>>)
    %add3A_97 = arith.constant 192 : i32
    %add3A_98 = arith.addi %add3A_61, %add3A_97 : i32
    %dma_start3A_99 = arith.constant 0 : i32
    %dma_start3A_100 = tpu.memref_slice %arg7[%add3A_98, %dma_start3A_99] : memref<65536x512xf32, #tpu.memory_space<hbm>> -> memref<32x512xf32, #tpu.memory_space<hbm>>
    %dma_start3A_101 = arith.constant 0 : i32
    %dma_start3A_102 = tpu.memref_slice %arg7[%add3A_98, %dma_start3A_101] : memref<65536x512xf32, #tpu.memory_space<hbm>> -> memref<32x512xf32, #tpu.memory_space<hbm>>
    tpu.enqueue_dma source(%arg15 : memref<32x512xf32, #tpu.memory_space<vmem>>) target(%dma_start3A_102 : memref<32x512xf32, #tpu.memory_space<hbm>>) target_semaphore(%arg23 : memref<!tpu.dma_semaphore, #tpu.memory_space<semaphore_mem>>)
    %add3A_103 = arith.constant 224 : i32
    %add3A_104 = arith.addi %add3A_61, %add3A_103 : i32
    %dma_start3A_105 = arith.constant 0 : i32
    %dma_start3A_106 = tpu.memref_slice %arg7[%add3A_104, %dma_start3A_105] : memref<65536x512xf32, #tpu.memory_space<hbm>> -> memref<32x512xf32, #tpu.memory_space<hbm>>
    %dma_start3A_107 = arith.constant 0 : i32
    %dma_start3A_108 = tpu.memref_slice %arg7[%add3A_104, %dma_start3A_107] : memref<65536x512xf32, #tpu.memory_space<hbm>> -> memref<32x512xf32, #tpu.memory_space<hbm>>
    tpu.enqueue_dma source(%arg15 : memref<32x512xf32, #tpu.memory_space<vmem>>) target(%dma_start3A_108 : memref<32x512xf32, #tpu.memory_space<hbm>>) target_semaphore(%arg23 : memref<!tpu.dma_semaphore, #tpu.memory_space<semaphore_mem>>)
    %add3A_109 = arith.constant 256 : i32
    %add3A_110 = arith.addi %add3A_61, %add3A_109 : i32
    %dma_start3A_111 = arith.constant 0 : i32
    %dma_start3A_112 = tpu.memref_slice %arg7[%add3A_110, %dma_start3A_111] : memref<65536x512xf32, #tpu.memory_space<hbm>> -> memref<32x512xf32, #tpu.memory_space<hbm>>
    %dma_start3A_113 = arith.constant 0 : i32
    %dma_start3A_114 = tpu.memref_slice %arg7[%add3A_110, %dma_start3A_113] : memref<65536x512xf32, #tpu.memory_space<hbm>> -> memref<32x512xf32, #tpu.memory_space<hbm>>
    tpu.enqueue_dma source(%arg15 : memref<32x512xf32, #tpu.memory_space<vmem>>) target(%dma_start3A_114 : memref<32x512xf32, #tpu.memory_space<hbm>>) target_semaphore(%arg23 : memref<!tpu.dma_semaphore, #tpu.memory_space<semaphore_mem>>)
    %add3A_115 = arith.constant 288 : i32
    %add3A_116 = arith.addi %add3A_61, %add3A_115 : i32
    %dma_start3A_117 = arith.constant 0 : i32
    %dma_start3A_118 = tpu.memref_slice %arg7[%add3A_116, %dma_start3A_117] : memref<65536x512xf32, #tpu.memory_space<hbm>> -> memref<32x512xf32, #tpu.memory_space<hbm>>
    %dma_start3A_119 = arith.constant 0 : i32
    %dma_start3A_120 = tpu.memref_slice %arg7[%add3A_116, %dma_start3A_119] : memref<65536x512xf32, #tpu.memory_space<hbm>> -> memref<32x512xf32, #tpu.memory_space<hbm>>
    tpu.enqueue_dma source(%arg15 : memref<32x512xf32, #tpu.memory_space<vmem>>) target(%dma_start3A_120 : memref<32x512xf32, #tpu.memory_space<hbm>>) target_semaphore(%arg23 : memref<!tpu.dma_semaphore, #tpu.memory_space<semaphore_mem>>)
    %add3A_121 = arith.constant 320 : i32
    %add3A_122 = arith.addi %add3A_61, %add3A_121 : i32
    %dma_start3A_123 = arith.constant 0 : i32
    %dma_start3A_124 = tpu.memref_slice %arg7[%add3A_122, %dma_start3A_123] : memref<65536x512xf32, #tpu.memory_space<hbm>> -> memref<32x512xf32, #tpu.memory_space<hbm>>
    %dma_start3A_125 = arith.constant 0 : i32
    %dma_start3A_126 = tpu.memref_slice %arg7[%add3A_122, %dma_start3A_125] : memref<65536x512xf32, #tpu.memory_space<hbm>> -> memref<32x512xf32, #tpu.memory_space<hbm>>
    tpu.enqueue_dma source(%arg15 : memref<32x512xf32, #tpu.memory_space<vmem>>) target(%dma_start3A_126 : memref<32x512xf32, #tpu.memory_space<hbm>>) target_semaphore(%arg23 : memref<!tpu.dma_semaphore, #tpu.memory_space<semaphore_mem>>)
    %add3A_127 = arith.constant 352 : i32
    %add3A_128 = arith.addi %add3A_61, %add3A_127 : i32
    %dma_start3A_129 = arith.constant 0 : i32
    %dma_start3A_130 = tpu.memref_slice %arg7[%add3A_128, %dma_start3A_129] : memref<65536x512xf32, #tpu.memory_space<hbm>> -> memref<32x512xf32, #tpu.memory_space<hbm>>
    %dma_start3A_131 = arith.constant 0 : i32
    %dma_start3A_132 = tpu.memref_slice %arg7[%add3A_128, %dma_start3A_131] : memref<65536x512xf32, #tpu.memory_space<hbm>> -> memref<32x512xf32, #tpu.memory_space<hbm>>
    tpu.enqueue_dma source(%arg15 : memref<32x512xf32, #tpu.memory_space<vmem>>) target(%dma_start3A_132 : memref<32x512xf32, #tpu.memory_space<hbm>>) target_semaphore(%arg23 : memref<!tpu.dma_semaphore, #tpu.memory_space<semaphore_mem>>)
    %add3A_133 = arith.constant 384 : i32
    %add3A_134 = arith.addi %add3A_61, %add3A_133 : i32
    %dma_start3A_135 = arith.constant 0 : i32
    %dma_start3A_136 = tpu.memref_slice %arg7[%add3A_134, %dma_start3A_135] : memref<65536x512xf32, #tpu.memory_space<hbm>> -> memref<32x512xf32, #tpu.memory_space<hbm>>
    %dma_start3A_137 = arith.constant 0 : i32
    %dma_start3A_138 = tpu.memref_slice %arg7[%add3A_134, %dma_start3A_137] : memref<65536x512xf32, #tpu.memory_space<hbm>> -> memref<32x512xf32, #tpu.memory_space<hbm>>
    tpu.enqueue_dma source(%arg15 : memref<32x512xf32, #tpu.memory_space<vmem>>) target(%dma_start3A_138 : memref<32x512xf32, #tpu.memory_space<hbm>>) target_semaphore(%arg23 : memref<!tpu.dma_semaphore, #tpu.memory_space<semaphore_mem>>)
    %add3A_139 = arith.constant 416 : i32
    %add3A_140 = arith.addi %add3A_61, %add3A_139 : i32
    %dma_start3A_141 = arith.constant 0 : i32
    %dma_start3A_142 = tpu.memref_slice %arg7[%add3A_140, %dma_start3A_141] : memref<65536x512xf32, #tpu.memory_space<hbm>> -> memref<32x512xf32, #tpu.memory_space<hbm>>
    %dma_start3A_143 = arith.constant 0 : i32
    %dma_start3A_144 = tpu.memref_slice %arg7[%add3A_140, %dma_start3A_143] : memref<65536x512xf32, #tpu.memory_space<hbm>> -> memref<32x512xf32, #tpu.memory_space<hbm>>
    tpu.enqueue_dma source(%arg15 : memref<32x512xf32, #tpu.memory_space<vmem>>) target(%dma_start3A_144 : memref<32x512xf32, #tpu.memory_space<hbm>>) target_semaphore(%arg23 : memref<!tpu.dma_semaphore, #tpu.memory_space<semaphore_mem>>)
    %add3A_145 = arith.constant 448 : i32
    %add3A_146 = arith.addi %add3A_61, %add3A_145 : i32
    %dma_start3A_147 = arith.constant 0 : i32
    %dma_start3A_148 = tpu.memref_slice %arg7[%add3A_146, %dma_start3A_147] : memref<65536x512xf32, #tpu.memory_space<hbm>> -> memref<32x512xf32, #tpu.memory_space<hbm>>
    %dma_start3A_149 = arith.constant 0 : i32
    %dma_start3A_150 = tpu.memref_slice %arg7[%add3A_146, %dma_start3A_149] : memref<65536x512xf32, #tpu.memory_space<hbm>> -> memref<32x512xf32, #tpu.memory_space<hbm>>
    tpu.enqueue_dma source(%arg15 : memref<32x512xf32, #tpu.memory_space<vmem>>) target(%dma_start3A_150 : memref<32x512xf32, #tpu.memory_space<hbm>>) target_semaphore(%arg23 : memref<!tpu.dma_semaphore, #tpu.memory_space<semaphore_mem>>)
    %add3A_151 = arith.constant 480 : i32
    %add3A_152 = arith.addi %add3A_61, %add3A_151 : i32
    %dma_start3A_153 = arith.constant 0 : i32
    %dma_start3A_154 = tpu.memref_slice %arg7[%add3A_152, %dma_start3A_153] : memref<65536x512xf32, #tpu.memory_space<hbm>> -> memref<32x512xf32, #tpu.memory_space<hbm>>
    %dma_start3A_155 = arith.constant 0 : i32
    %dma_start3A_156 = tpu.memref_slice %arg7[%add3A_152, %dma_start3A_155] : memref<65536x512xf32, #tpu.memory_space<hbm>> -> memref<32x512xf32, #tpu.memory_space<hbm>>
    tpu.enqueue_dma source(%arg15 : memref<32x512xf32, #tpu.memory_space<vmem>>) target(%dma_start3A_156 : memref<32x512xf32, #tpu.memory_space<hbm>>) target_semaphore(%arg23 : memref<!tpu.dma_semaphore, #tpu.memory_space<semaphore_mem>>)
    %add3A_157 = arith.constant 512 : i32
    %add3A_158 = arith.addi %add3A_61, %add3A_157 : i32
    %dma_start3A_159 = arith.constant 0 : i32
    %dma_start3A_160 = tpu.memref_slice %arg7[%add3A_158, %dma_start3A_159] : memref<65536x512xf32, #tpu.memory_space<hbm>> -> memref<32x512xf32, #tpu.memory_space<hbm>>
    %dma_start3A_161 = arith.constant 0 : i32
    %dma_start3A_162 = tpu.memref_slice %arg7[%add3A_158, %dma_start3A_161] : memref<65536x512xf32, #tpu.memory_space<hbm>> -> memref<32x512xf32, #tpu.memory_space<hbm>>
    tpu.enqueue_dma source(%arg15 : memref<32x512xf32, #tpu.memory_space<vmem>>) target(%dma_start3A_162 : memref<32x512xf32, #tpu.memory_space<hbm>>) target_semaphore(%arg23 : memref<!tpu.dma_semaphore, #tpu.memory_space<semaphore_mem>>)
    %add3A_163 = arith.constant 544 : i32
    %add3A_164 = arith.addi %add3A_61, %add3A_163 : i32
    %dma_start3A_165 = arith.constant 0 : i32
    %dma_start3A_166 = tpu.memref_slice %arg7[%add3A_164, %dma_start3A_165] : memref<65536x512xf32, #tpu.memory_space<hbm>> -> memref<32x512xf32, #tpu.memory_space<hbm>>
    %dma_start3A_167 = arith.constant 0 : i32
    %dma_start3A_168 = tpu.memref_slice %arg7[%add3A_164, %dma_start3A_167] : memref<65536x512xf32, #tpu.memory_space<hbm>> -> memref<32x512xf32, #tpu.memory_space<hbm>>
    tpu.enqueue_dma source(%arg15 : memref<32x512xf32, #tpu.memory_space<vmem>>) target(%dma_start3A_168 : memref<32x512xf32, #tpu.memory_space<hbm>>) target_semaphore(%arg23 : memref<!tpu.dma_semaphore, #tpu.memory_space<semaphore_mem>>)
    %add3A_169 = arith.constant 576 : i32
    %add3A_170 = arith.addi %add3A_61, %add3A_169 : i32
    %dma_start3A_171 = arith.constant 0 : i32
    %dma_start3A_172 = tpu.memref_slice %arg7[%add3A_170, %dma_start3A_171] : memref<65536x512xf32, #tpu.memory_space<hbm>> -> memref<32x512xf32, #tpu.memory_space<hbm>>
    %dma_start3A_173 = arith.constant 0 : i32
    %dma_start3A_174 = tpu.memref_slice %arg7[%add3A_170, %dma_start3A_173] : memref<65536x512xf32, #tpu.memory_space<hbm>> -> memref<32x512xf32, #tpu.memory_space<hbm>>
    tpu.enqueue_dma source(%arg15 : memref<32x512xf32, #tpu.memory_space<vmem>>) target(%dma_start3A_174 : memref<32x512xf32, #tpu.memory_space<hbm>>) target_semaphore(%arg23 : memref<!tpu.dma_semaphore, #tpu.memory_space<semaphore_mem>>)
    %add3A_175 = arith.constant 608 : i32
    %add3A_176 = arith.addi %add3A_61, %add3A_175 : i32
    %dma_start3A_177 = arith.constant 0 : i32
    %dma_start3A_178 = tpu.memref_slice %arg7[%add3A_176, %dma_start3A_177] : memref<65536x512xf32, #tpu.memory_space<hbm>> -> memref<32x512xf32, #tpu.memory_space<hbm>>
    %dma_start3A_179 = arith.constant 0 : i32
    %dma_start3A_180 = tpu.memref_slice %arg7[%add3A_176, %dma_start3A_179] : memref<65536x512xf32, #tpu.memory_space<hbm>> -> memref<32x512xf32, #tpu.memory_space<hbm>>
    tpu.enqueue_dma source(%arg15 : memref<32x512xf32, #tpu.memory_space<vmem>>) target(%dma_start3A_180 : memref<32x512xf32, #tpu.memory_space<hbm>>) target_semaphore(%arg23 : memref<!tpu.dma_semaphore, #tpu.memory_space<semaphore_mem>>)
    %add3A_181 = arith.constant 640 : i32
    %add3A_182 = arith.addi %add3A_61, %add3A_181 : i32
    %dma_start3A_183 = arith.constant 0 : i32
    %dma_start3A_184 = tpu.memref_slice %arg7[%add3A_182, %dma_start3A_183] : memref<65536x512xf32, #tpu.memory_space<hbm>> -> memref<32x512xf32, #tpu.memory_space<hbm>>
    %dma_start3A_185 = arith.constant 0 : i32
    %dma_start3A_186 = tpu.memref_slice %arg7[%add3A_182, %dma_start3A_185] : memref<65536x512xf32, #tpu.memory_space<hbm>> -> memref<32x512xf32, #tpu.memory_space<hbm>>
    tpu.enqueue_dma source(%arg15 : memref<32x512xf32, #tpu.memory_space<vmem>>) target(%dma_start3A_186 : memref<32x512xf32, #tpu.memory_space<hbm>>) target_semaphore(%arg23 : memref<!tpu.dma_semaphore, #tpu.memory_space<semaphore_mem>>)
    %add3A_187 = arith.constant 672 : i32
    %add3A_188 = arith.addi %add3A_61, %add3A_187 : i32
    %dma_start3A_189 = arith.constant 0 : i32
    %dma_start3A_190 = tpu.memref_slice %arg7[%add3A_188, %dma_start3A_189] : memref<65536x512xf32, #tpu.memory_space<hbm>> -> memref<32x512xf32, #tpu.memory_space<hbm>>
    %dma_start3A_191 = arith.constant 0 : i32
    %dma_start3A_192 = tpu.memref_slice %arg7[%add3A_188, %dma_start3A_191] : memref<65536x512xf32, #tpu.memory_space<hbm>> -> memref<32x512xf32, #tpu.memory_space<hbm>>
    tpu.enqueue_dma source(%arg15 : memref<32x512xf32, #tpu.memory_space<vmem>>) target(%dma_start3A_192 : memref<32x512xf32, #tpu.memory_space<hbm>>) target_semaphore(%arg23 : memref<!tpu.dma_semaphore, #tpu.memory_space<semaphore_mem>>)
    %add3A_193 = arith.constant 704 : i32
    %add3A_194 = arith.addi %add3A_61, %add3A_193 : i32
    %dma_start3A_195 = arith.constant 0 : i32
    %dma_start3A_196 = tpu.memref_slice %arg7[%add3A_194, %dma_start3A_195] : memref<65536x512xf32, #tpu.memory_space<hbm>> -> memref<32x512xf32, #tpu.memory_space<hbm>>
    %dma_start3A_197 = arith.constant 0 : i32
    %dma_start3A_198 = tpu.memref_slice %arg7[%add3A_194, %dma_start3A_197] : memref<65536x512xf32, #tpu.memory_space<hbm>> -> memref<32x512xf32, #tpu.memory_space<hbm>>
    tpu.enqueue_dma source(%arg15 : memref<32x512xf32, #tpu.memory_space<vmem>>) target(%dma_start3A_198 : memref<32x512xf32, #tpu.memory_space<hbm>>) target_semaphore(%arg23 : memref<!tpu.dma_semaphore, #tpu.memory_space<semaphore_mem>>)
    %add3A_199 = arith.constant 736 : i32
    %add3A_200 = arith.addi %add3A_61, %add3A_199 : i32
    %dma_start3A_201 = arith.constant 0 : i32
    %dma_start3A_202 = tpu.memref_slice %arg7[%add3A_200, %dma_start3A_201] : memref<65536x512xf32, #tpu.memory_space<hbm>> -> memref<32x512xf32, #tpu.memory_space<hbm>>
    %dma_start3A_203 = arith.constant 0 : i32
    %dma_start3A_204 = tpu.memref_slice %arg7[%add3A_200, %dma_start3A_203] : memref<65536x512xf32, #tpu.memory_space<hbm>> -> memref<32x512xf32, #tpu.memory_space<hbm>>
    tpu.enqueue_dma source(%arg15 : memref<32x512xf32, #tpu.memory_space<vmem>>) target(%dma_start3A_204 : memref<32x512xf32, #tpu.memory_space<hbm>>) target_semaphore(%arg23 : memref<!tpu.dma_semaphore, #tpu.memory_space<semaphore_mem>>)
    %add3A_205 = arith.constant 768 : i32
    %add3A_206 = arith.addi %add3A_61, %add3A_205 : i32
    %dma_start3A_207 = arith.constant 0 : i32
    %dma_start3A_208 = tpu.memref_slice %arg7[%add3A_206, %dma_start3A_207] : memref<65536x512xf32, #tpu.memory_space<hbm>> -> memref<32x512xf32, #tpu.memory_space<hbm>>
    %dma_start3A_209 = arith.constant 0 : i32
    %dma_start3A_210 = tpu.memref_slice %arg7[%add3A_206, %dma_start3A_209] : memref<65536x512xf32, #tpu.memory_space<hbm>> -> memref<32x512xf32, #tpu.memory_space<hbm>>
    tpu.enqueue_dma source(%arg15 : memref<32x512xf32, #tpu.memory_space<vmem>>) target(%dma_start3A_210 : memref<32x512xf32, #tpu.memory_space<hbm>>) target_semaphore(%arg23 : memref<!tpu.dma_semaphore, #tpu.memory_space<semaphore_mem>>)
    %add3A_211 = arith.constant 800 : i32
    %add3A_212 = arith.addi %add3A_61, %add3A_211 : i32
    %dma_start3A_213 = arith.constant 0 : i32
    %dma_start3A_214 = tpu.memref_slice %arg7[%add3A_212, %dma_start3A_213] : memref<65536x512xf32, #tpu.memory_space<hbm>> -> memref<32x512xf32, #tpu.memory_space<hbm>>
    %dma_start3A_215 = arith.constant 0 : i32
    %dma_start3A_216 = tpu.memref_slice %arg7[%add3A_212, %dma_start3A_215] : memref<65536x512xf32, #tpu.memory_space<hbm>> -> memref<32x512xf32, #tpu.memory_space<hbm>>
    tpu.enqueue_dma source(%arg15 : memref<32x512xf32, #tpu.memory_space<vmem>>) target(%dma_start3A_216 : memref<32x512xf32, #tpu.memory_space<hbm>>) target_semaphore(%arg23 : memref<!tpu.dma_semaphore, #tpu.memory_space<semaphore_mem>>)
    %add3A_217 = arith.constant 832 : i32
    %add3A_218 = arith.addi %add3A_61, %add3A_217 : i32
    %dma_start3A_219 = arith.constant 0 : i32
    %dma_start3A_220 = tpu.memref_slice %arg7[%add3A_218, %dma_start3A_219] : memref<65536x512xf32, #tpu.memory_space<hbm>> -> memref<32x512xf32, #tpu.memory_space<hbm>>
    %dma_start3A_221 = arith.constant 0 : i32
    %dma_start3A_222 = tpu.memref_slice %arg7[%add3A_218, %dma_start3A_221] : memref<65536x512xf32, #tpu.memory_space<hbm>> -> memref<32x512xf32, #tpu.memory_space<hbm>>
    tpu.enqueue_dma source(%arg15 : memref<32x512xf32, #tpu.memory_space<vmem>>) target(%dma_start3A_222 : memref<32x512xf32, #tpu.memory_space<hbm>>) target_semaphore(%arg23 : memref<!tpu.dma_semaphore, #tpu.memory_space<semaphore_mem>>)
    %add3A_223 = arith.constant 864 : i32
    %add3A_224 = arith.addi %add3A_61, %add3A_223 : i32
    %dma_start3A_225 = arith.constant 0 : i32
    %dma_start3A_226 = tpu.memref_slice %arg7[%add3A_224, %dma_start3A_225] : memref<65536x512xf32, #tpu.memory_space<hbm>> -> memref<32x512xf32, #tpu.memory_space<hbm>>
    %dma_start3A_227 = arith.constant 0 : i32
    %dma_start3A_228 = tpu.memref_slice %arg7[%add3A_224, %dma_start3A_227] : memref<65536x512xf32, #tpu.memory_space<hbm>> -> memref<32x512xf32, #tpu.memory_space<hbm>>
    tpu.enqueue_dma source(%arg15 : memref<32x512xf32, #tpu.memory_space<vmem>>) target(%dma_start3A_228 : memref<32x512xf32, #tpu.memory_space<hbm>>) target_semaphore(%arg23 : memref<!tpu.dma_semaphore, #tpu.memory_space<semaphore_mem>>)
    %add3A_229 = arith.constant 896 : i32
    %add3A_230 = arith.addi %add3A_61, %add3A_229 : i32
    %dma_start3A_231 = arith.constant 0 : i32
    %dma_start3A_232 = tpu.memref_slice %arg7[%add3A_230, %dma_start3A_231] : memref<65536x512xf32, #tpu.memory_space<hbm>> -> memref<32x512xf32, #tpu.memory_space<hbm>>
    %dma_start3A_233 = arith.constant 0 : i32
    %dma_start3A_234 = tpu.memref_slice %arg7[%add3A_230, %dma_start3A_233] : memref<65536x512xf32, #tpu.memory_space<hbm>> -> memref<32x512xf32, #tpu.memory_space<hbm>>
    tpu.enqueue_dma source(%arg15 : memref<32x512xf32, #tpu.memory_space<vmem>>) target(%dma_start3A_234 : memref<32x512xf32, #tpu.memory_space<hbm>>) target_semaphore(%arg23 : memref<!tpu.dma_semaphore, #tpu.memory_space<semaphore_mem>>)
    %add3A_235 = arith.constant 928 : i32
    %add3A_236 = arith.addi %add3A_61, %add3A_235 : i32
    %dma_start3A_237 = arith.constant 0 : i32
    %dma_start3A_238 = tpu.memref_slice %arg7[%add3A_236, %dma_start3A_237] : memref<65536x512xf32, #tpu.memory_space<hbm>> -> memref<32x512xf32, #tpu.memory_space<hbm>>
    %dma_start3A_239 = arith.constant 0 : i32
    %dma_start3A_240 = tpu.memref_slice %arg7[%add3A_236, %dma_start3A_239] : memref<65536x512xf32, #tpu.memory_space<hbm>> -> memref<32x512xf32, #tpu.memory_space<hbm>>
    tpu.enqueue_dma source(%arg15 : memref<32x512xf32, #tpu.memory_space<vmem>>) target(%dma_start3A_240 : memref<32x512xf32, #tpu.memory_space<hbm>>) target_semaphore(%arg23 : memref<!tpu.dma_semaphore, #tpu.memory_space<semaphore_mem>>)
    %gt3A = arith.constant 0 : i32
    %gt3A_241 = arith.cmpi sgt, %min3A_45, %gt3A : i32
    %convert_element_type3A = arith.extui %gt3A_241 : i1 to i32
    %cond3A = arith.constant 0 : i32
    %cond3A_242 = arith.cmpi ne, %convert_element_type3A, %cond3A : i32
    scf.if %cond3A_242 {
      %mul3A_416 = arith.constant 32 : i32
      %mul3A_417 = arith.muli %arg0, %mul3A_416 : i32
      %add3A_418 = arith.constant 0 : i32
      %add3A_419 = arith.addi %add3A_418, %mul3A_417 : i32
      %dma_start3A_420 = tpu.memref_slice %arg8[%add3A_419] : memref<2176xi32, #tpu.memory_space<vmem>> -> memref<32xi32, #tpu.memory_space<vmem>>
      %dma_start3A_421 = arith.constant 0 : i32
      %dma_start3A_422 = arith.constant 0 : i32
      %dma_start3A_423 = tpu.memref_slice %arg2[%dma_start3A_421, %dma_start3A_422] : memref<65536x512xf32, #tpu.memory_space<hbm>> -> memref<65536x512xf32, #tpu.memory_space<hbm>>
      tpu.enqueue_indirect_dma source(%dma_start3A_423 : memref<65536x512xf32, #tpu.memory_space<hbm>>) target(%arg11 : memref<32x512xf32, #tpu.memory_space<vmem>>) offsets(%dma_start3A_420 : memref<32xi32, #tpu.memory_space<vmem>>) semaphore(%arg17 : memref<!tpu.dma_semaphore, #tpu.memory_space<semaphore_mem>>)
      %dma_start3A_424 = tpu.memref_slice %arg9[%add3A_419] : memref<2176xi32, #tpu.memory_space<vmem>> -> memref<32xi32, #tpu.memory_space<vmem>>
      %dma_start3A_425 = arith.constant 0 : i32
      %dma_start3A_426 = arith.constant 0 : i32
      %dma_start3A_427 = tpu.memref_slice %arg2[%dma_start3A_425, %dma_start3A_426] : memref<65536x512xf32, #tpu.memory_space<hbm>> -> memref<65536x512xf32, #tpu.memory_space<hbm>>
      tpu.enqueue_indirect_dma source(%dma_start3A_427 : memref<65536x512xf32, #tpu.memory_space<hbm>>) target(%arg12 : memref<32x512xf32, #tpu.memory_space<vmem>>) offsets(%dma_start3A_424 : memref<32xi32, #tpu.memory_space<vmem>>) semaphore(%arg18 : memref<!tpu.dma_semaphore, #tpu.memory_space<semaphore_mem>>)
    } else {
    }
    %add3A_243 = arith.constant 1 : i32
    %add3A_244 = arith.addi %min3A_45, %add3A_243 : i32
    %jit3A_245 = arith.constant 2 : i32
    %div3A_246 = arith.divsi %add3A_244, %jit3A_245 : i32
    %sign3A_247 = arith.constant 0 : i32
    %sign3A_248 = arith.cmpi sgt, %add3A_244, %sign3A_247 : i32
    %sign3A_249 = arith.extui %sign3A_248 : i1 to i32
    %sign3A_250 = arith.constant 0 : i32
    %sign3A_251 = arith.cmpi slt, %add3A_244, %sign3A_250 : i32
    %sign3A_252 = arith.extui %sign3A_251 : i1 to i32
    %sign3A_253 = arith.subi %sign3A_249, %sign3A_252 : i32
    %sign3A_254 = arith.constant 0 : i32
    %sign3A_255 = arith.cmpi sgt, %jit3A_245, %sign3A_254 : i32
    %sign3A_256 = arith.extui %sign3A_255 : i1 to i32
    %sign3A_257 = arith.constant 0 : i32
    %sign3A_258 = arith.cmpi slt, %jit3A_245, %sign3A_257 : i32
    %sign3A_259 = arith.extui %sign3A_258 : i1 to i32
    %sign3A_260 = arith.subi %sign3A_256, %sign3A_259 : i32
    %ne3A_261 = arith.cmpi ne, %sign3A_253, %sign3A_260 : i32
    %rem3A_262 = arith.remsi %add3A_244, %jit3A_245 : i32
    %ne3A_263 = arith.constant 0 : i32
    %ne3A_264 = arith.cmpi ne, %rem3A_262, %ne3A_263 : i32
    %and3A_265 = arith.andi %ne3A_261, %ne3A_264 : i1
    %sub3A_266 = arith.constant 1 : i32
    %sub3A_267 = arith.subi %div3A_246, %sub3A_266 : i32
    %select_n3A_268 = arith.select %and3A_265, %sub3A_267, %div3A_246 : i32
    %while3A_269 = arith.constant 0 : i32
    %while3A_270 = arith.constant 0 : i32
    %while3A_271 = arith.subi %select_n3A_268, %while3A_270 : i32
    %while3A_272 = arith.addi %while3A_270, %while3A_271 : i32
    %while3A_273 = arith.constant 1 : i32
    %while3A_274 = arith.divsi %while3A_271, %while3A_273 : i32
    %while3A_275 = arith.muli %while3A_274, %while3A_273 : i32
    %while3A_276 = arith.addi %while3A_270, %while3A_275 : i32
    %while3A_277 = arith.constant 1 : i32
    scf.for %while3A_416 = %while3A_270 to %while3A_276 step %while3A_277  : i32 {
      %mul3A_417 = arith.constant 2 : i32
      %mul3A_418 = arith.muli %while3A_416, %mul3A_417 : i32
      %add3A_419 = arith.constant 0 : i32
      %add3A_420 = arith.addi %mul3A_418, %add3A_419 : i32
      %lt3A = arith.cmpi slt, %add3A_420, %min3A_45 : i32
      %convert_element_type3A_421 = arith.extui %lt3A : i1 to i32
      %cond3A_422 = arith.constant 0 : i32
      %cond3A_423 = arith.cmpi ne, %convert_element_type3A_421, %cond3A_422 : i32
      scf.if %cond3A_423 {
        %add3A_432 = arith.constant 1 : i32
        %add3A_433 = arith.addi %add3A_420, %add3A_432 : i32
        %lt3A_434 = arith.cmpi slt, %add3A_433, %min3A_45 : i32
        %convert_element_type3A_435 = arith.extui %lt3A_434 : i1 to i32
        %cond3A_436 = arith.constant 0 : i32
        %cond3A_437 = arith.cmpi ne, %convert_element_type3A_435, %cond3A_436 : i32
        scf.if %cond3A_437 {
          %ge3A_469 = arith.constant 1 : i32
          %ge3A_470 = arith.cmpi sge, %add3A_420, %ge3A_469 : i32
          %convert_element_type3A_471 = arith.extui %ge3A_470 : i1 to i32
          %cond3A_472 = arith.constant 0 : i32
          %cond3A_473 = arith.cmpi ne, %convert_element_type3A_471, %cond3A_472 : i32
          scf.if %cond3A_473 {
            %dma_wait3A_489 = arith.constant 0 : i32
            %dma_wait3A_490 = arith.constant 0 : i32
            %dma_wait3A_491 = tpu.memref_slice %arg7[%dma_wait3A_489, %dma_wait3A_490] : memref<65536x512xf32, #tpu.memory_space<hbm>> -> memref<32x512xf32, #tpu.memory_space<hbm>>
            %dma_wait3A_492 = arith.constant 0 : i32
            %dma_wait3A_493 = arith.constant 0 : i32
            %dma_wait3A_494 = tpu.memref_slice %arg7[%dma_wait3A_492, %dma_wait3A_493] : memref<65536x512xf32, #tpu.memory_space<hbm>> -> memref<32x512xf32, #tpu.memory_space<hbm>>
            tpu.wait_dma2 semaphore(%arg22 : memref<!tpu.dma_semaphore, #tpu.memory_space<semaphore_mem>>) src(%arg13 : memref<32x512xf32, #tpu.memory_space<vmem>>) dst(%dma_wait3A_494 : memref<32x512xf32, #tpu.memory_space<hbm>>)
          } else {
          }
          %add3A_474 = arith.constant 1 : i32
          %add3A_475 = arith.addi %add3A_420, %add3A_474 : i32
          %mul3A_476 = arith.constant 64 : i32
          %mul3A_477 = arith.muli %add3A_475, %mul3A_476 : i32
          %mul3A_478 = arith.constant 32 : i32
          %mul3A_479 = arith.muli %arg0, %mul3A_478 : i32
          %add3A_480 = arith.addi %mul3A_477, %mul3A_479 : i32
          %dma_start3A_481 = tpu.memref_slice %arg8[%add3A_480] : memref<2176xi32, #tpu.memory_space<vmem>> -> memref<32xi32, #tpu.memory_space<vmem>>
          %dma_start3A_482 = arith.constant 0 : i32
          %dma_start3A_483 = arith.constant 0 : i32
          %dma_start3A_484 = tpu.memref_slice %arg2[%dma_start3A_482, %dma_start3A_483] : memref<65536x512xf32, #tpu.memory_space<hbm>> -> memref<65536x512xf32, #tpu.memory_space<hbm>>
          tpu.enqueue_indirect_dma source(%dma_start3A_484 : memref<65536x512xf32, #tpu.memory_space<hbm>>) target(%arg13 : memref<32x512xf32, #tpu.memory_space<vmem>>) offsets(%dma_start3A_481 : memref<32xi32, #tpu.memory_space<vmem>>) semaphore(%arg19 : memref<!tpu.dma_semaphore, #tpu.memory_space<semaphore_mem>>)
          %dma_start3A_485 = tpu.memref_slice %arg9[%add3A_480] : memref<2176xi32, #tpu.memory_space<vmem>> -> memref<32xi32, #tpu.memory_space<vmem>>
          %dma_start3A_486 = arith.constant 0 : i32
          %dma_start3A_487 = arith.constant 0 : i32
          %dma_start3A_488 = tpu.memref_slice %arg2[%dma_start3A_486, %dma_start3A_487] : memref<65536x512xf32, #tpu.memory_space<hbm>> -> memref<65536x512xf32, #tpu.memory_space<hbm>>
          tpu.enqueue_indirect_dma source(%dma_start3A_488 : memref<65536x512xf32, #tpu.memory_space<hbm>>) target(%arg14 : memref<32x512xf32, #tpu.memory_space<vmem>>) offsets(%dma_start3A_485 : memref<32xi32, #tpu.memory_space<vmem>>) semaphore(%arg20 : memref<!tpu.dma_semaphore, #tpu.memory_space<semaphore_mem>>)
        } else {
        }
        %dma_wait3A_438 = arith.constant 0 : i32
        %dma_wait3A_439 = tpu.memref_slice %arg8[%dma_wait3A_438] : memref<2176xi32, #tpu.memory_space<vmem>> -> memref<32xi32, #tpu.memory_space<vmem>>
        %dma_wait3A_440 = arith.constant 0 : i32
        %dma_wait3A_441 = arith.constant 0 : i32
        %dma_wait3A_442 = tpu.memref_slice %arg2[%dma_wait3A_440, %dma_wait3A_441] : memref<65536x512xf32, #tpu.memory_space<hbm>> -> memref<65536x512xf32, #tpu.memory_space<hbm>>
        tpu.wait_indirect_dma semaphore(%arg17 : memref<!tpu.dma_semaphore, #tpu.memory_space<semaphore_mem>>) src(%dma_wait3A_442 : memref<65536x512xf32, #tpu.memory_space<hbm>>) dst(%arg11 : memref<32x512xf32, #tpu.memory_space<vmem>>)
        %dma_wait3A_443 = arith.constant 0 : i32
        %dma_wait3A_444 = tpu.memref_slice %arg9[%dma_wait3A_443] : memref<2176xi32, #tpu.memory_space<vmem>> -> memref<32xi32, #tpu.memory_space<vmem>>
        %dma_wait3A_445 = arith.constant 0 : i32
        %dma_wait3A_446 = arith.constant 0 : i32
        %dma_wait3A_447 = tpu.memref_slice %arg2[%dma_wait3A_445, %dma_wait3A_446] : memref<65536x512xf32, #tpu.memory_space<hbm>> -> memref<65536x512xf32, #tpu.memory_space<hbm>>
        tpu.wait_indirect_dma semaphore(%arg18 : memref<!tpu.dma_semaphore, #tpu.memory_space<semaphore_mem>>) src(%dma_wait3A_447 : memref<65536x512xf32, #tpu.memory_space<hbm>>) dst(%arg12 : memref<32x512xf32, #tpu.memory_space<vmem>>)
        %mul3A_448 = arith.constant 64 : i32
        %mul3A_449 = arith.muli %add3A_420, %mul3A_448 : i32
        %mul3A_450 = arith.constant 32 : i32
        %mul3A_451 = arith.muli %arg0, %mul3A_450 : i32
        %add3A_452 = arith.addi %mul3A_449, %mul3A_451 : i32
        %scan3A_453 = arith.constant 0 : i32
        %scan3A_454 = arith.constant 0 : i32
        %scan3A_455 = arith.constant 32 : i32
        %scan3A_456 = arith.addi %scan3A_454, %scan3A_455 : i32
        %scan3A_457 = arith.constant 1 : i32
        scf.for %scan3A_469 = %scan3A_454 to %scan3A_456 step %scan3A_457  : i32 {
          %add3A_470 = arith.addi %add3A_452, %scan3A_469 : i32
          %broadcast_in_dim3A_471 = vector.broadcast %add3A_470 : i32 to vector<16xi32>
          %gather3A_472 = tpu.vector_load_idx %arg8[%broadcast_in_dim3A_471] : memref<2176xi32, #tpu.memory_space<vmem>>[vector<16xi32>], vector<16xi32>,
          %gather3A_473 = tpu.vector_load_idx %arg10[%broadcast_in_dim3A_471] : memref<2176xf32, #tpu.memory_space<vmem>>[vector<16xi32>], vector<16xf32>,
          %lt3A_474 = arith.cmpi slt, %gather3A_472, %sub3A_10 : vector<16xi32>
          %jit3A_475 = arith.constant 1.000000e+00 : f32
          %jit3A_476 = arith.constant 0.000000e+00 : f32
          %broadcast_in_dim3A_477 = vector.broadcast %jit3A_475 : f32 to vector<16xf32>
          %broadcast_in_dim3A_478 = vector.broadcast %jit3A_476 : f32 to vector<16xf32>
          %select_n3A_479 = arith.select %lt3A_474, %broadcast_in_dim3A_477, %broadcast_in_dim3A_478 : vector<16xi1>, vector<16xf32>
          %mul3A_480 = arith.mulf %gather3A_473, %select_n3A_479 : vector<16xf32>
          %sub3A_481 = arith.subf %select_n3A_479, %mul3A_480 : vector<16xf32>
          %get3A = arith.index_cast %scan3A_469 : i32 to index
          %get3A_482 = arith.constant 0 : index
          %get3A_483 = tpu.vector_load %arg11[%get3A, %get3A_482] {strides = array<i32>} : memref<32x512xf32, #tpu.memory_space<vmem>>, vector<16xf32>,
          %mul3A_484 = arith.mulf %sub3A_481, %get3A_483 : vector<16xf32>
          %get3A_485 = arith.index_cast %scan3A_469 : i32 to index
          %get3A_486 = arith.constant 0 : index
          %get3A_487 = tpu.vector_load %arg12[%get3A_485, %get3A_486] {strides = array<i32>} : memref<32x512xf32, #tpu.memory_space<vmem>>, vector<16xf32>,
          %mul3A_488 = arith.mulf %mul3A_480, %get3A_487 : vector<16xf32>
          %add3A_489 = arith.addf %mul3A_484, %mul3A_488 : vector<16xf32>
          %swap3A = arith.index_cast %scan3A_469 : i32 to index
          %swap3A_490 = arith.constant 0 : index
          %swap3A_491 = tpu.vector_load %arg11[%swap3A, %swap3A_490] {strides = array<i32>} : memref<32x512xf32, #tpu.memory_space<vmem>>, vector<16xf32>,
          tpu.vector_store %arg11[%swap3A, %swap3A_490], %add3A_489 {strides = array<i32>} : memref<32x512xf32, #tpu.memory_space<vmem>>, vector<16xf32>,
          %get3A_492 = arith.index_cast %scan3A_469 : i32 to index
          %get3A_493 = arith.constant 16 : index
          %get3A_494 = tpu.vector_load %arg11[%get3A_492, %get3A_493] {strides = array<i32>} : memref<32x512xf32, #tpu.memory_space<vmem>>, vector<16xf32>,
          %mul3A_495 = arith.mulf %sub3A_481, %get3A_494 : vector<16xf32>
          %get3A_496 = arith.index_cast %scan3A_469 : i32 to index
          %get3A_497 = arith.constant 16 : index
          %get3A_498 = tpu.vector_load %arg12[%get3A_496, %get3A_497] {strides = array<i32>} : memref<32x512xf32, #tpu.memory_space<vmem>>, vector<16xf32>,
          %mul3A_499 = arith.mulf %mul3A_480, %get3A_498 : vector<16xf32>
          %add3A_500 = arith.addf %mul3A_495, %mul3A_499 : vector<16xf32>
          %swap3A_501 = arith.index_cast %scan3A_469 : i32 to index
          %swap3A_502 = arith.constant 16 : index
          %swap3A_503 = tpu.vector_load %arg11[%swap3A_501, %swap3A_502] {strides = array<i32>} : memref<32x512xf32, #tpu.memory_space<vmem>>, vector<16xf32>,
          tpu.vector_store %arg11[%swap3A_501, %swap3A_502], %add3A_500 {strides = array<i32>} : memref<32x512xf32, #tpu.memory_space<vmem>>, vector<16xf32>,
          %get3A_504 = arith.index_cast %scan3A_469 : i32 to index
          %get3A_505 = arith.constant 32 : index
          %get3A_506 = tpu.vector_load %arg11[%get3A_504, %get3A_505] {strides = array<i32>} : memref<32x512xf32, #tpu.memory_space<vmem>>, vector<16xf32>,
          %mul3A_507 = arith.mulf %sub3A_481, %get3A_506 : vector<16xf32>
          %get3A_508 = arith.index_cast %scan3A_469 : i32 to index
          %get3A_509 = arith.constant 32 : index
          %get3A_510 = tpu.vector_load %arg12[%get3A_508, %get3A_509] {strides = array<i32>} : memref<32x512xf32, #tpu.memory_space<vmem>>, vector<16xf32>,
          %mul3A_511 = arith.mulf %mul3A_480, %get3A_510 : vector<16xf32>
          %add3A_512 = arith.addf %mul3A_507, %mul3A_511 : vector<16xf32>
          %swap3A_513 = arith.index_cast %scan3A_469 : i32 to index
          %swap3A_514 = arith.constant 32 : index
          %swap3A_515 = tpu.vector_load %arg11[%swap3A_513, %swap3A_514] {strides = array<i32>} : memref<32x512xf32, #tpu.memory_space<vmem>>, vector<16xf32>,
          tpu.vector_store %arg11[%swap3A_513, %swap3A_514], %add3A_512 {strides = array<i32>} : memref<32x512xf32, #tpu.memory_space<vmem>>, vector<16xf32>,
          %get3A_516 = arith.index_cast %scan3A_469 : i32 to index
          %get3A_517 = arith.constant 48 : index
          %get3A_518 = tpu.vector_load %arg11[%get3A_516, %get3A_517] {strides = array<i32>} : memref<32x512xf32, #tpu.memory_space<vmem>>, vector<16xf32>,
          %mul3A_519 = arith.mulf %sub3A_481, %get3A_518 : vector<16xf32>
          %get3A_520 = arith.index_cast %scan3A_469 : i32 to index
          %get3A_521 = arith.constant 48 : index
          %get3A_522 = tpu.vector_load %arg12[%get3A_520, %get3A_521] {strides = array<i32>} : memref<32x512xf32, #tpu.memory_space<vmem>>, vector<16xf32>,
          %mul3A_523 = arith.mulf %mul3A_480, %get3A_522 : vector<16xf32>
          %add3A_524 = arith.addf %mul3A_519, %mul3A_523 : vector<16xf32>
          %swap3A_525 = arith.index_cast %scan3A_469 : i32 to index
          %swap3A_526 = arith.constant 48 : index
          %swap3A_527 = tpu.vector_load %arg11[%swap3A_525, %swap3A_526] {strides = array<i32>} : memref<32x512xf32, #tpu.memory_space<vmem>>, vector<16xf32>,
          tpu.vector_store %arg11[%swap3A_525, %swap3A_526], %add3A_524 {strides = array<i32>} : memref<32x512xf32, #tpu.memory_space<vmem>>, vector<16xf32>,
          %get3A_528 = arith.index_cast %scan3A_469 : i32 to index
          %get3A_529 = arith.constant 64 : index
          %get3A_530 = tpu.vector_load %arg11[%get3A_528, %get3A_529] {strides = array<i32>} : memref<32x512xf32, #tpu.memory_space<vmem>>, vector<16xf32>,
          %mul3A_531 = arith.mulf %sub3A_481, %get3A_530 : vector<16xf32>
          %get3A_532 = arith.index_cast %scan3A_469 : i32 to index
          %get3A_533 = arith.constant 64 : index
          %get3A_534 = tpu.vector_load %arg12[%get3A_532, %get3A_533] {strides = array<i32>} : memref<32x512xf32, #tpu.memory_space<vmem>>, vector<16xf32>,
          %mul3A_535 = arith.mulf %mul3A_480, %get3A_534 : vector<16xf32>
          %add3A_536 = arith.addf %mul3A_531, %mul3A_535 : vector<16xf32>
          %swap3A_537 = arith.index_cast %scan3A_469 : i32 to index
          %swap3A_538 = arith.constant 64 : index
          %swap3A_539 = tpu.vector_load %arg11[%swap3A_537, %swap3A_538] {strides = array<i32>} : memref<32x512xf32, #tpu.memory_space<vmem>>, vector<16xf32>,
          tpu.vector_store %arg11[%swap3A_537, %swap3A_538], %add3A_536 {strides = array<i32>} : memref<32x512xf32, #tpu.memory_space<vmem>>, vector<16xf32>,
          %get3A_540 = arith.index_cast %scan3A_469 : i32 to index
          %get3A_541 = arith.constant 80 : index
          %get3A_542 = tpu.vector_load %arg11[%get3A_540, %get3A_541] {strides = array<i32>} : memref<32x512xf32, #tpu.memory_space<vmem>>, vector<16xf32>,
          %mul3A_543 = arith.mulf %sub3A_481, %get3A_542 : vector<16xf32>
          %get3A_544 = arith.index_cast %scan3A_469 : i32 to index
          %get3A_545 = arith.constant 80 : index
          %get3A_546 = tpu.vector_load %arg12[%get3A_544, %get3A_545] {strides = array<i32>} : memref<32x512xf32, #tpu.memory_space<vmem>>, vector<16xf32>,
          %mul3A_547 = arith.mulf %mul3A_480, %get3A_546 : vector<16xf32>
          %add3A_548 = arith.addf %mul3A_543, %mul3A_547 : vector<16xf32>
          %swap3A_549 = arith.index_cast %scan3A_469 : i32 to index
          %swap3A_550 = arith.constant 80 : index
          %swap3A_551 = tpu.vector_load %arg11[%swap3A_549, %swap3A_550] {strides = array<i32>} : memref<32x512xf32, #tpu.memory_space<vmem>>, vector<16xf32>,
          tpu.vector_store %arg11[%swap3A_549, %swap3A_550], %add3A_548 {strides = array<i32>} : memref<32x512xf32, #tpu.memory_space<vmem>>, vector<16xf32>,
          %get3A_552 = arith.index_cast %scan3A_469 : i32 to index
          %get3A_553 = arith.constant 96 : index
          %get3A_554 = tpu.vector_load %arg11[%get3A_552, %get3A_553] {strides = array<i32>} : memref<32x512xf32, #tpu.memory_space<vmem>>, vector<16xf32>,
          %mul3A_555 = arith.mulf %sub3A_481, %get3A_554 : vector<16xf32>
          %get3A_556 = arith.index_cast %scan3A_469 : i32 to index
          %get3A_557 = arith.constant 96 : index
          %get3A_558 = tpu.vector_load %arg12[%get3A_556, %get3A_557] {strides = array<i32>} : memref<32x512xf32, #tpu.memory_space<vmem>>, vector<16xf32>,
          %mul3A_559 = arith.mulf %mul3A_480, %get3A_558 : vector<16xf32>
          %add3A_560 = arith.addf %mul3A_555, %mul3A_559 : vector<16xf32>
          %swap3A_561 = arith.index_cast %scan3A_469 : i32 to index
          %swap3A_562 = arith.constant 96 : index
          %swap3A_563 = tpu.vector_load %arg11[%swap3A_561, %swap3A_562] {strides = array<i32>} : memref<32x512xf32, #tpu.memory_space<vmem>>, vector<16xf32>,
          tpu.vector_store %arg11[%swap3A_561, %swap3A_562], %add3A_560 {strides = array<i32>} : memref<32x512xf32, #tpu.memory_space<vmem>>, vector<16xf32>,
          %get3A_564 = arith.index_cast %scan3A_469 : i32 to index
          %get3A_565 = arith.constant 112 : index
          %get3A_566 = tpu.vector_load %arg11[%get3A_564, %get3A_565] {strides = array<i32>} : memref<32x512xf32, #tpu.memory_space<vmem>>, vector<16xf32>,
          %mul3A_567 = arith.mulf %sub3A_481, %get3A_566 : vector<16xf32>
          %get3A_568 = arith.index_cast %scan3A_469 : i32 to index
          %get3A_569 = arith.constant 112 : index
          %get3A_570 = tpu.vector_load %arg12[%get3A_568, %get3A_569] {strides = array<i32>} : memref<32x512xf32, #tpu.memory_space<vmem>>, vector<16xf32>,
          %mul3A_571 = arith.mulf %mul3A_480, %get3A_570 : vector<16xf32>
          %add3A_572 = arith.addf %mul3A_567, %mul3A_571 : vector<16xf32>
          %swap3A_573 = arith.index_cast %scan3A_469 : i32 to index
          %swap3A_574 = arith.constant 112 : index
          %swap3A_575 = tpu.vector_load %arg11[%swap3A_573, %swap3A_574] {strides = array<i32>} : memref<32x512xf32, #tpu.memory_space<vmem>>, vector<16xf32>,
          tpu.vector_store %arg11[%swap3A_573, %swap3A_574], %add3A_572 {strides = array<i32>} : memref<32x512xf32, #tpu.memory_space<vmem>>, vector<16xf32>,
          %get3A_576 = arith.index_cast %scan3A_469 : i32 to index
          %get3A_577 = arith.constant 128 : index
          %get3A_578 = tpu.vector_load %arg11[%get3A_576, %get3A_577] {strides = array<i32>} : memref<32x512xf32, #tpu.memory_space<vmem>>, vector<16xf32>,
          %mul3A_579 = arith.mulf %sub3A_481, %get3A_578 : vector<16xf32>
          %get3A_580 = arith.index_cast %scan3A_469 : i32 to index
          %get3A_581 = arith.constant 128 : index
          %get3A_582 = tpu.vector_load %arg12[%get3A_580, %get3A_581] {strides = array<i32>} : memref<32x512xf32, #tpu.memory_space<vmem>>, vector<16xf32>,
          %mul3A_583 = arith.mulf %mul3A_480, %get3A_582 : vector<16xf32>
          %add3A_584 = arith.addf %mul3A_579, %mul3A_583 : vector<16xf32>
          %swap3A_585 = arith.index_cast %scan3A_469 : i32 to index
          %swap3A_586 = arith.constant 128 : index
          %swap3A_587 = tpu.vector_load %arg11[%swap3A_585, %swap3A_586] {strides = array<i32>} : memref<32x512xf32, #tpu.memory_space<vmem>>, vector<16xf32>,
          tpu.vector_store %arg11[%swap3A_585, %swap3A_586], %add3A_584 {strides = array<i32>} : memref<32x512xf32, #tpu.memory_space<vmem>>, vector<16xf32>,
          %get3A_588 = arith.index_cast %scan3A_469 : i32 to index
          %get3A_589 = arith.constant 144 : index
          %get3A_590 = tpu.vector_load %arg11[%get3A_588, %get3A_589] {strides = array<i32>} : memref<32x512xf32, #tpu.memory_space<vmem>>, vector<16xf32>,
          %mul3A_591 = arith.mulf %sub3A_481, %get3A_590 : vector<16xf32>
          %get3A_592 = arith.index_cast %scan3A_469 : i32 to index
          %get3A_593 = arith.constant 144 : index
          %get3A_594 = tpu.vector_load %arg12[%get3A_592, %get3A_593] {strides = array<i32>} : memref<32x512xf32, #tpu.memory_space<vmem>>, vector<16xf32>,
          %mul3A_595 = arith.mulf %mul3A_480, %get3A_594 : vector<16xf32>
          %add3A_596 = arith.addf %mul3A_591, %mul3A_595 : vector<16xf32>
          %swap3A_597 = arith.index_cast %scan3A_469 : i32 to index
          %swap3A_598 = arith.constant 144 : index
          %swap3A_599 = tpu.vector_load %arg11[%swap3A_597, %swap3A_598] {strides = array<i32>} : memref<32x512xf32, #tpu.memory_space<vmem>>, vector<16xf32>,
          tpu.vector_store %arg11[%swap3A_597, %swap3A_598], %add3A_596 {strides = array<i32>} : memref<32x512xf32, #tpu.memory_space<vmem>>, vector<16xf32>,
          %get3A_600 = arith.index_cast %scan3A_469 : i32 to index
          %get3A_601 = arith.constant 160 : index
          %get3A_602 = tpu.vector_load %arg11[%get3A_600, %get3A_601] {strides = array<i32>} : memref<32x512xf32, #tpu.memory_space<vmem>>, vector<16xf32>,
          %mul3A_603 = arith.mulf %sub3A_481, %get3A_602 : vector<16xf32>
          %get3A_604 = arith.index_cast %scan3A_469 : i32 to index
          %get3A_605 = arith.constant 160 : index
          %get3A_606 = tpu.vector_load %arg12[%get3A_604, %get3A_605] {strides = array<i32>} : memref<32x512xf32, #tpu.memory_space<vmem>>, vector<16xf32>,
          %mul3A_607 = arith.mulf %mul3A_480, %get3A_606 : vector<16xf32>
          %add3A_608 = arith.addf %mul3A_603, %mul3A_607 : vector<16xf32>
          %swap3A_609 = arith.index_cast %scan3A_469 : i32 to index
          %swap3A_610 = arith.constant 160 : index
          %swap3A_611 = tpu.vector_load %arg11[%swap3A_609, %swap3A_610] {strides = array<i32>} : memref<32x512xf32, #tpu.memory_space<vmem>>, vector<16xf32>,
          tpu.vector_store %arg11[%swap3A_609, %swap3A_610], %add3A_608 {strides = array<i32>} : memref<32x512xf32, #tpu.memory_space<vmem>>, vector<16xf32>,
          %get3A_612 = arith.index_cast %scan3A_469 : i32 to index
          %get3A_613 = arith.constant 176 : index
          %get3A_614 = tpu.vector_load %arg11[%get3A_612, %get3A_613] {strides = array<i32>} : memref<32x512xf32, #tpu.memory_space<vmem>>, vector<16xf32>,
          %mul3A_615 = arith.mulf %sub3A_481, %get3A_614 : vector<16xf32>
          %get3A_616 = arith.index_cast %scan3A_469 : i32 to index
          %get3A_617 = arith.constant 176 : index
          %get3A_618 = tpu.vector_load %arg12[%get3A_616, %get3A_617] {strides = array<i32>} : memref<32x512xf32, #tpu.memory_space<vmem>>, vector<16xf32>,
          %mul3A_619 = arith.mulf %mul3A_480, %get3A_618 : vector<16xf32>
          %add3A_620 = arith.addf %mul3A_615, %mul3A_619 : vector<16xf32>
          %swap3A_621 = arith.index_cast %scan3A_469 : i32 to index
          %swap3A_622 = arith.constant 176 : index
          %swap3A_623 = tpu.vector_load %arg11[%swap3A_621, %swap3A_622] {strides = array<i32>} : memref<32x512xf32, #tpu.memory_space<vmem>>, vector<16xf32>,
          tpu.vector_store %arg11[%swap3A_621, %swap3A_622], %add3A_620 {strides = array<i32>} : memref<32x512xf32, #tpu.memory_space<vmem>>, vector<16xf32>,
          %get3A_624 = arith.index_cast %scan3A_469 : i32 to index
          %get3A_625 = arith.constant 192 : index
          %get3A_626 = tpu.vector_load %arg11[%get3A_624, %get3A_625] {strides = array<i32>} : memref<32x512xf32, #tpu.memory_space<vmem>>, vector<16xf32>,
          %mul3A_627 = arith.mulf %sub3A_481, %get3A_626 : vector<16xf32>
          %get3A_628 = arith.index_cast %scan3A_469 : i32 to index
          %get3A_629 = arith.constant 192 : index
          %get3A_630 = tpu.vector_load %arg12[%get3A_628, %get3A_629] {strides = array<i32>} : memref<32x512xf32, #tpu.memory_space<vmem>>, vector<16xf32>,
          %mul3A_631 = arith.mulf %mul3A_480, %get3A_630 : vector<16xf32>
          %add3A_632 = arith.addf %mul3A_627, %mul3A_631 : vector<16xf32>
          %swap3A_633 = arith.index_cast %scan3A_469 : i32 to index
          %swap3A_634 = arith.constant 192 : index
          %swap3A_635 = tpu.vector_load %arg11[%swap3A_633, %swap3A_634] {strides = array<i32>} : memref<32x512xf32, #tpu.memory_space<vmem>>, vector<16xf32>,
          tpu.vector_store %arg11[%swap3A_633, %swap3A_634], %add3A_632 {strides = array<i32>} : memref<32x512xf32, #tpu.memory_space<vmem>>, vector<16xf32>,
          %get3A_636 = arith.index_cast %scan3A_469 : i32 to index
          %get3A_637 = arith.constant 208 : index
          %get3A_638 = tpu.vector_load %arg11[%get3A_636, %get3A_637] {strides = array<i32>} : memref<32x512xf32, #tpu.memory_space<vmem>>, vector<16xf32>,
          %mul3A_639 = arith.mulf %sub3A_481, %get3A_638 : vector<16xf32>
          %get3A_640 = arith.index_cast %scan3A_469 : i32 to index
          %get3A_641 = arith.constant 208 : index
          %get3A_642 = tpu.vector_load %arg12[%get3A_640, %get3A_641] {strides = array<i32>} : memref<32x512xf32, #tpu.memory_space<vmem>>, vector<16xf32>,
          %mul3A_643 = arith.mulf %mul3A_480, %get3A_642 : vector<16xf32>
          %add3A_644 = arith.addf %mul3A_639, %mul3A_643 : vector<16xf32>
          %swap3A_645 = arith.index_cast %scan3A_469 : i32 to index
          %swap3A_646 = arith.constant 208 : index
          %swap3A_647 = tpu.vector_load %arg11[%swap3A_645, %swap3A_646] {strides = array<i32>} : memref<32x512xf32, #tpu.memory_space<vmem>>, vector<16xf32>,
          tpu.vector_store %arg11[%swap3A_645, %swap3A_646], %add3A_644 {strides = array<i32>} : memref<32x512xf32, #tpu.memory_space<vmem>>, vector<16xf32>,
          %get3A_648 = arith.index_cast %scan3A_469 : i32 to index
          %get3A_649 = arith.constant 224 : index
          %get3A_650 = tpu.vector_load %arg11[%get3A_648, %get3A_649] {strides = array<i32>} : memref<32x512xf32, #tpu.memory_space<vmem>>, vector<16xf32>,
          %mul3A_651 = arith.mulf %sub3A_481, %get3A_650 : vector<16xf32>
          %get3A_652 = arith.index_cast %scan3A_469 : i32 to index
          %get3A_653 = arith.constant 224 : index
          %get3A_654 = tpu.vector_load %arg12[%get3A_652, %get3A_653] {strides = array<i32>} : memref<32x512xf32, #tpu.memory_space<vmem>>, vector<16xf32>,
          %mul3A_655 = arith.mulf %mul3A_480, %get3A_654 : vector<16xf32>
          %add3A_656 = arith.addf %mul3A_651, %mul3A_655 : vector<16xf32>
          %swap3A_657 = arith.index_cast %scan3A_469 : i32 to index
          %swap3A_658 = arith.constant 224 : index
          %swap3A_659 = tpu.vector_load %arg11[%swap3A_657, %swap3A_658] {strides = array<i32>} : memref<32x512xf32, #tpu.memory_space<vmem>>, vector<16xf32>,
          tpu.vector_store %arg11[%swap3A_657, %swap3A_658], %add3A_656 {strides = array<i32>} : memref<32x512xf32, #tpu.memory_space<vmem>>, vector<16xf32>,
          %get3A_660 = arith.index_cast %scan3A_469 : i32 to index
          %get3A_661 = arith.constant 240 : index
          %get3A_662 = tpu.vector_load %arg11[%get3A_660, %get3A_661] {strides = array<i32>} : memref<32x512xf32, #tpu.memory_space<vmem>>, vector<16xf32>,
          %mul3A_663 = arith.mulf %sub3A_481, %get3A_662 : vector<16xf32>
          %get3A_664 = arith.index_cast %scan3A_469 : i32 to index
          %get3A_665 = arith.constant 240 : index
          %get3A_666 = tpu.vector_load %arg12[%get3A_664, %get3A_665] {strides = array<i32>} : memref<32x512xf32, #tpu.memory_space<vmem>>, vector<16xf32>,
          %mul3A_667 = arith.mulf %mul3A_480, %get3A_666 : vector<16xf32>
          %add3A_668 = arith.addf %mul3A_663, %mul3A_667 : vector<16xf32>
          %swap3A_669 = arith.index_cast %scan3A_469 : i32 to index
          %swap3A_670 = arith.constant 240 : index
          %swap3A_671 = tpu.vector_load %arg11[%swap3A_669, %swap3A_670] {strides = array<i32>} : memref<32x512xf32, #tpu.memory_space<vmem>>, vector<16xf32>,
          tpu.vector_store %arg11[%swap3A_669, %swap3A_670], %add3A_668 {strides = array<i32>} : memref<32x512xf32, #tpu.memory_space<vmem>>, vector<16xf32>,
          %get3A_672 = arith.index_cast %scan3A_469 : i32 to index
          %get3A_673 = arith.constant 256 : index
          %get3A_674 = tpu.vector_load %arg11[%get3A_672, %get3A_673] {strides = array<i32>} : memref<32x512xf32, #tpu.memory_space<vmem>>, vector<16xf32>,
          %mul3A_675 = arith.mulf %sub3A_481, %get3A_674 : vector<16xf32>
          %get3A_676 = arith.index_cast %scan3A_469 : i32 to index
          %get3A_677 = arith.constant 256 : index
          %get3A_678 = tpu.vector_load %arg12[%get3A_676, %get3A_677] {strides = array<i32>} : memref<32x512xf32, #tpu.memory_space<vmem>>, vector<16xf32>,
          %mul3A_679 = arith.mulf %mul3A_480, %get3A_678 : vector<16xf32>
          %add3A_680 = arith.addf %mul3A_675, %mul3A_679 : vector<16xf32>
          %swap3A_681 = arith.index_cast %scan3A_469 : i32 to index
          %swap3A_682 = arith.constant 256 : index
          %swap3A_683 = tpu.vector_load %arg11[%swap3A_681, %swap3A_682] {strides = array<i32>} : memref<32x512xf32, #tpu.memory_space<vmem>>, vector<16xf32>,
          tpu.vector_store %arg11[%swap3A_681, %swap3A_682], %add3A_680 {strides = array<i32>} : memref<32x512xf32, #tpu.memory_space<vmem>>, vector<16xf32>,
          %get3A_684 = arith.index_cast %scan3A_469 : i32 to index
          %get3A_685 = arith.constant 272 : index
          %get3A_686 = tpu.vector_load %arg11[%get3A_684, %get3A_685] {strides = array<i32>} : memref<32x512xf32, #tpu.memory_space<vmem>>, vector<16xf32>,
          %mul3A_687 = arith.mulf %sub3A_481, %get3A_686 : vector<16xf32>
          %get3A_688 = arith.index_cast %scan3A_469 : i32 to index
          %get3A_689 = arith.constant 272 : index
          %get3A_690 = tpu.vector_load %arg12[%get3A_688, %get3A_689] {strides = array<i32>} : memref<32x512xf32, #tpu.memory_space<vmem>>, vector<16xf32>,
          %mul3A_691 = arith.mulf %mul3A_480, %get3A_690 : vector<16xf32>
          %add3A_692 = arith.addf %mul3A_687, %mul3A_691 : vector<16xf32>
          %swap3A_693 = arith.index_cast %scan3A_469 : i32 to index
          %swap3A_694 = arith.constant 272 : index
          %swap3A_695 = tpu.vector_load %arg11[%swap3A_693, %swap3A_694] {strides = array<i32>} : memref<32x512xf32, #tpu.memory_space<vmem>>, vector<16xf32>,
          tpu.vector_store %arg11[%swap3A_693, %swap3A_694], %add3A_692 {strides = array<i32>} : memref<32x512xf32, #tpu.memory_space<vmem>>, vector<16xf32>,
          %get3A_696 = arith.index_cast %scan3A_469 : i32 to index
          %get3A_697 = arith.constant 288 : index
          %get3A_698 = tpu.vector_load %arg11[%get3A_696, %get3A_697] {strides = array<i32>} : memref<32x512xf32, #tpu.memory_space<vmem>>, vector<16xf32>,
          %mul3A_699 = arith.mulf %sub3A_481, %get3A_698 : vector<16xf32>
          %get3A_700 = arith.index_cast %scan3A_469 : i32 to index
          %get3A_701 = arith.constant 288 : index
          %get3A_702 = tpu.vector_load %arg12[%get3A_700, %get3A_701] {strides = array<i32>} : memref<32x512xf32, #tpu.memory_space<vmem>>, vector<16xf32>,
          %mul3A_703 = arith.mulf %mul3A_480, %get3A_702 : vector<16xf32>
          %add3A_704 = arith.addf %mul3A_699, %mul3A_703 : vector<16xf32>
          %swap3A_705 = arith.index_cast %scan3A_469 : i32 to index
          %swap3A_706 = arith.constant 288 : index
          %swap3A_707 = tpu.vector_load %arg11[%swap3A_705, %swap3A_706] {strides = array<i32>} : memref<32x512xf32, #tpu.memory_space<vmem>>, vector<16xf32>,
          tpu.vector_store %arg11[%swap3A_705, %swap3A_706], %add3A_704 {strides = array<i32>} : memref<32x512xf32, #tpu.memory_space<vmem>>, vector<16xf32>,
          %get3A_708 = arith.index_cast %scan3A_469 : i32 to index
          %get3A_709 = arith.constant 304 : index
          %get3A_710 = tpu.vector_load %arg11[%get3A_708, %get3A_709] {strides = array<i32>} : memref<32x512xf32, #tpu.memory_space<vmem>>, vector<16xf32>,
          %mul3A_711 = arith.mulf %sub3A_481, %get3A_710 : vector<16xf32>
          %get3A_712 = arith.index_cast %scan3A_469 : i32 to index
          %get3A_713 = arith.constant 304 : index
          %get3A_714 = tpu.vector_load %arg12[%get3A_712, %get3A_713] {strides = array<i32>} : memref<32x512xf32, #tpu.memory_space<vmem>>, vector<16xf32>,
          %mul3A_715 = arith.mulf %mul3A_480, %get3A_714 : vector<16xf32>
          %add3A_716 = arith.addf %mul3A_711, %mul3A_715 : vector<16xf32>
          %swap3A_717 = arith.index_cast %scan3A_469 : i32 to index
          %swap3A_718 = arith.constant 304 : index
          %swap3A_719 = tpu.vector_load %arg11[%swap3A_717, %swap3A_718] {strides = array<i32>} : memref<32x512xf32, #tpu.memory_space<vmem>>, vector<16xf32>,
          tpu.vector_store %arg11[%swap3A_717, %swap3A_718], %add3A_716 {strides = array<i32>} : memref<32x512xf32, #tpu.memory_space<vmem>>, vector<16xf32>,
          %get3A_720 = arith.index_cast %scan3A_469 : i32 to index
          %get3A_721 = arith.constant 320 : index
          %get3A_722 = tpu.vector_load %arg11[%get3A_720, %get3A_721] {strides = array<i32>} : memref<32x512xf32, #tpu.memory_space<vmem>>, vector<16xf32>,
          %mul3A_723 = arith.mulf %sub3A_481, %get3A_722 : vector<16xf32>
          %get3A_724 = arith.index_cast %scan3A_469 : i32 to index
          %get3A_725 = arith.constant 320 : index
          %get3A_726 = tpu.vector_load %arg12[%get3A_724, %get3A_725] {strides = array<i32>} : memref<32x512xf32, #tpu.memory_space<vmem>>, vector<16xf32>,
          %mul3A_727 = arith.mulf %mul3A_480, %get3A_726 : vector<16xf32>
          %add3A_728 = arith.addf %mul3A_723, %mul3A_727 : vector<16xf32>
          %swap3A_729 = arith.index_cast %scan3A_469 : i32 to index
          %swap3A_730 = arith.constant 320 : index
          %swap3A_731 = tpu.vector_load %arg11[%swap3A_729, %swap3A_730] {strides = array<i32>} : memref<32x512xf32, #tpu.memory_space<vmem>>, vector<16xf32>,
          tpu.vector_store %arg11[%swap3A_729, %swap3A_730], %add3A_728 {strides = array<i32>} : memref<32x512xf32, #tpu.memory_space<vmem>>, vector<16xf32>,
          %get3A_732 = arith.index_cast %scan3A_469 : i32 to index
          %get3A_733 = arith.constant 336 : index
          %get3A_734 = tpu.vector_load %arg11[%get3A_732, %get3A_733] {strides = array<i32>} : memref<32x512xf32, #tpu.memory_space<vmem>>, vector<16xf32>,
          %mul3A_735 = arith.mulf %sub3A_481, %get3A_734 : vector<16xf32>
          %get3A_736 = arith.index_cast %scan3A_469 : i32 to index
          %get3A_737 = arith.constant 336 : index
          %get3A_738 = tpu.vector_load %arg12[%get3A_736, %get3A_737] {strides = array<i32>} : memref<32x512xf32, #tpu.memory_space<vmem>>, vector<16xf32>,
          %mul3A_739 = arith.mulf %mul3A_480, %get3A_738 : vector<16xf32>
          %add3A_740 = arith.addf %mul3A_735, %mul3A_739 : vector<16xf32>
          %swap3A_741 = arith.index_cast %scan3A_469 : i32 to index
          %swap3A_742 = arith.constant 336 : index
          %swap3A_743 = tpu.vector_load %arg11[%swap3A_741, %swap3A_742] {strides = array<i32>} : memref<32x512xf32, #tpu.memory_space<vmem>>, vector<16xf32>,
          tpu.vector_store %arg11[%swap3A_741, %swap3A_742], %add3A_740 {strides = array<i32>} : memref<32x512xf32, #tpu.memory_space<vmem>>, vector<16xf32>,
          %get3A_744 = arith.index_cast %scan3A_469 : i32 to index
          %get3A_745 = arith.constant 352 : index
          %get3A_746 = tpu.vector_load %arg11[%get3A_744, %get3A_745] {strides = array<i32>} : memref<32x512xf32, #tpu.memory_space<vmem>>, vector<16xf32>,
          %mul3A_747 = arith.mulf %sub3A_481, %get3A_746 : vector<16xf32>
          %get3A_748 = arith.index_cast %scan3A_469 : i32 to index
          %get3A_749 = arith.constant 352 : index
          %get3A_750 = tpu.vector_load %arg12[%get3A_748, %get3A_749] {strides = array<i32>} : memref<32x512xf32, #tpu.memory_space<vmem>>, vector<16xf32>,
          %mul3A_751 = arith.mulf %mul3A_480, %get3A_750 : vector<16xf32>
          %add3A_752 = arith.addf %mul3A_747, %mul3A_751 : vector<16xf32>
          %swap3A_753 = arith.index_cast %scan3A_469 : i32 to index
          %swap3A_754 = arith.constant 352 : index
          %swap3A_755 = tpu.vector_load %arg11[%swap3A_753, %swap3A_754] {strides = array<i32>} : memref<32x512xf32, #tpu.memory_space<vmem>>, vector<16xf32>,
          tpu.vector_store %arg11[%swap3A_753, %swap3A_754], %add3A_752 {strides = array<i32>} : memref<32x512xf32, #tpu.memory_space<vmem>>, vector<16xf32>,
          %get3A_756 = arith.index_cast %scan3A_469 : i32 to index
          %get3A_757 = arith.constant 368 : index
          %get3A_758 = tpu.vector_load %arg11[%get3A_756, %get3A_757] {strides = array<i32>} : memref<32x512xf32, #tpu.memory_space<vmem>>, vector<16xf32>,
          %mul3A_759 = arith.mulf %sub3A_481, %get3A_758 : vector<16xf32>
          %get3A_760 = arith.index_cast %scan3A_469 : i32 to index
          %get3A_761 = arith.constant 368 : index
          %get3A_762 = tpu.vector_load %arg12[%get3A_760, %get3A_761] {strides = array<i32>} : memref<32x512xf32, #tpu.memory_space<vmem>>, vector<16xf32>,
          %mul3A_763 = arith.mulf %mul3A_480, %get3A_762 : vector<16xf32>
          %add3A_764 = arith.addf %mul3A_759, %mul3A_763 : vector<16xf32>
          %swap3A_765 = arith.index_cast %scan3A_469 : i32 to index
          %swap3A_766 = arith.constant 368 : index
          %swap3A_767 = tpu.vector_load %arg11[%swap3A_765, %swap3A_766] {strides = array<i32>} : memref<32x512xf32, #tpu.memory_space<vmem>>, vector<16xf32>,
          tpu.vector_store %arg11[%swap3A_765, %swap3A_766], %add3A_764 {strides = array<i32>} : memref<32x512xf32, #tpu.memory_space<vmem>>, vector<16xf32>,
          %get3A_768 = arith.index_cast %scan3A_469 : i32 to index
          %get3A_769 = arith.constant 384 : index
          %get3A_770 = tpu.vector_load %arg11[%get3A_768, %get3A_769] {strides = array<i32>} : memref<32x512xf32, #tpu.memory_space<vmem>>, vector<16xf32>,
          %mul3A_771 = arith.mulf %sub3A_481, %get3A_770 : vector<16xf32>
          %get3A_772 = arith.index_cast %scan3A_469 : i32 to index
          %get3A_773 = arith.constant 384 : index
          %get3A_774 = tpu.vector_load %arg12[%get3A_772, %get3A_773] {strides = array<i32>} : memref<32x512xf32, #tpu.memory_space<vmem>>, vector<16xf32>,
          %mul3A_775 = arith.mulf %mul3A_480, %get3A_774 : vector<16xf32>
          %add3A_776 = arith.addf %mul3A_771, %mul3A_775 : vector<16xf32>
          %swap3A_777 = arith.index_cast %scan3A_469 : i32 to index
          %swap3A_778 = arith.constant 384 : index
          %swap3A_779 = tpu.vector_load %arg11[%swap3A_777, %swap3A_778] {strides = array<i32>} : memref<32x512xf32, #tpu.memory_space<vmem>>, vector<16xf32>,
          tpu.vector_store %arg11[%swap3A_777, %swap3A_778], %add3A_776 {strides = array<i32>} : memref<32x512xf32, #tpu.memory_space<vmem>>, vector<16xf32>,
          %get3A_780 = arith.index_cast %scan3A_469 : i32 to index
          %get3A_781 = arith.constant 400 : index
          %get3A_782 = tpu.vector_load %arg11[%get3A_780, %get3A_781] {strides = array<i32>} : memref<32x512xf32, #tpu.memory_space<vmem>>, vector<16xf32>,
          %mul3A_783 = arith.mulf %sub3A_481, %get3A_782 : vector<16xf32>
          %get3A_784 = arith.index_cast %scan3A_469 : i32 to index
          %get3A_785 = arith.constant 400 : index
          %get3A_786 = tpu.vector_load %arg12[%get3A_784, %get3A_785] {strides = array<i32>} : memref<32x512xf32, #tpu.memory_space<vmem>>, vector<16xf32>,
          %mul3A_787 = arith.mulf %mul3A_480, %get3A_786 : vector<16xf32>
          %add3A_788 = arith.addf %mul3A_783, %mul3A_787 : vector<16xf32>
          %swap3A_789 = arith.index_cast %scan3A_469 : i32 to index
          %swap3A_790 = arith.constant 400 : index
          %swap3A_791 = tpu.vector_load %arg11[%swap3A_789, %swap3A_790] {strides = array<i32>} : memref<32x512xf32, #tpu.memory_space<vmem>>, vector<16xf32>,
          tpu.vector_store %arg11[%swap3A_789, %swap3A_790], %add3A_788 {strides = array<i32>} : memref<32x512xf32, #tpu.memory_space<vmem>>, vector<16xf32>,
          %get3A_792 = arith.index_cast %scan3A_469 : i32 to index
          %get3A_793 = arith.constant 416 : index
          %get3A_794 = tpu.vector_load %arg11[%get3A_792, %get3A_793] {strides = array<i32>} : memref<32x512xf32, #tpu.memory_space<vmem>>, vector<16xf32>,
          %mul3A_795 = arith.mulf %sub3A_481, %get3A_794 : vector<16xf32>
          %get3A_796 = arith.index_cast %scan3A_469 : i32 to index
          %get3A_797 = arith.constant 416 : index
          %get3A_798 = tpu.vector_load %arg12[%get3A_796, %get3A_797] {strides = array<i32>} : memref<32x512xf32, #tpu.memory_space<vmem>>, vector<16xf32>,
          %mul3A_799 = arith.mulf %mul3A_480, %get3A_798 : vector<16xf32>
          %add3A_800 = arith.addf %mul3A_795, %mul3A_799 : vector<16xf32>
          %swap3A_801 = arith.index_cast %scan3A_469 : i32 to index
          %swap3A_802 = arith.constant 416 : index
          %swap3A_803 = tpu.vector_load %arg11[%swap3A_801, %swap3A_802] {strides = array<i32>} : memref<32x512xf32, #tpu.memory_space<vmem>>, vector<16xf32>,
          tpu.vector_store %arg11[%swap3A_801, %swap3A_802], %add3A_800 {strides = array<i32>} : memref<32x512xf32, #tpu.memory_space<vmem>>, vector<16xf32>,
          %get3A_804 = arith.index_cast %scan3A_469 : i32 to index
          %get3A_805 = arith.constant 432 : index
          %get3A_806 = tpu.vector_load %arg11[%get3A_804, %get3A_805] {strides = array<i32>} : memref<32x512xf32, #tpu.memory_space<vmem>>, vector<16xf32>,
          %mul3A_807 = arith.mulf %sub3A_481, %get3A_806 : vector<16xf32>
          %get3A_808 = arith.index_cast %scan3A_469 : i32 to index
          %get3A_809 = arith.constant 432 : index
          %get3A_810 = tpu.vector_load %arg12[%get3A_808, %get3A_809] {strides = array<i32>} : memref<32x512xf32, #tpu.memory_space<vmem>>, vector<16xf32>,
          %mul3A_811 = arith.mulf %mul3A_480, %get3A_810 : vector<16xf32>
          %add3A_812 = arith.addf %mul3A_807, %mul3A_811 : vector<16xf32>
          %swap3A_813 = arith.index_cast %scan3A_469 : i32 to index
          %swap3A_814 = arith.constant 432 : index
          %swap3A_815 = tpu.vector_load %arg11[%swap3A_813, %swap3A_814] {strides = array<i32>} : memref<32x512xf32, #tpu.memory_space<vmem>>, vector<16xf32>,
          tpu.vector_store %arg11[%swap3A_813, %swap3A_814], %add3A_812 {strides = array<i32>} : memref<32x512xf32, #tpu.memory_space<vmem>>, vector<16xf32>,
          %get3A_816 = arith.index_cast %scan3A_469 : i32 to index
          %get3A_817 = arith.constant 448 : index
          %get3A_818 = tpu.vector_load %arg11[%get3A_816, %get3A_817] {strides = array<i32>} : memref<32x512xf32, #tpu.memory_space<vmem>>, vector<16xf32>,
          %mul3A_819 = arith.mulf %sub3A_481, %get3A_818 : vector<16xf32>
          %get3A_820 = arith.index_cast %scan3A_469 : i32 to index
          %get3A_821 = arith.constant 448 : index
          %get3A_822 = tpu.vector_load %arg12[%get3A_820, %get3A_821] {strides = array<i32>} : memref<32x512xf32, #tpu.memory_space<vmem>>, vector<16xf32>,
          %mul3A_823 = arith.mulf %mul3A_480, %get3A_822 : vector<16xf32>
          %add3A_824 = arith.addf %mul3A_819, %mul3A_823 : vector<16xf32>
          %swap3A_825 = arith.index_cast %scan3A_469 : i32 to index
          %swap3A_826 = arith.constant 448 : index
          %swap3A_827 = tpu.vector_load %arg11[%swap3A_825, %swap3A_826] {strides = array<i32>} : memref<32x512xf32, #tpu.memory_space<vmem>>, vector<16xf32>,
          tpu.vector_store %arg11[%swap3A_825, %swap3A_826], %add3A_824 {strides = array<i32>} : memref<32x512xf32, #tpu.memory_space<vmem>>, vector<16xf32>,
          %get3A_828 = arith.index_cast %scan3A_469 : i32 to index
          %get3A_829 = arith.constant 464 : index
          %get3A_830 = tpu.vector_load %arg11[%get3A_828, %get3A_829] {strides = array<i32>} : memref<32x512xf32, #tpu.memory_space<vmem>>, vector<16xf32>,
          %mul3A_831 = arith.mulf %sub3A_481, %get3A_830 : vector<16xf32>
          %get3A_832 = arith.index_cast %scan3A_469 : i32 to index
          %get3A_833 = arith.constant 464 : index
          %get3A_834 = tpu.vector_load %arg12[%get3A_832, %get3A_833] {strides = array<i32>} : memref<32x512xf32, #tpu.memory_space<vmem>>, vector<16xf32>,
          %mul3A_835 = arith.mulf %mul3A_480, %get3A_834 : vector<16xf32>
          %add3A_836 = arith.addf %mul3A_831, %mul3A_835 : vector<16xf32>
          %swap3A_837 = arith.index_cast %scan3A_469 : i32 to index
          %swap3A_838 = arith.constant 464 : index
          %swap3A_839 = tpu.vector_load %arg11[%swap3A_837, %swap3A_838] {strides = array<i32>} : memref<32x512xf32, #tpu.memory_space<vmem>>, vector<16xf32>,
          tpu.vector_store %arg11[%swap3A_837, %swap3A_838], %add3A_836 {strides = array<i32>} : memref<32x512xf32, #tpu.memory_space<vmem>>, vector<16xf32>,
          %get3A_840 = arith.index_cast %scan3A_469 : i32 to index
          %get3A_841 = arith.constant 480 : index
          %get3A_842 = tpu.vector_load %arg11[%get3A_840, %get3A_841] {strides = array<i32>} : memref<32x512xf32, #tpu.memory_space<vmem>>, vector<16xf32>,
          %mul3A_843 = arith.mulf %sub3A_481, %get3A_842 : vector<16xf32>
          %get3A_844 = arith.index_cast %scan3A_469 : i32 to index
          %get3A_845 = arith.constant 480 : index
          %get3A_846 = tpu.vector_load %arg12[%get3A_844, %get3A_845] {strides = array<i32>} : memref<32x512xf32, #tpu.memory_space<vmem>>, vector<16xf32>,
          %mul3A_847 = arith.mulf %mul3A_480, %get3A_846 : vector<16xf32>
          %add3A_848 = arith.addf %mul3A_843, %mul3A_847 : vector<16xf32>
          %swap3A_849 = arith.index_cast %scan3A_469 : i32 to index
          %swap3A_850 = arith.constant 480 : index
          %swap3A_851 = tpu.vector_load %arg11[%swap3A_849, %swap3A_850] {strides = array<i32>} : memref<32x512xf32, #tpu.memory_space<vmem>>, vector<16xf32>,
          tpu.vector_store %arg11[%swap3A_849, %swap3A_850], %add3A_848 {strides = array<i32>} : memref<32x512xf32, #tpu.memory_space<vmem>>, vector<16xf32>,
          %get3A_852 = arith.index_cast %scan3A_469 : i32 to index
          %get3A_853 = arith.constant 496 : index
          %get3A_854 = tpu.vector_load %arg11[%get3A_852, %get3A_853] {strides = array<i32>} : memref<32x512xf32, #tpu.memory_space<vmem>>, vector<16xf32>,
          %mul3A_855 = arith.mulf %sub3A_481, %get3A_854 : vector<16xf32>
          %get3A_856 = arith.index_cast %scan3A_469 : i32 to index
          %get3A_857 = arith.constant 496 : index
          %get3A_858 = tpu.vector_load %arg12[%get3A_856, %get3A_857] {strides = array<i32>} : memref<32x512xf32, #tpu.memory_space<vmem>>, vector<16xf32>,
          %mul3A_859 = arith.mulf %mul3A_480, %get3A_858 : vector<16xf32>
          %add3A_860 = arith.addf %mul3A_855, %mul3A_859 : vector<16xf32>
          %swap3A_861 = arith.index_cast %scan3A_469 : i32 to index
          %swap3A_862 = arith.constant 496 : index
          %swap3A_863 = tpu.vector_load %arg11[%swap3A_861, %swap3A_862] {strides = array<i32>} : memref<32x512xf32, #tpu.memory_space<vmem>>, vector<16xf32>,
          tpu.vector_store %arg11[%swap3A_861, %swap3A_862], %add3A_860 {strides = array<i32>} : memref<32x512xf32, #tpu.memory_space<vmem>>, vector<16xf32>,
        }
        %scan3A_458 = arith.constant 32 : i32
        %mul3A_459 = arith.constant 64 : i32
        %mul3A_460 = arith.muli %add3A_420, %mul3A_459 : i32
        %mul3A_461 = arith.constant 32 : i32
        %mul3A_462 = arith.muli %arg0, %mul3A_461 : i32
        %add3A_463 = arith.addi %mul3A_460, %mul3A_462 : i32
        %add3A_464 = arith.addi %mul3A_47, %add3A_463 : i32
        %dma_start3A_465 = arith.constant 0 : i32
        %dma_start3A_466 = tpu.memref_slice %arg7[%add3A_464, %dma_start3A_465] : memref<65536x512xf32, #tpu.memory_space<hbm>> -> memref<32x512xf32, #tpu.memory_space<hbm>>
        %dma_start3A_467 = arith.constant 0 : i32
        %dma_start3A_468 = tpu.memref_slice %arg7[%add3A_464, %dma_start3A_467] : memref<65536x512xf32, #tpu.memory_space<hbm>> -> memref<32x512xf32, #tpu.memory_space<hbm>>
        tpu.enqueue_dma source(%arg11 : memref<32x512xf32, #tpu.memory_space<vmem>>) target(%dma_start3A_468 : memref<32x512xf32, #tpu.memory_space<hbm>>) target_semaphore(%arg21 : memref<!tpu.dma_semaphore, #tpu.memory_space<semaphore_mem>>)
      } else {
      }
      %mul3A_424 = arith.constant 2 : i32
      %mul3A_425 = arith.muli %while3A_416, %mul3A_424 : i32
      %add3A_426 = arith.constant 1 : i32
      %add3A_427 = arith.addi %mul3A_425, %add3A_426 : i32
      %lt3A_428 = arith.cmpi slt, %add3A_427, %min3A_45 : i32
      %convert_element_type3A_429 = arith.extui %lt3A_428 : i1 to i32
      %cond3A_430 = arith.constant 0 : i32
      %cond3A_431 = arith.cmpi ne, %convert_element_type3A_429, %cond3A_430 : i32
      scf.if %cond3A_431 {
        %add3A_432 = arith.constant 1 : i32
        %add3A_433 = arith.addi %add3A_427, %add3A_432 : i32
        %lt3A_434 = arith.cmpi slt, %add3A_433, %min3A_45 : i32
        %convert_element_type3A_435 = arith.extui %lt3A_434 : i1 to i32
        %cond3A_436 = arith.constant 0 : i32
        %cond3A_437 = arith.cmpi ne, %convert_element_type3A_435, %cond3A_436 : i32
        scf.if %cond3A_437 {
          %ge3A_469 = arith.constant 1 : i32
          %ge3A_470 = arith.cmpi sge, %add3A_427, %ge3A_469 : i32
          %convert_element_type3A_471 = arith.extui %ge3A_470 : i1 to i32
          %cond3A_472 = arith.constant 0 : i32
          %cond3A_473 = arith.cmpi ne, %convert_element_type3A_471, %cond3A_472 : i32
          scf.if %cond3A_473 {
            %dma_wait3A_489 = arith.constant 0 : i32
            %dma_wait3A_490 = arith.constant 0 : i32
            %dma_wait3A_491 = tpu.memref_slice %arg7[%dma_wait3A_489, %dma_wait3A_490] : memref<65536x512xf32, #tpu.memory_space<hbm>> -> memref<32x512xf32, #tpu.memory_space<hbm>>
            %dma_wait3A_492 = arith.constant 0 : i32
            %dma_wait3A_493 = arith.constant 0 : i32
            %dma_wait3A_494 = tpu.memref_slice %arg7[%dma_wait3A_492, %dma_wait3A_493] : memref<65536x512xf32, #tpu.memory_space<hbm>> -> memref<32x512xf32, #tpu.memory_space<hbm>>
            tpu.wait_dma2 semaphore(%arg21 : memref<!tpu.dma_semaphore, #tpu.memory_space<semaphore_mem>>) src(%arg11 : memref<32x512xf32, #tpu.memory_space<vmem>>) dst(%dma_wait3A_494 : memref<32x512xf32, #tpu.memory_space<hbm>>)
          } else {
          }
          %add3A_474 = arith.constant 1 : i32
          %add3A_475 = arith.addi %add3A_427, %add3A_474 : i32
          %mul3A_476 = arith.constant 64 : i32
          %mul3A_477 = arith.muli %add3A_475, %mul3A_476 : i32
          %mul3A_478 = arith.constant 32 : i32
          %mul3A_479 = arith.muli %arg0, %mul3A_478 : i32
          %add3A_480 = arith.addi %mul3A_477, %mul3A_479 : i32
          %dma_start3A_481 = tpu.memref_slice %arg8[%add3A_480] : memref<2176xi32, #tpu.memory_space<vmem>> -> memref<32xi32, #tpu.memory_space<vmem>>
          %dma_start3A_482 = arith.constant 0 : i32
          %dma_start3A_483 = arith.constant 0 : i32
          %dma_start3A_484 = tpu.memref_slice %arg2[%dma_start3A_482, %dma_start3A_483] : memref<65536x512xf32, #tpu.memory_space<hbm>> -> memref<65536x512xf32, #tpu.memory_space<hbm>>
          tpu.enqueue_indirect_dma source(%dma_start3A_484 : memref<65536x512xf32, #tpu.memory_space<hbm>>) target(%arg11 : memref<32x512xf32, #tpu.memory_space<vmem>>) offsets(%dma_start3A_481 : memref<32xi32, #tpu.memory_space<vmem>>) semaphore(%arg17 : memref<!tpu.dma_semaphore, #tpu.memory_space<semaphore_mem>>)
          %dma_start3A_485 = tpu.memref_slice %arg9[%add3A_480] : memref<2176xi32, #tpu.memory_space<vmem>> -> memref<32xi32, #tpu.memory_space<vmem>>
          %dma_start3A_486 = arith.constant 0 : i32
          %dma_start3A_487 = arith.constant 0 : i32
          %dma_start3A_488 = tpu.memref_slice %arg2[%dma_start3A_486, %dma_start3A_487] : memref<65536x512xf32, #tpu.memory_space<hbm>> -> memref<65536x512xf32, #tpu.memory_space<hbm>>
          tpu.enqueue_indirect_dma source(%dma_start3A_488 : memref<65536x512xf32, #tpu.memory_space<hbm>>) target(%arg12 : memref<32x512xf32, #tpu.memory_space<vmem>>) offsets(%dma_start3A_485 : memref<32xi32, #tpu.memory_space<vmem>>) semaphore(%arg18 : memref<!tpu.dma_semaphore, #tpu.memory_space<semaphore_mem>>)
        } else {
        }
        %dma_wait3A_438 = arith.constant 0 : i32
        %dma_wait3A_439 = tpu.memref_slice %arg8[%dma_wait3A_438] : memref<2176xi32, #tpu.memory_space<vmem>> -> memref<32xi32, #tpu.memory_space<vmem>>
        %dma_wait3A_440 = arith.constant 0 : i32
        %dma_wait3A_441 = arith.constant 0 : i32
        %dma_wait3A_442 = tpu.memref_slice %arg2[%dma_wait3A_440, %dma_wait3A_441] : memref<65536x512xf32, #tpu.memory_space<hbm>> -> memref<65536x512xf32, #tpu.memory_space<hbm>>
        tpu.wait_indirect_dma semaphore(%arg19 : memref<!tpu.dma_semaphore, #tpu.memory_space<semaphore_mem>>) src(%dma_wait3A_442 : memref<65536x512xf32, #tpu.memory_space<hbm>>) dst(%arg13 : memref<32x512xf32, #tpu.memory_space<vmem>>)
        %dma_wait3A_443 = arith.constant 0 : i32
        %dma_wait3A_444 = tpu.memref_slice %arg9[%dma_wait3A_443] : memref<2176xi32, #tpu.memory_space<vmem>> -> memref<32xi32, #tpu.memory_space<vmem>>
        %dma_wait3A_445 = arith.constant 0 : i32
        %dma_wait3A_446 = arith.constant 0 : i32
        %dma_wait3A_447 = tpu.memref_slice %arg2[%dma_wait3A_445, %dma_wait3A_446] : memref<65536x512xf32, #tpu.memory_space<hbm>> -> memref<65536x512xf32, #tpu.memory_space<hbm>>
        tpu.wait_indirect_dma semaphore(%arg20 : memref<!tpu.dma_semaphore, #tpu.memory_space<semaphore_mem>>) src(%dma_wait3A_447 : memref<65536x512xf32, #tpu.memory_space<hbm>>) dst(%arg14 : memref<32x512xf32, #tpu.memory_space<vmem>>)
        %mul3A_448 = arith.constant 64 : i32
        %mul3A_449 = arith.muli %add3A_427, %mul3A_448 : i32
        %mul3A_450 = arith.constant 32 : i32
        %mul3A_451 = arith.muli %arg0, %mul3A_450 : i32
        %add3A_452 = arith.addi %mul3A_449, %mul3A_451 : i32
        %scan3A_453 = arith.constant 0 : i32
        %scan3A_454 = arith.constant 0 : i32
        %scan3A_455 = arith.constant 32 : i32
        %scan3A_456 = arith.addi %scan3A_454, %scan3A_455 : i32
        %scan3A_457 = arith.constant 1 : i32
        scf.for %scan3A_469 = %scan3A_454 to %scan3A_456 step %scan3A_457  : i32 {
          %add3A_470 = arith.addi %add3A_452, %scan3A_469 : i32
          %broadcast_in_dim3A_471 = vector.broadcast %add3A_470 : i32 to vector<16xi32>
          %gather3A_472 = tpu.vector_load_idx %arg8[%broadcast_in_dim3A_471] : memref<2176xi32, #tpu.memory_space<vmem>>[vector<16xi32>], vector<16xi32>,
          %gather3A_473 = tpu.vector_load_idx %arg10[%broadcast_in_dim3A_471] : memref<2176xf32, #tpu.memory_space<vmem>>[vector<16xi32>], vector<16xf32>,
          %lt3A_474 = arith.cmpi slt, %gather3A_472, %sub3A_10 : vector<16xi32>
          %jit3A_475 = arith.constant 1.000000e+00 : f32
          %jit3A_476 = arith.constant 0.000000e+00 : f32
          %broadcast_in_dim3A_477 = vector.broadcast %jit3A_475 : f32 to vector<16xf32>
          %broadcast_in_dim3A_478 = vector.broadcast %jit3A_476 : f32 to vector<16xf32>
          %select_n3A_479 = arith.select %lt3A_474, %broadcast_in_dim3A_477, %broadcast_in_dim3A_478 : vector<16xi1>, vector<16xf32>
          %mul3A_480 = arith.mulf %gather3A_473, %select_n3A_479 : vector<16xf32>
          %sub3A_481 = arith.subf %select_n3A_479, %mul3A_480 : vector<16xf32>
          %get3A = arith.index_cast %scan3A_469 : i32 to index
          %get3A_482 = arith.constant 0 : index
          %get3A_483 = tpu.vector_load %arg13[%get3A, %get3A_482] {strides = array<i32>} : memref<32x512xf32, #tpu.memory_space<vmem>>, vector<16xf32>,
          %mul3A_484 = arith.mulf %sub3A_481, %get3A_483 : vector<16xf32>
          %get3A_485 = arith.index_cast %scan3A_469 : i32 to index
          %get3A_486 = arith.constant 0 : index
          %get3A_487 = tpu.vector_load %arg14[%get3A_485, %get3A_486] {strides = array<i32>} : memref<32x512xf32, #tpu.memory_space<vmem>>, vector<16xf32>,
          %mul3A_488 = arith.mulf %mul3A_480, %get3A_487 : vector<16xf32>
          %add3A_489 = arith.addf %mul3A_484, %mul3A_488 : vector<16xf32>
          %swap3A = arith.index_cast %scan3A_469 : i32 to index
          %swap3A_490 = arith.constant 0 : index
          %swap3A_491 = tpu.vector_load %arg13[%swap3A, %swap3A_490] {strides = array<i32>} : memref<32x512xf32, #tpu.memory_space<vmem>>, vector<16xf32>,
          tpu.vector_store %arg13[%swap3A, %swap3A_490], %add3A_489 {strides = array<i32>} : memref<32x512xf32, #tpu.memory_space<vmem>>, vector<16xf32>,
          %get3A_492 = arith.index_cast %scan3A_469 : i32 to index
          %get3A_493 = arith.constant 16 : index
          %get3A_494 = tpu.vector_load %arg13[%get3A_492, %get3A_493] {strides = array<i32>} : memref<32x512xf32, #tpu.memory_space<vmem>>, vector<16xf32>,
          %mul3A_495 = arith.mulf %sub3A_481, %get3A_494 : vector<16xf32>
          %get3A_496 = arith.index_cast %scan3A_469 : i32 to index
          %get3A_497 = arith.constant 16 : index
          %get3A_498 = tpu.vector_load %arg14[%get3A_496, %get3A_497] {strides = array<i32>} : memref<32x512xf32, #tpu.memory_space<vmem>>, vector<16xf32>,
          %mul3A_499 = arith.mulf %mul3A_480, %get3A_498 : vector<16xf32>
          %add3A_500 = arith.addf %mul3A_495, %mul3A_499 : vector<16xf32>
          %swap3A_501 = arith.index_cast %scan3A_469 : i32 to index
          %swap3A_502 = arith.constant 16 : index
          %swap3A_503 = tpu.vector_load %arg13[%swap3A_501, %swap3A_502] {strides = array<i32>} : memref<32x512xf32, #tpu.memory_space<vmem>>, vector<16xf32>,
          tpu.vector_store %arg13[%swap3A_501, %swap3A_502], %add3A_500 {strides = array<i32>} : memref<32x512xf32, #tpu.memory_space<vmem>>, vector<16xf32>,
          %get3A_504 = arith.index_cast %scan3A_469 : i32 to index
          %get3A_505 = arith.constant 32 : index
          %get3A_506 = tpu.vector_load %arg13[%get3A_504, %get3A_505] {strides = array<i32>} : memref<32x512xf32, #tpu.memory_space<vmem>>, vector<16xf32>,
          %mul3A_507 = arith.mulf %sub3A_481, %get3A_506 : vector<16xf32>
          %get3A_508 = arith.index_cast %scan3A_469 : i32 to index
          %get3A_509 = arith.constant 32 : index
          %get3A_510 = tpu.vector_load %arg14[%get3A_508, %get3A_509] {strides = array<i32>} : memref<32x512xf32, #tpu.memory_space<vmem>>, vector<16xf32>,
          %mul3A_511 = arith.mulf %mul3A_480, %get3A_510 : vector<16xf32>
          %add3A_512 = arith.addf %mul3A_507, %mul3A_511 : vector<16xf32>
          %swap3A_513 = arith.index_cast %scan3A_469 : i32 to index
          %swap3A_514 = arith.constant 32 : index
          %swap3A_515 = tpu.vector_load %arg13[%swap3A_513, %swap3A_514] {strides = array<i32>} : memref<32x512xf32, #tpu.memory_space<vmem>>, vector<16xf32>,
          tpu.vector_store %arg13[%swap3A_513, %swap3A_514], %add3A_512 {strides = array<i32>} : memref<32x512xf32, #tpu.memory_space<vmem>>, vector<16xf32>,
          %get3A_516 = arith.index_cast %scan3A_469 : i32 to index
          %get3A_517 = arith.constant 48 : index
          %get3A_518 = tpu.vector_load %arg13[%get3A_516, %get3A_517] {strides = array<i32>} : memref<32x512xf32, #tpu.memory_space<vmem>>, vector<16xf32>,
          %mul3A_519 = arith.mulf %sub3A_481, %get3A_518 : vector<16xf32>
          %get3A_520 = arith.index_cast %scan3A_469 : i32 to index
          %get3A_521 = arith.constant 48 : index
          %get3A_522 = tpu.vector_load %arg14[%get3A_520, %get3A_521] {strides = array<i32>} : memref<32x512xf32, #tpu.memory_space<vmem>>, vector<16xf32>,
          %mul3A_523 = arith.mulf %mul3A_480, %get3A_522 : vector<16xf32>
          %add3A_524 = arith.addf %mul3A_519, %mul3A_523 : vector<16xf32>
          %swap3A_525 = arith.index_cast %scan3A_469 : i32 to index
          %swap3A_526 = arith.constant 48 : index
          %swap3A_527 = tpu.vector_load %arg13[%swap3A_525, %swap3A_526] {strides = array<i32>} : memref<32x512xf32, #tpu.memory_space<vmem>>, vector<16xf32>,
          tpu.vector_store %arg13[%swap3A_525, %swap3A_526], %add3A_524 {strides = array<i32>} : memref<32x512xf32, #tpu.memory_space<vmem>>, vector<16xf32>,
          %get3A_528 = arith.index_cast %scan3A_469 : i32 to index
          %get3A_529 = arith.constant 64 : index
          %get3A_530 = tpu.vector_load %arg13[%get3A_528, %get3A_529] {strides = array<i32>} : memref<32x512xf32, #tpu.memory_space<vmem>>, vector<16xf32>,
          %mul3A_531 = arith.mulf %sub3A_481, %get3A_530 : vector<16xf32>
          %get3A_532 = arith.index_cast %scan3A_469 : i32 to index
          %get3A_533 = arith.constant 64 : index
          %get3A_534 = tpu.vector_load %arg14[%get3A_532, %get3A_533] {strides = array<i32>} : memref<32x512xf32, #tpu.memory_space<vmem>>, vector<16xf32>,
          %mul3A_535 = arith.mulf %mul3A_480, %get3A_534 : vector<16xf32>
          %add3A_536 = arith.addf %mul3A_531, %mul3A_535 : vector<16xf32>
          %swap3A_537 = arith.index_cast %scan3A_469 : i32 to index
          %swap3A_538 = arith.constant 64 : index
          %swap3A_539 = tpu.vector_load %arg13[%swap3A_537, %swap3A_538] {strides = array<i32>} : memref<32x512xf32, #tpu.memory_space<vmem>>, vector<16xf32>,
          tpu.vector_store %arg13[%swap3A_537, %swap3A_538], %add3A_536 {strides = array<i32>} : memref<32x512xf32, #tpu.memory_space<vmem>>, vector<16xf32>,
          %get3A_540 = arith.index_cast %scan3A_469 : i32 to index
          %get3A_541 = arith.constant 80 : index
          %get3A_542 = tpu.vector_load %arg13[%get3A_540, %get3A_541] {strides = array<i32>} : memref<32x512xf32, #tpu.memory_space<vmem>>, vector<16xf32>,
          %mul3A_543 = arith.mulf %sub3A_481, %get3A_542 : vector<16xf32>
          %get3A_544 = arith.index_cast %scan3A_469 : i32 to index
          %get3A_545 = arith.constant 80 : index
          %get3A_546 = tpu.vector_load %arg14[%get3A_544, %get3A_545] {strides = array<i32>} : memref<32x512xf32, #tpu.memory_space<vmem>>, vector<16xf32>,
          %mul3A_547 = arith.mulf %mul3A_480, %get3A_546 : vector<16xf32>
          %add3A_548 = arith.addf %mul3A_543, %mul3A_547 : vector<16xf32>
          %swap3A_549 = arith.index_cast %scan3A_469 : i32 to index
          %swap3A_550 = arith.constant 80 : index
          %swap3A_551 = tpu.vector_load %arg13[%swap3A_549, %swap3A_550] {strides = array<i32>} : memref<32x512xf32, #tpu.memory_space<vmem>>, vector<16xf32>,
          tpu.vector_store %arg13[%swap3A_549, %swap3A_550], %add3A_548 {strides = array<i32>} : memref<32x512xf32, #tpu.memory_space<vmem>>, vector<16xf32>,
          %get3A_552 = arith.index_cast %scan3A_469 : i32 to index
          %get3A_553 = arith.constant 96 : index
          %get3A_554 = tpu.vector_load %arg13[%get3A_552, %get3A_553] {strides = array<i32>} : memref<32x512xf32, #tpu.memory_space<vmem>>, vector<16xf32>,
          %mul3A_555 = arith.mulf %sub3A_481, %get3A_554 : vector<16xf32>
          %get3A_556 = arith.index_cast %scan3A_469 : i32 to index
          %get3A_557 = arith.constant 96 : index
          %get3A_558 = tpu.vector_load %arg14[%get3A_556, %get3A_557] {strides = array<i32>} : memref<32x512xf32, #tpu.memory_space<vmem>>, vector<16xf32>,
          %mul3A_559 = arith.mulf %mul3A_480, %get3A_558 : vector<16xf32>
          %add3A_560 = arith.addf %mul3A_555, %mul3A_559 : vector<16xf32>
          %swap3A_561 = arith.index_cast %scan3A_469 : i32 to index
          %swap3A_562 = arith.constant 96 : index
          %swap3A_563 = tpu.vector_load %arg13[%swap3A_561, %swap3A_562] {strides = array<i32>} : memref<32x512xf32, #tpu.memory_space<vmem>>, vector<16xf32>,
          tpu.vector_store %arg13[%swap3A_561, %swap3A_562], %add3A_560 {strides = array<i32>} : memref<32x512xf32, #tpu.memory_space<vmem>>, vector<16xf32>,
          %get3A_564 = arith.index_cast %scan3A_469 : i32 to index
          %get3A_565 = arith.constant 112 : index
          %get3A_566 = tpu.vector_load %arg13[%get3A_564, %get3A_565] {strides = array<i32>} : memref<32x512xf32, #tpu.memory_space<vmem>>, vector<16xf32>,
          %mul3A_567 = arith.mulf %sub3A_481, %get3A_566 : vector<16xf32>
          %get3A_568 = arith.index_cast %scan3A_469 : i32 to index
          %get3A_569 = arith.constant 112 : index
          %get3A_570 = tpu.vector_load %arg14[%get3A_568, %get3A_569] {strides = array<i32>} : memref<32x512xf32, #tpu.memory_space<vmem>>, vector<16xf32>,
          %mul3A_571 = arith.mulf %mul3A_480, %get3A_570 : vector<16xf32>
          %add3A_572 = arith.addf %mul3A_567, %mul3A_571 : vector<16xf32>
          %swap3A_573 = arith.index_cast %scan3A_469 : i32 to index
          %swap3A_574 = arith.constant 112 : index
          %swap3A_575 = tpu.vector_load %arg13[%swap3A_573, %swap3A_574] {strides = array<i32>} : memref<32x512xf32, #tpu.memory_space<vmem>>, vector<16xf32>,
          tpu.vector_store %arg13[%swap3A_573, %swap3A_574], %add3A_572 {strides = array<i32>} : memref<32x512xf32, #tpu.memory_space<vmem>>, vector<16xf32>,
          %get3A_576 = arith.index_cast %scan3A_469 : i32 to index
          %get3A_577 = arith.constant 128 : index
          %get3A_578 = tpu.vector_load %arg13[%get3A_576, %get3A_577] {strides = array<i32>} : memref<32x512xf32, #tpu.memory_space<vmem>>, vector<16xf32>,
          %mul3A_579 = arith.mulf %sub3A_481, %get3A_578 : vector<16xf32>
          %get3A_580 = arith.index_cast %scan3A_469 : i32 to index
          %get3A_581 = arith.constant 128 : index
          %get3A_582 = tpu.vector_load %arg14[%get3A_580, %get3A_581] {strides = array<i32>} : memref<32x512xf32, #tpu.memory_space<vmem>>, vector<16xf32>,
          %mul3A_583 = arith.mulf %mul3A_480, %get3A_582 : vector<16xf32>
          %add3A_584 = arith.addf %mul3A_579, %mul3A_583 : vector<16xf32>
          %swap3A_585 = arith.index_cast %scan3A_469 : i32 to index
          %swap3A_586 = arith.constant 128 : index
          %swap3A_587 = tpu.vector_load %arg13[%swap3A_585, %swap3A_586] {strides = array<i32>} : memref<32x512xf32, #tpu.memory_space<vmem>>, vector<16xf32>,
          tpu.vector_store %arg13[%swap3A_585, %swap3A_586], %add3A_584 {strides = array<i32>} : memref<32x512xf32, #tpu.memory_space<vmem>>, vector<16xf32>,
          %get3A_588 = arith.index_cast %scan3A_469 : i32 to index
          %get3A_589 = arith.constant 144 : index
          %get3A_590 = tpu.vector_load %arg13[%get3A_588, %get3A_589] {strides = array<i32>} : memref<32x512xf32, #tpu.memory_space<vmem>>, vector<16xf32>,
          %mul3A_591 = arith.mulf %sub3A_481, %get3A_590 : vector<16xf32>
          %get3A_592 = arith.index_cast %scan3A_469 : i32 to index
          %get3A_593 = arith.constant 144 : index
          %get3A_594 = tpu.vector_load %arg14[%get3A_592, %get3A_593] {strides = array<i32>} : memref<32x512xf32, #tpu.memory_space<vmem>>, vector<16xf32>,
          %mul3A_595 = arith.mulf %mul3A_480, %get3A_594 : vector<16xf32>
          %add3A_596 = arith.addf %mul3A_591, %mul3A_595 : vector<16xf32>
          %swap3A_597 = arith.index_cast %scan3A_469 : i32 to index
          %swap3A_598 = arith.constant 144 : index
          %swap3A_599 = tpu.vector_load %arg13[%swap3A_597, %swap3A_598] {strides = array<i32>} : memref<32x512xf32, #tpu.memory_space<vmem>>, vector<16xf32>,
          tpu.vector_store %arg13[%swap3A_597, %swap3A_598], %add3A_596 {strides = array<i32>} : memref<32x512xf32, #tpu.memory_space<vmem>>, vector<16xf32>,
          %get3A_600 = arith.index_cast %scan3A_469 : i32 to index
          %get3A_601 = arith.constant 160 : index
          %get3A_602 = tpu.vector_load %arg13[%get3A_600, %get3A_601] {strides = array<i32>} : memref<32x512xf32, #tpu.memory_space<vmem>>, vector<16xf32>,
          %mul3A_603 = arith.mulf %sub3A_481, %get3A_602 : vector<16xf32>
          %get3A_604 = arith.index_cast %scan3A_469 : i32 to index
          %get3A_605 = arith.constant 160 : index
          %get3A_606 = tpu.vector_load %arg14[%get3A_604, %get3A_605] {strides = array<i32>} : memref<32x512xf32, #tpu.memory_space<vmem>>, vector<16xf32>,
          %mul3A_607 = arith.mulf %mul3A_480, %get3A_606 : vector<16xf32>
          %add3A_608 = arith.addf %mul3A_603, %mul3A_607 : vector<16xf32>
          %swap3A_609 = arith.index_cast %scan3A_469 : i32 to index
          %swap3A_610 = arith.constant 160 : index
          %swap3A_611 = tpu.vector_load %arg13[%swap3A_609, %swap3A_610] {strides = array<i32>} : memref<32x512xf32, #tpu.memory_space<vmem>>, vector<16xf32>,
          tpu.vector_store %arg13[%swap3A_609, %swap3A_610], %add3A_608 {strides = array<i32>} : memref<32x512xf32, #tpu.memory_space<vmem>>, vector<16xf32>,
          %get3A_612 = arith.index_cast %scan3A_469 : i32 to index
          %get3A_613 = arith.constant 176 : index
          %get3A_614 = tpu.vector_load %arg13[%get3A_612, %get3A_613] {strides = array<i32>} : memref<32x512xf32, #tpu.memory_space<vmem>>, vector<16xf32>,
          %mul3A_615 = arith.mulf %sub3A_481, %get3A_614 : vector<16xf32>
          %get3A_616 = arith.index_cast %scan3A_469 : i32 to index
          %get3A_617 = arith.constant 176 : index
          %get3A_618 = tpu.vector_load %arg14[%get3A_616, %get3A_617] {strides = array<i32>} : memref<32x512xf32, #tpu.memory_space<vmem>>, vector<16xf32>,
          %mul3A_619 = arith.mulf %mul3A_480, %get3A_618 : vector<16xf32>
          %add3A_620 = arith.addf %mul3A_615, %mul3A_619 : vector<16xf32>
          %swap3A_621 = arith.index_cast %scan3A_469 : i32 to index
          %swap3A_622 = arith.constant 176 : index
          %swap3A_623 = tpu.vector_load %arg13[%swap3A_621, %swap3A_622] {strides = array<i32>} : memref<32x512xf32, #tpu.memory_space<vmem>>, vector<16xf32>,
          tpu.vector_store %arg13[%swap3A_621, %swap3A_622], %add3A_620 {strides = array<i32>} : memref<32x512xf32, #tpu.memory_space<vmem>>, vector<16xf32>,
          %get3A_624 = arith.index_cast %scan3A_469 : i32 to index
          %get3A_625 = arith.constant 192 : index
          %get3A_626 = tpu.vector_load %arg13[%get3A_624, %get3A_625] {strides = array<i32>} : memref<32x512xf32, #tpu.memory_space<vmem>>, vector<16xf32>,
          %mul3A_627 = arith.mulf %sub3A_481, %get3A_626 : vector<16xf32>
          %get3A_628 = arith.index_cast %scan3A_469 : i32 to index
          %get3A_629 = arith.constant 192 : index
          %get3A_630 = tpu.vector_load %arg14[%get3A_628, %get3A_629] {strides = array<i32>} : memref<32x512xf32, #tpu.memory_space<vmem>>, vector<16xf32>,
          %mul3A_631 = arith.mulf %mul3A_480, %get3A_630 : vector<16xf32>
          %add3A_632 = arith.addf %mul3A_627, %mul3A_631 : vector<16xf32>
          %swap3A_633 = arith.index_cast %scan3A_469 : i32 to index
          %swap3A_634 = arith.constant 192 : index
          %swap3A_635 = tpu.vector_load %arg13[%swap3A_633, %swap3A_634] {strides = array<i32>} : memref<32x512xf32, #tpu.memory_space<vmem>>, vector<16xf32>,
          tpu.vector_store %arg13[%swap3A_633, %swap3A_634], %add3A_632 {strides = array<i32>} : memref<32x512xf32, #tpu.memory_space<vmem>>, vector<16xf32>,
          %get3A_636 = arith.index_cast %scan3A_469 : i32 to index
          %get3A_637 = arith.constant 208 : index
          %get3A_638 = tpu.vector_load %arg13[%get3A_636, %get3A_637] {strides = array<i32>} : memref<32x512xf32, #tpu.memory_space<vmem>>, vector<16xf32>,
          %mul3A_639 = arith.mulf %sub3A_481, %get3A_638 : vector<16xf32>
          %get3A_640 = arith.index_cast %scan3A_469 : i32 to index
          %get3A_641 = arith.constant 208 : index
          %get3A_642 = tpu.vector_load %arg14[%get3A_640, %get3A_641] {strides = array<i32>} : memref<32x512xf32, #tpu.memory_space<vmem>>, vector<16xf32>,
          %mul3A_643 = arith.mulf %mul3A_480, %get3A_642 : vector<16xf32>
          %add3A_644 = arith.addf %mul3A_639, %mul3A_643 : vector<16xf32>
          %swap3A_645 = arith.index_cast %scan3A_469 : i32 to index
          %swap3A_646 = arith.constant 208 : index
          %swap3A_647 = tpu.vector_load %arg13[%swap3A_645, %swap3A_646] {strides = array<i32>} : memref<32x512xf32, #tpu.memory_space<vmem>>, vector<16xf32>,
          tpu.vector_store %arg13[%swap3A_645, %swap3A_646], %add3A_644 {strides = array<i32>} : memref<32x512xf32, #tpu.memory_space<vmem>>, vector<16xf32>,
          %get3A_648 = arith.index_cast %scan3A_469 : i32 to index
          %get3A_649 = arith.constant 224 : index
          %get3A_650 = tpu.vector_load %arg13[%get3A_648, %get3A_649] {strides = array<i32>} : memref<32x512xf32, #tpu.memory_space<vmem>>, vector<16xf32>,
          %mul3A_651 = arith.mulf %sub3A_481, %get3A_650 : vector<16xf32>
          %get3A_652 = arith.index_cast %scan3A_469 : i32 to index
          %get3A_653 = arith.constant 224 : index
          %get3A_654 = tpu.vector_load %arg14[%get3A_652, %get3A_653] {strides = array<i32>} : memref<32x512xf32, #tpu.memory_space<vmem>>, vector<16xf32>,
          %mul3A_655 = arith.mulf %mul3A_480, %get3A_654 : vector<16xf32>
          %add3A_656 = arith.addf %mul3A_651, %mul3A_655 : vector<16xf32>
          %swap3A_657 = arith.index_cast %scan3A_469 : i32 to index
          %swap3A_658 = arith.constant 224 : index
          %swap3A_659 = tpu.vector_load %arg13[%swap3A_657, %swap3A_658] {strides = array<i32>} : memref<32x512xf32, #tpu.memory_space<vmem>>, vector<16xf32>,
          tpu.vector_store %arg13[%swap3A_657, %swap3A_658], %add3A_656 {strides = array<i32>} : memref<32x512xf32, #tpu.memory_space<vmem>>, vector<16xf32>,
          %get3A_660 = arith.index_cast %scan3A_469 : i32 to index
          %get3A_661 = arith.constant 240 : index
          %get3A_662 = tpu.vector_load %arg13[%get3A_660, %get3A_661] {strides = array<i32>} : memref<32x512xf32, #tpu.memory_space<vmem>>, vector<16xf32>,
          %mul3A_663 = arith.mulf %sub3A_481, %get3A_662 : vector<16xf32>
          %get3A_664 = arith.index_cast %scan3A_469 : i32 to index
          %get3A_665 = arith.constant 240 : index
          %get3A_666 = tpu.vector_load %arg14[%get3A_664, %get3A_665] {strides = array<i32>} : memref<32x512xf32, #tpu.memory_space<vmem>>, vector<16xf32>,
          %mul3A_667 = arith.mulf %mul3A_480, %get3A_666 : vector<16xf32>
          %add3A_668 = arith.addf %mul3A_663, %mul3A_667 : vector<16xf32>
          %swap3A_669 = arith.index_cast %scan3A_469 : i32 to index
          %swap3A_670 = arith.constant 240 : index
          %swap3A_671 = tpu.vector_load %arg13[%swap3A_669, %swap3A_670] {strides = array<i32>} : memref<32x512xf32, #tpu.memory_space<vmem>>, vector<16xf32>,
          tpu.vector_store %arg13[%swap3A_669, %swap3A_670], %add3A_668 {strides = array<i32>} : memref<32x512xf32, #tpu.memory_space<vmem>>, vector<16xf32>,
          %get3A_672 = arith.index_cast %scan3A_469 : i32 to index
          %get3A_673 = arith.constant 256 : index
          %get3A_674 = tpu.vector_load %arg13[%get3A_672, %get3A_673] {strides = array<i32>} : memref<32x512xf32, #tpu.memory_space<vmem>>, vector<16xf32>,
          %mul3A_675 = arith.mulf %sub3A_481, %get3A_674 : vector<16xf32>
          %get3A_676 = arith.index_cast %scan3A_469 : i32 to index
          %get3A_677 = arith.constant 256 : index
          %get3A_678 = tpu.vector_load %arg14[%get3A_676, %get3A_677] {strides = array<i32>} : memref<32x512xf32, #tpu.memory_space<vmem>>, vector<16xf32>,
          %mul3A_679 = arith.mulf %mul3A_480, %get3A_678 : vector<16xf32>
          %add3A_680 = arith.addf %mul3A_675, %mul3A_679 : vector<16xf32>
          %swap3A_681 = arith.index_cast %scan3A_469 : i32 to index
          %swap3A_682 = arith.constant 256 : index
          %swap3A_683 = tpu.vector_load %arg13[%swap3A_681, %swap3A_682] {strides = array<i32>} : memref<32x512xf32, #tpu.memory_space<vmem>>, vector<16xf32>,
          tpu.vector_store %arg13[%swap3A_681, %swap3A_682], %add3A_680 {strides = array<i32>} : memref<32x512xf32, #tpu.memory_space<vmem>>, vector<16xf32>,
          %get3A_684 = arith.index_cast %scan3A_469 : i32 to index
          %get3A_685 = arith.constant 272 : index
          %get3A_686 = tpu.vector_load %arg13[%get3A_684, %get3A_685] {strides = array<i32>} : memref<32x512xf32, #tpu.memory_space<vmem>>, vector<16xf32>,
          %mul3A_687 = arith.mulf %sub3A_481, %get3A_686 : vector<16xf32>
          %get3A_688 = arith.index_cast %scan3A_469 : i32 to index
          %get3A_689 = arith.constant 272 : index
          %get3A_690 = tpu.vector_load %arg14[%get3A_688, %get3A_689] {strides = array<i32>} : memref<32x512xf32, #tpu.memory_space<vmem>>, vector<16xf32>,
          %mul3A_691 = arith.mulf %mul3A_480, %get3A_690 : vector<16xf32>
          %add3A_692 = arith.addf %mul3A_687, %mul3A_691 : vector<16xf32>
          %swap3A_693 = arith.index_cast %scan3A_469 : i32 to index
          %swap3A_694 = arith.constant 272 : index
          %swap3A_695 = tpu.vector_load %arg13[%swap3A_693, %swap3A_694] {strides = array<i32>} : memref<32x512xf32, #tpu.memory_space<vmem>>, vector<16xf32>,
          tpu.vector_store %arg13[%swap3A_693, %swap3A_694], %add3A_692 {strides = array<i32>} : memref<32x512xf32, #tpu.memory_space<vmem>>, vector<16xf32>,
          %get3A_696 = arith.index_cast %scan3A_469 : i32 to index
          %get3A_697 = arith.constant 288 : index
          %get3A_698 = tpu.vector_load %arg13[%get3A_696, %get3A_697] {strides = array<i32>} : memref<32x512xf32, #tpu.memory_space<vmem>>, vector<16xf32>,
          %mul3A_699 = arith.mulf %sub3A_481, %get3A_698 : vector<16xf32>
          %get3A_700 = arith.index_cast %scan3A_469 : i32 to index
          %get3A_701 = arith.constant 288 : index
          %get3A_702 = tpu.vector_load %arg14[%get3A_700, %get3A_701] {strides = array<i32>} : memref<32x512xf32, #tpu.memory_space<vmem>>, vector<16xf32>,
          %mul3A_703 = arith.mulf %mul3A_480, %get3A_702 : vector<16xf32>
          %add3A_704 = arith.addf %mul3A_699, %mul3A_703 : vector<16xf32>
          %swap3A_705 = arith.index_cast %scan3A_469 : i32 to index
          %swap3A_706 = arith.constant 288 : index
          %swap3A_707 = tpu.vector_load %arg13[%swap3A_705, %swap3A_706] {strides = array<i32>} : memref<32x512xf32, #tpu.memory_space<vmem>>, vector<16xf32>,
          tpu.vector_store %arg13[%swap3A_705, %swap3A_706], %add3A_704 {strides = array<i32>} : memref<32x512xf32, #tpu.memory_space<vmem>>, vector<16xf32>,
          %get3A_708 = arith.index_cast %scan3A_469 : i32 to index
          %get3A_709 = arith.constant 304 : index
          %get3A_710 = tpu.vector_load %arg13[%get3A_708, %get3A_709] {strides = array<i32>} : memref<32x512xf32, #tpu.memory_space<vmem>>, vector<16xf32>,
          %mul3A_711 = arith.mulf %sub3A_481, %get3A_710 : vector<16xf32>
          %get3A_712 = arith.index_cast %scan3A_469 : i32 to index
          %get3A_713 = arith.constant 304 : index
          %get3A_714 = tpu.vector_load %arg14[%get3A_712, %get3A_713] {strides = array<i32>} : memref<32x512xf32, #tpu.memory_space<vmem>>, vector<16xf32>,
          %mul3A_715 = arith.mulf %mul3A_480, %get3A_714 : vector<16xf32>
          %add3A_716 = arith.addf %mul3A_711, %mul3A_715 : vector<16xf32>
          %swap3A_717 = arith.index_cast %scan3A_469 : i32 to index
          %swap3A_718 = arith.constant 304 : index
          %swap3A_719 = tpu.vector_load %arg13[%swap3A_717, %swap3A_718] {strides = array<i32>} : memref<32x512xf32, #tpu.memory_space<vmem>>, vector<16xf32>,
          tpu.vector_store %arg13[%swap3A_717, %swap3A_718], %add3A_716 {strides = array<i32>} : memref<32x512xf32, #tpu.memory_space<vmem>>, vector<16xf32>,
          %get3A_720 = arith.index_cast %scan3A_469 : i32 to index
          %get3A_721 = arith.constant 320 : index
          %get3A_722 = tpu.vector_load %arg13[%get3A_720, %get3A_721] {strides = array<i32>} : memref<32x512xf32, #tpu.memory_space<vmem>>, vector<16xf32>,
          %mul3A_723 = arith.mulf %sub3A_481, %get3A_722 : vector<16xf32>
          %get3A_724 = arith.index_cast %scan3A_469 : i32 to index
          %get3A_725 = arith.constant 320 : index
          %get3A_726 = tpu.vector_load %arg14[%get3A_724, %get3A_725] {strides = array<i32>} : memref<32x512xf32, #tpu.memory_space<vmem>>, vector<16xf32>,
          %mul3A_727 = arith.mulf %mul3A_480, %get3A_726 : vector<16xf32>
          %add3A_728 = arith.addf %mul3A_723, %mul3A_727 : vector<16xf32>
          %swap3A_729 = arith.index_cast %scan3A_469 : i32 to index
          %swap3A_730 = arith.constant 320 : index
          %swap3A_731 = tpu.vector_load %arg13[%swap3A_729, %swap3A_730] {strides = array<i32>} : memref<32x512xf32, #tpu.memory_space<vmem>>, vector<16xf32>,
          tpu.vector_store %arg13[%swap3A_729, %swap3A_730], %add3A_728 {strides = array<i32>} : memref<32x512xf32, #tpu.memory_space<vmem>>, vector<16xf32>,
          %get3A_732 = arith.index_cast %scan3A_469 : i32 to index
          %get3A_733 = arith.constant 336 : index
          %get3A_734 = tpu.vector_load %arg13[%get3A_732, %get3A_733] {strides = array<i32>} : memref<32x512xf32, #tpu.memory_space<vmem>>, vector<16xf32>,
          %mul3A_735 = arith.mulf %sub3A_481, %get3A_734 : vector<16xf32>
          %get3A_736 = arith.index_cast %scan3A_469 : i32 to index
          %get3A_737 = arith.constant 336 : index
          %get3A_738 = tpu.vector_load %arg14[%get3A_736, %get3A_737] {strides = array<i32>} : memref<32x512xf32, #tpu.memory_space<vmem>>, vector<16xf32>,
          %mul3A_739 = arith.mulf %mul3A_480, %get3A_738 : vector<16xf32>
          %add3A_740 = arith.addf %mul3A_735, %mul3A_739 : vector<16xf32>
          %swap3A_741 = arith.index_cast %scan3A_469 : i32 to index
          %swap3A_742 = arith.constant 336 : index
          %swap3A_743 = tpu.vector_load %arg13[%swap3A_741, %swap3A_742] {strides = array<i32>} : memref<32x512xf32, #tpu.memory_space<vmem>>, vector<16xf32>,
          tpu.vector_store %arg13[%swap3A_741, %swap3A_742], %add3A_740 {strides = array<i32>} : memref<32x512xf32, #tpu.memory_space<vmem>>, vector<16xf32>,
          %get3A_744 = arith.index_cast %scan3A_469 : i32 to index
          %get3A_745 = arith.constant 352 : index
          %get3A_746 = tpu.vector_load %arg13[%get3A_744, %get3A_745] {strides = array<i32>} : memref<32x512xf32, #tpu.memory_space<vmem>>, vector<16xf32>,
          %mul3A_747 = arith.mulf %sub3A_481, %get3A_746 : vector<16xf32>
          %get3A_748 = arith.index_cast %scan3A_469 : i32 to index
          %get3A_749 = arith.constant 352 : index
          %get3A_750 = tpu.vector_load %arg14[%get3A_748, %get3A_749] {strides = array<i32>} : memref<32x512xf32, #tpu.memory_space<vmem>>, vector<16xf32>,
          %mul3A_751 = arith.mulf %mul3A_480, %get3A_750 : vector<16xf32>
          %add3A_752 = arith.addf %mul3A_747, %mul3A_751 : vector<16xf32>
          %swap3A_753 = arith.index_cast %scan3A_469 : i32 to index
          %swap3A_754 = arith.constant 352 : index
          %swap3A_755 = tpu.vector_load %arg13[%swap3A_753, %swap3A_754] {strides = array<i32>} : memref<32x512xf32, #tpu.memory_space<vmem>>, vector<16xf32>,
          tpu.vector_store %arg13[%swap3A_753, %swap3A_754], %add3A_752 {strides = array<i32>} : memref<32x512xf32, #tpu.memory_space<vmem>>, vector<16xf32>,
          %get3A_756 = arith.index_cast %scan3A_469 : i32 to index
          %get3A_757 = arith.constant 368 : index
          %get3A_758 = tpu.vector_load %arg13[%get3A_756, %get3A_757] {strides = array<i32>} : memref<32x512xf32, #tpu.memory_space<vmem>>, vector<16xf32>,
          %mul3A_759 = arith.mulf %sub3A_481, %get3A_758 : vector<16xf32>
          %get3A_760 = arith.index_cast %scan3A_469 : i32 to index
          %get3A_761 = arith.constant 368 : index
          %get3A_762 = tpu.vector_load %arg14[%get3A_760, %get3A_761] {strides = array<i32>} : memref<32x512xf32, #tpu.memory_space<vmem>>, vector<16xf32>,
          %mul3A_763 = arith.mulf %mul3A_480, %get3A_762 : vector<16xf32>
          %add3A_764 = arith.addf %mul3A_759, %mul3A_763 : vector<16xf32>
          %swap3A_765 = arith.index_cast %scan3A_469 : i32 to index
          %swap3A_766 = arith.constant 368 : index
          %swap3A_767 = tpu.vector_load %arg13[%swap3A_765, %swap3A_766] {strides = array<i32>} : memref<32x512xf32, #tpu.memory_space<vmem>>, vector<16xf32>,
          tpu.vector_store %arg13[%swap3A_765, %swap3A_766], %add3A_764 {strides = array<i32>} : memref<32x512xf32, #tpu.memory_space<vmem>>, vector<16xf32>,
          %get3A_768 = arith.index_cast %scan3A_469 : i32 to index
          %get3A_769 = arith.constant 384 : index
          %get3A_770 = tpu.vector_load %arg13[%get3A_768, %get3A_769] {strides = array<i32>} : memref<32x512xf32, #tpu.memory_space<vmem>>, vector<16xf32>,
          %mul3A_771 = arith.mulf %sub3A_481, %get3A_770 : vector<16xf32>
          %get3A_772 = arith.index_cast %scan3A_469 : i32 to index
          %get3A_773 = arith.constant 384 : index
          %get3A_774 = tpu.vector_load %arg14[%get3A_772, %get3A_773] {strides = array<i32>} : memref<32x512xf32, #tpu.memory_space<vmem>>, vector<16xf32>,
          %mul3A_775 = arith.mulf %mul3A_480, %get3A_774 : vector<16xf32>
          %add3A_776 = arith.addf %mul3A_771, %mul3A_775 : vector<16xf32>
          %swap3A_777 = arith.index_cast %scan3A_469 : i32 to index
          %swap3A_778 = arith.constant 384 : index
          %swap3A_779 = tpu.vector_load %arg13[%swap3A_777, %swap3A_778] {strides = array<i32>} : memref<32x512xf32, #tpu.memory_space<vmem>>, vector<16xf32>,
          tpu.vector_store %arg13[%swap3A_777, %swap3A_778], %add3A_776 {strides = array<i32>} : memref<32x512xf32, #tpu.memory_space<vmem>>, vector<16xf32>,
          %get3A_780 = arith.index_cast %scan3A_469 : i32 to index
          %get3A_781 = arith.constant 400 : index
          %get3A_782 = tpu.vector_load %arg13[%get3A_780, %get3A_781] {strides = array<i32>} : memref<32x512xf32, #tpu.memory_space<vmem>>, vector<16xf32>,
          %mul3A_783 = arith.mulf %sub3A_481, %get3A_782 : vector<16xf32>
          %get3A_784 = arith.index_cast %scan3A_469 : i32 to index
          %get3A_785 = arith.constant 400 : index
          %get3A_786 = tpu.vector_load %arg14[%get3A_784, %get3A_785] {strides = array<i32>} : memref<32x512xf32, #tpu.memory_space<vmem>>, vector<16xf32>,
          %mul3A_787 = arith.mulf %mul3A_480, %get3A_786 : vector<16xf32>
          %add3A_788 = arith.addf %mul3A_783, %mul3A_787 : vector<16xf32>
          %swap3A_789 = arith.index_cast %scan3A_469 : i32 to index
          %swap3A_790 = arith.constant 400 : index
          %swap3A_791 = tpu.vector_load %arg13[%swap3A_789, %swap3A_790] {strides = array<i32>} : memref<32x512xf32, #tpu.memory_space<vmem>>, vector<16xf32>,
          tpu.vector_store %arg13[%swap3A_789, %swap3A_790], %add3A_788 {strides = array<i32>} : memref<32x512xf32, #tpu.memory_space<vmem>>, vector<16xf32>,
          %get3A_792 = arith.index_cast %scan3A_469 : i32 to index
          %get3A_793 = arith.constant 416 : index
          %get3A_794 = tpu.vector_load %arg13[%get3A_792, %get3A_793] {strides = array<i32>} : memref<32x512xf32, #tpu.memory_space<vmem>>, vector<16xf32>,
          %mul3A_795 = arith.mulf %sub3A_481, %get3A_794 : vector<16xf32>
          %get3A_796 = arith.index_cast %scan3A_469 : i32 to index
          %get3A_797 = arith.constant 416 : index
          %get3A_798 = tpu.vector_load %arg14[%get3A_796, %get3A_797] {strides = array<i32>} : memref<32x512xf32, #tpu.memory_space<vmem>>, vector<16xf32>,
          %mul3A_799 = arith.mulf %mul3A_480, %get3A_798 : vector<16xf32>
          %add3A_800 = arith.addf %mul3A_795, %mul3A_799 : vector<16xf32>
          %swap3A_801 = arith.index_cast %scan3A_469 : i32 to index
          %swap3A_802 = arith.constant 416 : index
          %swap3A_803 = tpu.vector_load %arg13[%swap3A_801, %swap3A_802] {strides = array<i32>} : memref<32x512xf32, #tpu.memory_space<vmem>>, vector<16xf32>,
          tpu.vector_store %arg13[%swap3A_801, %swap3A_802], %add3A_800 {strides = array<i32>} : memref<32x512xf32, #tpu.memory_space<vmem>>, vector<16xf32>,
          %get3A_804 = arith.index_cast %scan3A_469 : i32 to index
          %get3A_805 = arith.constant 432 : index
          %get3A_806 = tpu.vector_load %arg13[%get3A_804, %get3A_805] {strides = array<i32>} : memref<32x512xf32, #tpu.memory_space<vmem>>, vector<16xf32>,
          %mul3A_807 = arith.mulf %sub3A_481, %get3A_806 : vector<16xf32>
          %get3A_808 = arith.index_cast %scan3A_469 : i32 to index
          %get3A_809 = arith.constant 432 : index
          %get3A_810 = tpu.vector_load %arg14[%get3A_808, %get3A_809] {strides = array<i32>} : memref<32x512xf32, #tpu.memory_space<vmem>>, vector<16xf32>,
          %mul3A_811 = arith.mulf %mul3A_480, %get3A_810 : vector<16xf32>
          %add3A_812 = arith.addf %mul3A_807, %mul3A_811 : vector<16xf32>
          %swap3A_813 = arith.index_cast %scan3A_469 : i32 to index
          %swap3A_814 = arith.constant 432 : index
          %swap3A_815 = tpu.vector_load %arg13[%swap3A_813, %swap3A_814] {strides = array<i32>} : memref<32x512xf32, #tpu.memory_space<vmem>>, vector<16xf32>,
          tpu.vector_store %arg13[%swap3A_813, %swap3A_814], %add3A_812 {strides = array<i32>} : memref<32x512xf32, #tpu.memory_space<vmem>>, vector<16xf32>,
          %get3A_816 = arith.index_cast %scan3A_469 : i32 to index
          %get3A_817 = arith.constant 448 : index
          %get3A_818 = tpu.vector_load %arg13[%get3A_816, %get3A_817] {strides = array<i32>} : memref<32x512xf32, #tpu.memory_space<vmem>>, vector<16xf32>,
          %mul3A_819 = arith.mulf %sub3A_481, %get3A_818 : vector<16xf32>
          %get3A_820 = arith.index_cast %scan3A_469 : i32 to index
          %get3A_821 = arith.constant 448 : index
          %get3A_822 = tpu.vector_load %arg14[%get3A_820, %get3A_821] {strides = array<i32>} : memref<32x512xf32, #tpu.memory_space<vmem>>, vector<16xf32>,
          %mul3A_823 = arith.mulf %mul3A_480, %get3A_822 : vector<16xf32>
          %add3A_824 = arith.addf %mul3A_819, %mul3A_823 : vector<16xf32>
          %swap3A_825 = arith.index_cast %scan3A_469 : i32 to index
          %swap3A_826 = arith.constant 448 : index
          %swap3A_827 = tpu.vector_load %arg13[%swap3A_825, %swap3A_826] {strides = array<i32>} : memref<32x512xf32, #tpu.memory_space<vmem>>, vector<16xf32>,
          tpu.vector_store %arg13[%swap3A_825, %swap3A_826], %add3A_824 {strides = array<i32>} : memref<32x512xf32, #tpu.memory_space<vmem>>, vector<16xf32>,
          %get3A_828 = arith.index_cast %scan3A_469 : i32 to index
          %get3A_829 = arith.constant 464 : index
          %get3A_830 = tpu.vector_load %arg13[%get3A_828, %get3A_829] {strides = array<i32>} : memref<32x512xf32, #tpu.memory_space<vmem>>, vector<16xf32>,
          %mul3A_831 = arith.mulf %sub3A_481, %get3A_830 : vector<16xf32>
          %get3A_832 = arith.index_cast %scan3A_469 : i32 to index
          %get3A_833 = arith.constant 464 : index
          %get3A_834 = tpu.vector_load %arg14[%get3A_832, %get3A_833] {strides = array<i32>} : memref<32x512xf32, #tpu.memory_space<vmem>>, vector<16xf32>,
          %mul3A_835 = arith.mulf %mul3A_480, %get3A_834 : vector<16xf32>
          %add3A_836 = arith.addf %mul3A_831, %mul3A_835 : vector<16xf32>
          %swap3A_837 = arith.index_cast %scan3A_469 : i32 to index
          %swap3A_838 = arith.constant 464 : index
          %swap3A_839 = tpu.vector_load %arg13[%swap3A_837, %swap3A_838] {strides = array<i32>} : memref<32x512xf32, #tpu.memory_space<vmem>>, vector<16xf32>,
          tpu.vector_store %arg13[%swap3A_837, %swap3A_838], %add3A_836 {strides = array<i32>} : memref<32x512xf32, #tpu.memory_space<vmem>>, vector<16xf32>,
          %get3A_840 = arith.index_cast %scan3A_469 : i32 to index
          %get3A_841 = arith.constant 480 : index
          %get3A_842 = tpu.vector_load %arg13[%get3A_840, %get3A_841] {strides = array<i32>} : memref<32x512xf32, #tpu.memory_space<vmem>>, vector<16xf32>,
          %mul3A_843 = arith.mulf %sub3A_481, %get3A_842 : vector<16xf32>
          %get3A_844 = arith.index_cast %scan3A_469 : i32 to index
          %get3A_845 = arith.constant 480 : index
          %get3A_846 = tpu.vector_load %arg14[%get3A_844, %get3A_845] {strides = array<i32>} : memref<32x512xf32, #tpu.memory_space<vmem>>, vector<16xf32>,
          %mul3A_847 = arith.mulf %mul3A_480, %get3A_846 : vector<16xf32>
          %add3A_848 = arith.addf %mul3A_843, %mul3A_847 : vector<16xf32>
          %swap3A_849 = arith.index_cast %scan3A_469 : i32 to index
          %swap3A_850 = arith.constant 480 : index
          %swap3A_851 = tpu.vector_load %arg13[%swap3A_849, %swap3A_850] {strides = array<i32>} : memref<32x512xf32, #tpu.memory_space<vmem>>, vector<16xf32>,
          tpu.vector_store %arg13[%swap3A_849, %swap3A_850], %add3A_848 {strides = array<i32>} : memref<32x512xf32, #tpu.memory_space<vmem>>, vector<16xf32>,
          %get3A_852 = arith.index_cast %scan3A_469 : i32 to index
          %get3A_853 = arith.constant 496 : index
          %get3A_854 = tpu.vector_load %arg13[%get3A_852, %get3A_853] {strides = array<i32>} : memref<32x512xf32, #tpu.memory_space<vmem>>, vector<16xf32>,
          %mul3A_855 = arith.mulf %sub3A_481, %get3A_854 : vector<16xf32>
          %get3A_856 = arith.index_cast %scan3A_469 : i32 to index
          %get3A_857 = arith.constant 496 : index
          %get3A_858 = tpu.vector_load %arg14[%get3A_856, %get3A_857] {strides = array<i32>} : memref<32x512xf32, #tpu.memory_space<vmem>>, vector<16xf32>,
          %mul3A_859 = arith.mulf %mul3A_480, %get3A_858 : vector<16xf32>
          %add3A_860 = arith.addf %mul3A_855, %mul3A_859 : vector<16xf32>
          %swap3A_861 = arith.index_cast %scan3A_469 : i32 to index
          %swap3A_862 = arith.constant 496 : index
          %swap3A_863 = tpu.vector_load %arg13[%swap3A_861, %swap3A_862] {strides = array<i32>} : memref<32x512xf32, #tpu.memory_space<vmem>>, vector<16xf32>,
          tpu.vector_store %arg13[%swap3A_861, %swap3A_862], %add3A_860 {strides = array<i32>} : memref<32x512xf32, #tpu.memory_space<vmem>>, vector<16xf32>,
        }
        %scan3A_458 = arith.constant 32 : i32
        %mul3A_459 = arith.constant 64 : i32
        %mul3A_460 = arith.muli %add3A_427, %mul3A_459 : i32
        %mul3A_461 = arith.constant 32 : i32
        %mul3A_462 = arith.muli %arg0, %mul3A_461 : i32
        %add3A_463 = arith.addi %mul3A_460, %mul3A_462 : i32
        %add3A_464 = arith.addi %mul3A_47, %add3A_463 : i32
        %dma_start3A_465 = arith.constant 0 : i32
        %dma_start3A_466 = tpu.memref_slice %arg7[%add3A_464, %dma_start3A_465] : memref<65536x512xf32, #tpu.memory_space<hbm>> -> memref<32x512xf32, #tpu.memory_space<hbm>>
        %dma_start3A_467 = arith.constant 0 : i32
        %dma_start3A_468 = tpu.memref_slice %arg7[%add3A_464, %dma_start3A_467] : memref<65536x512xf32, #tpu.memory_space<hbm>> -> memref<32x512xf32, #tpu.memory_space<hbm>>
        tpu.enqueue_dma source(%arg13 : memref<32x512xf32, #tpu.memory_space<vmem>>) target(%dma_start3A_468 : memref<32x512xf32, #tpu.memory_space<hbm>>) target_semaphore(%arg22 : memref<!tpu.dma_semaphore, #tpu.memory_space<semaphore_mem>>)
      } else {
      }
    }
    %while3A_278 = arith.constant 1 : i32
    scf.for %while3A_416 = %while3A_276 to %while3A_272 step %while3A_278  : i32 {
      %mul3A_417 = arith.constant 2 : i32
      %mul3A_418 = arith.muli %while3A_416, %mul3A_417 : i32
      %add3A_419 = arith.constant 0 : i32
      %add3A_420 = arith.addi %mul3A_418, %add3A_419 : i32
      %lt3A = arith.cmpi slt, %add3A_420, %min3A_45 : i32
      %convert_element_type3A_421 = arith.extui %lt3A : i1 to i32
      %cond3A_422 = arith.constant 0 : i32
      %cond3A_423 = arith.cmpi ne, %convert_element_type3A_421, %cond3A_422 : i32
      scf.if %cond3A_423 {
        %add3A_432 = arith.constant 1 : i32
        %add3A_433 = arith.addi %add3A_420, %add3A_432 : i32
        %lt3A_434 = arith.cmpi slt, %add3A_433, %min3A_45 : i32
        %convert_element_type3A_435 = arith.extui %lt3A_434 : i1 to i32
        %cond3A_436 = arith.constant 0 : i32
        %cond3A_437 = arith.cmpi ne, %convert_element_type3A_435, %cond3A_436 : i32
        scf.if %cond3A_437 {
          %ge3A_469 = arith.constant 1 : i32
          %ge3A_470 = arith.cmpi sge, %add3A_420, %ge3A_469 : i32
          %convert_element_type3A_471 = arith.extui %ge3A_470 : i1 to i32
          %cond3A_472 = arith.constant 0 : i32
          %cond3A_473 = arith.cmpi ne, %convert_element_type3A_471, %cond3A_472 : i32
          scf.if %cond3A_473 {
            %dma_wait3A_489 = arith.constant 0 : i32
            %dma_wait3A_490 = arith.constant 0 : i32
            %dma_wait3A_491 = tpu.memref_slice %arg7[%dma_wait3A_489, %dma_wait3A_490] : memref<65536x512xf32, #tpu.memory_space<hbm>> -> memref<32x512xf32, #tpu.memory_space<hbm>>
            %dma_wait3A_492 = arith.constant 0 : i32
            %dma_wait3A_493 = arith.constant 0 : i32
            %dma_wait3A_494 = tpu.memref_slice %arg7[%dma_wait3A_492, %dma_wait3A_493] : memref<65536x512xf32, #tpu.memory_space<hbm>> -> memref<32x512xf32, #tpu.memory_space<hbm>>
            tpu.wait_dma2 semaphore(%arg22 : memref<!tpu.dma_semaphore, #tpu.memory_space<semaphore_mem>>) src(%arg13 : memref<32x512xf32, #tpu.memory_space<vmem>>) dst(%dma_wait3A_494 : memref<32x512xf32, #tpu.memory_space<hbm>>)
          } else {
          }
          %add3A_474 = arith.constant 1 : i32
          %add3A_475 = arith.addi %add3A_420, %add3A_474 : i32
          %mul3A_476 = arith.constant 64 : i32
          %mul3A_477 = arith.muli %add3A_475, %mul3A_476 : i32
          %mul3A_478 = arith.constant 32 : i32
          %mul3A_479 = arith.muli %arg0, %mul3A_478 : i32
          %add3A_480 = arith.addi %mul3A_477, %mul3A_479 : i32
          %dma_start3A_481 = tpu.memref_slice %arg8[%add3A_480] : memref<2176xi32, #tpu.memory_space<vmem>> -> memref<32xi32, #tpu.memory_space<vmem>>
          %dma_start3A_482 = arith.constant 0 : i32
          %dma_start3A_483 = arith.constant 0 : i32
          %dma_start3A_484 = tpu.memref_slice %arg2[%dma_start3A_482, %dma_start3A_483] : memref<65536x512xf32, #tpu.memory_space<hbm>> -> memref<65536x512xf32, #tpu.memory_space<hbm>>
          tpu.enqueue_indirect_dma source(%dma_start3A_484 : memref<65536x512xf32, #tpu.memory_space<hbm>>) target(%arg13 : memref<32x512xf32, #tpu.memory_space<vmem>>) offsets(%dma_start3A_481 : memref<32xi32, #tpu.memory_space<vmem>>) semaphore(%arg19 : memref<!tpu.dma_semaphore, #tpu.memory_space<semaphore_mem>>)
          %dma_start3A_485 = tpu.memref_slice %arg9[%add3A_480] : memref<2176xi32, #tpu.memory_space<vmem>> -> memref<32xi32, #tpu.memory_space<vmem>>
          %dma_start3A_486 = arith.constant 0 : i32
          %dma_start3A_487 = arith.constant 0 : i32
          %dma_start3A_488 = tpu.memref_slice %arg2[%dma_start3A_486, %dma_start3A_487] : memref<65536x512xf32, #tpu.memory_space<hbm>> -> memref<65536x512xf32, #tpu.memory_space<hbm>>
          tpu.enqueue_indirect_dma source(%dma_start3A_488 : memref<65536x512xf32, #tpu.memory_space<hbm>>) target(%arg14 : memref<32x512xf32, #tpu.memory_space<vmem>>) offsets(%dma_start3A_485 : memref<32xi32, #tpu.memory_space<vmem>>) semaphore(%arg20 : memref<!tpu.dma_semaphore, #tpu.memory_space<semaphore_mem>>)
        } else {
        }
        %dma_wait3A_438 = arith.constant 0 : i32
        %dma_wait3A_439 = tpu.memref_slice %arg8[%dma_wait3A_438] : memref<2176xi32, #tpu.memory_space<vmem>> -> memref<32xi32, #tpu.memory_space<vmem>>
        %dma_wait3A_440 = arith.constant 0 : i32
        %dma_wait3A_441 = arith.constant 0 : i32
        %dma_wait3A_442 = tpu.memref_slice %arg2[%dma_wait3A_440, %dma_wait3A_441] : memref<65536x512xf32, #tpu.memory_space<hbm>> -> memref<65536x512xf32, #tpu.memory_space<hbm>>
        tpu.wait_indirect_dma semaphore(%arg17 : memref<!tpu.dma_semaphore, #tpu.memory_space<semaphore_mem>>) src(%dma_wait3A_442 : memref<65536x512xf32, #tpu.memory_space<hbm>>) dst(%arg11 : memref<32x512xf32, #tpu.memory_space<vmem>>)
        %dma_wait3A_443 = arith.constant 0 : i32
        %dma_wait3A_444 = tpu.memref_slice %arg9[%dma_wait3A_443] : memref<2176xi32, #tpu.memory_space<vmem>> -> memref<32xi32, #tpu.memory_space<vmem>>
        %dma_wait3A_445 = arith.constant 0 : i32
        %dma_wait3A_446 = arith.constant 0 : i32
        %dma_wait3A_447 = tpu.memref_slice %arg2[%dma_wait3A_445, %dma_wait3A_446] : memref<65536x512xf32, #tpu.memory_space<hbm>> -> memref<65536x512xf32, #tpu.memory_space<hbm>>
        tpu.wait_indirect_dma semaphore(%arg18 : memref<!tpu.dma_semaphore, #tpu.memory_space<semaphore_mem>>) src(%dma_wait3A_447 : memref<65536x512xf32, #tpu.memory_space<hbm>>) dst(%arg12 : memref<32x512xf32, #tpu.memory_space<vmem>>)
        %mul3A_448 = arith.constant 64 : i32
        %mul3A_449 = arith.muli %add3A_420, %mul3A_448 : i32
        %mul3A_450 = arith.constant 32 : i32
        %mul3A_451 = arith.muli %arg0, %mul3A_450 : i32
        %add3A_452 = arith.addi %mul3A_449, %mul3A_451 : i32
        %scan3A_453 = arith.constant 0 : i32
        %scan3A_454 = arith.constant 0 : i32
        %scan3A_455 = arith.constant 32 : i32
        %scan3A_456 = arith.addi %scan3A_454, %scan3A_455 : i32
        %scan3A_457 = arith.constant 1 : i32
        scf.for %scan3A_469 = %scan3A_454 to %scan3A_456 step %scan3A_457  : i32 {
          %add3A_470 = arith.addi %add3A_452, %scan3A_469 : i32
          %broadcast_in_dim3A_471 = vector.broadcast %add3A_470 : i32 to vector<16xi32>
          %gather3A_472 = tpu.vector_load_idx %arg8[%broadcast_in_dim3A_471] : memref<2176xi32, #tpu.memory_space<vmem>>[vector<16xi32>], vector<16xi32>,
          %gather3A_473 = tpu.vector_load_idx %arg10[%broadcast_in_dim3A_471] : memref<2176xf32, #tpu.memory_space<vmem>>[vector<16xi32>], vector<16xf32>,
          %lt3A_474 = arith.cmpi slt, %gather3A_472, %sub3A_10 : vector<16xi32>
          %jit3A_475 = arith.constant 1.000000e+00 : f32
          %jit3A_476 = arith.constant 0.000000e+00 : f32
          %broadcast_in_dim3A_477 = vector.broadcast %jit3A_475 : f32 to vector<16xf32>
          %broadcast_in_dim3A_478 = vector.broadcast %jit3A_476 : f32 to vector<16xf32>
          %select_n3A_479 = arith.select %lt3A_474, %broadcast_in_dim3A_477, %broadcast_in_dim3A_478 : vector<16xi1>, vector<16xf32>
          %mul3A_480 = arith.mulf %gather3A_473, %select_n3A_479 : vector<16xf32>
          %sub3A_481 = arith.subf %select_n3A_479, %mul3A_480 : vector<16xf32>
          %get3A = arith.index_cast %scan3A_469 : i32 to index
          %get3A_482 = arith.constant 0 : index
          %get3A_483 = tpu.vector_load %arg11[%get3A, %get3A_482] {strides = array<i32>} : memref<32x512xf32, #tpu.memory_space<vmem>>, vector<16xf32>,
          %mul3A_484 = arith.mulf %sub3A_481, %get3A_483 : vector<16xf32>
          %get3A_485 = arith.index_cast %scan3A_469 : i32 to index
          %get3A_486 = arith.constant 0 : index
          %get3A_487 = tpu.vector_load %arg12[%get3A_485, %get3A_486] {strides = array<i32>} : memref<32x512xf32, #tpu.memory_space<vmem>>, vector<16xf32>,
          %mul3A_488 = arith.mulf %mul3A_480, %get3A_487 : vector<16xf32>
          %add3A_489 = arith.addf %mul3A_484, %mul3A_488 : vector<16xf32>
          %swap3A = arith.index_cast %scan3A_469 : i32 to index
          %swap3A_490 = arith.constant 0 : index
          %swap3A_491 = tpu.vector_load %arg11[%swap3A, %swap3A_490] {strides = array<i32>} : memref<32x512xf32, #tpu.memory_space<vmem>>, vector<16xf32>,
          tpu.vector_store %arg11[%swap3A, %swap3A_490], %add3A_489 {strides = array<i32>} : memref<32x512xf32, #tpu.memory_space<vmem>>, vector<16xf32>,
          %get3A_492 = arith.index_cast %scan3A_469 : i32 to index
          %get3A_493 = arith.constant 16 : index
          %get3A_494 = tpu.vector_load %arg11[%get3A_492, %get3A_493] {strides = array<i32>} : memref<32x512xf32, #tpu.memory_space<vmem>>, vector<16xf32>,
          %mul3A_495 = arith.mulf %sub3A_481, %get3A_494 : vector<16xf32>
          %get3A_496 = arith.index_cast %scan3A_469 : i32 to index
          %get3A_497 = arith.constant 16 : index
          %get3A_498 = tpu.vector_load %arg12[%get3A_496, %get3A_497] {strides = array<i32>} : memref<32x512xf32, #tpu.memory_space<vmem>>, vector<16xf32>,
          %mul3A_499 = arith.mulf %mul3A_480, %get3A_498 : vector<16xf32>
          %add3A_500 = arith.addf %mul3A_495, %mul3A_499 : vector<16xf32>
          %swap3A_501 = arith.index_cast %scan3A_469 : i32 to index
          %swap3A_502 = arith.constant 16 : index
          %swap3A_503 = tpu.vector_load %arg11[%swap3A_501, %swap3A_502] {strides = array<i32>} : memref<32x512xf32, #tpu.memory_space<vmem>>, vector<16xf32>,
          tpu.vector_store %arg11[%swap3A_501, %swap3A_502], %add3A_500 {strides = array<i32>} : memref<32x512xf32, #tpu.memory_space<vmem>>, vector<16xf32>,
          %get3A_504 = arith.index_cast %scan3A_469 : i32 to index
          %get3A_505 = arith.constant 32 : index
          %get3A_506 = tpu.vector_load %arg11[%get3A_504, %get3A_505] {strides = array<i32>} : memref<32x512xf32, #tpu.memory_space<vmem>>, vector<16xf32>,
          %mul3A_507 = arith.mulf %sub3A_481, %get3A_506 : vector<16xf32>
          %get3A_508 = arith.index_cast %scan3A_469 : i32 to index
          %get3A_509 = arith.constant 32 : index
          %get3A_510 = tpu.vector_load %arg12[%get3A_508, %get3A_509] {strides = array<i32>} : memref<32x512xf32, #tpu.memory_space<vmem>>, vector<16xf32>,
          %mul3A_511 = arith.mulf %mul3A_480, %get3A_510 : vector<16xf32>
          %add3A_512 = arith.addf %mul3A_507, %mul3A_511 : vector<16xf32>
          %swap3A_513 = arith.index_cast %scan3A_469 : i32 to index
          %swap3A_514 = arith.constant 32 : index
          %swap3A_515 = tpu.vector_load %arg11[%swap3A_513, %swap3A_514] {strides = array<i32>} : memref<32x512xf32, #tpu.memory_space<vmem>>, vector<16xf32>,
          tpu.vector_store %arg11[%swap3A_513, %swap3A_514], %add3A_512 {strides = array<i32>} : memref<32x512xf32, #tpu.memory_space<vmem>>, vector<16xf32>,
          %get3A_516 = arith.index_cast %scan3A_469 : i32 to index
          %get3A_517 = arith.constant 48 : index
          %get3A_518 = tpu.vector_load %arg11[%get3A_516, %get3A_517] {strides = array<i32>} : memref<32x512xf32, #tpu.memory_space<vmem>>, vector<16xf32>,
          %mul3A_519 = arith.mulf %sub3A_481, %get3A_518 : vector<16xf32>
          %get3A_520 = arith.index_cast %scan3A_469 : i32 to index
          %get3A_521 = arith.constant 48 : index
          %get3A_522 = tpu.vector_load %arg12[%get3A_520, %get3A_521] {strides = array<i32>} : memref<32x512xf32, #tpu.memory_space<vmem>>, vector<16xf32>,
          %mul3A_523 = arith.mulf %mul3A_480, %get3A_522 : vector<16xf32>
          %add3A_524 = arith.addf %mul3A_519, %mul3A_523 : vector<16xf32>
          %swap3A_525 = arith.index_cast %scan3A_469 : i32 to index
          %swap3A_526 = arith.constant 48 : index
          %swap3A_527 = tpu.vector_load %arg11[%swap3A_525, %swap3A_526] {strides = array<i32>} : memref<32x512xf32, #tpu.memory_space<vmem>>, vector<16xf32>,
          tpu.vector_store %arg11[%swap3A_525, %swap3A_526], %add3A_524 {strides = array<i32>} : memref<32x512xf32, #tpu.memory_space<vmem>>, vector<16xf32>,
          %get3A_528 = arith.index_cast %scan3A_469 : i32 to index
          %get3A_529 = arith.constant 64 : index
          %get3A_530 = tpu.vector_load %arg11[%get3A_528, %get3A_529] {strides = array<i32>} : memref<32x512xf32, #tpu.memory_space<vmem>>, vector<16xf32>,
          %mul3A_531 = arith.mulf %sub3A_481, %get3A_530 : vector<16xf32>
          %get3A_532 = arith.index_cast %scan3A_469 : i32 to index
          %get3A_533 = arith.constant 64 : index
          %get3A_534 = tpu.vector_load %arg12[%get3A_532, %get3A_533] {strides = array<i32>} : memref<32x512xf32, #tpu.memory_space<vmem>>, vector<16xf32>,
          %mul3A_535 = arith.mulf %mul3A_480, %get3A_534 : vector<16xf32>
          %add3A_536 = arith.addf %mul3A_531, %mul3A_535 : vector<16xf32>
          %swap3A_537 = arith.index_cast %scan3A_469 : i32 to index
          %swap3A_538 = arith.constant 64 : index
          %swap3A_539 = tpu.vector_load %arg11[%swap3A_537, %swap3A_538] {strides = array<i32>} : memref<32x512xf32, #tpu.memory_space<vmem>>, vector<16xf32>,
          tpu.vector_store %arg11[%swap3A_537, %swap3A_538], %add3A_536 {strides = array<i32>} : memref<32x512xf32, #tpu.memory_space<vmem>>, vector<16xf32>,
          %get3A_540 = arith.index_cast %scan3A_469 : i32 to index
          %get3A_541 = arith.constant 80 : index
          %get3A_542 = tpu.vector_load %arg11[%get3A_540, %get3A_541] {strides = array<i32>} : memref<32x512xf32, #tpu.memory_space<vmem>>, vector<16xf32>,
          %mul3A_543 = arith.mulf %sub3A_481, %get3A_542 : vector<16xf32>
          %get3A_544 = arith.index_cast %scan3A_469 : i32 to index
          %get3A_545 = arith.constant 80 : index
          %get3A_546 = tpu.vector_load %arg12[%get3A_544, %get3A_545] {strides = array<i32>} : memref<32x512xf32, #tpu.memory_space<vmem>>, vector<16xf32>,
          %mul3A_547 = arith.mulf %mul3A_480, %get3A_546 : vector<16xf32>
          %add3A_548 = arith.addf %mul3A_543, %mul3A_547 : vector<16xf32>
          %swap3A_549 = arith.index_cast %scan3A_469 : i32 to index
          %swap3A_550 = arith.constant 80 : index
          %swap3A_551 = tpu.vector_load %arg11[%swap3A_549, %swap3A_550] {strides = array<i32>} : memref<32x512xf32, #tpu.memory_space<vmem>>, vector<16xf32>,
          tpu.vector_store %arg11[%swap3A_549, %swap3A_550], %add3A_548 {strides = array<i32>} : memref<32x512xf32, #tpu.memory_space<vmem>>, vector<16xf32>,
          %get3A_552 = arith.index_cast %scan3A_469 : i32 to index
          %get3A_553 = arith.constant 96 : index
          %get3A_554 = tpu.vector_load %arg11[%get3A_552, %get3A_553] {strides = array<i32>} : memref<32x512xf32, #tpu.memory_space<vmem>>, vector<16xf32>,
          %mul3A_555 = arith.mulf %sub3A_481, %get3A_554 : vector<16xf32>
          %get3A_556 = arith.index_cast %scan3A_469 : i32 to index
          %get3A_557 = arith.constant 96 : index
          %get3A_558 = tpu.vector_load %arg12[%get3A_556, %get3A_557] {strides = array<i32>} : memref<32x512xf32, #tpu.memory_space<vmem>>, vector<16xf32>,
          %mul3A_559 = arith.mulf %mul3A_480, %get3A_558 : vector<16xf32>
          %add3A_560 = arith.addf %mul3A_555, %mul3A_559 : vector<16xf32>
          %swap3A_561 = arith.index_cast %scan3A_469 : i32 to index
          %swap3A_562 = arith.constant 96 : index
          %swap3A_563 = tpu.vector_load %arg11[%swap3A_561, %swap3A_562] {strides = array<i32>} : memref<32x512xf32, #tpu.memory_space<vmem>>, vector<16xf32>,
          tpu.vector_store %arg11[%swap3A_561, %swap3A_562], %add3A_560 {strides = array<i32>} : memref<32x512xf32, #tpu.memory_space<vmem>>, vector<16xf32>,
          %get3A_564 = arith.index_cast %scan3A_469 : i32 to index
          %get3A_565 = arith.constant 112 : index
          %get3A_566 = tpu.vector_load %arg11[%get3A_564, %get3A_565] {strides = array<i32>} : memref<32x512xf32, #tpu.memory_space<vmem>>, vector<16xf32>,
          %mul3A_567 = arith.mulf %sub3A_481, %get3A_566 : vector<16xf32>
          %get3A_568 = arith.index_cast %scan3A_469 : i32 to index
          %get3A_569 = arith.constant 112 : index
          %get3A_570 = tpu.vector_load %arg12[%get3A_568, %get3A_569] {strides = array<i32>} : memref<32x512xf32, #tpu.memory_space<vmem>>, vector<16xf32>,
          %mul3A_571 = arith.mulf %mul3A_480, %get3A_570 : vector<16xf32>
          %add3A_572 = arith.addf %mul3A_567, %mul3A_571 : vector<16xf32>
          %swap3A_573 = arith.index_cast %scan3A_469 : i32 to index
          %swap3A_574 = arith.constant 112 : index
          %swap3A_575 = tpu.vector_load %arg11[%swap3A_573, %swap3A_574] {strides = array<i32>} : memref<32x512xf32, #tpu.memory_space<vmem>>, vector<16xf32>,
          tpu.vector_store %arg11[%swap3A_573, %swap3A_574], %add3A_572 {strides = array<i32>} : memref<32x512xf32, #tpu.memory_space<vmem>>, vector<16xf32>,
          %get3A_576 = arith.index_cast %scan3A_469 : i32 to index
          %get3A_577 = arith.constant 128 : index
          %get3A_578 = tpu.vector_load %arg11[%get3A_576, %get3A_577] {strides = array<i32>} : memref<32x512xf32, #tpu.memory_space<vmem>>, vector<16xf32>,
          %mul3A_579 = arith.mulf %sub3A_481, %get3A_578 : vector<16xf32>
          %get3A_580 = arith.index_cast %scan3A_469 : i32 to index
          %get3A_581 = arith.constant 128 : index
          %get3A_582 = tpu.vector_load %arg12[%get3A_580, %get3A_581] {strides = array<i32>} : memref<32x512xf32, #tpu.memory_space<vmem>>, vector<16xf32>,
          %mul3A_583 = arith.mulf %mul3A_480, %get3A_582 : vector<16xf32>
          %add3A_584 = arith.addf %mul3A_579, %mul3A_583 : vector<16xf32>
          %swap3A_585 = arith.index_cast %scan3A_469 : i32 to index
          %swap3A_586 = arith.constant 128 : index
          %swap3A_587 = tpu.vector_load %arg11[%swap3A_585, %swap3A_586] {strides = array<i32>} : memref<32x512xf32, #tpu.memory_space<vmem>>, vector<16xf32>,
          tpu.vector_store %arg11[%swap3A_585, %swap3A_586], %add3A_584 {strides = array<i32>} : memref<32x512xf32, #tpu.memory_space<vmem>>, vector<16xf32>,
          %get3A_588 = arith.index_cast %scan3A_469 : i32 to index
          %get3A_589 = arith.constant 144 : index
          %get3A_590 = tpu.vector_load %arg11[%get3A_588, %get3A_589] {strides = array<i32>} : memref<32x512xf32, #tpu.memory_space<vmem>>, vector<16xf32>,
          %mul3A_591 = arith.mulf %sub3A_481, %get3A_590 : vector<16xf32>
          %get3A_592 = arith.index_cast %scan3A_469 : i32 to index
          %get3A_593 = arith.constant 144 : index
          %get3A_594 = tpu.vector_load %arg12[%get3A_592, %get3A_593] {strides = array<i32>} : memref<32x512xf32, #tpu.memory_space<vmem>>, vector<16xf32>,
          %mul3A_595 = arith.mulf %mul3A_480, %get3A_594 : vector<16xf32>
          %add3A_596 = arith.addf %mul3A_591, %mul3A_595 : vector<16xf32>
          %swap3A_597 = arith.index_cast %scan3A_469 : i32 to index
          %swap3A_598 = arith.constant 144 : index
          %swap3A_599 = tpu.vector_load %arg11[%swap3A_597, %swap3A_598] {strides = array<i32>} : memref<32x512xf32, #tpu.memory_space<vmem>>, vector<16xf32>,
          tpu.vector_store %arg11[%swap3A_597, %swap3A_598], %add3A_596 {strides = array<i32>} : memref<32x512xf32, #tpu.memory_space<vmem>>, vector<16xf32>,
          %get3A_600 = arith.index_cast %scan3A_469 : i32 to index
          %get3A_601 = arith.constant 160 : index
          %get3A_602 = tpu.vector_load %arg11[%get3A_600, %get3A_601] {strides = array<i32>} : memref<32x512xf32, #tpu.memory_space<vmem>>, vector<16xf32>,
          %mul3A_603 = arith.mulf %sub3A_481, %get3A_602 : vector<16xf32>
          %get3A_604 = arith.index_cast %scan3A_469 : i32 to index
          %get3A_605 = arith.constant 160 : index
          %get3A_606 = tpu.vector_load %arg12[%get3A_604, %get3A_605] {strides = array<i32>} : memref<32x512xf32, #tpu.memory_space<vmem>>, vector<16xf32>,
          %mul3A_607 = arith.mulf %mul3A_480, %get3A_606 : vector<16xf32>
          %add3A_608 = arith.addf %mul3A_603, %mul3A_607 : vector<16xf32>
          %swap3A_609 = arith.index_cast %scan3A_469 : i32 to index
          %swap3A_610 = arith.constant 160 : index
          %swap3A_611 = tpu.vector_load %arg11[%swap3A_609, %swap3A_610] {strides = array<i32>} : memref<32x512xf32, #tpu.memory_space<vmem>>, vector<16xf32>,
          tpu.vector_store %arg11[%swap3A_609, %swap3A_610], %add3A_608 {strides = array<i32>} : memref<32x512xf32, #tpu.memory_space<vmem>>, vector<16xf32>,
          %get3A_612 = arith.index_cast %scan3A_469 : i32 to index
          %get3A_613 = arith.constant 176 : index
          %get3A_614 = tpu.vector_load %arg11[%get3A_612, %get3A_613] {strides = array<i32>} : memref<32x512xf32, #tpu.memory_space<vmem>>, vector<16xf32>,
          %mul3A_615 = arith.mulf %sub3A_481, %get3A_614 : vector<16xf32>
          %get3A_616 = arith.index_cast %scan3A_469 : i32 to index
          %get3A_617 = arith.constant 176 : index
          %get3A_618 = tpu.vector_load %arg12[%get3A_616, %get3A_617] {strides = array<i32>} : memref<32x512xf32, #tpu.memory_space<vmem>>, vector<16xf32>,
          %mul3A_619 = arith.mulf %mul3A_480, %get3A_618 : vector<16xf32>
          %add3A_620 = arith.addf %mul3A_615, %mul3A_619 : vector<16xf32>
          %swap3A_621 = arith.index_cast %scan3A_469 : i32 to index
          %swap3A_622 = arith.constant 176 : index
          %swap3A_623 = tpu.vector_load %arg11[%swap3A_621, %swap3A_622] {strides = array<i32>} : memref<32x512xf32, #tpu.memory_space<vmem>>, vector<16xf32>,
          tpu.vector_store %arg11[%swap3A_621, %swap3A_622], %add3A_620 {strides = array<i32>} : memref<32x512xf32, #tpu.memory_space<vmem>>, vector<16xf32>,
          %get3A_624 = arith.index_cast %scan3A_469 : i32 to index
          %get3A_625 = arith.constant 192 : index
          %get3A_626 = tpu.vector_load %arg11[%get3A_624, %get3A_625] {strides = array<i32>} : memref<32x512xf32, #tpu.memory_space<vmem>>, vector<16xf32>,
          %mul3A_627 = arith.mulf %sub3A_481, %get3A_626 : vector<16xf32>
          %get3A_628 = arith.index_cast %scan3A_469 : i32 to index
          %get3A_629 = arith.constant 192 : index
          %get3A_630 = tpu.vector_load %arg12[%get3A_628, %get3A_629] {strides = array<i32>} : memref<32x512xf32, #tpu.memory_space<vmem>>, vector<16xf32>,
          %mul3A_631 = arith.mulf %mul3A_480, %get3A_630 : vector<16xf32>
          %add3A_632 = arith.addf %mul3A_627, %mul3A_631 : vector<16xf32>
          %swap3A_633 = arith.index_cast %scan3A_469 : i32 to index
          %swap3A_634 = arith.constant 192 : index
          %swap3A_635 = tpu.vector_load %arg11[%swap3A_633, %swap3A_634] {strides = array<i32>} : memref<32x512xf32, #tpu.memory_space<vmem>>, vector<16xf32>,
          tpu.vector_store %arg11[%swap3A_633, %swap3A_634], %add3A_632 {strides = array<i32>} : memref<32x512xf32, #tpu.memory_space<vmem>>, vector<16xf32>,
          %get3A_636 = arith.index_cast %scan3A_469 : i32 to index
          %get3A_637 = arith.constant 208 : index
          %get3A_638 = tpu.vector_load %arg11[%get3A_636, %get3A_637] {strides = array<i32>} : memref<32x512xf32, #tpu.memory_space<vmem>>, vector<16xf32>,
          %mul3A_639 = arith.mulf %sub3A_481, %get3A_638 : vector<16xf32>
          %get3A_640 = arith.index_cast %scan3A_469 : i32 to index
          %get3A_641 = arith.constant 208 : index
          %get3A_642 = tpu.vector_load %arg12[%get3A_640, %get3A_641] {strides = array<i32>} : memref<32x512xf32, #tpu.memory_space<vmem>>, vector<16xf32>,
          %mul3A_643 = arith.mulf %mul3A_480, %get3A_642 : vector<16xf32>
          %add3A_644 = arith.addf %mul3A_639, %mul3A_643 : vector<16xf32>
          %swap3A_645 = arith.index_cast %scan3A_469 : i32 to index
          %swap3A_646 = arith.constant 208 : index
          %swap3A_647 = tpu.vector_load %arg11[%swap3A_645, %swap3A_646] {strides = array<i32>} : memref<32x512xf32, #tpu.memory_space<vmem>>, vector<16xf32>,
          tpu.vector_store %arg11[%swap3A_645, %swap3A_646], %add3A_644 {strides = array<i32>} : memref<32x512xf32, #tpu.memory_space<vmem>>, vector<16xf32>,
          %get3A_648 = arith.index_cast %scan3A_469 : i32 to index
          %get3A_649 = arith.constant 224 : index
          %get3A_650 = tpu.vector_load %arg11[%get3A_648, %get3A_649] {strides = array<i32>} : memref<32x512xf32, #tpu.memory_space<vmem>>, vector<16xf32>,
          %mul3A_651 = arith.mulf %sub3A_481, %get3A_650 : vector<16xf32>
          %get3A_652 = arith.index_cast %scan3A_469 : i32 to index
          %get3A_653 = arith.constant 224 : index
          %get3A_654 = tpu.vector_load %arg12[%get3A_652, %get3A_653] {strides = array<i32>} : memref<32x512xf32, #tpu.memory_space<vmem>>, vector<16xf32>,
          %mul3A_655 = arith.mulf %mul3A_480, %get3A_654 : vector<16xf32>
          %add3A_656 = arith.addf %mul3A_651, %mul3A_655 : vector<16xf32>
          %swap3A_657 = arith.index_cast %scan3A_469 : i32 to index
          %swap3A_658 = arith.constant 224 : index
          %swap3A_659 = tpu.vector_load %arg11[%swap3A_657, %swap3A_658] {strides = array<i32>} : memref<32x512xf32, #tpu.memory_space<vmem>>, vector<16xf32>,
          tpu.vector_store %arg11[%swap3A_657, %swap3A_658], %add3A_656 {strides = array<i32>} : memref<32x512xf32, #tpu.memory_space<vmem>>, vector<16xf32>,
          %get3A_660 = arith.index_cast %scan3A_469 : i32 to index
          %get3A_661 = arith.constant 240 : index
          %get3A_662 = tpu.vector_load %arg11[%get3A_660, %get3A_661] {strides = array<i32>} : memref<32x512xf32, #tpu.memory_space<vmem>>, vector<16xf32>,
          %mul3A_663 = arith.mulf %sub3A_481, %get3A_662 : vector<16xf32>
          %get3A_664 = arith.index_cast %scan3A_469 : i32 to index
          %get3A_665 = arith.constant 240 : index
          %get3A_666 = tpu.vector_load %arg12[%get3A_664, %get3A_665] {strides = array<i32>} : memref<32x512xf32, #tpu.memory_space<vmem>>, vector<16xf32>,
          %mul3A_667 = arith.mulf %mul3A_480, %get3A_666 : vector<16xf32>
          %add3A_668 = arith.addf %mul3A_663, %mul3A_667 : vector<16xf32>
          %swap3A_669 = arith.index_cast %scan3A_469 : i32 to index
          %swap3A_670 = arith.constant 240 : index
          %swap3A_671 = tpu.vector_load %arg11[%swap3A_669, %swap3A_670] {strides = array<i32>} : memref<32x512xf32, #tpu.memory_space<vmem>>, vector<16xf32>,
          tpu.vector_store %arg11[%swap3A_669, %swap3A_670], %add3A_668 {strides = array<i32>} : memref<32x512xf32, #tpu.memory_space<vmem>>, vector<16xf32>,
          %get3A_672 = arith.index_cast %scan3A_469 : i32 to index
          %get3A_673 = arith.constant 256 : index
          %get3A_674 = tpu.vector_load %arg11[%get3A_672, %get3A_673] {strides = array<i32>} : memref<32x512xf32, #tpu.memory_space<vmem>>, vector<16xf32>,
          %mul3A_675 = arith.mulf %sub3A_481, %get3A_674 : vector<16xf32>
          %get3A_676 = arith.index_cast %scan3A_469 : i32 to index
          %get3A_677 = arith.constant 256 : index
          %get3A_678 = tpu.vector_load %arg12[%get3A_676, %get3A_677] {strides = array<i32>} : memref<32x512xf32, #tpu.memory_space<vmem>>, vector<16xf32>,
          %mul3A_679 = arith.mulf %mul3A_480, %get3A_678 : vector<16xf32>
          %add3A_680 = arith.addf %mul3A_675, %mul3A_679 : vector<16xf32>
          %swap3A_681 = arith.index_cast %scan3A_469 : i32 to index
          %swap3A_682 = arith.constant 256 : index
          %swap3A_683 = tpu.vector_load %arg11[%swap3A_681, %swap3A_682] {strides = array<i32>} : memref<32x512xf32, #tpu.memory_space<vmem>>, vector<16xf32>,
          tpu.vector_store %arg11[%swap3A_681, %swap3A_682], %add3A_680 {strides = array<i32>} : memref<32x512xf32, #tpu.memory_space<vmem>>, vector<16xf32>,
          %get3A_684 = arith.index_cast %scan3A_469 : i32 to index
          %get3A_685 = arith.constant 272 : index
          %get3A_686 = tpu.vector_load %arg11[%get3A_684, %get3A_685] {strides = array<i32>} : memref<32x512xf32, #tpu.memory_space<vmem>>, vector<16xf32>,
          %mul3A_687 = arith.mulf %sub3A_481, %get3A_686 : vector<16xf32>
          %get3A_688 = arith.index_cast %scan3A_469 : i32 to index
          %get3A_689 = arith.constant 272 : index
          %get3A_690 = tpu.vector_load %arg12[%get3A_688, %get3A_689] {strides = array<i32>} : memref<32x512xf32, #tpu.memory_space<vmem>>, vector<16xf32>,
          %mul3A_691 = arith.mulf %mul3A_480, %get3A_690 : vector<16xf32>
          %add3A_692 = arith.addf %mul3A_687, %mul3A_691 : vector<16xf32>
          %swap3A_693 = arith.index_cast %scan3A_469 : i32 to index
          %swap3A_694 = arith.constant 272 : index
          %swap3A_695 = tpu.vector_load %arg11[%swap3A_693, %swap3A_694] {strides = array<i32>} : memref<32x512xf32, #tpu.memory_space<vmem>>, vector<16xf32>,
          tpu.vector_store %arg11[%swap3A_693, %swap3A_694], %add3A_692 {strides = array<i32>} : memref<32x512xf32, #tpu.memory_space<vmem>>, vector<16xf32>,
          %get3A_696 = arith.index_cast %scan3A_469 : i32 to index
          %get3A_697 = arith.constant 288 : index
          %get3A_698 = tpu.vector_load %arg11[%get3A_696, %get3A_697] {strides = array<i32>} : memref<32x512xf32, #tpu.memory_space<vmem>>, vector<16xf32>,
          %mul3A_699 = arith.mulf %sub3A_481, %get3A_698 : vector<16xf32>
          %get3A_700 = arith.index_cast %scan3A_469 : i32 to index
          %get3A_701 = arith.constant 288 : index
          %get3A_702 = tpu.vector_load %arg12[%get3A_700, %get3A_701] {strides = array<i32>} : memref<32x512xf32, #tpu.memory_space<vmem>>, vector<16xf32>,
          %mul3A_703 = arith.mulf %mul3A_480, %get3A_702 : vector<16xf32>
          %add3A_704 = arith.addf %mul3A_699, %mul3A_703 : vector<16xf32>
          %swap3A_705 = arith.index_cast %scan3A_469 : i32 to index
          %swap3A_706 = arith.constant 288 : index
          %swap3A_707 = tpu.vector_load %arg11[%swap3A_705, %swap3A_706] {strides = array<i32>} : memref<32x512xf32, #tpu.memory_space<vmem>>, vector<16xf32>,
          tpu.vector_store %arg11[%swap3A_705, %swap3A_706], %add3A_704 {strides = array<i32>} : memref<32x512xf32, #tpu.memory_space<vmem>>, vector<16xf32>,
          %get3A_708 = arith.index_cast %scan3A_469 : i32 to index
          %get3A_709 = arith.constant 304 : index
          %get3A_710 = tpu.vector_load %arg11[%get3A_708, %get3A_709] {strides = array<i32>} : memref<32x512xf32, #tpu.memory_space<vmem>>, vector<16xf32>,
          %mul3A_711 = arith.mulf %sub3A_481, %get3A_710 : vector<16xf32>
          %get3A_712 = arith.index_cast %scan3A_469 : i32 to index
          %get3A_713 = arith.constant 304 : index
          %get3A_714 = tpu.vector_load %arg12[%get3A_712, %get3A_713] {strides = array<i32>} : memref<32x512xf32, #tpu.memory_space<vmem>>, vector<16xf32>,
          %mul3A_715 = arith.mulf %mul3A_480, %get3A_714 : vector<16xf32>
          %add3A_716 = arith.addf %mul3A_711, %mul3A_715 : vector<16xf32>
          %swap3A_717 = arith.index_cast %scan3A_469 : i32 to index
          %swap3A_718 = arith.constant 304 : index
          %swap3A_719 = tpu.vector_load %arg11[%swap3A_717, %swap3A_718] {strides = array<i32>} : memref<32x512xf32, #tpu.memory_space<vmem>>, vector<16xf32>,
          tpu.vector_store %arg11[%swap3A_717, %swap3A_718], %add3A_716 {strides = array<i32>} : memref<32x512xf32, #tpu.memory_space<vmem>>, vector<16xf32>,
          %get3A_720 = arith.index_cast %scan3A_469 : i32 to index
          %get3A_721 = arith.constant 320 : index
          %get3A_722 = tpu.vector_load %arg11[%get3A_720, %get3A_721] {strides = array<i32>} : memref<32x512xf32, #tpu.memory_space<vmem>>, vector<16xf32>,
          %mul3A_723 = arith.mulf %sub3A_481, %get3A_722 : vector<16xf32>
          %get3A_724 = arith.index_cast %scan3A_469 : i32 to index
          %get3A_725 = arith.constant 320 : index
          %get3A_726 = tpu.vector_load %arg12[%get3A_724, %get3A_725] {strides = array<i32>} : memref<32x512xf32, #tpu.memory_space<vmem>>, vector<16xf32>,
          %mul3A_727 = arith.mulf %mul3A_480, %get3A_726 : vector<16xf32>
          %add3A_728 = arith.addf %mul3A_723, %mul3A_727 : vector<16xf32>
          %swap3A_729 = arith.index_cast %scan3A_469 : i32 to index
          %swap3A_730 = arith.constant 320 : index
          %swap3A_731 = tpu.vector_load %arg11[%swap3A_729, %swap3A_730] {strides = array<i32>} : memref<32x512xf32, #tpu.memory_space<vmem>>, vector<16xf32>,
          tpu.vector_store %arg11[%swap3A_729, %swap3A_730], %add3A_728 {strides = array<i32>} : memref<32x512xf32, #tpu.memory_space<vmem>>, vector<16xf32>,
          %get3A_732 = arith.index_cast %scan3A_469 : i32 to index
          %get3A_733 = arith.constant 336 : index
          %get3A_734 = tpu.vector_load %arg11[%get3A_732, %get3A_733] {strides = array<i32>} : memref<32x512xf32, #tpu.memory_space<vmem>>, vector<16xf32>,
          %mul3A_735 = arith.mulf %sub3A_481, %get3A_734 : vector<16xf32>
          %get3A_736 = arith.index_cast %scan3A_469 : i32 to index
          %get3A_737 = arith.constant 336 : index
          %get3A_738 = tpu.vector_load %arg12[%get3A_736, %get3A_737] {strides = array<i32>} : memref<32x512xf32, #tpu.memory_space<vmem>>, vector<16xf32>,
          %mul3A_739 = arith.mulf %mul3A_480, %get3A_738 : vector<16xf32>
          %add3A_740 = arith.addf %mul3A_735, %mul3A_739 : vector<16xf32>
          %swap3A_741 = arith.index_cast %scan3A_469 : i32 to index
          %swap3A_742 = arith.constant 336 : index
          %swap3A_743 = tpu.vector_load %arg11[%swap3A_741, %swap3A_742] {strides = array<i32>} : memref<32x512xf32, #tpu.memory_space<vmem>>, vector<16xf32>,
          tpu.vector_store %arg11[%swap3A_741, %swap3A_742], %add3A_740 {strides = array<i32>} : memref<32x512xf32, #tpu.memory_space<vmem>>, vector<16xf32>,
          %get3A_744 = arith.index_cast %scan3A_469 : i32 to index
          %get3A_745 = arith.constant 352 : index
          %get3A_746 = tpu.vector_load %arg11[%get3A_744, %get3A_745] {strides = array<i32>} : memref<32x512xf32, #tpu.memory_space<vmem>>, vector<16xf32>,
          %mul3A_747 = arith.mulf %sub3A_481, %get3A_746 : vector<16xf32>
          %get3A_748 = arith.index_cast %scan3A_469 : i32 to index
          %get3A_749 = arith.constant 352 : index
          %get3A_750 = tpu.vector_load %arg12[%get3A_748, %get3A_749] {strides = array<i32>} : memref<32x512xf32, #tpu.memory_space<vmem>>, vector<16xf32>,
          %mul3A_751 = arith.mulf %mul3A_480, %get3A_750 : vector<16xf32>
          %add3A_752 = arith.addf %mul3A_747, %mul3A_751 : vector<16xf32>
          %swap3A_753 = arith.index_cast %scan3A_469 : i32 to index
          %swap3A_754 = arith.constant 352 : index
          %swap3A_755 = tpu.vector_load %arg11[%swap3A_753, %swap3A_754] {strides = array<i32>} : memref<32x512xf32, #tpu.memory_space<vmem>>, vector<16xf32>,
          tpu.vector_store %arg11[%swap3A_753, %swap3A_754], %add3A_752 {strides = array<i32>} : memref<32x512xf32, #tpu.memory_space<vmem>>, vector<16xf32>,
          %get3A_756 = arith.index_cast %scan3A_469 : i32 to index
          %get3A_757 = arith.constant 368 : index
          %get3A_758 = tpu.vector_load %arg11[%get3A_756, %get3A_757] {strides = array<i32>} : memref<32x512xf32, #tpu.memory_space<vmem>>, vector<16xf32>,
          %mul3A_759 = arith.mulf %sub3A_481, %get3A_758 : vector<16xf32>
          %get3A_760 = arith.index_cast %scan3A_469 : i32 to index
          %get3A_761 = arith.constant 368 : index
          %get3A_762 = tpu.vector_load %arg12[%get3A_760, %get3A_761] {strides = array<i32>} : memref<32x512xf32, #tpu.memory_space<vmem>>, vector<16xf32>,
          %mul3A_763 = arith.mulf %mul3A_480, %get3A_762 : vector<16xf32>
          %add3A_764 = arith.addf %mul3A_759, %mul3A_763 : vector<16xf32>
          %swap3A_765 = arith.index_cast %scan3A_469 : i32 to index
          %swap3A_766 = arith.constant 368 : index
          %swap3A_767 = tpu.vector_load %arg11[%swap3A_765, %swap3A_766] {strides = array<i32>} : memref<32x512xf32, #tpu.memory_space<vmem>>, vector<16xf32>,
          tpu.vector_store %arg11[%swap3A_765, %swap3A_766], %add3A_764 {strides = array<i32>} : memref<32x512xf32, #tpu.memory_space<vmem>>, vector<16xf32>,
          %get3A_768 = arith.index_cast %scan3A_469 : i32 to index
          %get3A_769 = arith.constant 384 : index
          %get3A_770 = tpu.vector_load %arg11[%get3A_768, %get3A_769] {strides = array<i32>} : memref<32x512xf32, #tpu.memory_space<vmem>>, vector<16xf32>,
          %mul3A_771 = arith.mulf %sub3A_481, %get3A_770 : vector<16xf32>
          %get3A_772 = arith.index_cast %scan3A_469 : i32 to index
          %get3A_773 = arith.constant 384 : index
          %get3A_774 = tpu.vector_load %arg12[%get3A_772, %get3A_773] {strides = array<i32>} : memref<32x512xf32, #tpu.memory_space<vmem>>, vector<16xf32>,
          %mul3A_775 = arith.mulf %mul3A_480, %get3A_774 : vector<16xf32>
          %add3A_776 = arith.addf %mul3A_771, %mul3A_775 : vector<16xf32>
          %swap3A_777 = arith.index_cast %scan3A_469 : i32 to index
          %swap3A_778 = arith.constant 384 : index
          %swap3A_779 = tpu.vector_load %arg11[%swap3A_777, %swap3A_778] {strides = array<i32>} : memref<32x512xf32, #tpu.memory_space<vmem>>, vector<16xf32>,
          tpu.vector_store %arg11[%swap3A_777, %swap3A_778], %add3A_776 {strides = array<i32>} : memref<32x512xf32, #tpu.memory_space<vmem>>, vector<16xf32>,
          %get3A_780 = arith.index_cast %scan3A_469 : i32 to index
          %get3A_781 = arith.constant 400 : index
          %get3A_782 = tpu.vector_load %arg11[%get3A_780, %get3A_781] {strides = array<i32>} : memref<32x512xf32, #tpu.memory_space<vmem>>, vector<16xf32>,
          %mul3A_783 = arith.mulf %sub3A_481, %get3A_782 : vector<16xf32>
          %get3A_784 = arith.index_cast %scan3A_469 : i32 to index
          %get3A_785 = arith.constant 400 : index
          %get3A_786 = tpu.vector_load %arg12[%get3A_784, %get3A_785] {strides = array<i32>} : memref<32x512xf32, #tpu.memory_space<vmem>>, vector<16xf32>,
          %mul3A_787 = arith.mulf %mul3A_480, %get3A_786 : vector<16xf32>
          %add3A_788 = arith.addf %mul3A_783, %mul3A_787 : vector<16xf32>
          %swap3A_789 = arith.index_cast %scan3A_469 : i32 to index
          %swap3A_790 = arith.constant 400 : index
          %swap3A_791 = tpu.vector_load %arg11[%swap3A_789, %swap3A_790] {strides = array<i32>} : memref<32x512xf32, #tpu.memory_space<vmem>>, vector<16xf32>,
          tpu.vector_store %arg11[%swap3A_789, %swap3A_790], %add3A_788 {strides = array<i32>} : memref<32x512xf32, #tpu.memory_space<vmem>>, vector<16xf32>,
          %get3A_792 = arith.index_cast %scan3A_469 : i32 to index
          %get3A_793 = arith.constant 416 : index
          %get3A_794 = tpu.vector_load %arg11[%get3A_792, %get3A_793] {strides = array<i32>} : memref<32x512xf32, #tpu.memory_space<vmem>>, vector<16xf32>,
          %mul3A_795 = arith.mulf %sub3A_481, %get3A_794 : vector<16xf32>
          %get3A_796 = arith.index_cast %scan3A_469 : i32 to index
          %get3A_797 = arith.constant 416 : index
          %get3A_798 = tpu.vector_load %arg12[%get3A_796, %get3A_797] {strides = array<i32>} : memref<32x512xf32, #tpu.memory_space<vmem>>, vector<16xf32>,
          %mul3A_799 = arith.mulf %mul3A_480, %get3A_798 : vector<16xf32>
          %add3A_800 = arith.addf %mul3A_795, %mul3A_799 : vector<16xf32>
          %swap3A_801 = arith.index_cast %scan3A_469 : i32 to index
          %swap3A_802 = arith.constant 416 : index
          %swap3A_803 = tpu.vector_load %arg11[%swap3A_801, %swap3A_802] {strides = array<i32>} : memref<32x512xf32, #tpu.memory_space<vmem>>, vector<16xf32>,
          tpu.vector_store %arg11[%swap3A_801, %swap3A_802], %add3A_800 {strides = array<i32>} : memref<32x512xf32, #tpu.memory_space<vmem>>, vector<16xf32>,
          %get3A_804 = arith.index_cast %scan3A_469 : i32 to index
          %get3A_805 = arith.constant 432 : index
          %get3A_806 = tpu.vector_load %arg11[%get3A_804, %get3A_805] {strides = array<i32>} : memref<32x512xf32, #tpu.memory_space<vmem>>, vector<16xf32>,
          %mul3A_807 = arith.mulf %sub3A_481, %get3A_806 : vector<16xf32>
          %get3A_808 = arith.index_cast %scan3A_469 : i32 to index
          %get3A_809 = arith.constant 432 : index
          %get3A_810 = tpu.vector_load %arg12[%get3A_808, %get3A_809] {strides = array<i32>} : memref<32x512xf32, #tpu.memory_space<vmem>>, vector<16xf32>,
          %mul3A_811 = arith.mulf %mul3A_480, %get3A_810 : vector<16xf32>
          %add3A_812 = arith.addf %mul3A_807, %mul3A_811 : vector<16xf32>
          %swap3A_813 = arith.index_cast %scan3A_469 : i32 to index
          %swap3A_814 = arith.constant 432 : index
          %swap3A_815 = tpu.vector_load %arg11[%swap3A_813, %swap3A_814] {strides = array<i32>} : memref<32x512xf32, #tpu.memory_space<vmem>>, vector<16xf32>,
          tpu.vector_store %arg11[%swap3A_813, %swap3A_814], %add3A_812 {strides = array<i32>} : memref<32x512xf32, #tpu.memory_space<vmem>>, vector<16xf32>,
          %get3A_816 = arith.index_cast %scan3A_469 : i32 to index
          %get3A_817 = arith.constant 448 : index
          %get3A_818 = tpu.vector_load %arg11[%get3A_816, %get3A_817] {strides = array<i32>} : memref<32x512xf32, #tpu.memory_space<vmem>>, vector<16xf32>,
          %mul3A_819 = arith.mulf %sub3A_481, %get3A_818 : vector<16xf32>
          %get3A_820 = arith.index_cast %scan3A_469 : i32 to index
          %get3A_821 = arith.constant 448 : index
          %get3A_822 = tpu.vector_load %arg12[%get3A_820, %get3A_821] {strides = array<i32>} : memref<32x512xf32, #tpu.memory_space<vmem>>, vector<16xf32>,
          %mul3A_823 = arith.mulf %mul3A_480, %get3A_822 : vector<16xf32>
          %add3A_824 = arith.addf %mul3A_819, %mul3A_823 : vector<16xf32>
          %swap3A_825 = arith.index_cast %scan3A_469 : i32 to index
          %swap3A_826 = arith.constant 448 : index
          %swap3A_827 = tpu.vector_load %arg11[%swap3A_825, %swap3A_826] {strides = array<i32>} : memref<32x512xf32, #tpu.memory_space<vmem>>, vector<16xf32>,
          tpu.vector_store %arg11[%swap3A_825, %swap3A_826], %add3A_824 {strides = array<i32>} : memref<32x512xf32, #tpu.memory_space<vmem>>, vector<16xf32>,
          %get3A_828 = arith.index_cast %scan3A_469 : i32 to index
          %get3A_829 = arith.constant 464 : index
          %get3A_830 = tpu.vector_load %arg11[%get3A_828, %get3A_829] {strides = array<i32>} : memref<32x512xf32, #tpu.memory_space<vmem>>, vector<16xf32>,
          %mul3A_831 = arith.mulf %sub3A_481, %get3A_830 : vector<16xf32>
          %get3A_832 = arith.index_cast %scan3A_469 : i32 to index
          %get3A_833 = arith.constant 464 : index
          %get3A_834 = tpu.vector_load %arg12[%get3A_832, %get3A_833] {strides = array<i32>} : memref<32x512xf32, #tpu.memory_space<vmem>>, vector<16xf32>,
          %mul3A_835 = arith.mulf %mul3A_480, %get3A_834 : vector<16xf32>
          %add3A_836 = arith.addf %mul3A_831, %mul3A_835 : vector<16xf32>
          %swap3A_837 = arith.index_cast %scan3A_469 : i32 to index
          %swap3A_838 = arith.constant 464 : index
          %swap3A_839 = tpu.vector_load %arg11[%swap3A_837, %swap3A_838] {strides = array<i32>} : memref<32x512xf32, #tpu.memory_space<vmem>>, vector<16xf32>,
          tpu.vector_store %arg11[%swap3A_837, %swap3A_838], %add3A_836 {strides = array<i32>} : memref<32x512xf32, #tpu.memory_space<vmem>>, vector<16xf32>,
          %get3A_840 = arith.index_cast %scan3A_469 : i32 to index
          %get3A_841 = arith.constant 480 : index
          %get3A_842 = tpu.vector_load %arg11[%get3A_840, %get3A_841] {strides = array<i32>} : memref<32x512xf32, #tpu.memory_space<vmem>>, vector<16xf32>,
          %mul3A_843 = arith.mulf %sub3A_481, %get3A_842 : vector<16xf32>
          %get3A_844 = arith.index_cast %scan3A_469 : i32 to index
          %get3A_845 = arith.constant 480 : index
          %get3A_846 = tpu.vector_load %arg12[%get3A_844, %get3A_845] {strides = array<i32>} : memref<32x512xf32, #tpu.memory_space<vmem>>, vector<16xf32>,
          %mul3A_847 = arith.mulf %mul3A_480, %get3A_846 : vector<16xf32>
          %add3A_848 = arith.addf %mul3A_843, %mul3A_847 : vector<16xf32>
          %swap3A_849 = arith.index_cast %scan3A_469 : i32 to index
          %swap3A_850 = arith.constant 480 : index
          %swap3A_851 = tpu.vector_load %arg11[%swap3A_849, %swap3A_850] {strides = array<i32>} : memref<32x512xf32, #tpu.memory_space<vmem>>, vector<16xf32>,
          tpu.vector_store %arg11[%swap3A_849, %swap3A_850], %add3A_848 {strides = array<i32>} : memref<32x512xf32, #tpu.memory_space<vmem>>, vector<16xf32>,
          %get3A_852 = arith.index_cast %scan3A_469 : i32 to index
          %get3A_853 = arith.constant 496 : index
          %get3A_854 = tpu.vector_load %arg11[%get3A_852, %get3A_853] {strides = array<i32>} : memref<32x512xf32, #tpu.memory_space<vmem>>, vector<16xf32>,
          %mul3A_855 = arith.mulf %sub3A_481, %get3A_854 : vector<16xf32>
          %get3A_856 = arith.index_cast %scan3A_469 : i32 to index
          %get3A_857 = arith.constant 496 : index
          %get3A_858 = tpu.vector_load %arg12[%get3A_856, %get3A_857] {strides = array<i32>} : memref<32x512xf32, #tpu.memory_space<vmem>>, vector<16xf32>,
          %mul3A_859 = arith.mulf %mul3A_480, %get3A_858 : vector<16xf32>
          %add3A_860 = arith.addf %mul3A_855, %mul3A_859 : vector<16xf32>
          %swap3A_861 = arith.index_cast %scan3A_469 : i32 to index
          %swap3A_862 = arith.constant 496 : index
          %swap3A_863 = tpu.vector_load %arg11[%swap3A_861, %swap3A_862] {strides = array<i32>} : memref<32x512xf32, #tpu.memory_space<vmem>>, vector<16xf32>,
          tpu.vector_store %arg11[%swap3A_861, %swap3A_862], %add3A_860 {strides = array<i32>} : memref<32x512xf32, #tpu.memory_space<vmem>>, vector<16xf32>,
        }
        %scan3A_458 = arith.constant 32 : i32
        %mul3A_459 = arith.constant 64 : i32
        %mul3A_460 = arith.muli %add3A_420, %mul3A_459 : i32
        %mul3A_461 = arith.constant 32 : i32
        %mul3A_462 = arith.muli %arg0, %mul3A_461 : i32
        %add3A_463 = arith.addi %mul3A_460, %mul3A_462 : i32
        %add3A_464 = arith.addi %mul3A_47, %add3A_463 : i32
        %dma_start3A_465 = arith.constant 0 : i32
        %dma_start3A_466 = tpu.memref_slice %arg7[%add3A_464, %dma_start3A_465] : memref<65536x512xf32, #tpu.memory_space<hbm>> -> memref<32x512xf32, #tpu.memory_space<hbm>>
        %dma_start3A_467 = arith.constant 0 : i32
        %dma_start3A_468 = tpu.memref_slice %arg7[%add3A_464, %dma_start3A_467] : memref<65536x512xf32, #tpu.memory_space<hbm>> -> memref<32x512xf32, #tpu.memory_space<hbm>>
        tpu.enqueue_dma source(%arg11 : memref<32x512xf32, #tpu.memory_space<vmem>>) target(%dma_start3A_468 : memref<32x512xf32, #tpu.memory_space<hbm>>) target_semaphore(%arg21 : memref<!tpu.dma_semaphore, #tpu.memory_space<semaphore_mem>>)
      } else {
      }
      %mul3A_424 = arith.constant 2 : i32
      %mul3A_425 = arith.muli %while3A_416, %mul3A_424 : i32
      %add3A_426 = arith.constant 1 : i32
      %add3A_427 = arith.addi %mul3A_425, %add3A_426 : i32
      %lt3A_428 = arith.cmpi slt, %add3A_427, %min3A_45 : i32
      %convert_element_type3A_429 = arith.extui %lt3A_428 : i1 to i32
      %cond3A_430 = arith.constant 0 : i32
      %cond3A_431 = arith.cmpi ne, %convert_element_type3A_429, %cond3A_430 : i32
      scf.if %cond3A_431 {
        %add3A_432 = arith.constant 1 : i32
        %add3A_433 = arith.addi %add3A_427, %add3A_432 : i32
        %lt3A_434 = arith.cmpi slt, %add3A_433, %min3A_45 : i32
        %convert_element_type3A_435 = arith.extui %lt3A_434 : i1 to i32
        %cond3A_436 = arith.constant 0 : i32
        %cond3A_437 = arith.cmpi ne, %convert_element_type3A_435, %cond3A_436 : i32
        scf.if %cond3A_437 {
          %ge3A_469 = arith.constant 1 : i32
          %ge3A_470 = arith.cmpi sge, %add3A_427, %ge3A_469 : i32
          %convert_element_type3A_471 = arith.extui %ge3A_470 : i1 to i32
          %cond3A_472 = arith.constant 0 : i32
          %cond3A_473 = arith.cmpi ne, %convert_element_type3A_471, %cond3A_472 : i32
          scf.if %cond3A_473 {
            %dma_wait3A_489 = arith.constant 0 : i32
            %dma_wait3A_490 = arith.constant 0 : i32
            %dma_wait3A_491 = tpu.memref_slice %arg7[%dma_wait3A_489, %dma_wait3A_490] : memref<65536x512xf32, #tpu.memory_space<hbm>> -> memref<32x512xf32, #tpu.memory_space<hbm>>
            %dma_wait3A_492 = arith.constant 0 : i32
            %dma_wait3A_493 = arith.constant 0 : i32
            %dma_wait3A_494 = tpu.memref_slice %arg7[%dma_wait3A_492, %dma_wait3A_493] : memref<65536x512xf32, #tpu.memory_space<hbm>> -> memref<32x512xf32, #tpu.memory_space<hbm>>
            tpu.wait_dma2 semaphore(%arg21 : memref<!tpu.dma_semaphore, #tpu.memory_space<semaphore_mem>>) src(%arg11 : memref<32x512xf32, #tpu.memory_space<vmem>>) dst(%dma_wait3A_494 : memref<32x512xf32, #tpu.memory_space<hbm>>)
          } else {
          }
          %add3A_474 = arith.constant 1 : i32
          %add3A_475 = arith.addi %add3A_427, %add3A_474 : i32
          %mul3A_476 = arith.constant 64 : i32
          %mul3A_477 = arith.muli %add3A_475, %mul3A_476 : i32
          %mul3A_478 = arith.constant 32 : i32
          %mul3A_479 = arith.muli %arg0, %mul3A_478 : i32
          %add3A_480 = arith.addi %mul3A_477, %mul3A_479 : i32
          %dma_start3A_481 = tpu.memref_slice %arg8[%add3A_480] : memref<2176xi32, #tpu.memory_space<vmem>> -> memref<32xi32, #tpu.memory_space<vmem>>
          %dma_start3A_482 = arith.constant 0 : i32
          %dma_start3A_483 = arith.constant 0 : i32
          %dma_start3A_484 = tpu.memref_slice %arg2[%dma_start3A_482, %dma_start3A_483] : memref<65536x512xf32, #tpu.memory_space<hbm>> -> memref<65536x512xf32, #tpu.memory_space<hbm>>
          tpu.enqueue_indirect_dma source(%dma_start3A_484 : memref<65536x512xf32, #tpu.memory_space<hbm>>) target(%arg11 : memref<32x512xf32, #tpu.memory_space<vmem>>) offsets(%dma_start3A_481 : memref<32xi32, #tpu.memory_space<vmem>>) semaphore(%arg17 : memref<!tpu.dma_semaphore, #tpu.memory_space<semaphore_mem>>)
          %dma_start3A_485 = tpu.memref_slice %arg9[%add3A_480] : memref<2176xi32, #tpu.memory_space<vmem>> -> memref<32xi32, #tpu.memory_space<vmem>>
          %dma_start3A_486 = arith.constant 0 : i32
          %dma_start3A_487 = arith.constant 0 : i32
          %dma_start3A_488 = tpu.memref_slice %arg2[%dma_start3A_486, %dma_start3A_487] : memref<65536x512xf32, #tpu.memory_space<hbm>> -> memref<65536x512xf32, #tpu.memory_space<hbm>>
          tpu.enqueue_indirect_dma source(%dma_start3A_488 : memref<65536x512xf32, #tpu.memory_space<hbm>>) target(%arg12 : memref<32x512xf32, #tpu.memory_space<vmem>>) offsets(%dma_start3A_485 : memref<32xi32, #tpu.memory_space<vmem>>) semaphore(%arg18 : memref<!tpu.dma_semaphore, #tpu.memory_space<semaphore_mem>>)
        } else {
        }
        %dma_wait3A_438 = arith.constant 0 : i32
        %dma_wait3A_439 = tpu.memref_slice %arg8[%dma_wait3A_438] : memref<2176xi32, #tpu.memory_space<vmem>> -> memref<32xi32, #tpu.memory_space<vmem>>
        %dma_wait3A_440 = arith.constant 0 : i32
        %dma_wait3A_441 = arith.constant 0 : i32
        %dma_wait3A_442 = tpu.memref_slice %arg2[%dma_wait3A_440, %dma_wait3A_441] : memref<65536x512xf32, #tpu.memory_space<hbm>> -> memref<65536x512xf32, #tpu.memory_space<hbm>>
        tpu.wait_indirect_dma semaphore(%arg19 : memref<!tpu.dma_semaphore, #tpu.memory_space<semaphore_mem>>) src(%dma_wait3A_442 : memref<65536x512xf32, #tpu.memory_space<hbm>>) dst(%arg13 : memref<32x512xf32, #tpu.memory_space<vmem>>)
        %dma_wait3A_443 = arith.constant 0 : i32
        %dma_wait3A_444 = tpu.memref_slice %arg9[%dma_wait3A_443] : memref<2176xi32, #tpu.memory_space<vmem>> -> memref<32xi32, #tpu.memory_space<vmem>>
        %dma_wait3A_445 = arith.constant 0 : i32
        %dma_wait3A_446 = arith.constant 0 : i32
        %dma_wait3A_447 = tpu.memref_slice %arg2[%dma_wait3A_445, %dma_wait3A_446] : memref<65536x512xf32, #tpu.memory_space<hbm>> -> memref<65536x512xf32, #tpu.memory_space<hbm>>
        tpu.wait_indirect_dma semaphore(%arg20 : memref<!tpu.dma_semaphore, #tpu.memory_space<semaphore_mem>>) src(%dma_wait3A_447 : memref<65536x512xf32, #tpu.memory_space<hbm>>) dst(%arg14 : memref<32x512xf32, #tpu.memory_space<vmem>>)
        %mul3A_448 = arith.constant 64 : i32
        %mul3A_449 = arith.muli %add3A_427, %mul3A_448 : i32
        %mul3A_450 = arith.constant 32 : i32
        %mul3A_451 = arith.muli %arg0, %mul3A_450 : i32
        %add3A_452 = arith.addi %mul3A_449, %mul3A_451 : i32
        %scan3A_453 = arith.constant 0 : i32
        %scan3A_454 = arith.constant 0 : i32
        %scan3A_455 = arith.constant 32 : i32
        %scan3A_456 = arith.addi %scan3A_454, %scan3A_455 : i32
        %scan3A_457 = arith.constant 1 : i32
        scf.for %scan3A_469 = %scan3A_454 to %scan3A_456 step %scan3A_457  : i32 {
          %add3A_470 = arith.addi %add3A_452, %scan3A_469 : i32
          %broadcast_in_dim3A_471 = vector.broadcast %add3A_470 : i32 to vector<16xi32>
          %gather3A_472 = tpu.vector_load_idx %arg8[%broadcast_in_dim3A_471] : memref<2176xi32, #tpu.memory_space<vmem>>[vector<16xi32>], vector<16xi32>,
          %gather3A_473 = tpu.vector_load_idx %arg10[%broadcast_in_dim3A_471] : memref<2176xf32, #tpu.memory_space<vmem>>[vector<16xi32>], vector<16xf32>,
          %lt3A_474 = arith.cmpi slt, %gather3A_472, %sub3A_10 : vector<16xi32>
          %jit3A_475 = arith.constant 1.000000e+00 : f32
          %jit3A_476 = arith.constant 0.000000e+00 : f32
          %broadcast_in_dim3A_477 = vector.broadcast %jit3A_475 : f32 to vector<16xf32>
          %broadcast_in_dim3A_478 = vector.broadcast %jit3A_476 : f32 to vector<16xf32>
          %select_n3A_479 = arith.select %lt3A_474, %broadcast_in_dim3A_477, %broadcast_in_dim3A_478 : vector<16xi1>, vector<16xf32>
          %mul3A_480 = arith.mulf %gather3A_473, %select_n3A_479 : vector<16xf32>
          %sub3A_481 = arith.subf %select_n3A_479, %mul3A_480 : vector<16xf32>
          %get3A = arith.index_cast %scan3A_469 : i32 to index
          %get3A_482 = arith.constant 0 : index
          %get3A_483 = tpu.vector_load %arg13[%get3A, %get3A_482] {strides = array<i32>} : memref<32x512xf32, #tpu.memory_space<vmem>>, vector<16xf32>,
          %mul3A_484 = arith.mulf %sub3A_481, %get3A_483 : vector<16xf32>
          %get3A_485 = arith.index_cast %scan3A_469 : i32 to index
          %get3A_486 = arith.constant 0 : index
          %get3A_487 = tpu.vector_load %arg14[%get3A_485, %get3A_486] {strides = array<i32>} : memref<32x512xf32, #tpu.memory_space<vmem>>, vector<16xf32>,
          %mul3A_488 = arith.mulf %mul3A_480, %get3A_487 : vector<16xf32>
          %add3A_489 = arith.addf %mul3A_484, %mul3A_488 : vector<16xf32>
          %swap3A = arith.index_cast %scan3A_469 : i32 to index
          %swap3A_490 = arith.constant 0 : index
          %swap3A_491 = tpu.vector_load %arg13[%swap3A, %swap3A_490] {strides = array<i32>} : memref<32x512xf32, #tpu.memory_space<vmem>>, vector<16xf32>,
          tpu.vector_store %arg13[%swap3A, %swap3A_490], %add3A_489 {strides = array<i32>} : memref<32x512xf32, #tpu.memory_space<vmem>>, vector<16xf32>,
          %get3A_492 = arith.index_cast %scan3A_469 : i32 to index
          %get3A_493 = arith.constant 16 : index
          %get3A_494 = tpu.vector_load %arg13[%get3A_492, %get3A_493] {strides = array<i32>} : memref<32x512xf32, #tpu.memory_space<vmem>>, vector<16xf32>,
          %mul3A_495 = arith.mulf %sub3A_481, %get3A_494 : vector<16xf32>
          %get3A_496 = arith.index_cast %scan3A_469 : i32 to index
          %get3A_497 = arith.constant 16 : index
          %get3A_498 = tpu.vector_load %arg14[%get3A_496, %get3A_497] {strides = array<i32>} : memref<32x512xf32, #tpu.memory_space<vmem>>, vector<16xf32>,
          %mul3A_499 = arith.mulf %mul3A_480, %get3A_498 : vector<16xf32>
          %add3A_500 = arith.addf %mul3A_495, %mul3A_499 : vector<16xf32>
          %swap3A_501 = arith.index_cast %scan3A_469 : i32 to index
          %swap3A_502 = arith.constant 16 : index
          %swap3A_503 = tpu.vector_load %arg13[%swap3A_501, %swap3A_502] {strides = array<i32>} : memref<32x512xf32, #tpu.memory_space<vmem>>, vector<16xf32>,
          tpu.vector_store %arg13[%swap3A_501, %swap3A_502], %add3A_500 {strides = array<i32>} : memref<32x512xf32, #tpu.memory_space<vmem>>, vector<16xf32>,
          %get3A_504 = arith.index_cast %scan3A_469 : i32 to index
          %get3A_505 = arith.constant 32 : index
          %get3A_506 = tpu.vector_load %arg13[%get3A_504, %get3A_505] {strides = array<i32>} : memref<32x512xf32, #tpu.memory_space<vmem>>, vector<16xf32>,
          %mul3A_507 = arith.mulf %sub3A_481, %get3A_506 : vector<16xf32>
          %get3A_508 = arith.index_cast %scan3A_469 : i32 to index
          %get3A_509 = arith.constant 32 : index
          %get3A_510 = tpu.vector_load %arg14[%get3A_508, %get3A_509] {strides = array<i32>} : memref<32x512xf32, #tpu.memory_space<vmem>>, vector<16xf32>,
          %mul3A_511 = arith.mulf %mul3A_480, %get3A_510 : vector<16xf32>
          %add3A_512 = arith.addf %mul3A_507, %mul3A_511 : vector<16xf32>
          %swap3A_513 = arith.index_cast %scan3A_469 : i32 to index
          %swap3A_514 = arith.constant 32 : index
          %swap3A_515 = tpu.vector_load %arg13[%swap3A_513, %swap3A_514] {strides = array<i32>} : memref<32x512xf32, #tpu.memory_space<vmem>>, vector<16xf32>,
          tpu.vector_store %arg13[%swap3A_513, %swap3A_514], %add3A_512 {strides = array<i32>} : memref<32x512xf32, #tpu.memory_space<vmem>>, vector<16xf32>,
          %get3A_516 = arith.index_cast %scan3A_469 : i32 to index
          %get3A_517 = arith.constant 48 : index
          %get3A_518 = tpu.vector_load %arg13[%get3A_516, %get3A_517] {strides = array<i32>} : memref<32x512xf32, #tpu.memory_space<vmem>>, vector<16xf32>,
          %mul3A_519 = arith.mulf %sub3A_481, %get3A_518 : vector<16xf32>
          %get3A_520 = arith.index_cast %scan3A_469 : i32 to index
          %get3A_521 = arith.constant 48 : index
          %get3A_522 = tpu.vector_load %arg14[%get3A_520, %get3A_521] {strides = array<i32>} : memref<32x512xf32, #tpu.memory_space<vmem>>, vector<16xf32>,
          %mul3A_523 = arith.mulf %mul3A_480, %get3A_522 : vector<16xf32>
          %add3A_524 = arith.addf %mul3A_519, %mul3A_523 : vector<16xf32>
          %swap3A_525 = arith.index_cast %scan3A_469 : i32 to index
          %swap3A_526 = arith.constant 48 : index
          %swap3A_527 = tpu.vector_load %arg13[%swap3A_525, %swap3A_526] {strides = array<i32>} : memref<32x512xf32, #tpu.memory_space<vmem>>, vector<16xf32>,
          tpu.vector_store %arg13[%swap3A_525, %swap3A_526], %add3A_524 {strides = array<i32>} : memref<32x512xf32, #tpu.memory_space<vmem>>, vector<16xf32>,
          %get3A_528 = arith.index_cast %scan3A_469 : i32 to index
          %get3A_529 = arith.constant 64 : index
          %get3A_530 = tpu.vector_load %arg13[%get3A_528, %get3A_529] {strides = array<i32>} : memref<32x512xf32, #tpu.memory_space<vmem>>, vector<16xf32>,
          %mul3A_531 = arith.mulf %sub3A_481, %get3A_530 : vector<16xf32>
          %get3A_532 = arith.index_cast %scan3A_469 : i32 to index
          %get3A_533 = arith.constant 64 : index
          %get3A_534 = tpu.vector_load %arg14[%get3A_532, %get3A_533] {strides = array<i32>} : memref<32x512xf32, #tpu.memory_space<vmem>>, vector<16xf32>,
          %mul3A_535 = arith.mulf %mul3A_480, %get3A_534 : vector<16xf32>
          %add3A_536 = arith.addf %mul3A_531, %mul3A_535 : vector<16xf32>
          %swap3A_537 = arith.index_cast %scan3A_469 : i32 to index
          %swap3A_538 = arith.constant 64 : index
          %swap3A_539 = tpu.vector_load %arg13[%swap3A_537, %swap3A_538] {strides = array<i32>} : memref<32x512xf32, #tpu.memory_space<vmem>>, vector<16xf32>,
          tpu.vector_store %arg13[%swap3A_537, %swap3A_538], %add3A_536 {strides = array<i32>} : memref<32x512xf32, #tpu.memory_space<vmem>>, vector<16xf32>,
          %get3A_540 = arith.index_cast %scan3A_469 : i32 to index
          %get3A_541 = arith.constant 80 : index
          %get3A_542 = tpu.vector_load %arg13[%get3A_540, %get3A_541] {strides = array<i32>} : memref<32x512xf32, #tpu.memory_space<vmem>>, vector<16xf32>,
          %mul3A_543 = arith.mulf %sub3A_481, %get3A_542 : vector<16xf32>
          %get3A_544 = arith.index_cast %scan3A_469 : i32 to index
          %get3A_545 = arith.constant 80 : index
          %get3A_546 = tpu.vector_load %arg14[%get3A_544, %get3A_545] {strides = array<i32>} : memref<32x512xf32, #tpu.memory_space<vmem>>, vector<16xf32>,
          %mul3A_547 = arith.mulf %mul3A_480, %get3A_546 : vector<16xf32>
          %add3A_548 = arith.addf %mul3A_543, %mul3A_547 : vector<16xf32>
          %swap3A_549 = arith.index_cast %scan3A_469 : i32 to index
          %swap3A_550 = arith.constant 80 : index
          %swap3A_551 = tpu.vector_load %arg13[%swap3A_549, %swap3A_550] {strides = array<i32>} : memref<32x512xf32, #tpu.memory_space<vmem>>, vector<16xf32>,
          tpu.vector_store %arg13[%swap3A_549, %swap3A_550], %add3A_548 {strides = array<i32>} : memref<32x512xf32, #tpu.memory_space<vmem>>, vector<16xf32>,
          %get3A_552 = arith.index_cast %scan3A_469 : i32 to index
          %get3A_553 = arith.constant 96 : index
          %get3A_554 = tpu.vector_load %arg13[%get3A_552, %get3A_553] {strides = array<i32>} : memref<32x512xf32, #tpu.memory_space<vmem>>, vector<16xf32>,
          %mul3A_555 = arith.mulf %sub3A_481, %get3A_554 : vector<16xf32>
          %get3A_556 = arith.index_cast %scan3A_469 : i32 to index
          %get3A_557 = arith.constant 96 : index
          %get3A_558 = tpu.vector_load %arg14[%get3A_556, %get3A_557] {strides = array<i32>} : memref<32x512xf32, #tpu.memory_space<vmem>>, vector<16xf32>,
          %mul3A_559 = arith.mulf %mul3A_480, %get3A_558 : vector<16xf32>
          %add3A_560 = arith.addf %mul3A_555, %mul3A_559 : vector<16xf32>
          %swap3A_561 = arith.index_cast %scan3A_469 : i32 to index
          %swap3A_562 = arith.constant 96 : index
          %swap3A_563 = tpu.vector_load %arg13[%swap3A_561, %swap3A_562] {strides = array<i32>} : memref<32x512xf32, #tpu.memory_space<vmem>>, vector<16xf32>,
          tpu.vector_store %arg13[%swap3A_561, %swap3A_562], %add3A_560 {strides = array<i32>} : memref<32x512xf32, #tpu.memory_space<vmem>>, vector<16xf32>,
          %get3A_564 = arith.index_cast %scan3A_469 : i32 to index
          %get3A_565 = arith.constant 112 : index
          %get3A_566 = tpu.vector_load %arg13[%get3A_564, %get3A_565] {strides = array<i32>} : memref<32x512xf32, #tpu.memory_space<vmem>>, vector<16xf32>,
          %mul3A_567 = arith.mulf %sub3A_481, %get3A_566 : vector<16xf32>
          %get3A_568 = arith.index_cast %scan3A_469 : i32 to index
          %get3A_569 = arith.constant 112 : index
          %get3A_570 = tpu.vector_load %arg14[%get3A_568, %get3A_569] {strides = array<i32>} : memref<32x512xf32, #tpu.memory_space<vmem>>, vector<16xf32>,
          %mul3A_571 = arith.mulf %mul3A_480, %get3A_570 : vector<16xf32>
          %add3A_572 = arith.addf %mul3A_567, %mul3A_571 : vector<16xf32>
          %swap3A_573 = arith.index_cast %scan3A_469 : i32 to index
          %swap3A_574 = arith.constant 112 : index
          %swap3A_575 = tpu.vector_load %arg13[%swap3A_573, %swap3A_574] {strides = array<i32>} : memref<32x512xf32, #tpu.memory_space<vmem>>, vector<16xf32>,
          tpu.vector_store %arg13[%swap3A_573, %swap3A_574], %add3A_572 {strides = array<i32>} : memref<32x512xf32, #tpu.memory_space<vmem>>, vector<16xf32>,
          %get3A_576 = arith.index_cast %scan3A_469 : i32 to index
          %get3A_577 = arith.constant 128 : index
          %get3A_578 = tpu.vector_load %arg13[%get3A_576, %get3A_577] {strides = array<i32>} : memref<32x512xf32, #tpu.memory_space<vmem>>, vector<16xf32>,
          %mul3A_579 = arith.mulf %sub3A_481, %get3A_578 : vector<16xf32>
          %get3A_580 = arith.index_cast %scan3A_469 : i32 to index
          %get3A_581 = arith.constant 128 : index
          %get3A_582 = tpu.vector_load %arg14[%get3A_580, %get3A_581] {strides = array<i32>} : memref<32x512xf32, #tpu.memory_space<vmem>>, vector<16xf32>,
          %mul3A_583 = arith.mulf %mul3A_480, %get3A_582 : vector<16xf32>
          %add3A_584 = arith.addf %mul3A_579, %mul3A_583 : vector<16xf32>
          %swap3A_585 = arith.index_cast %scan3A_469 : i32 to index
          %swap3A_586 = arith.constant 128 : index
          %swap3A_587 = tpu.vector_load %arg13[%swap3A_585, %swap3A_586] {strides = array<i32>} : memref<32x512xf32, #tpu.memory_space<vmem>>, vector<16xf32>,
          tpu.vector_store %arg13[%swap3A_585, %swap3A_586], %add3A_584 {strides = array<i32>} : memref<32x512xf32, #tpu.memory_space<vmem>>, vector<16xf32>,
          %get3A_588 = arith.index_cast %scan3A_469 : i32 to index
          %get3A_589 = arith.constant 144 : index
          %get3A_590 = tpu.vector_load %arg13[%get3A_588, %get3A_589] {strides = array<i32>} : memref<32x512xf32, #tpu.memory_space<vmem>>, vector<16xf32>,
          %mul3A_591 = arith.mulf %sub3A_481, %get3A_590 : vector<16xf32>
          %get3A_592 = arith.index_cast %scan3A_469 : i32 to index
          %get3A_593 = arith.constant 144 : index
          %get3A_594 = tpu.vector_load %arg14[%get3A_592, %get3A_593] {strides = array<i32>} : memref<32x512xf32, #tpu.memory_space<vmem>>, vector<16xf32>,
          %mul3A_595 = arith.mulf %mul3A_480, %get3A_594 : vector<16xf32>
          %add3A_596 = arith.addf %mul3A_591, %mul3A_595 : vector<16xf32>
          %swap3A_597 = arith.index_cast %scan3A_469 : i32 to index
          %swap3A_598 = arith.constant 144 : index
          %swap3A_599 = tpu.vector_load %arg13[%swap3A_597, %swap3A_598] {strides = array<i32>} : memref<32x512xf32, #tpu.memory_space<vmem>>, vector<16xf32>,
          tpu.vector_store %arg13[%swap3A_597, %swap3A_598], %add3A_596 {strides = array<i32>} : memref<32x512xf32, #tpu.memory_space<vmem>>, vector<16xf32>,
          %get3A_600 = arith.index_cast %scan3A_469 : i32 to index
          %get3A_601 = arith.constant 160 : index
          %get3A_602 = tpu.vector_load %arg13[%get3A_600, %get3A_601] {strides = array<i32>} : memref<32x512xf32, #tpu.memory_space<vmem>>, vector<16xf32>,
          %mul3A_603 = arith.mulf %sub3A_481, %get3A_602 : vector<16xf32>
          %get3A_604 = arith.index_cast %scan3A_469 : i32 to index
          %get3A_605 = arith.constant 160 : index
          %get3A_606 = tpu.vector_load %arg14[%get3A_604, %get3A_605] {strides = array<i32>} : memref<32x512xf32, #tpu.memory_space<vmem>>, vector<16xf32>,
          %mul3A_607 = arith.mulf %mul3A_480, %get3A_606 : vector<16xf32>
          %add3A_608 = arith.addf %mul3A_603, %mul3A_607 : vector<16xf32>
          %swap3A_609 = arith.index_cast %scan3A_469 : i32 to index
          %swap3A_610 = arith.constant 160 : index
          %swap3A_611 = tpu.vector_load %arg13[%swap3A_609, %swap3A_610] {strides = array<i32>} : memref<32x512xf32, #tpu.memory_space<vmem>>, vector<16xf32>,
          tpu.vector_store %arg13[%swap3A_609, %swap3A_610], %add3A_608 {strides = array<i32>} : memref<32x512xf32, #tpu.memory_space<vmem>>, vector<16xf32>,
          %get3A_612 = arith.index_cast %scan3A_469 : i32 to index
          %get3A_613 = arith.constant 176 : index
          %get3A_614 = tpu.vector_load %arg13[%get3A_612, %get3A_613] {strides = array<i32>} : memref<32x512xf32, #tpu.memory_space<vmem>>, vector<16xf32>,
          %mul3A_615 = arith.mulf %sub3A_481, %get3A_614 : vector<16xf32>
          %get3A_616 = arith.index_cast %scan3A_469 : i32 to index
          %get3A_617 = arith.constant 176 : index
          %get3A_618 = tpu.vector_load %arg14[%get3A_616, %get3A_617] {strides = array<i32>} : memref<32x512xf32, #tpu.memory_space<vmem>>, vector<16xf32>,
          %mul3A_619 = arith.mulf %mul3A_480, %get3A_618 : vector<16xf32>
          %add3A_620 = arith.addf %mul3A_615, %mul3A_619 : vector<16xf32>
          %swap3A_621 = arith.index_cast %scan3A_469 : i32 to index
          %swap3A_622 = arith.constant 176 : index
          %swap3A_623 = tpu.vector_load %arg13[%swap3A_621, %swap3A_622] {strides = array<i32>} : memref<32x512xf32, #tpu.memory_space<vmem>>, vector<16xf32>,
          tpu.vector_store %arg13[%swap3A_621, %swap3A_622], %add3A_620 {strides = array<i32>} : memref<32x512xf32, #tpu.memory_space<vmem>>, vector<16xf32>,
          %get3A_624 = arith.index_cast %scan3A_469 : i32 to index
          %get3A_625 = arith.constant 192 : index
          %get3A_626 = tpu.vector_load %arg13[%get3A_624, %get3A_625] {strides = array<i32>} : memref<32x512xf32, #tpu.memory_space<vmem>>, vector<16xf32>,
          %mul3A_627 = arith.mulf %sub3A_481, %get3A_626 : vector<16xf32>
          %get3A_628 = arith.index_cast %scan3A_469 : i32 to index
          %get3A_629 = arith.constant 192 : index
          %get3A_630 = tpu.vector_load %arg14[%get3A_628, %get3A_629] {strides = array<i32>} : memref<32x512xf32, #tpu.memory_space<vmem>>, vector<16xf32>,
          %mul3A_631 = arith.mulf %mul3A_480, %get3A_630 : vector<16xf32>
          %add3A_632 = arith.addf %mul3A_627, %mul3A_631 : vector<16xf32>
          %swap3A_633 = arith.index_cast %scan3A_469 : i32 to index
          %swap3A_634 = arith.constant 192 : index
          %swap3A_635 = tpu.vector_load %arg13[%swap3A_633, %swap3A_634] {strides = array<i32>} : memref<32x512xf32, #tpu.memory_space<vmem>>, vector<16xf32>,
          tpu.vector_store %arg13[%swap3A_633, %swap3A_634], %add3A_632 {strides = array<i32>} : memref<32x512xf32, #tpu.memory_space<vmem>>, vector<16xf32>,
          %get3A_636 = arith.index_cast %scan3A_469 : i32 to index
          %get3A_637 = arith.constant 208 : index
          %get3A_638 = tpu.vector_load %arg13[%get3A_636, %get3A_637] {strides = array<i32>} : memref<32x512xf32, #tpu.memory_space<vmem>>, vector<16xf32>,
          %mul3A_639 = arith.mulf %sub3A_481, %get3A_638 : vector<16xf32>
          %get3A_640 = arith.index_cast %scan3A_469 : i32 to index
          %get3A_641 = arith.constant 208 : index
          %get3A_642 = tpu.vector_load %arg14[%get3A_640, %get3A_641] {strides = array<i32>} : memref<32x512xf32, #tpu.memory_space<vmem>>, vector<16xf32>,
          %mul3A_643 = arith.mulf %mul3A_480, %get3A_642 : vector<16xf32>
          %add3A_644 = arith.addf %mul3A_639, %mul3A_643 : vector<16xf32>
          %swap3A_645 = arith.index_cast %scan3A_469 : i32 to index
          %swap3A_646 = arith.constant 208 : index
          %swap3A_647 = tpu.vector_load %arg13[%swap3A_645, %swap3A_646] {strides = array<i32>} : memref<32x512xf32, #tpu.memory_space<vmem>>, vector<16xf32>,
          tpu.vector_store %arg13[%swap3A_645, %swap3A_646], %add3A_644 {strides = array<i32>} : memref<32x512xf32, #tpu.memory_space<vmem>>, vector<16xf32>,
          %get3A_648 = arith.index_cast %scan3A_469 : i32 to index
          %get3A_649 = arith.constant 224 : index
          %get3A_650 = tpu.vector_load %arg13[%get3A_648, %get3A_649] {strides = array<i32>} : memref<32x512xf32, #tpu.memory_space<vmem>>, vector<16xf32>,
          %mul3A_651 = arith.mulf %sub3A_481, %get3A_650 : vector<16xf32>
          %get3A_652 = arith.index_cast %scan3A_469 : i32 to index
          %get3A_653 = arith.constant 224 : index
          %get3A_654 = tpu.vector_load %arg14[%get3A_652, %get3A_653] {strides = array<i32>} : memref<32x512xf32, #tpu.memory_space<vmem>>, vector<16xf32>,
          %mul3A_655 = arith.mulf %mul3A_480, %get3A_654 : vector<16xf32>
          %add3A_656 = arith.addf %mul3A_651, %mul3A_655 : vector<16xf32>
          %swap3A_657 = arith.index_cast %scan3A_469 : i32 to index
          %swap3A_658 = arith.constant 224 : index
          %swap3A_659 = tpu.vector_load %arg13[%swap3A_657, %swap3A_658] {strides = array<i32>} : memref<32x512xf32, #tpu.memory_space<vmem>>, vector<16xf32>,
          tpu.vector_store %arg13[%swap3A_657, %swap3A_658], %add3A_656 {strides = array<i32>} : memref<32x512xf32, #tpu.memory_space<vmem>>, vector<16xf32>,
          %get3A_660 = arith.index_cast %scan3A_469 : i32 to index
          %get3A_661 = arith.constant 240 : index
          %get3A_662 = tpu.vector_load %arg13[%get3A_660, %get3A_661] {strides = array<i32>} : memref<32x512xf32, #tpu.memory_space<vmem>>, vector<16xf32>,
          %mul3A_663 = arith.mulf %sub3A_481, %get3A_662 : vector<16xf32>
          %get3A_664 = arith.index_cast %scan3A_469 : i32 to index
          %get3A_665 = arith.constant 240 : index
          %get3A_666 = tpu.vector_load %arg14[%get3A_664, %get3A_665] {strides = array<i32>} : memref<32x512xf32, #tpu.memory_space<vmem>>, vector<16xf32>,
          %mul3A_667 = arith.mulf %mul3A_480, %get3A_666 : vector<16xf32>
          %add3A_668 = arith.addf %mul3A_663, %mul3A_667 : vector<16xf32>
          %swap3A_669 = arith.index_cast %scan3A_469 : i32 to index
          %swap3A_670 = arith.constant 240 : index
          %swap3A_671 = tpu.vector_load %arg13[%swap3A_669, %swap3A_670] {strides = array<i32>} : memref<32x512xf32, #tpu.memory_space<vmem>>, vector<16xf32>,
          tpu.vector_store %arg13[%swap3A_669, %swap3A_670], %add3A_668 {strides = array<i32>} : memref<32x512xf32, #tpu.memory_space<vmem>>, vector<16xf32>,
          %get3A_672 = arith.index_cast %scan3A_469 : i32 to index
          %get3A_673 = arith.constant 256 : index
          %get3A_674 = tpu.vector_load %arg13[%get3A_672, %get3A_673] {strides = array<i32>} : memref<32x512xf32, #tpu.memory_space<vmem>>, vector<16xf32>,
          %mul3A_675 = arith.mulf %sub3A_481, %get3A_674 : vector<16xf32>
          %get3A_676 = arith.index_cast %scan3A_469 : i32 to index
          %get3A_677 = arith.constant 256 : index
          %get3A_678 = tpu.vector_load %arg14[%get3A_676, %get3A_677] {strides = array<i32>} : memref<32x512xf32, #tpu.memory_space<vmem>>, vector<16xf32>,
          %mul3A_679 = arith.mulf %mul3A_480, %get3A_678 : vector<16xf32>
          %add3A_680 = arith.addf %mul3A_675, %mul3A_679 : vector<16xf32>
          %swap3A_681 = arith.index_cast %scan3A_469 : i32 to index
          %swap3A_682 = arith.constant 256 : index
          %swap3A_683 = tpu.vector_load %arg13[%swap3A_681, %swap3A_682] {strides = array<i32>} : memref<32x512xf32, #tpu.memory_space<vmem>>, vector<16xf32>,
          tpu.vector_store %arg13[%swap3A_681, %swap3A_682], %add3A_680 {strides = array<i32>} : memref<32x512xf32, #tpu.memory_space<vmem>>, vector<16xf32>,
          %get3A_684 = arith.index_cast %scan3A_469 : i32 to index
          %get3A_685 = arith.constant 272 : index
          %get3A_686 = tpu.vector_load %arg13[%get3A_684, %get3A_685] {strides = array<i32>} : memref<32x512xf32, #tpu.memory_space<vmem>>, vector<16xf32>,
          %mul3A_687 = arith.mulf %sub3A_481, %get3A_686 : vector<16xf32>
          %get3A_688 = arith.index_cast %scan3A_469 : i32 to index
          %get3A_689 = arith.constant 272 : index
          %get3A_690 = tpu.vector_load %arg14[%get3A_688, %get3A_689] {strides = array<i32>} : memref<32x512xf32, #tpu.memory_space<vmem>>, vector<16xf32>,
          %mul3A_691 = arith.mulf %mul3A_480, %get3A_690 : vector<16xf32>
          %add3A_692 = arith.addf %mul3A_687, %mul3A_691 : vector<16xf32>
          %swap3A_693 = arith.index_cast %scan3A_469 : i32 to index
          %swap3A_694 = arith.constant 272 : index
          %swap3A_695 = tpu.vector_load %arg13[%swap3A_693, %swap3A_694] {strides = array<i32>} : memref<32x512xf32, #tpu.memory_space<vmem>>, vector<16xf32>,
          tpu.vector_store %arg13[%swap3A_693, %swap3A_694], %add3A_692 {strides = array<i32>} : memref<32x512xf32, #tpu.memory_space<vmem>>, vector<16xf32>,
          %get3A_696 = arith.index_cast %scan3A_469 : i32 to index
          %get3A_697 = arith.constant 288 : index
          %get3A_698 = tpu.vector_load %arg13[%get3A_696, %get3A_697] {strides = array<i32>} : memref<32x512xf32, #tpu.memory_space<vmem>>, vector<16xf32>,
          %mul3A_699 = arith.mulf %sub3A_481, %get3A_698 : vector<16xf32>
          %get3A_700 = arith.index_cast %scan3A_469 : i32 to index
          %get3A_701 = arith.constant 288 : index
          %get3A_702 = tpu.vector_load %arg14[%get3A_700, %get3A_701] {strides = array<i32>} : memref<32x512xf32, #tpu.memory_space<vmem>>, vector<16xf32>,
          %mul3A_703 = arith.mulf %mul3A_480, %get3A_702 : vector<16xf32>
          %add3A_704 = arith.addf %mul3A_699, %mul3A_703 : vector<16xf32>
          %swap3A_705 = arith.index_cast %scan3A_469 : i32 to index
          %swap3A_706 = arith.constant 288 : index
          %swap3A_707 = tpu.vector_load %arg13[%swap3A_705, %swap3A_706] {strides = array<i32>} : memref<32x512xf32, #tpu.memory_space<vmem>>, vector<16xf32>,
          tpu.vector_store %arg13[%swap3A_705, %swap3A_706], %add3A_704 {strides = array<i32>} : memref<32x512xf32, #tpu.memory_space<vmem>>, vector<16xf32>,
          %get3A_708 = arith.index_cast %scan3A_469 : i32 to index
          %get3A_709 = arith.constant 304 : index
          %get3A_710 = tpu.vector_load %arg13[%get3A_708, %get3A_709] {strides = array<i32>} : memref<32x512xf32, #tpu.memory_space<vmem>>, vector<16xf32>,
          %mul3A_711 = arith.mulf %sub3A_481, %get3A_710 : vector<16xf32>
          %get3A_712 = arith.index_cast %scan3A_469 : i32 to index
          %get3A_713 = arith.constant 304 : index
          %get3A_714 = tpu.vector_load %arg14[%get3A_712, %get3A_713] {strides = array<i32>} : memref<32x512xf32, #tpu.memory_space<vmem>>, vector<16xf32>,
          %mul3A_715 = arith.mulf %mul3A_480, %get3A_714 : vector<16xf32>
          %add3A_716 = arith.addf %mul3A_711, %mul3A_715 : vector<16xf32>
          %swap3A_717 = arith.index_cast %scan3A_469 : i32 to index
          %swap3A_718 = arith.constant 304 : index
          %swap3A_719 = tpu.vector_load %arg13[%swap3A_717, %swap3A_718] {strides = array<i32>} : memref<32x512xf32, #tpu.memory_space<vmem>>, vector<16xf32>,
          tpu.vector_store %arg13[%swap3A_717, %swap3A_718], %add3A_716 {strides = array<i32>} : memref<32x512xf32, #tpu.memory_space<vmem>>, vector<16xf32>,
          %get3A_720 = arith.index_cast %scan3A_469 : i32 to index
          %get3A_721 = arith.constant 320 : index
          %get3A_722 = tpu.vector_load %arg13[%get3A_720, %get3A_721] {strides = array<i32>} : memref<32x512xf32, #tpu.memory_space<vmem>>, vector<16xf32>,
          %mul3A_723 = arith.mulf %sub3A_481, %get3A_722 : vector<16xf32>
          %get3A_724 = arith.index_cast %scan3A_469 : i32 to index
          %get3A_725 = arith.constant 320 : index
          %get3A_726 = tpu.vector_load %arg14[%get3A_724, %get3A_725] {strides = array<i32>} : memref<32x512xf32, #tpu.memory_space<vmem>>, vector<16xf32>,
          %mul3A_727 = arith.mulf %mul3A_480, %get3A_726 : vector<16xf32>
          %add3A_728 = arith.addf %mul3A_723, %mul3A_727 : vector<16xf32>
          %swap3A_729 = arith.index_cast %scan3A_469 : i32 to index
          %swap3A_730 = arith.constant 320 : index
          %swap3A_731 = tpu.vector_load %arg13[%swap3A_729, %swap3A_730] {strides = array<i32>} : memref<32x512xf32, #tpu.memory_space<vmem>>, vector<16xf32>,
          tpu.vector_store %arg13[%swap3A_729, %swap3A_730], %add3A_728 {strides = array<i32>} : memref<32x512xf32, #tpu.memory_space<vmem>>, vector<16xf32>,
          %get3A_732 = arith.index_cast %scan3A_469 : i32 to index
          %get3A_733 = arith.constant 336 : index
          %get3A_734 = tpu.vector_load %arg13[%get3A_732, %get3A_733] {strides = array<i32>} : memref<32x512xf32, #tpu.memory_space<vmem>>, vector<16xf32>,
          %mul3A_735 = arith.mulf %sub3A_481, %get3A_734 : vector<16xf32>
          %get3A_736 = arith.index_cast %scan3A_469 : i32 to index
          %get3A_737 = arith.constant 336 : index
          %get3A_738 = tpu.vector_load %arg14[%get3A_736, %get3A_737] {strides = array<i32>} : memref<32x512xf32, #tpu.memory_space<vmem>>, vector<16xf32>,
          %mul3A_739 = arith.mulf %mul3A_480, %get3A_738 : vector<16xf32>
          %add3A_740 = arith.addf %mul3A_735, %mul3A_739 : vector<16xf32>
          %swap3A_741 = arith.index_cast %scan3A_469 : i32 to index
          %swap3A_742 = arith.constant 336 : index
          %swap3A_743 = tpu.vector_load %arg13[%swap3A_741, %swap3A_742] {strides = array<i32>} : memref<32x512xf32, #tpu.memory_space<vmem>>, vector<16xf32>,
          tpu.vector_store %arg13[%swap3A_741, %swap3A_742], %add3A_740 {strides = array<i32>} : memref<32x512xf32, #tpu.memory_space<vmem>>, vector<16xf32>,
          %get3A_744 = arith.index_cast %scan3A_469 : i32 to index
          %get3A_745 = arith.constant 352 : index
          %get3A_746 = tpu.vector_load %arg13[%get3A_744, %get3A_745] {strides = array<i32>} : memref<32x512xf32, #tpu.memory_space<vmem>>, vector<16xf32>,
          %mul3A_747 = arith.mulf %sub3A_481, %get3A_746 : vector<16xf32>
          %get3A_748 = arith.index_cast %scan3A_469 : i32 to index
          %get3A_749 = arith.constant 352 : index
          %get3A_750 = tpu.vector_load %arg14[%get3A_748, %get3A_749] {strides = array<i32>} : memref<32x512xf32, #tpu.memory_space<vmem>>, vector<16xf32>,
          %mul3A_751 = arith.mulf %mul3A_480, %get3A_750 : vector<16xf32>
          %add3A_752 = arith.addf %mul3A_747, %mul3A_751 : vector<16xf32>
          %swap3A_753 = arith.index_cast %scan3A_469 : i32 to index
          %swap3A_754 = arith.constant 352 : index
          %swap3A_755 = tpu.vector_load %arg13[%swap3A_753, %swap3A_754] {strides = array<i32>} : memref<32x512xf32, #tpu.memory_space<vmem>>, vector<16xf32>,
          tpu.vector_store %arg13[%swap3A_753, %swap3A_754], %add3A_752 {strides = array<i32>} : memref<32x512xf32, #tpu.memory_space<vmem>>, vector<16xf32>,
          %get3A_756 = arith.index_cast %scan3A_469 : i32 to index
          %get3A_757 = arith.constant 368 : index
          %get3A_758 = tpu.vector_load %arg13[%get3A_756, %get3A_757] {strides = array<i32>} : memref<32x512xf32, #tpu.memory_space<vmem>>, vector<16xf32>,
          %mul3A_759 = arith.mulf %sub3A_481, %get3A_758 : vector<16xf32>
          %get3A_760 = arith.index_cast %scan3A_469 : i32 to index
          %get3A_761 = arith.constant 368 : index
          %get3A_762 = tpu.vector_load %arg14[%get3A_760, %get3A_761] {strides = array<i32>} : memref<32x512xf32, #tpu.memory_space<vmem>>, vector<16xf32>,
          %mul3A_763 = arith.mulf %mul3A_480, %get3A_762 : vector<16xf32>
          %add3A_764 = arith.addf %mul3A_759, %mul3A_763 : vector<16xf32>
          %swap3A_765 = arith.index_cast %scan3A_469 : i32 to index
          %swap3A_766 = arith.constant 368 : index
          %swap3A_767 = tpu.vector_load %arg13[%swap3A_765, %swap3A_766] {strides = array<i32>} : memref<32x512xf32, #tpu.memory_space<vmem>>, vector<16xf32>,
          tpu.vector_store %arg13[%swap3A_765, %swap3A_766], %add3A_764 {strides = array<i32>} : memref<32x512xf32, #tpu.memory_space<vmem>>, vector<16xf32>,
          %get3A_768 = arith.index_cast %scan3A_469 : i32 to index
          %get3A_769 = arith.constant 384 : index
          %get3A_770 = tpu.vector_load %arg13[%get3A_768, %get3A_769] {strides = array<i32>} : memref<32x512xf32, #tpu.memory_space<vmem>>, vector<16xf32>,
          %mul3A_771 = arith.mulf %sub3A_481, %get3A_770 : vector<16xf32>
          %get3A_772 = arith.index_cast %scan3A_469 : i32 to index
          %get3A_773 = arith.constant 384 : index
          %get3A_774 = tpu.vector_load %arg14[%get3A_772, %get3A_773] {strides = array<i32>} : memref<32x512xf32, #tpu.memory_space<vmem>>, vector<16xf32>,
          %mul3A_775 = arith.mulf %mul3A_480, %get3A_774 : vector<16xf32>
          %add3A_776 = arith.addf %mul3A_771, %mul3A_775 : vector<16xf32>
          %swap3A_777 = arith.index_cast %scan3A_469 : i32 to index
          %swap3A_778 = arith.constant 384 : index
          %swap3A_779 = tpu.vector_load %arg13[%swap3A_777, %swap3A_778] {strides = array<i32>} : memref<32x512xf32, #tpu.memory_space<vmem>>, vector<16xf32>,
          tpu.vector_store %arg13[%swap3A_777, %swap3A_778], %add3A_776 {strides = array<i32>} : memref<32x512xf32, #tpu.memory_space<vmem>>, vector<16xf32>,
          %get3A_780 = arith.index_cast %scan3A_469 : i32 to index
          %get3A_781 = arith.constant 400 : index
          %get3A_782 = tpu.vector_load %arg13[%get3A_780, %get3A_781] {strides = array<i32>} : memref<32x512xf32, #tpu.memory_space<vmem>>, vector<16xf32>,
          %mul3A_783 = arith.mulf %sub3A_481, %get3A_782 : vector<16xf32>
          %get3A_784 = arith.index_cast %scan3A_469 : i32 to index
          %get3A_785 = arith.constant 400 : index
          %get3A_786 = tpu.vector_load %arg14[%get3A_784, %get3A_785] {strides = array<i32>} : memref<32x512xf32, #tpu.memory_space<vmem>>, vector<16xf32>,
          %mul3A_787 = arith.mulf %mul3A_480, %get3A_786 : vector<16xf32>
          %add3A_788 = arith.addf %mul3A_783, %mul3A_787 : vector<16xf32>
          %swap3A_789 = arith.index_cast %scan3A_469 : i32 to index
          %swap3A_790 = arith.constant 400 : index
          %swap3A_791 = tpu.vector_load %arg13[%swap3A_789, %swap3A_790] {strides = array<i32>} : memref<32x512xf32, #tpu.memory_space<vmem>>, vector<16xf32>,
          tpu.vector_store %arg13[%swap3A_789, %swap3A_790], %add3A_788 {strides = array<i32>} : memref<32x512xf32, #tpu.memory_space<vmem>>, vector<16xf32>,
          %get3A_792 = arith.index_cast %scan3A_469 : i32 to index
          %get3A_793 = arith.constant 416 : index
          %get3A_794 = tpu.vector_load %arg13[%get3A_792, %get3A_793] {strides = array<i32>} : memref<32x512xf32, #tpu.memory_space<vmem>>, vector<16xf32>,
          %mul3A_795 = arith.mulf %sub3A_481, %get3A_794 : vector<16xf32>
          %get3A_796 = arith.index_cast %scan3A_469 : i32 to index
          %get3A_797 = arith.constant 416 : index
          %get3A_798 = tpu.vector_load %arg14[%get3A_796, %get3A_797] {strides = array<i32>} : memref<32x512xf32, #tpu.memory_space<vmem>>, vector<16xf32>,
          %mul3A_799 = arith.mulf %mul3A_480, %get3A_798 : vector<16xf32>
          %add3A_800 = arith.addf %mul3A_795, %mul3A_799 : vector<16xf32>
          %swap3A_801 = arith.index_cast %scan3A_469 : i32 to index
          %swap3A_802 = arith.constant 416 : index
          %swap3A_803 = tpu.vector_load %arg13[%swap3A_801, %swap3A_802] {strides = array<i32>} : memref<32x512xf32, #tpu.memory_space<vmem>>, vector<16xf32>,
          tpu.vector_store %arg13[%swap3A_801, %swap3A_802], %add3A_800 {strides = array<i32>} : memref<32x512xf32, #tpu.memory_space<vmem>>, vector<16xf32>,
          %get3A_804 = arith.index_cast %scan3A_469 : i32 to index
          %get3A_805 = arith.constant 432 : index
          %get3A_806 = tpu.vector_load %arg13[%get3A_804, %get3A_805] {strides = array<i32>} : memref<32x512xf32, #tpu.memory_space<vmem>>, vector<16xf32>,
          %mul3A_807 = arith.mulf %sub3A_481, %get3A_806 : vector<16xf32>
          %get3A_808 = arith.index_cast %scan3A_469 : i32 to index
          %get3A_809 = arith.constant 432 : index
          %get3A_810 = tpu.vector_load %arg14[%get3A_808, %get3A_809] {strides = array<i32>} : memref<32x512xf32, #tpu.memory_space<vmem>>, vector<16xf32>,
          %mul3A_811 = arith.mulf %mul3A_480, %get3A_810 : vector<16xf32>
          %add3A_812 = arith.addf %mul3A_807, %mul3A_811 : vector<16xf32>
          %swap3A_813 = arith.index_cast %scan3A_469 : i32 to index
          %swap3A_814 = arith.constant 432 : index
          %swap3A_815 = tpu.vector_load %arg13[%swap3A_813, %swap3A_814] {strides = array<i32>} : memref<32x512xf32, #tpu.memory_space<vmem>>, vector<16xf32>,
          tpu.vector_store %arg13[%swap3A_813, %swap3A_814], %add3A_812 {strides = array<i32>} : memref<32x512xf32, #tpu.memory_space<vmem>>, vector<16xf32>,
          %get3A_816 = arith.index_cast %scan3A_469 : i32 to index
          %get3A_817 = arith.constant 448 : index
          %get3A_818 = tpu.vector_load %arg13[%get3A_816, %get3A_817] {strides = array<i32>} : memref<32x512xf32, #tpu.memory_space<vmem>>, vector<16xf32>,
          %mul3A_819 = arith.mulf %sub3A_481, %get3A_818 : vector<16xf32>
          %get3A_820 = arith.index_cast %scan3A_469 : i32 to index
          %get3A_821 = arith.constant 448 : index
          %get3A_822 = tpu.vector_load %arg14[%get3A_820, %get3A_821] {strides = array<i32>} : memref<32x512xf32, #tpu.memory_space<vmem>>, vector<16xf32>,
          %mul3A_823 = arith.mulf %mul3A_480, %get3A_822 : vector<16xf32>
          %add3A_824 = arith.addf %mul3A_819, %mul3A_823 : vector<16xf32>
          %swap3A_825 = arith.index_cast %scan3A_469 : i32 to index
          %swap3A_826 = arith.constant 448 : index
          %swap3A_827 = tpu.vector_load %arg13[%swap3A_825, %swap3A_826] {strides = array<i32>} : memref<32x512xf32, #tpu.memory_space<vmem>>, vector<16xf32>,
          tpu.vector_store %arg13[%swap3A_825, %swap3A_826], %add3A_824 {strides = array<i32>} : memref<32x512xf32, #tpu.memory_space<vmem>>, vector<16xf32>,
          %get3A_828 = arith.index_cast %scan3A_469 : i32 to index
          %get3A_829 = arith.constant 464 : index
          %get3A_830 = tpu.vector_load %arg13[%get3A_828, %get3A_829] {strides = array<i32>} : memref<32x512xf32, #tpu.memory_space<vmem>>, vector<16xf32>,
          %mul3A_831 = arith.mulf %sub3A_481, %get3A_830 : vector<16xf32>
          %get3A_832 = arith.index_cast %scan3A_469 : i32 to index
          %get3A_833 = arith.constant 464 : index
          %get3A_834 = tpu.vector_load %arg14[%get3A_832, %get3A_833] {strides = array<i32>} : memref<32x512xf32, #tpu.memory_space<vmem>>, vector<16xf32>,
          %mul3A_835 = arith.mulf %mul3A_480, %get3A_834 : vector<16xf32>
          %add3A_836 = arith.addf %mul3A_831, %mul3A_835 : vector<16xf32>
          %swap3A_837 = arith.index_cast %scan3A_469 : i32 to index
          %swap3A_838 = arith.constant 464 : index
          %swap3A_839 = tpu.vector_load %arg13[%swap3A_837, %swap3A_838] {strides = array<i32>} : memref<32x512xf32, #tpu.memory_space<vmem>>, vector<16xf32>,
          tpu.vector_store %arg13[%swap3A_837, %swap3A_838], %add3A_836 {strides = array<i32>} : memref<32x512xf32, #tpu.memory_space<vmem>>, vector<16xf32>,
          %get3A_840 = arith.index_cast %scan3A_469 : i32 to index
          %get3A_841 = arith.constant 480 : index
          %get3A_842 = tpu.vector_load %arg13[%get3A_840, %get3A_841] {strides = array<i32>} : memref<32x512xf32, #tpu.memory_space<vmem>>, vector<16xf32>,
          %mul3A_843 = arith.mulf %sub3A_481, %get3A_842 : vector<16xf32>
          %get3A_844 = arith.index_cast %scan3A_469 : i32 to index
          %get3A_845 = arith.constant 480 : index
          %get3A_846 = tpu.vector_load %arg14[%get3A_844, %get3A_845] {strides = array<i32>} : memref<32x512xf32, #tpu.memory_space<vmem>>, vector<16xf32>,
          %mul3A_847 = arith.mulf %mul3A_480, %get3A_846 : vector<16xf32>
          %add3A_848 = arith.addf %mul3A_843, %mul3A_847 : vector<16xf32>
          %swap3A_849 = arith.index_cast %scan3A_469 : i32 to index
          %swap3A_850 = arith.constant 480 : index
          %swap3A_851 = tpu.vector_load %arg13[%swap3A_849, %swap3A_850] {strides = array<i32>} : memref<32x512xf32, #tpu.memory_space<vmem>>, vector<16xf32>,
          tpu.vector_store %arg13[%swap3A_849, %swap3A_850], %add3A_848 {strides = array<i32>} : memref<32x512xf32, #tpu.memory_space<vmem>>, vector<16xf32>,
          %get3A_852 = arith.index_cast %scan3A_469 : i32 to index
          %get3A_853 = arith.constant 496 : index
          %get3A_854 = tpu.vector_load %arg13[%get3A_852, %get3A_853] {strides = array<i32>} : memref<32x512xf32, #tpu.memory_space<vmem>>, vector<16xf32>,
          %mul3A_855 = arith.mulf %sub3A_481, %get3A_854 : vector<16xf32>
          %get3A_856 = arith.index_cast %scan3A_469 : i32 to index
          %get3A_857 = arith.constant 496 : index
          %get3A_858 = tpu.vector_load %arg14[%get3A_856, %get3A_857] {strides = array<i32>} : memref<32x512xf32, #tpu.memory_space<vmem>>, vector<16xf32>,
          %mul3A_859 = arith.mulf %mul3A_480, %get3A_858 : vector<16xf32>
          %add3A_860 = arith.addf %mul3A_855, %mul3A_859 : vector<16xf32>
          %swap3A_861 = arith.index_cast %scan3A_469 : i32 to index
          %swap3A_862 = arith.constant 496 : index
          %swap3A_863 = tpu.vector_load %arg13[%swap3A_861, %swap3A_862] {strides = array<i32>} : memref<32x512xf32, #tpu.memory_space<vmem>>, vector<16xf32>,
          tpu.vector_store %arg13[%swap3A_861, %swap3A_862], %add3A_860 {strides = array<i32>} : memref<32x512xf32, #tpu.memory_space<vmem>>, vector<16xf32>,
        }
        %scan3A_458 = arith.constant 32 : i32
        %mul3A_459 = arith.constant 64 : i32
        %mul3A_460 = arith.muli %add3A_427, %mul3A_459 : i32
        %mul3A_461 = arith.constant 32 : i32
        %mul3A_462 = arith.muli %arg0, %mul3A_461 : i32
        %add3A_463 = arith.addi %mul3A_460, %mul3A_462 : i32
        %add3A_464 = arith.addi %mul3A_47, %add3A_463 : i32
        %dma_start3A_465 = arith.constant 0 : i32
        %dma_start3A_466 = tpu.memref_slice %arg7[%add3A_464, %dma_start3A_465] : memref<65536x512xf32, #tpu.memory_space<hbm>> -> memref<32x512xf32, #tpu.memory_space<hbm>>
        %dma_start3A_467 = arith.constant 0 : i32
        %dma_start3A_468 = tpu.memref_slice %arg7[%add3A_464, %dma_start3A_467] : memref<65536x512xf32, #tpu.memory_space<hbm>> -> memref<32x512xf32, #tpu.memory_space<hbm>>
        tpu.enqueue_dma source(%arg13 : memref<32x512xf32, #tpu.memory_space<vmem>>) target(%dma_start3A_468 : memref<32x512xf32, #tpu.memory_space<hbm>>) target_semaphore(%arg22 : memref<!tpu.dma_semaphore, #tpu.memory_space<semaphore_mem>>)
      } else {
      }
    }
    %ge3A = arith.constant 2 : i32
    %ge3A_279 = arith.cmpi sge, %min3A_45, %ge3A : i32
    %convert_element_type3A_280 = arith.extui %ge3A_279 : i1 to i32
    %cond3A_281 = arith.constant 0 : i32
    %cond3A_282 = arith.cmpi ne, %convert_element_type3A_280, %cond3A_281 : i32
    scf.if %cond3A_282 {
      %dma_wait3A_416 = arith.constant 0 : i32
      %dma_wait3A_417 = arith.constant 0 : i32
      %dma_wait3A_418 = tpu.memref_slice %arg7[%dma_wait3A_416, %dma_wait3A_417] : memref<65536x512xf32, #tpu.memory_space<hbm>> -> memref<32x512xf32, #tpu.memory_space<hbm>>
      %dma_wait3A_419 = arith.constant 0 : i32
      %dma_wait3A_420 = arith.constant 0 : i32
      %dma_wait3A_421 = tpu.memref_slice %arg7[%dma_wait3A_419, %dma_wait3A_420] : memref<65536x512xf32, #tpu.memory_space<hbm>> -> memref<32x512xf32, #tpu.memory_space<hbm>>
      tpu.wait_dma2 semaphore(%arg21 : memref<!tpu.dma_semaphore, #tpu.memory_space<semaphore_mem>>) src(%arg11 : memref<32x512xf32, #tpu.memory_space<vmem>>) dst(%dma_wait3A_421 : memref<32x512xf32, #tpu.memory_space<hbm>>)
      %dma_wait3A_422 = arith.constant 0 : i32
      %dma_wait3A_423 = arith.constant 0 : i32
      %dma_wait3A_424 = tpu.memref_slice %arg7[%dma_wait3A_422, %dma_wait3A_423] : memref<65536x512xf32, #tpu.memory_space<hbm>> -> memref<32x512xf32, #tpu.memory_space<hbm>>
      %dma_wait3A_425 = arith.constant 0 : i32
      %dma_wait3A_426 = arith.constant 0 : i32
      %dma_wait3A_427 = tpu.memref_slice %arg7[%dma_wait3A_425, %dma_wait3A_426] : memref<65536x512xf32, #tpu.memory_space<hbm>> -> memref<32x512xf32, #tpu.memory_space<hbm>>
      tpu.wait_dma2 semaphore(%arg22 : memref<!tpu.dma_semaphore, #tpu.memory_space<semaphore_mem>>) src(%arg13 : memref<32x512xf32, #tpu.memory_space<vmem>>) dst(%dma_wait3A_427 : memref<32x512xf32, #tpu.memory_space<hbm>>)
    } else {
    }
    %eq3A = arith.constant 1 : i32
    %eq3A_283 = arith.cmpi eq, %min3A_45, %eq3A : i32
    %convert_element_type3A_284 = arith.extui %eq3A_283 : i1 to i32
    %cond3A_285 = arith.constant 0 : i32
    %cond3A_286 = arith.cmpi ne, %convert_element_type3A_284, %cond3A_285 : i32
    scf.if %cond3A_286 {
      %dma_wait3A_416 = arith.constant 0 : i32
      %dma_wait3A_417 = arith.constant 0 : i32
      %dma_wait3A_418 = tpu.memref_slice %arg7[%dma_wait3A_416, %dma_wait3A_417] : memref<65536x512xf32, #tpu.memory_space<hbm>> -> memref<32x512xf32, #tpu.memory_space<hbm>>
      %dma_wait3A_419 = arith.constant 0 : i32
      %dma_wait3A_420 = arith.constant 0 : i32
      %dma_wait3A_421 = tpu.memref_slice %arg7[%dma_wait3A_419, %dma_wait3A_420] : memref<65536x512xf32, #tpu.memory_space<hbm>> -> memref<32x512xf32, #tpu.memory_space<hbm>>
      tpu.wait_dma2 semaphore(%arg21 : memref<!tpu.dma_semaphore, #tpu.memory_space<semaphore_mem>>) src(%arg11 : memref<32x512xf32, #tpu.memory_space<vmem>>) dst(%dma_wait3A_421 : memref<32x512xf32, #tpu.memory_space<hbm>>)
    } else {
    }
    %while3A_287 = arith.constant 0 : i32
    %while3A_288 = arith.constant 34 : i32
    %while3A_289 = arith.subi %while3A_288, %min3A_45 : i32
    %while3A_290 = arith.addi %min3A_45, %while3A_289 : i32
    %while3A_291 = arith.constant 1 : i32
    %while3A_292 = arith.divsi %while3A_289, %while3A_291 : i32
    %while3A_293 = arith.muli %while3A_292, %while3A_291 : i32
    %while3A_294 = arith.addi %min3A_45, %while3A_293 : i32
    %while3A_295 = arith.constant 1 : i32
    scf.for %while3A_416 = %min3A_45 to %while3A_294 step %while3A_295  : i32 {
      %dma_wait3A_417 = arith.constant 0 : i32
      %dma_wait3A_418 = tpu.memref_slice %arg7[%mul3A_47, %dma_wait3A_417] : memref<65536x512xf32, #tpu.memory_space<hbm>> -> memref<32x512xf32, #tpu.memory_space<hbm>>
      %dma_wait3A_419 = arith.constant 0 : i32
      %dma_wait3A_420 = tpu.memref_slice %arg7[%mul3A_47, %dma_wait3A_419] : memref<65536x512xf32, #tpu.memory_space<hbm>> -> memref<32x512xf32, #tpu.memory_space<hbm>>
      tpu.wait_dma2 semaphore(%arg23 : memref<!tpu.dma_semaphore, #tpu.memory_space<semaphore_mem>>) src(%arg15 : memref<32x512xf32, #tpu.memory_space<vmem>>) dst(%dma_wait3A_420 : memref<32x512xf32, #tpu.memory_space<hbm>>)
    }
    %while3A_296 = arith.constant 1 : i32
    scf.for %while3A_416 = %while3A_294 to %while3A_290 step %while3A_296  : i32 {
      %dma_wait3A_417 = arith.constant 0 : i32
      %dma_wait3A_418 = tpu.memref_slice %arg7[%mul3A_47, %dma_wait3A_417] : memref<65536x512xf32, #tpu.memory_space<hbm>> -> memref<32x512xf32, #tpu.memory_space<hbm>>
      %dma_wait3A_419 = arith.constant 0 : i32
      %dma_wait3A_420 = tpu.memref_slice %arg7[%mul3A_47, %dma_wait3A_419] : memref<65536x512xf32, #tpu.memory_space<hbm>> -> memref<32x512xf32, #tpu.memory_space<hbm>>
      tpu.wait_dma2 semaphore(%arg23 : memref<!tpu.dma_semaphore, #tpu.memory_space<semaphore_mem>>) src(%arg15 : memref<32x512xf32, #tpu.memory_space<vmem>>) dst(%dma_wait3A_420 : memref<32x512xf32, #tpu.memory_space<hbm>>)
    }
    %dma_wait3A = arith.constant 0 : i32
    %dma_wait3A_297 = tpu.memref_slice %arg7[%mul3A_47, %dma_wait3A] : memref<65536x512xf32, #tpu.memory_space<hbm>> -> memref<32x512xf32, #tpu.memory_space<hbm>>
    %dma_wait3A_298 = arith.constant 0 : i32
    %dma_wait3A_299 = tpu.memref_slice %arg7[%mul3A_47, %dma_wait3A_298] : memref<65536x512xf32, #tpu.memory_space<hbm>> -> memref<32x512xf32, #tpu.memory_space<hbm>>
    tpu.wait_dma2 semaphore(%arg23 : memref<!tpu.dma_semaphore, #tpu.memory_space<semaphore_mem>>) src(%arg15 : memref<32x512xf32, #tpu.memory_space<vmem>>) dst(%dma_wait3A_299 : memref<32x512xf32, #tpu.memory_space<hbm>>)
    %dma_wait3A_300 = arith.constant 0 : i32
    %dma_wait3A_301 = tpu.memref_slice %arg7[%mul3A_47, %dma_wait3A_300] : memref<65536x512xf32, #tpu.memory_space<hbm>> -> memref<32x512xf32, #tpu.memory_space<hbm>>
    %dma_wait3A_302 = arith.constant 0 : i32
    %dma_wait3A_303 = tpu.memref_slice %arg7[%mul3A_47, %dma_wait3A_302] : memref<65536x512xf32, #tpu.memory_space<hbm>> -> memref<32x512xf32, #tpu.memory_space<hbm>>
    tpu.wait_dma2 semaphore(%arg23 : memref<!tpu.dma_semaphore, #tpu.memory_space<semaphore_mem>>) src(%arg15 : memref<32x512xf32, #tpu.memory_space<vmem>>) dst(%dma_wait3A_303 : memref<32x512xf32, #tpu.memory_space<hbm>>)
    %dma_wait3A_304 = arith.constant 0 : i32
    %dma_wait3A_305 = tpu.memref_slice %arg7[%mul3A_47, %dma_wait3A_304] : memref<65536x512xf32, #tpu.memory_space<hbm>> -> memref<32x512xf32, #tpu.memory_space<hbm>>
    %dma_wait3A_306 = arith.constant 0 : i32
    %dma_wait3A_307 = tpu.memref_slice %arg7[%mul3A_47, %dma_wait3A_306] : memref<65536x512xf32, #tpu.memory_space<hbm>> -> memref<32x512xf32, #tpu.memory_space<hbm>>
    tpu.wait_dma2 semaphore(%arg23 : memref<!tpu.dma_semaphore, #tpu.memory_space<semaphore_mem>>) src(%arg15 : memref<32x512xf32, #tpu.memory_space<vmem>>) dst(%dma_wait3A_307 : memref<32x512xf32, #tpu.memory_space<hbm>>)
    %dma_wait3A_308 = arith.constant 0 : i32
    %dma_wait3A_309 = tpu.memref_slice %arg7[%mul3A_47, %dma_wait3A_308] : memref<65536x512xf32, #tpu.memory_space<hbm>> -> memref<32x512xf32, #tpu.memory_space<hbm>>
    %dma_wait3A_310 = arith.constant 0 : i32
    %dma_wait3A_311 = tpu.memref_slice %arg7[%mul3A_47, %dma_wait3A_310] : memref<65536x512xf32, #tpu.memory_space<hbm>> -> memref<32x512xf32, #tpu.memory_space<hbm>>
    tpu.wait_dma2 semaphore(%arg23 : memref<!tpu.dma_semaphore, #tpu.memory_space<semaphore_mem>>) src(%arg15 : memref<32x512xf32, #tpu.memory_space<vmem>>) dst(%dma_wait3A_311 : memref<32x512xf32, #tpu.memory_space<hbm>>)
    %dma_wait3A_312 = arith.constant 0 : i32
    %dma_wait3A_313 = tpu.memref_slice %arg7[%mul3A_47, %dma_wait3A_312] : memref<65536x512xf32, #tpu.memory_space<hbm>> -> memref<32x512xf32, #tpu.memory_space<hbm>>
    %dma_wait3A_314 = arith.constant 0 : i32
    %dma_wait3A_315 = tpu.memref_slice %arg7[%mul3A_47, %dma_wait3A_314] : memref<65536x512xf32, #tpu.memory_space<hbm>> -> memref<32x512xf32, #tpu.memory_space<hbm>>
    tpu.wait_dma2 semaphore(%arg23 : memref<!tpu.dma_semaphore, #tpu.memory_space<semaphore_mem>>) src(%arg15 : memref<32x512xf32, #tpu.memory_space<vmem>>) dst(%dma_wait3A_315 : memref<32x512xf32, #tpu.memory_space<hbm>>)
    %dma_wait3A_316 = arith.constant 0 : i32
    %dma_wait3A_317 = tpu.memref_slice %arg7[%mul3A_47, %dma_wait3A_316] : memref<65536x512xf32, #tpu.memory_space<hbm>> -> memref<32x512xf32, #tpu.memory_space<hbm>>
    %dma_wait3A_318 = arith.constant 0 : i32
    %dma_wait3A_319 = tpu.memref_slice %arg7[%mul3A_47, %dma_wait3A_318] : memref<65536x512xf32, #tpu.memory_space<hbm>> -> memref<32x512xf32, #tpu.memory_space<hbm>>
    tpu.wait_dma2 semaphore(%arg23 : memref<!tpu.dma_semaphore, #tpu.memory_space<semaphore_mem>>) src(%arg15 : memref<32x512xf32, #tpu.memory_space<vmem>>) dst(%dma_wait3A_319 : memref<32x512xf32, #tpu.memory_space<hbm>>)
    %dma_wait3A_320 = arith.constant 0 : i32
    %dma_wait3A_321 = tpu.memref_slice %arg7[%mul3A_47, %dma_wait3A_320] : memref<65536x512xf32, #tpu.memory_space<hbm>> -> memref<32x512xf32, #tpu.memory_space<hbm>>
    %dma_wait3A_322 = arith.constant 0 : i32
    %dma_wait3A_323 = tpu.memref_slice %arg7[%mul3A_47, %dma_wait3A_322] : memref<65536x512xf32, #tpu.memory_space<hbm>> -> memref<32x512xf32, #tpu.memory_space<hbm>>
    tpu.wait_dma2 semaphore(%arg23 : memref<!tpu.dma_semaphore, #tpu.memory_space<semaphore_mem>>) src(%arg15 : memref<32x512xf32, #tpu.memory_space<vmem>>) dst(%dma_wait3A_323 : memref<32x512xf32, #tpu.memory_space<hbm>>)
    %dma_wait3A_324 = arith.constant 0 : i32
    %dma_wait3A_325 = tpu.memref_slice %arg7[%mul3A_47, %dma_wait3A_324] : memref<65536x512xf32, #tpu.memory_space<hbm>> -> memref<32x512xf32, #tpu.memory_space<hbm>>
    %dma_wait3A_326 = arith.constant 0 : i32
    %dma_wait3A_327 = tpu.memref_slice %arg7[%mul3A_47, %dma_wait3A_326] : memref<65536x512xf32, #tpu.memory_space<hbm>> -> memref<32x512xf32, #tpu.memory_space<hbm>>
    tpu.wait_dma2 semaphore(%arg23 : memref<!tpu.dma_semaphore, #tpu.memory_space<semaphore_mem>>) src(%arg15 : memref<32x512xf32, #tpu.memory_space<vmem>>) dst(%dma_wait3A_327 : memref<32x512xf32, #tpu.memory_space<hbm>>)
    %dma_wait3A_328 = arith.constant 0 : i32
    %dma_wait3A_329 = tpu.memref_slice %arg7[%mul3A_47, %dma_wait3A_328] : memref<65536x512xf32, #tpu.memory_space<hbm>> -> memref<32x512xf32, #tpu.memory_space<hbm>>
    %dma_wait3A_330 = arith.constant 0 : i32
    %dma_wait3A_331 = tpu.memref_slice %arg7[%mul3A_47, %dma_wait3A_330] : memref<65536x512xf32, #tpu.memory_space<hbm>> -> memref<32x512xf32, #tpu.memory_space<hbm>>
    tpu.wait_dma2 semaphore(%arg23 : memref<!tpu.dma_semaphore, #tpu.memory_space<semaphore_mem>>) src(%arg15 : memref<32x512xf32, #tpu.memory_space<vmem>>) dst(%dma_wait3A_331 : memref<32x512xf32, #tpu.memory_space<hbm>>)
    %dma_wait3A_332 = arith.constant 0 : i32
    %dma_wait3A_333 = tpu.memref_slice %arg7[%mul3A_47, %dma_wait3A_332] : memref<65536x512xf32, #tpu.memory_space<hbm>> -> memref<32x512xf32, #tpu.memory_space<hbm>>
    %dma_wait3A_334 = arith.constant 0 : i32
    %dma_wait3A_335 = tpu.memref_slice %arg7[%mul3A_47, %dma_wait3A_334] : memref<65536x512xf32, #tpu.memory_space<hbm>> -> memref<32x512xf32, #tpu.memory_space<hbm>>
    tpu.wait_dma2 semaphore(%arg23 : memref<!tpu.dma_semaphore, #tpu.memory_space<semaphore_mem>>) src(%arg15 : memref<32x512xf32, #tpu.memory_space<vmem>>) dst(%dma_wait3A_335 : memref<32x512xf32, #tpu.memory_space<hbm>>)
    %dma_wait3A_336 = arith.constant 0 : i32
    %dma_wait3A_337 = tpu.memref_slice %arg7[%mul3A_47, %dma_wait3A_336] : memref<65536x512xf32, #tpu.memory_space<hbm>> -> memref<32x512xf32, #tpu.memory_space<hbm>>
    %dma_wait3A_338 = arith.constant 0 : i32
    %dma_wait3A_339 = tpu.memref_slice %arg7[%mul3A_47, %dma_wait3A_338] : memref<65536x512xf32, #tpu.memory_space<hbm>> -> memref<32x512xf32, #tpu.memory_space<hbm>>
    tpu.wait_dma2 semaphore(%arg23 : memref<!tpu.dma_semaphore, #tpu.memory_space<semaphore_mem>>) src(%arg15 : memref<32x512xf32, #tpu.memory_space<vmem>>) dst(%dma_wait3A_339 : memref<32x512xf32, #tpu.memory_space<hbm>>)
    %dma_wait3A_340 = arith.constant 0 : i32
    %dma_wait3A_341 = tpu.memref_slice %arg7[%mul3A_47, %dma_wait3A_340] : memref<65536x512xf32, #tpu.memory_space<hbm>> -> memref<32x512xf32, #tpu.memory_space<hbm>>
    %dma_wait3A_342 = arith.constant 0 : i32
    %dma_wait3A_343 = tpu.memref_slice %arg7[%mul3A_47, %dma_wait3A_342] : memref<65536x512xf32, #tpu.memory_space<hbm>> -> memref<32x512xf32, #tpu.memory_space<hbm>>
    tpu.wait_dma2 semaphore(%arg23 : memref<!tpu.dma_semaphore, #tpu.memory_space<semaphore_mem>>) src(%arg15 : memref<32x512xf32, #tpu.memory_space<vmem>>) dst(%dma_wait3A_343 : memref<32x512xf32, #tpu.memory_space<hbm>>)
    %dma_wait3A_344 = arith.constant 0 : i32
    %dma_wait3A_345 = tpu.memref_slice %arg7[%mul3A_47, %dma_wait3A_344] : memref<65536x512xf32, #tpu.memory_space<hbm>> -> memref<32x512xf32, #tpu.memory_space<hbm>>
    %dma_wait3A_346 = arith.constant 0 : i32
    %dma_wait3A_347 = tpu.memref_slice %arg7[%mul3A_47, %dma_wait3A_346] : memref<65536x512xf32, #tpu.memory_space<hbm>> -> memref<32x512xf32, #tpu.memory_space<hbm>>
    tpu.wait_dma2 semaphore(%arg23 : memref<!tpu.dma_semaphore, #tpu.memory_space<semaphore_mem>>) src(%arg15 : memref<32x512xf32, #tpu.memory_space<vmem>>) dst(%dma_wait3A_347 : memref<32x512xf32, #tpu.memory_space<hbm>>)
    %dma_wait3A_348 = arith.constant 0 : i32
    %dma_wait3A_349 = tpu.memref_slice %arg7[%mul3A_47, %dma_wait3A_348] : memref<65536x512xf32, #tpu.memory_space<hbm>> -> memref<32x512xf32, #tpu.memory_space<hbm>>
    %dma_wait3A_350 = arith.constant 0 : i32
    %dma_wait3A_351 = tpu.memref_slice %arg7[%mul3A_47, %dma_wait3A_350] : memref<65536x512xf32, #tpu.memory_space<hbm>> -> memref<32x512xf32, #tpu.memory_space<hbm>>
    tpu.wait_dma2 semaphore(%arg23 : memref<!tpu.dma_semaphore, #tpu.memory_space<semaphore_mem>>) src(%arg15 : memref<32x512xf32, #tpu.memory_space<vmem>>) dst(%dma_wait3A_351 : memref<32x512xf32, #tpu.memory_space<hbm>>)
    %dma_wait3A_352 = arith.constant 0 : i32
    %dma_wait3A_353 = tpu.memref_slice %arg7[%mul3A_47, %dma_wait3A_352] : memref<65536x512xf32, #tpu.memory_space<hbm>> -> memref<32x512xf32, #tpu.memory_space<hbm>>
    %dma_wait3A_354 = arith.constant 0 : i32
    %dma_wait3A_355 = tpu.memref_slice %arg7[%mul3A_47, %dma_wait3A_354] : memref<65536x512xf32, #tpu.memory_space<hbm>> -> memref<32x512xf32, #tpu.memory_space<hbm>>
    tpu.wait_dma2 semaphore(%arg23 : memref<!tpu.dma_semaphore, #tpu.memory_space<semaphore_mem>>) src(%arg15 : memref<32x512xf32, #tpu.memory_space<vmem>>) dst(%dma_wait3A_355 : memref<32x512xf32, #tpu.memory_space<hbm>>)
    %dma_wait3A_356 = arith.constant 0 : i32
    %dma_wait3A_357 = tpu.memref_slice %arg7[%mul3A_47, %dma_wait3A_356] : memref<65536x512xf32, #tpu.memory_space<hbm>> -> memref<32x512xf32, #tpu.memory_space<hbm>>
    %dma_wait3A_358 = arith.constant 0 : i32
    %dma_wait3A_359 = tpu.memref_slice %arg7[%mul3A_47, %dma_wait3A_358] : memref<65536x512xf32, #tpu.memory_space<hbm>> -> memref<32x512xf32, #tpu.memory_space<hbm>>
    tpu.wait_dma2 semaphore(%arg23 : memref<!tpu.dma_semaphore, #tpu.memory_space<semaphore_mem>>) src(%arg15 : memref<32x512xf32, #tpu.memory_space<vmem>>) dst(%dma_wait3A_359 : memref<32x512xf32, #tpu.memory_space<hbm>>)
    %dma_wait3A_360 = arith.constant 0 : i32
    %dma_wait3A_361 = tpu.memref_slice %arg7[%mul3A_47, %dma_wait3A_360] : memref<65536x512xf32, #tpu.memory_space<hbm>> -> memref<32x512xf32, #tpu.memory_space<hbm>>
    %dma_wait3A_362 = arith.constant 0 : i32
    %dma_wait3A_363 = tpu.memref_slice %arg7[%mul3A_47, %dma_wait3A_362] : memref<65536x512xf32, #tpu.memory_space<hbm>> -> memref<32x512xf32, #tpu.memory_space<hbm>>
    tpu.wait_dma2 semaphore(%arg23 : memref<!tpu.dma_semaphore, #tpu.memory_space<semaphore_mem>>) src(%arg15 : memref<32x512xf32, #tpu.memory_space<vmem>>) dst(%dma_wait3A_363 : memref<32x512xf32, #tpu.memory_space<hbm>>)
    %dma_wait3A_364 = arith.constant 0 : i32
    %dma_wait3A_365 = tpu.memref_slice %arg7[%mul3A_47, %dma_wait3A_364] : memref<65536x512xf32, #tpu.memory_space<hbm>> -> memref<32x512xf32, #tpu.memory_space<hbm>>
    %dma_wait3A_366 = arith.constant 0 : i32
    %dma_wait3A_367 = tpu.memref_slice %arg7[%mul3A_47, %dma_wait3A_366] : memref<65536x512xf32, #tpu.memory_space<hbm>> -> memref<32x512xf32, #tpu.memory_space<hbm>>
    tpu.wait_dma2 semaphore(%arg23 : memref<!tpu.dma_semaphore, #tpu.memory_space<semaphore_mem>>) src(%arg15 : memref<32x512xf32, #tpu.memory_space<vmem>>) dst(%dma_wait3A_367 : memref<32x512xf32, #tpu.memory_space<hbm>>)
    %dma_wait3A_368 = arith.constant 0 : i32
    %dma_wait3A_369 = tpu.memref_slice %arg7[%mul3A_47, %dma_wait3A_368] : memref<65536x512xf32, #tpu.memory_space<hbm>> -> memref<32x512xf32, #tpu.memory_space<hbm>>
    %dma_wait3A_370 = arith.constant 0 : i32
    %dma_wait3A_371 = tpu.memref_slice %arg7[%mul3A_47, %dma_wait3A_370] : memref<65536x512xf32, #tpu.memory_space<hbm>> -> memref<32x512xf32, #tpu.memory_space<hbm>>
    tpu.wait_dma2 semaphore(%arg23 : memref<!tpu.dma_semaphore, #tpu.memory_space<semaphore_mem>>) src(%arg15 : memref<32x512xf32, #tpu.memory_space<vmem>>) dst(%dma_wait3A_371 : memref<32x512xf32, #tpu.memory_space<hbm>>)
    %dma_wait3A_372 = arith.constant 0 : i32
    %dma_wait3A_373 = tpu.memref_slice %arg7[%mul3A_47, %dma_wait3A_372] : memref<65536x512xf32, #tpu.memory_space<hbm>> -> memref<32x512xf32, #tpu.memory_space<hbm>>
    %dma_wait3A_374 = arith.constant 0 : i32
    %dma_wait3A_375 = tpu.memref_slice %arg7[%mul3A_47, %dma_wait3A_374] : memref<65536x512xf32, #tpu.memory_space<hbm>> -> memref<32x512xf32, #tpu.memory_space<hbm>>
    tpu.wait_dma2 semaphore(%arg23 : memref<!tpu.dma_semaphore, #tpu.memory_space<semaphore_mem>>) src(%arg15 : memref<32x512xf32, #tpu.memory_space<vmem>>) dst(%dma_wait3A_375 : memref<32x512xf32, #tpu.memory_space<hbm>>)
    %dma_wait3A_376 = arith.constant 0 : i32
    %dma_wait3A_377 = tpu.memref_slice %arg7[%mul3A_47, %dma_wait3A_376] : memref<65536x512xf32, #tpu.memory_space<hbm>> -> memref<32x512xf32, #tpu.memory_space<hbm>>
    %dma_wait3A_378 = arith.constant 0 : i32
    %dma_wait3A_379 = tpu.memref_slice %arg7[%mul3A_47, %dma_wait3A_378] : memref<65536x512xf32, #tpu.memory_space<hbm>> -> memref<32x512xf32, #tpu.memory_space<hbm>>
    tpu.wait_dma2 semaphore(%arg23 : memref<!tpu.dma_semaphore, #tpu.memory_space<semaphore_mem>>) src(%arg15 : memref<32x512xf32, #tpu.memory_space<vmem>>) dst(%dma_wait3A_379 : memref<32x512xf32, #tpu.memory_space<hbm>>)
    %dma_wait3A_380 = arith.constant 0 : i32
    %dma_wait3A_381 = tpu.memref_slice %arg7[%mul3A_47, %dma_wait3A_380] : memref<65536x512xf32, #tpu.memory_space<hbm>> -> memref<32x512xf32, #tpu.memory_space<hbm>>
    %dma_wait3A_382 = arith.constant 0 : i32
    %dma_wait3A_383 = tpu.memref_slice %arg7[%mul3A_47, %dma_wait3A_382] : memref<65536x512xf32, #tpu.memory_space<hbm>> -> memref<32x512xf32, #tpu.memory_space<hbm>>
    tpu.wait_dma2 semaphore(%arg23 : memref<!tpu.dma_semaphore, #tpu.memory_space<semaphore_mem>>) src(%arg15 : memref<32x512xf32, #tpu.memory_space<vmem>>) dst(%dma_wait3A_383 : memref<32x512xf32, #tpu.memory_space<hbm>>)
    %dma_wait3A_384 = arith.constant 0 : i32
    %dma_wait3A_385 = tpu.memref_slice %arg7[%mul3A_47, %dma_wait3A_384] : memref<65536x512xf32, #tpu.memory_space<hbm>> -> memref<32x512xf32, #tpu.memory_space<hbm>>
    %dma_wait3A_386 = arith.constant 0 : i32
    %dma_wait3A_387 = tpu.memref_slice %arg7[%mul3A_47, %dma_wait3A_386] : memref<65536x512xf32, #tpu.memory_space<hbm>> -> memref<32x512xf32, #tpu.memory_space<hbm>>
    tpu.wait_dma2 semaphore(%arg23 : memref<!tpu.dma_semaphore, #tpu.memory_space<semaphore_mem>>) src(%arg15 : memref<32x512xf32, #tpu.memory_space<vmem>>) dst(%dma_wait3A_387 : memref<32x512xf32, #tpu.memory_space<hbm>>)
    %dma_wait3A_388 = arith.constant 0 : i32
    %dma_wait3A_389 = tpu.memref_slice %arg7[%mul3A_47, %dma_wait3A_388] : memref<65536x512xf32, #tpu.memory_space<hbm>> -> memref<32x512xf32, #tpu.memory_space<hbm>>
    %dma_wait3A_390 = arith.constant 0 : i32
    %dma_wait3A_391 = tpu.memref_slice %arg7[%mul3A_47, %dma_wait3A_390] : memref<65536x512xf32, #tpu.memory_space<hbm>> -> memref<32x512xf32, #tpu.memory_space<hbm>>
    tpu.wait_dma2 semaphore(%arg23 : memref<!tpu.dma_semaphore, #tpu.memory_space<semaphore_mem>>) src(%arg15 : memref<32x512xf32, #tpu.memory_space<vmem>>) dst(%dma_wait3A_391 : memref<32x512xf32, #tpu.memory_space<hbm>>)
    %dma_wait3A_392 = arith.constant 0 : i32
    %dma_wait3A_393 = tpu.memref_slice %arg7[%mul3A_47, %dma_wait3A_392] : memref<65536x512xf32, #tpu.memory_space<hbm>> -> memref<32x512xf32, #tpu.memory_space<hbm>>
    %dma_wait3A_394 = arith.constant 0 : i32
    %dma_wait3A_395 = tpu.memref_slice %arg7[%mul3A_47, %dma_wait3A_394] : memref<65536x512xf32, #tpu.memory_space<hbm>> -> memref<32x512xf32, #tpu.memory_space<hbm>>
    tpu.wait_dma2 semaphore(%arg23 : memref<!tpu.dma_semaphore, #tpu.memory_space<semaphore_mem>>) src(%arg15 : memref<32x512xf32, #tpu.memory_space<vmem>>) dst(%dma_wait3A_395 : memref<32x512xf32, #tpu.memory_space<hbm>>)
    %dma_wait3A_396 = arith.constant 0 : i32
    %dma_wait3A_397 = tpu.memref_slice %arg7[%mul3A_47, %dma_wait3A_396] : memref<65536x512xf32, #tpu.memory_space<hbm>> -> memref<32x512xf32, #tpu.memory_space<hbm>>
    %dma_wait3A_398 = arith.constant 0 : i32
    %dma_wait3A_399 = tpu.memref_slice %arg7[%mul3A_47, %dma_wait3A_398] : memref<65536x512xf32, #tpu.memory_space<hbm>> -> memref<32x512xf32, #tpu.memory_space<hbm>>
    tpu.wait_dma2 semaphore(%arg23 : memref<!tpu.dma_semaphore, #tpu.memory_space<semaphore_mem>>) src(%arg15 : memref<32x512xf32, #tpu.memory_space<vmem>>) dst(%dma_wait3A_399 : memref<32x512xf32, #tpu.memory_space<hbm>>)
    %dma_wait3A_400 = arith.constant 0 : i32
    %dma_wait3A_401 = tpu.memref_slice %arg7[%mul3A_47, %dma_wait3A_400] : memref<65536x512xf32, #tpu.memory_space<hbm>> -> memref<32x512xf32, #tpu.memory_space<hbm>>
    %dma_wait3A_402 = arith.constant 0 : i32
    %dma_wait3A_403 = tpu.memref_slice %arg7[%mul3A_47, %dma_wait3A_402] : memref<65536x512xf32, #tpu.memory_space<hbm>> -> memref<32x512xf32, #tpu.memory_space<hbm>>
    tpu.wait_dma2 semaphore(%arg23 : memref<!tpu.dma_semaphore, #tpu.memory_space<semaphore_mem>>) src(%arg15 : memref<32x512xf32, #tpu.memory_space<vmem>>) dst(%dma_wait3A_403 : memref<32x512xf32, #tpu.memory_space<hbm>>)
    %dma_wait3A_404 = arith.constant 0 : i32
    %dma_wait3A_405 = tpu.memref_slice %arg7[%mul3A_47, %dma_wait3A_404] : memref<65536x512xf32, #tpu.memory_space<hbm>> -> memref<32x512xf32, #tpu.memory_space<hbm>>
    %dma_wait3A_406 = arith.constant 0 : i32
    %dma_wait3A_407 = tpu.memref_slice %arg7[%mul3A_47, %dma_wait3A_406] : memref<65536x512xf32, #tpu.memory_space<hbm>> -> memref<32x512xf32, #tpu.memory_space<hbm>>
    tpu.wait_dma2 semaphore(%arg23 : memref<!tpu.dma_semaphore, #tpu.memory_space<semaphore_mem>>) src(%arg15 : memref<32x512xf32, #tpu.memory_space<vmem>>) dst(%dma_wait3A_407 : memref<32x512xf32, #tpu.memory_space<hbm>>)
    %dma_wait3A_408 = arith.constant 0 : i32
    %dma_wait3A_409 = tpu.memref_slice %arg7[%mul3A_47, %dma_wait3A_408] : memref<65536x512xf32, #tpu.memory_space<hbm>> -> memref<32x512xf32, #tpu.memory_space<hbm>>
    %dma_wait3A_410 = arith.constant 0 : i32
    %dma_wait3A_411 = tpu.memref_slice %arg7[%mul3A_47, %dma_wait3A_410] : memref<65536x512xf32, #tpu.memory_space<hbm>> -> memref<32x512xf32, #tpu.memory_space<hbm>>
    tpu.wait_dma2 semaphore(%arg23 : memref<!tpu.dma_semaphore, #tpu.memory_space<semaphore_mem>>) src(%arg15 : memref<32x512xf32, #tpu.memory_space<vmem>>) dst(%dma_wait3A_411 : memref<32x512xf32, #tpu.memory_space<hbm>>)
    %dma_wait3A_412 = arith.constant 0 : i32
    %dma_wait3A_413 = tpu.memref_slice %arg7[%mul3A_47, %dma_wait3A_412] : memref<65536x512xf32, #tpu.memory_space<hbm>> -> memref<32x512xf32, #tpu.memory_space<hbm>>
    %dma_wait3A_414 = arith.constant 0 : i32
    %dma_wait3A_415 = tpu.memref_slice %arg7[%mul3A_47, %dma_wait3A_414] : memref<65536x512xf32, #tpu.memory_space<hbm>> -> memref<32x512xf32, #tpu.memory_space<hbm>>
    tpu.wait_dma2 semaphore(%arg23 : memref<!tpu.dma_semaphore, #tpu.memory_space<semaphore_mem>>) src(%arg15 : memref<32x512xf32, #tpu.memory_space<vmem>>) dst(%dma_wait3A_415 : memref<32x512xf32, #tpu.memory_space<hbm>>)
    return
  }
}

</mosaic_0001>

<sc_bundles>
// kernel: kernel.3.cloned.1.call-start
scs
__scs_entry_jumppad:
0x0: {  	(pc) =	sbr.rel $0x88, $3  }
0x1: {  	(tag) =	ssettag $0x0;
	lr =	simm.s32 $0x1  }
0x2: {  	[smem:$0x3F9F] =	sst lr;
	_ =	strace $0xD0000000  }
0x3: {  	_ = 	snop  }
0x4: {  	_ = 	snop  }
0x5: {  	_ = 	snop  }
0x6: {  	_ = 	snop  }
0x7: {  	_ = 	snop  }
__scs_overlays_trampoline_lowered:
0x8: {  	[smem:$0x3FAE] =	sst s0  }
0x9: {  	[smem:$0x3FAF] =	sst s1  }
0xa: {  	[smem:$0x3FB0] =	sst s2  }
0xb: {  	[smem:$0x3FB1] =	sst s3  }
0xc: {  	[smem:$0x3FB2] =	sst s4  }
0xd: {  	[smem:$0x3FB3] =	sst s5  }
0xe: {  	[smem:$0x3FB4] =	sst s6  }
0xf: {  	[smem:$0x3FB5] =	sst s7  }
0x10: {  	[smem:$0x3FB6] =	sst s8  }
0x11: {  	[smem:$0x3FB7] =	sst s9;
	s0 =	simm.s32 @!p0 $0x0  }
0x12: {  	s1 =	sld [smem:$0x3F9D];
	s0 =	simm.s32 @p0 $0x1  }
0x13: {  	[smem:$0x3FB8] =	sst s0;
	s0 =	simm.s32 @!p1 $0x0  }
0x14: {  	s2 =	sld [smem:$0x3F9C];
	s0 =	simm.s32 @p1 $0x1  }
0x15: {  	[smem:$0x3FB9] =	sst s0;
	s0 =	simm.s32 @!p2 $0x0  }
0x16: {  	s3 =	sld [smem:$0x3FDB];
	s0 =	simm.s32 @p2 $0x1  }
0x17: {  	s4 =	simm.s32 $0x1BF5;
	[smem:$0x3FBB] =	sst s0  }
0x18: {  	s0 =	sld [smem:$0x3F9E];
	_ =	swait.ge [sflag:s4], $0x0  }
0x19: {  	s7 =	sld [smem:$0x3F9F]  }
0x1a: {  	s8 =	sadd.s32 $0xFFFFE003, lr  }
0x1b: {  	s9 =	sadd.s32 $0xFFFFFEF7, lr;
	s5 =	simm.s32 $0xFFFFFFFF;
	p2 =	slt.u32 s8, $0xFFFFF086  }
0x1c: {  	p1 =	slt.u32 s9, $0xF7A;
	s5 =	simm.s32 @!p2 $0x0  }
0x1d: {  	s5 =	simm.s32 @p1 $0x1;
	p0 =	seq.s32 s7, s2  }
0x1e: {  	s7 =	smul.u32 @!p0 $0xF7A, s2;
	p2 =	seq.s32 @!p0 s5, $0x0  }
0x1f: {  	s9 =	smul.u32 $0xF7A, s1;
	s8 =	simm.s32 @!p0 $0x1BF5;
	p2 =	por !p2, p0  }
0x20: {  	[sflag:s8] =	ssyncset.s32 @!p0 $0xFFFFF086;
	s6 =	sadd.s32 @!p0 s3, s7;
	s7 =	simm.s32 @!p0 $0x108  }
0x21: {  	s3 =	sadd.s32 s3, s9;
	s6 =	sadd.s32 @!p0 $0x88, s6;
	s7 =	simm.s32 @p2 $0x1082  }
0x22: {  	[simem:s7], [sflag:s8] =	dma.local @!p0 [hbm:s6], $0xF7A  }
0x23: {  	s9 =	sor.u32 $0xD0000000, s2;
	s6 =	simm.s32 $0x108;
	_ =	swait.ge @!p0 [sflag:s8], $0x0  }
0x24: {  	s3 =	sadd.s32 $0x88, s3;
	s6 =	simm.s32 @!p1 $0x1082;
	[sflag:s4] =	ssyncset.s32 $0xFFFFF086  }
0x25: {  	[simem:s6], [sflag:s4] =	dma.local [hbm:s3], $0xF7A  }
0x26: {  	[smem:$0x3F9F] =	sst s1;
	(tag) =	ssettag s2;
	_ =	strace s9  }
0x27: {  	s1 =	sld [smem:$0x3FAF]  }
0x28: {  	s2 =	sld [smem:$0x3FB0]  }
0x29: {  	s4 =	sld [smem:$0x3FB2]  }
0x2a: {  	p0 =	seq.s32 s5, $0x0;
	s5 =	sld [smem:$0x3FB3]  }
0x2b: {  	s6 =	sld [smem:$0x3FB4]  }
0x2c: {  	s7 =	sld [smem:$0x3FB5]  }
0x2d: {  	s3 =	simm.s32 $0x108;
	s8 =	sld [smem:$0x3FB6]  }
0x2e: {  	s3 =	simm.s32 @!p0 $0x1082;
	s9 =	sld [smem:$0x3FB7]  }
0x2f: {  	lr =	sadd.s32 s0, s3;
	s0 =	sld [smem:$0x3FAE]  }
0x30: {  	s3 =	sld [smem:$0x3FB1]  }
0x31: {  	[smem:$0x3FBA] =	sst s10  }
0x32: {  	s10 =	sld [smem:$0x3FB8];
	_ =	sdelay $0x3  }
0x33: {  	p0 =	seq.s32 s10, $0x1;
	s10 =	sld [smem:$0x3FBA];
	_ =	sdelay $0x3  }
0x34: {  	[smem:$0x3FBA] =	sst s10  }
0x35: {  	s10 =	sld [smem:$0x3FB9];
	_ =	sdelay $0x3  }
0x36: {  	p1 =	seq.s32 s10, $0x1;
	s10 =	sld [smem:$0x3FBA];
	_ =	sdelay $0x3  }
0x37: {  	[smem:$0x3FBA] =	sst s10  }
0x38: {  	s10 =	sld [smem:$0x3FBB]  }
0x39: {  	_ = 	snop;
	(pc) =	sbr.ind lr, $3  }
0x3a: {  	_ = 	snop  }
0x3b: {  	_ = 	snop  }
0x3c: {  	p2 =	seq.s32 s10, $0x1;
	s10 =	sld [smem:$0x3FBA]  }
0x3d: {  	_ =	shalt  }
0x3e: {  	_ =	shalt  }
0x3f: {  	_ =	shalt  }
0x40: {  	_ =	shalt  }
0x41: {  	_ =	shalt  }
0x42: {  	_ =	shalt  }
0x43: {  	_ =	shalt  }
0x44: {  	_ =	shalt  }
0x45: {  	_ =	shalt  }
0x46: {  	_ =	shalt  }
0x47: {  	_ =	shalt  }
0x48: {  	_ =	shalt  }
0x49: {  	_ =	shalt  }
0x4a: {  	_ =	shalt  }
0x4b: {  	_ =	shalt  }
0x4c: {  	_ =	shalt  }
0x4d: {  	_ =	shalt  }
0x4e: {  	_ =	shalt  }
0x4f: {  	_ =	shalt  }
0x50: {  	_ =	shalt  }
0x51: {  	_ =	shalt  }
0x52: {  	_ =	shalt  }
0x53: {  	_ =	shalt  }
0x54: {  	_ =	shalt  }
0x55: {  	_ =	shalt  }
0x56: {  	_ =	shalt  }
0x57: {  	_ =	shalt  }
0x58: {  	_ =	shalt  }
0x59: {  	_ =	shalt  }
0x5a: {  	_ =	shalt  }
0x5b: {  	_ =	shalt  }
0x5c: {  	_ =	shalt  }
0x5d: {  	_ =	shalt  }
0x5e: {  	_ =	shalt  }
0x5f: {  	_ =	shalt  }
0x60: {  	_ =	shalt  }
0x61: {  	_ =	shalt  }
0x62: {  	_ =	shalt  }
0x63: {  	_ =	shalt  }
0x64: {  	_ =	shalt  }
0x65: {  	_ =	shalt  }
0x66: {  	_ =	shalt  }
0x67: {  	_ =	shalt  }
0x68: {  	_ =	shalt  }
0x69: {  	_ =	shalt  }
0x6a: {  	_ =	shalt  }
0x6b: {  	_ =	shalt  }
0x6c: {  	_ =	shalt  }
0x6d: {  	_ =	shalt  }
0x6e: {  	_ =	shalt  }
0x6f: {  	_ =	shalt  }
0x70: {  	_ =	shalt  }
0x71: {  	_ =	shalt  }
0x72: {  	_ =	shalt  }
0x73: {  	_ =	shalt  }
0x74: {  	_ =	shalt  }
0x75: {  	_ =	shalt  }
0x76: {  	_ =	shalt  }
0x77: {  	_ =	shalt  }
0x78: {  	_ =	shalt  }
0x79: {  	_ =	shalt  }
0x7a: {  	_ =	shalt  }
0x7b: {  	_ =	shalt  }
0x7c: {  	_ =	shalt  }
0x7d: {  	_ =	shalt  }
0x7e: {  	_ =	shalt  }
0x7f: {  	_ =	shalt  }
0x80: {  	_ =	shalt  }
0x81: {  	_ =	shalt  }
0x82: {  	_ =	shalt  }
0x83: {  	_ =	shalt  }
0x84: {  	_ =	shalt  }
0x85: {  	_ =	shalt  }
0x86: {  	_ =	shalt  }
0x87: {  	_ =	shalt  }
.Lfunc_end0:
.L_simem_size_0:
called_computation_lowered:
.L_overlay_start_0:
0x88: {  	s2 =	sld [smem:$0x3FD9]  }
0x89: {  	s3 =	sld [smem:$0x3FFE];
	_ =	sdelay $0x1  }
0x8a: {  	s1 =	srdreg.scid  }
0x8b: {  	s0 =	sand.u32 $0x1, s1  }
0x8c: {  	s17 =	sshll.u32 s0, $0xA;
	s2 =	sadd.s32 s3, s2  }
0x8d: {  	s2 =	sadd.s32 s2, s17  }
0x8e: {  	[smem:$0x3FC6] =	sst s2  }
0x8f: {  	_ = 	snop  }
0x90: {  	s2 =	sld [smem:$0x3FC9]  }
0x91: {  	s18 =	sld [smem:$0x3FC8]  }
0x92: {  	s4 =	sld [smem:$0x3FD0];
	(tm) =	ssettm $0x1  }
0x93: {  	s5 =	sld [smem:$0x3FFB];
	_ =	sdelay $0x3  }
0x94: {  	_ =	strace s5  }
0x95: {  	s5 =	sld [smem:$0x3FFC];
	_ =	sdelay $0x3  }
0x96: {  	_ =	strace s5  }
0x97: {  	s5 =	sld [smem:$0x3FFD];
	_ =	sdelay $0x3  }
0x98: {  	_ =	strace s5  }
0x99: {  	_ =	strace $0x8FFFFFFF  }
0x9a: {  	s19 =	sld [smem:$0x3FDB];
	_ =	sdelay $0x1  }
0x9b: {  	s6 =	simm.s32 $_scs_section_size  }
0x9c: {  	s7 =	simm.s32 $_size__tile_overlayer_lowered;
	s8 =	simm.s32 $_tile_overlayer_lowered  }
0x9d: {  	s22 =	simm.s32 $0x1BFF;
	s21 =	sshll.u32 s8, $0x1;
	s5 =	sadd.s32 s6, s19  }
0x9e: {  	s9 =	simm.s32 $0x0;
	s20 =	sshll.u32 s7, $0x1;
	s7 =	sadd.s32 s21, s5  }
0x9f: {  	[timem:s9], [sflag:s22] =	dma.local [hbm:s7], s20  }
0xa0: {  	_ =	swait.ge [sflag:s22], s20  }
0xa1: {  	s6 =	ssub.s32 $0x0, s20;
	[sflag:s22] =	ssyncset.done $0x0  }
0xa2: {  	[sflag:s22] =	ssyncadd.s32 s6;
	_ =	sdelay $0x1  }
0xa3: {  	s23 =	simm.s32 $0x1B8B  }
0xa4: {  	_ =	swait.ge [sflag:s23], $0x1  }
0xa5: {  	[sflag:s23] =	ssyncset.done $0x0  }
0xa6: {  	s25 =	simm.s32 $0x1B8E;
	s24 =	sld [smem:$0x3FFE];
	[sflag:s23] =	ssyncadd.s32 $0xFFFFFFFF  }
0xa7: {  	s26 =	simm.s32 $execute0_lowered;
	[smem:$0x3FD2] =	sst s25  }
0xa8: {  	s7 =	sshll.u32 s26, $0x1;
	_ =	strace $0x80000046;
	[dreg:$0x1] =	wrdreg $0xFFFFFFFF  }
0xa9: {  	s28 =	simm.s32 $_size_execute0_lowered;
	s5 =	sadd.s32 s5, s7;
	[dreg:$0x0] =	wrdreg $0x0  }
0xaa: {  	s7 =	sshll.u32 s28, $0x1;
	[dreg:$0x2] =	wrdreg s5  }
0xab: {  	[dreg:$0x3] =	wrdreg s7  }
0xac: {  	[dreg:$0x4] =	wrdreg $0xC0  }
0xad: {  	_ =	task [dreg:s9], $0x5FFFF  }
0xae: {  	[dreg:$0x1] =	wrdreg $0xFFFFFFFF  }
0xaf: {  	[dreg:$0x0] =	wrdreg $0x60  }
0xb0: {  	[dreg:$0x2] =	wrdreg s2  }
0xb1: {  	[dreg:$0x3] =	wrdreg s18  }
0xb2: {  	[dreg:$0x4] =	wrdreg s24  }
0xb3: {  	[dreg:$0x5] =	wrdreg s4  }
0xb4: {  	[dreg:$0x6] =	wrdreg $0x9  }
0xb5: {  	_ =	task.clear_ibuf [dreg:s9], $0x7FFFF;
	_ =	strace $0x90000046  }
0xb6: {  	s29 =	simm.s32 $0x9;
	_ =	strace $0x80000048  }
0xb7: {  	_ =	swait.ge [sflag:s29], $0x1  }
0xb8: {  	[sflag:s29] =	ssyncadd.s32 $0xFFFFFFFF  }
0xb9: {  	_ =	strace $0x90000048  }
0xba: {  	_ =	sfence  }
0xbb: {  	s30 =	sld [smem:$0x0];
	_ =	sdelay $0x2  }
0xbc: {  	s31 =	sshll.u32 s1, $0xD;
	s1 =	sshrl.u32 s1, $0x2  }
0xbd: {  	s3 =	sand.u32 $0x4000, s31;
	s1 =	sadd.s32 s1, s30  }
0xbe: {  	s0 =	sor.u32 s3, s0;
	s1 =	sshll.u32 s1, $0x11  }
0xbf: {  	s0 =	sor.u32 s1, s0  }
0xc0: {  	s0 =	sadd.s32 $0x8F2B, s0  }
0xc1: {  	[sflag:s0] =	ssyncadd.remote.s32 $0x1  }
0xc2: {  	_ =	sfence.sel $0xFFFF  }
0xc3: {  	[dreg:$0x0] =	wrdreg $0xFFFFFFFF;
	(pc) =	sbr.abs _section_cstart, $3  }
0xc4: {  	[dreg:$0x1] =	wrdreg $0xFFFFFFFF  }
0xc5: {  	_ =	task.clear_ibuf [dreg:s9], $0x2FFFF;
	_ =	strace $0x9FFFFFFF  }
0xc6: {  	(tm) =	ssettm $0x7FFFFFFF  }
0xc7: {  	_ =	shalt  }
tec
execute0_lowered:
.L_overlay_start_1:
0x0: {  	(tag) =	ssettag $0x1  }
0x1: {  	s10 =	stileid.u32  }
0x2: {  	s1 =	rddreg [dreg:$0x0];
	s2 =	sshrl.u32 s10, $0x3  }
0x3: {  	s6 =	srdreg.scid;
	s3 =	sshll.u32 s10, $0x7;
	s2 =	smul.u32 $0x4400, s2  }
0x4: {  	s0 =	rddreg [dreg:$0x2];
	s7 =	sand.u32 $0x1, s6;
	s3 =	sand.u32 $0x380, s3  }
0x5: {  	s4 =	rddreg [dreg:$0x3];
	s8 =	smul.u32 $0x3C0, s7;
	s2 =	sor.u32 s3, s2  }
0x6: {  	s5 =	simm.s32 $0x0;
	s6 =	sshll.u32 s10, $0xC;
	s2 =	sshrl.u32 s2, $0x3  }
0x7: {  	[smem:$0x7FF] =	sst s5;
	s16 =	sor.u32 s6, s8;
	s0 =	sadd.s32 s2, s0  }
0x8: {  	_ =	strace $0x80000047;
	s3 =	sshll.u32 s16, $0x6;
	s17 =	sadd.s32 $0x2800, s0  }
0x9: {  	s18 =	sadd.s32 $0x1600, s0;
	s0 =	sadd.s32 $0x400, s0;
	[dreg:$0x5] =	wrdreg s17  }
0xa: {  	[dreg:$0x7] =	wrdreg s0;
	s0 =	sadd.s32 s4, s3  }
0xb: {  	[dreg:$0x6] =	wrdreg s18;
	s3 =	sadd.s32 $0x22000, s0  }
0xc: {  	s19 =	sadd.s32 $0x22800, s0;
	[dreg:$0x8] =	wrdreg s3  }
0xd: {  	s20 =	sadd.s32 $0x23000, s0;
	[dreg:$0x9] =	wrdreg s19  }
0xe: {  	s21 =	sadd.s32 $0x23800, s0;
	[dreg:$0xa] =	wrdreg s20  }
0xf: {  	s22 =	sadd.s32 $0x24000, s0;
	[dreg:$0xb] =	wrdreg s21  }
0x10: {  	s23 =	sadd.s32 $0x24800, s0;
	[dreg:$0xc] =	wrdreg s22  }
0x11: {  	s24 =	sadd.s32 $0x25000, s0;
	[dreg:$0xd] =	wrdreg s23  }
0x12: {  	s25 =	sadd.s32 $0x25800, s0;
	[dreg:$0xe] =	wrdreg s24  }
0x13: {  	s28 =	sadd.s32 $0x26000, s0;
	[dreg:$0xf] =	wrdreg s25  }
0x14: {  	s15 =	ssub.s32 $0x2, s7;
	s30 =	sadd.s32 $0x26800, s0;
	[dreg:$0x10] =	wrdreg s28  }
0x15: {  	s9 =	sshrl.u32 s15, $0x1;
	s31 =	sadd.s32 $0x27000, s0;
	[dreg:$0x11] =	wrdreg s30  }
0x16: {  	s2 =	ssub.s32 s15, s9;
	s9 =	sadd.s32 $0x27800, s0;
	[dreg:$0x12] =	wrdreg s31  }
0x17: {  	s11 =	sadd.s32 $0x28000, s0;
	[dreg:$0x14] =	wrdreg s9  }
0x18: {  	s12 =	sadd.s32 $0x28800, s0;
	[dreg:$0x15] =	wrdreg s11  }
0x19: {  	s13 =	sadd.s32 $0x29000, s0;
	[dreg:$0x16] =	wrdreg s12  }
0x1a: {  	s14 =	sadd.s32 $0x29800, s0;
	[dreg:$0x17] =	wrdreg s13  }
0x1b: {  	s15 =	sadd.s32 $0x2A000, s0;
	[dreg:$0x18] =	wrdreg s14  }
0x1c: {  	s16 =	sadd.s32 $0x2A800, s0;
	[dreg:$0x19] =	wrdreg s15  }
0x1d: {  	s17 =	sadd.s32 $0x2B000, s0;
	[dreg:$0x1a] =	wrdreg s16  }
0x1e: {  	s18 =	sadd.s32 $0x2B800, s0;
	[dreg:$0x1b] =	wrdreg s17  }
0x1f: {  	s26 =	sshll.u32 s10, $0x12;
	[dreg:$0x1c] =	wrdreg s18;
	s19 =	sadd.s32 $0x2C000, s0  }
0x20: {  	s29 =	sshll.u32 s7, $0x5;
	s20 =	sadd.s32 $0x2C800, s0;
	[dreg:$0x1d] =	wrdreg s19  }
0x21: {  	s7 =	sshll.u32 s7, $0xB;
	s21 =	sadd.s32 $0x2D000, s0;
	[dreg:$0x1e] =	wrdreg s20  }
0x22: {  	s3 =	sadd.s32 s26, s4;
	s22 =	sadd.s32 $0x2D800, s0;
	[dreg:$0x1f] =	wrdreg s21  }
0x23: {  	s23 =	sadd.s32 $0x2E000, s0;
	s24 =	sadd.s32 $0x2E800, s0;
	[smem:$0x7F5] =	sst s22  }
0x24: {  	s25 =	sadd.s32 $0x2F000, s0;
	s26 =	sadd.s32 $0x2F800, s0;
	[smem:$0x7F6] =	sst s23  }
0x25: {  	s28 =	sadd.s32 $0x30000, s0;
	s0 =	sadd.s32 $0x30800, s0;
	[smem:$0x7F7] =	sst s24  }
0x26: {  	s30 =	smax.u32 s2, $0x1;
	s16 =	sadd.s32 $0x100, s1;
	[smem:$0x7F8] =	sst s25  }
0x27: {  	s31 =	sor.u32 $0x40, s29;
	s9 =	simm.s32 $0x15980;
	[smem:$0x7F9] =	sst s26  }
0x28: {  	s14 =	simm.s32 $0x9980;
	s15 =	simm.s32 $0x5;
	[smem:$0x7FA] =	sst s28  }
.Ltmp0:
0x29: {  	s17 =	simm.s32 $0x3;
	[smem:$0x7FB] =	sst s0;
	(pc) =	sbr.rel .LBB2_1-.Ltmp0, $4  }
0x2a: {  	v2 =	vimm.f32 $0.0e+00;
	v6 =	vlaneseq.u32;
	v3 =	vimm.s32 $0x0;
	s18 =	simm.s32 $0x4;
	s2 =	simm.s32 $0x0;
	[smem:$0x7FC] =	sst s30  }
0x2b: {  	vm0 =	vmmov $0xffff;
	v0 =	vmov s10;
	v1 =	vmov s6;
	s3 =	sadd.s32 s7, s3;
	[smem:$0x7FD] =	sst s31;
	s21 =	simm.s32 $0x1100  }
0x2c: {  	v4 =	vand.u32 $0x7, v6;
	v5 =	vshrl.u32 v6, $0x3;
	v1 =	vadd.s32 $0xFFFFFFFF, v1;
	s23 =	simm.s32 $0x1;
	s24 =	simm.s32 $0x11980;
	s25 =	simm.s32 $0x1980  }
0x2d: {  	v6 =	vor.u32 $0x8, v6;
	v5 =	vmul.u32 $0x8, v5;
	v1 =	vbroadcast v1, $0x0;
	s20 =	simm.s32 $0x2;
	s26 =	simm.s32 $0x7;
	[dreg:$0x13] =	wrdreg s3  }
.LBB2_29:
0x2e: {  	[sflag:s26] =	ssyncadd.s32 $0xFFFFC000  }
.LBB2_30:
0x2f: {  	_ =	swait.ge [sflag:s26], $0x4000  }
0x30: {  	[sflag:s26] =	ssyncset.done $0x0  }
0x31: {  	[sflag:s26] =	ssyncadd.s32 $0xFFFFC000  }
0x32: {  	_ =	swait.ge [sflag:s26], $0x4000  }
0x33: {  	[sflag:s26] =	ssyncset.done $0x0  }
0x34: {  	[sflag:s26] =	ssyncadd.s32 $0xFFFFC000  }
0x35: {  	_ =	swait.ge [sflag:s26], $0x4000  }
0x36: {  	[sflag:s26] =	ssyncset.done $0x0  }
0x37: {  	[sflag:s26] =	ssyncadd.s32 $0xFFFFC000  }
0x38: {  	_ =	swait.ge [sflag:s26], $0x4000  }
0x39: {  	[sflag:s26] =	ssyncset.done $0x0  }
0x3a: {  	[sflag:s26] =	ssyncadd.s32 $0xFFFFC000  }
0x3b: {  	_ =	swait.ge [sflag:s26], $0x4000  }
0x3c: {  	[sflag:s26] =	ssyncset.done $0x0  }
0x3d: {  	[sflag:s26] =	ssyncadd.s32 $0xFFFFC000  }
0x3e: {  	_ =	swait.ge [sflag:s26], $0x4000  }
0x3f: {  	[sflag:s26] =	ssyncset.done $0x0  }
0x40: {  	[sflag:s26] =	ssyncadd.s32 $0xFFFFC000  }
0x41: {  	_ =	swait.ge [sflag:s26], $0x4000  }
0x42: {  	[sflag:s26] =	ssyncset.done $0x0  }
0x43: {  	[sflag:s26] =	ssyncadd.s32 $0xFFFFC000  }
0x44: {  	_ =	swait.ge [sflag:s26], $0x4000  }
0x45: {  	[sflag:s26] =	ssyncset.done $0x0  }
0x46: {  	[sflag:s26] =	ssyncadd.s32 $0xFFFFC000  }
0x47: {  	_ =	swait.ge [sflag:s26], $0x4000  }
0x48: {  	[sflag:s26] =	ssyncset.done $0x0  }
0x49: {  	[sflag:s26] =	ssyncadd.s32 $0xFFFFC000  }
0x4a: {  	_ =	swait.ge [sflag:s26], $0x4000  }
0x4b: {  	[sflag:s26] =	ssyncset.done $0x0  }
0x4c: {  	[sflag:s26] =	ssyncadd.s32 $0xFFFFC000  }
0x4d: {  	_ =	swait.ge [sflag:s26], $0x4000  }
0x4e: {  	[sflag:s26] =	ssyncset.done $0x0  }
0x4f: {  	[sflag:s26] =	ssyncadd.s32 $0xFFFFC000  }
0x50: {  	_ =	swait.ge [sflag:s26], $0x4000  }
0x51: {  	[sflag:s26] =	ssyncset.done $0x0  }
0x52: {  	[sflag:s26] =	ssyncadd.s32 $0xFFFFC000  }
0x53: {  	_ =	swait.ge [sflag:s26], $0x4000  }
0x54: {  	[sflag:s26] =	ssyncset.done $0x0  }
0x55: {  	[sflag:s26] =	ssyncadd.s32 $0xFFFFC000  }
0x56: {  	_ =	swait.ge [sflag:s26], $0x4000  }
0x57: {  	[sflag:s26] =	ssyncset.done $0x0  }
0x58: {  	[sflag:s26] =	ssyncadd.s32 $0xFFFFC000  }
0x59: {  	_ =	swait.ge [sflag:s26], $0x4000  }
0x5a: {  	[sflag:s26] =	ssyncset.done $0x0  }
0x5b: {  	[sflag:s26] =	ssyncadd.s32 $0xFFFFC000  }
0x5c: {  	_ =	swait.ge [sflag:s26], $0x4000  }
0x5d: {  	[sflag:s26] =	ssyncset.done $0x0  }
0x5e: {  	[sflag:s26] =	ssyncadd.s32 $0xFFFFC000  }
0x5f: {  	_ =	swait.ge [sflag:s26], $0x4000  }
0x60: {  	[sflag:s26] =	ssyncset.done $0x0  }
0x61: {  	[sflag:s26] =	ssyncadd.s32 $0xFFFFC000  }
0x62: {  	_ =	swait.ge [sflag:s26], $0x4000  }
0x63: {  	[sflag:s26] =	ssyncset.done $0x0  }
0x64: {  	[sflag:s26] =	ssyncadd.s32 $0xFFFFC000  }
0x65: {  	_ =	swait.ge [sflag:s26], $0x4000  }
0x66: {  	[sflag:s26] =	ssyncset.done $0x0  }
0x67: {  	[sflag:s26] =	ssyncadd.s32 $0xFFFFC000  }
0x68: {  	_ =	swait.ge [sflag:s26], $0x4000  }
0x69: {  	[sflag:s26] =	ssyncset.done $0x0  }
0x6a: {  	[sflag:s26] =	ssyncadd.s32 $0xFFFFC000  }
0x6b: {  	_ =	swait.ge [sflag:s26], $0x4000  }
0x6c: {  	[sflag:s26] =	ssyncset.done $0x0  }
0x6d: {  	[sflag:s26] =	ssyncadd.s32 $0xFFFFC000  }
0x6e: {  	_ =	swait.ge [sflag:s26], $0x4000  }
0x6f: {  	[sflag:s26] =	ssyncset.done $0x0  }
0x70: {  	[sflag:s26] =	ssyncadd.s32 $0xFFFFC000  }
0x71: {  	_ =	swait.ge [sflag:s26], $0x4000  }
0x72: {  	[sflag:s26] =	ssyncset.done $0x0  }
0x73: {  	[sflag:s26] =	ssyncadd.s32 $0xFFFFC000  }
0x74: {  	_ =	swait.ge [sflag:s26], $0x4000  }
0x75: {  	[sflag:s26] =	ssyncset.done $0x0  }
0x76: {  	[sflag:s26] =	ssyncadd.s32 $0xFFFFC000  }
0x77: {  	_ =	swait.ge [sflag:s26], $0x4000  }
0x78: {  	[sflag:s26] =	ssyncset.done $0x0  }
0x79: {  	[sflag:s26] =	ssyncadd.s32 $0xFFFFC000  }
0x7a: {  	_ =	swait.ge [sflag:s26], $0x4000  }
0x7b: {  	[sflag:s26] =	ssyncset.done $0x0  }
0x7c: {  	[sflag:s26] =	ssyncadd.s32 $0xFFFFC000  }
0x7d: {  	_ =	swait.ge [sflag:s26], $0x4000  }
0x7e: {  	[sflag:s26] =	ssyncset.done $0x0  }
0x7f: {  	[sflag:s26] =	ssyncadd.s32 $0xFFFFC000  }
0x80: {  	_ =	swait.ge [sflag:s26], $0x4000  }
0x81: {  	[sflag:s26] =	ssyncset.done $0x0  }
0x82: {  	[sflag:s26] =	ssyncadd.s32 $0xFFFFC000  }
0x83: {  	_ =	swait.ge [sflag:s26], $0x4000  }
0x84: {  	[sflag:s26] =	ssyncset.done $0x0  }
0x85: {  	[sflag:s26] =	ssyncadd.s32 $0xFFFFC000  }
0x86: {  	_ =	swait.ge [sflag:s26], $0x4000  }
0x87: {  	s0 =	sld [smem:$0x7FC];
	_ =	sdelay $0x1  }
0x88: {  	s2 =	sadd.s32 $0x1, s2  }
0x89: {  	p0 =	sne.s32 s2, s0  }
.Ltmp1:
0x8a: {  	_ = 	snop;
	(pc) =	sbr.rel @!p0 .LBB2_31-.Ltmp1, $3  }
0x8b: {  	_ =	sdelay $0x1  }
0x8c: {  	[sflag:s26] =	ssyncset.done $0x0  }
0x8d: {  	[sflag:s26] =	ssyncadd.s32 $0xFFFFC000  }
.LBB2_1:
0x8e: {  	[smem:$0x7F4] =	sst s2  }
0x8f: {  	s0 =	rddreg [dreg:$0x1];
	s3 =	simm.s32 $0x8  }
0x90: {  	[tilespmem:s9], [sflag:$0x8] =	stream.linear.gather [hbm4b:s0+s5], $0x80, $0x38;
	[tilespmem:$0x15A00] =	vst v63  }
0x91: {  	_ =	swait.ge [sflag:s3], $0x80  }
0x92: {  	s13 =	simm.s32 $0x80;
	[sflag:s3] =	ssyncset.done $0x0  }
0x93: {  	s7 =	simm.s32 $0x400;
	s12 =	rddreg [dreg:$0x5];
	[sflag:s3] =	ssyncadd.s32 $0xFFFFFF80  }
0x94: {  	[tilespmem:s5], [sflag:$0x8] =	stream.strided.gather [hbm4b:s12+s13], $0x880, s7, s13, $0x38;
	[tilespmem:$0x15A00] =	vst v63  }
0x95: {  	_ =	swait.ge [sflag:s3], $0x880  }
0x96: {  	[sflag:s3] =	ssyncset.done $0x0  }
0x97: {  	s8 =	simm.s32 $0x880;
	s19 =	rddreg [dreg:$0x6];
	[sflag:s3] =	ssyncadd.s32 $0xFFFFF780  }
0x98: {  	[tilespmem:s8], [sflag:$0x8] =	stream.strided.gather [hbm4b:s19+s13], $0x880, s7, s13, $0x38;
	[tilespmem:$0x15A00] =	vst v63  }
0x99: {  	_ =	swait.ge [sflag:s3], $0x880  }
0x9a: {  	[sflag:s3] =	ssyncset.done $0x0  }
0x9b: {  	s22 =	rddreg [dreg:$0x7];
	[sflag:s3] =	ssyncadd.s32 $0xFFFFF780  }
0x9c: {  	[tilespmem:s21], [sflag:$0x8] =	stream.strided.gather [hbm4b:s22+s13], $0x880, s7, s13, $0x38;
	[tilespmem:$0x15A00] =	vst v63  }
0x9d: {  	_ =	swait.ge [sflag:s3], $0x880  }
0x9e: {  	s28 =	sand.u32 $0x3000, s5;
	s30 =	sand.u32 $0x380, s5;
	[sflag:s3] =	ssyncset.done $0x0  }
0x9f: {  	s2 =	sor.u32 s30, s28;
	[sflag:s3] =	ssyncadd.s32 $0xFFFFF780  }
0xa0: {  	s0 =	sadd.s32 $0x11980, s2;
	[tilespmem:s2+$0x11980] =	vst v2  }
0xa1: {  	[tilespmem:s0+$0x40] =	vst v2  }
0xa2: {  	[tilespmem:s0+$0x50] =	vst v2  }
0xa3: {  	[tilespmem:s0+$0x60] =	vst v2  }
0xa4: {  	[tilespmem:s0+$0x70] =	vst v2  }
0xa5: {  	[tilespmem:s0+$0x400] =	vst v2  }
0xa6: {  	[tilespmem:s0+$0x410] =	vst v2  }
0xa7: {  	[tilespmem:s0+$0x420] =	vst v2  }
0xa8: {  	[tilespmem:s0+$0x430] =	vst v2  }
0xa9: {  	[tilespmem:s0+$0x440] =	vst v2  }
0xaa: {  	[tilespmem:s0+$0x450] =	vst v2  }
0xab: {  	[tilespmem:s0+$0x460] =	vst v2  }
0xac: {  	[tilespmem:s0+$0x470] =	vst v2  }
0xad: {  	[tilespmem:s0+$0x800] =	vst v2  }
0xae: {  	[tilespmem:s0+$0x810] =	vst v2  }
0xaf: {  	[tilespmem:s0+$0x820] =	vst v2  }
0xb0: {  	[tilespmem:s0+$0x830] =	vst v2  }
0xb1: {  	[tilespmem:s0+$0x840] =	vst v2  }
0xb2: {  	[tilespmem:s0+$0x850] =	vst v2  }
0xb3: {  	[tilespmem:s0+$0x860] =	vst v2  }
0xb4: {  	[tilespmem:s0+$0x870] =	vst v2  }
0xb5: {  	[tilespmem:s0+$0xC00] =	vst v2  }
0xb6: {  	[tilespmem:s0+$0xC10] =	vst v2  }
0xb7: {  	[tilespmem:s0+$0xC20] =	vst v2  }
0xb8: {  	[tilespmem:s0+$0xC30] =	vst v2  }
0xb9: {  	[tilespmem:s0+$0xC40] =	vst v2  }
0xba: {  	[tilespmem:s0+$0xC50] =	vst v2  }
0xbb: {  	[tilespmem:s0+$0xC60] =	vst v2  }
0xbc: {  	[tilespmem:s0+$0x10] =	vst v2  }
0xbd: {  	s31 =	simm.s32 $0x200;
	s2 =	simm.s32 $0x80;
	[tilespmem:s0+$0x20] =	vst v2  }
0xbe: {  	s7 =	sand.u32 $0x3000, s31;
	s3 =	simm.s32 $0x400;
	[tilespmem:s0+$0x30] =	vst v2;
	s8 =	sand.u32 $0x380, s2  }
.LBB2_2:
0xbf: {  	p0 =	sne.s32 s3, $0x3E00;
	s7 =	sor.u32 s8, s7;
	[tilespmem:s0+$0xC70] =	vst v2  }
0xc0: {  	s0 =	sadd.s32 $0x11980, s7;
	[tilespmem:s7+$0x11980] =	vst v2  }
0xc1: {  	[tilespmem:s0+$0x10] =	vst v2  }
0xc2: {  	[tilespmem:s0+$0x20] =	vst v2  }
0xc3: {  	[tilespmem:s0+$0x30] =	vst v2  }
0xc4: {  	[tilespmem:s0+$0x40] =	vst v2  }
0xc5: {  	[tilespmem:s0+$0x50] =	vst v2  }
0xc6: {  	[tilespmem:s0+$0x60] =	vst v2  }
0xc7: {  	[tilespmem:s0+$0x70] =	vst v2  }
0xc8: {  	[tilespmem:s0+$0x400] =	vst v2  }
0xc9: {  	[tilespmem:s0+$0x410] =	vst v2  }
0xca: {  	[tilespmem:s0+$0x420] =	vst v2  }
0xcb: {  	[tilespmem:s0+$0x430] =	vst v2  }
0xcc: {  	[tilespmem:s0+$0x440] =	vst v2  }
0xcd: {  	[tilespmem:s0+$0x450] =	vst v2  }
0xce: {  	[tilespmem:s0+$0x460] =	vst v2  }
0xcf: {  	[tilespmem:s0+$0x470] =	vst v2  }
0xd0: {  	[tilespmem:s0+$0x800] =	vst v2  }
0xd1: {  	[tilespmem:s0+$0x810] =	vst v2  }
0xd2: {  	[tilespmem:s0+$0x820] =	vst v2  }
0xd3: {  	[tilespmem:s0+$0x830] =	vst v2  }
0xd4: {  	[tilespmem:s0+$0x840] =	vst v2  }
0xd5: {  	[tilespmem:s0+$0x850] =	vst v2  }
0xd6: {  	[tilespmem:s0+$0x860] =	vst v2  }
0xd7: {  	[tilespmem:s0+$0x870] =	vst v2  }
0xd8: {  	[tilespmem:s0+$0xC00] =	vst v2  }
0xd9: {  	[tilespmem:s0+$0xC10] =	vst v2  }
.Ltmp2:
0xda: {  	[tilespmem:s0+$0xC20] =	vst v2;
	(pc) =	sbr.rel @p0 .LBB2_2-.Ltmp2, $4  }
0xdb: {  	[tilespmem:s0+$0xC30] =	vst v2  }
0xdc: {  	[tilespmem:s0+$0xC40] =	vst v2  }
0xdd: {  	s2 =	sadd.s32 $0x80, s2;
	[tilespmem:s0+$0xC50] =	vst v2  }
0xde: {  	s7 =	sand.u32 $0x3000, s3;
	s8 =	sand.u32 $0x380, s2;
	s3 =	sadd.s32 $0x200, s3;
	[tilespmem:s0+$0xC60] =	vst v2  }
0xdf: {  	s2 =	sor.u32 s8, s7;
	[tilespmem:s0+$0xC70] =	vst v2  }
0xe0: {  	s30 =	sadd.s32 $0x11980, s2;
	[tilespmem:s2+$0x11980] =	vst v2  }
0xe1: {  	[tilespmem:s30+$0x10] =	vst v2  }
0xe2: {  	[tilespmem:s30+$0x20] =	vst v2  }
0xe3: {  	[tilespmem:s30+$0x30] =	vst v2  }
0xe4: {  	[tilespmem:s30+$0x40] =	vst v2  }
0xe5: {  	[tilespmem:s30+$0x50] =	vst v2  }
0xe6: {  	[tilespmem:s30+$0x60] =	vst v2  }
0xe7: {  	[tilespmem:s30+$0x70] =	vst v2  }
0xe8: {  	[tilespmem:s30+$0x400] =	vst v2  }
0xe9: {  	[tilespmem:s30+$0x410] =	vst v2  }
0xea: {  	[tilespmem:s30+$0x420] =	vst v2  }
0xeb: {  	[tilespmem:s30+$0x430] =	vst v2  }
0xec: {  	[tilespmem:s30+$0x440] =	vst v2  }
0xed: {  	[tilespmem:s30+$0x450] =	vst v2  }
0xee: {  	[tilespmem:s30+$0x460] =	vst v2  }
0xef: {  	[tilespmem:s30+$0x470] =	vst v2  }
0xf0: {  	[tilespmem:s30+$0x800] =	vst v2  }
0xf1: {  	[tilespmem:s30+$0x810] =	vst v2  }
0xf2: {  	[tilespmem:s30+$0x820] =	vst v2  }
0xf3: {  	[tilespmem:s30+$0x830] =	vst v2  }
0xf4: {  	[tilespmem:s30+$0x840] =	vst v2  }
0xf5: {  	[tilespmem:s30+$0x850] =	vst v2  }
0xf6: {  	[tilespmem:s30+$0x860] =	vst v2  }
0xf7: {  	[tilespmem:s30+$0x870] =	vst v2  }
0xf8: {  	[tilespmem:s30+$0xC00] =	vst v2  }
0xf9: {  	[tilespmem:s30+$0xC10] =	vst v2  }
0xfa: {  	[tilespmem:s30+$0xC20] =	vst v2  }
0xfb: {  	[tilespmem:s30+$0xC30] =	vst v2  }
0xfc: {  	[tilespmem:s30+$0xC40] =	vst v2  }
0xfd: {  	[tilespmem:s30+$0xC50] =	vst v2  }
0xfe: {  	[tilespmem:s30+$0xC60] =	vst v2  }
0xff: {  	[tilespmem:s30+$0xC70] =	vst v2  }
0x100: {  	v7 =	vld.idx.msk [tilespmem:v0+s9+$0x0], $0xffff;
	_ =	sdelay $0x2  }
0x101: {  	s31 =	simm.s32 $0x0  }
0x102: {  	v9 =	vld [tilespmem:s31+$0x0]  }
0x103: {  	v8 =	vimm.s32 $0x0;
	s0 =	simm.s32 $0x40;
	v7 =	vadd.s32 v7, v1  }
.LBB2_4:
0x104: {  	p0 =	sne.s32 s0, $0x21C0  }
.Ltmp3:
0x105: {  	_ = 	snop;
	(pc) =	sbr.rel @p0 .LBB2_4-.Ltmp3, $4  }
0x106: {  	_ = 	snop  }
0x107: {  	s2 =	sshra.s32 s0, $0x2;
	s0 =	sadd.s32 $0x40, s0;
	vm1 =	vlt.s32 v9, v7  }
0x108: {  	v9 =	vld [tilespmem:s2+$0x0];
	v10 =	vsel vm1, $0x1, v3  }
0x109: {  	v8 =	vadd.s32 v10, v8  }
0x10a: {  	_ =	sdelay $0x2  }
0x10b: {  	vm1 =	vlt.s32 v9, v7  }
0x10c: {  	v9 =	vsel vm1, $0x1, v3  }
0x10d: {  	v8 =	vadd.s32 v9, v8  }
0x10e: {  	(xrf0) =	vadd.scan.msk.s32 $0xffff, v8;
	_ =	sdelay $0x5  }
0x10f: {  	v8, _, _ =	vpop (xrf0)  }
0x110: {  	(v2sf) =	vpush v8, $0xF;
	_ =	sdelay $0xe  }
0x111: {  	s0 =	spop (v2sf)  }
0x112: {  	s0 =	ssub.s32 s0, s29  }
0x113: {  	p0 =	sgt.s32 s0, $0x0  }
0x114: {  	s0 =	simm.s32 @!p0 $0x0  }
0x115: {  	s0 =	sadd.s32 $0x3F, s0  }
0x116: {  	s2 =	sand.u32 $0x3F, s0  }
0x117: {  	s3 =	sshra.s32 s0, $0x1F;
	p6 =	slt.s32 s0, $0x0;
	p1 =	sne.s32 s2, $0x0  }
0x118: {  	s28 =	sshrl.u32 s3, $0x1A;
	p0 =	por !p6, !p1  }
0x119: {  	s2 =	simm.s32 $0x1;
	s0 =	sadd.s32 s28, s0;
	p0 =	por !p0, !p0  }
0x11a: {  	s0 =	sshra.s32 s0, $0x6;
	s2 =	simm.s32 @!p0 $0x0  }
0x11b: {  	s31 =	ssub.s32 s0, s2  }
0x11c: {  	p0 =	slt.s32 s31, $0x22;
	s30 =	smov.u32 s31  }
0x11d: {  	s30 =	simm.s32 @!p0 $0x22;
	p0 =	sgt.s32 s31, $0x21  }
.Ltmp4:
0x11e: {  	_ = 	snop;
	(pc) =	sbr.rel @p0 .LBB2_8-.Ltmp4, $2  }
0x11f: {  	_ =	sdelay $0x2  }
0x120: {  	s3 =	ssub.s32 $0x22, s30  }
0x121: {  	p1 =	sne.s32 s3, $0x1  }
.Ltmp5:
0x122: {  	_ = 	snop;
	(pc) =	sbr.rel @!p1 .LBB2_8-.Ltmp5, $4  }
0x123: {  	_ = 	snop  }
0x124: {  	s0 =	sshll.u32 s30, $0xC;
	s2 =	rddreg [dreg:$0x13]  }
0x125: {  	s0 =	sadd.s32 s0, s2;
	s2 =	sadd.s32 $0xFFFFFFFF, s3  }
0x126: {  	[hbm4b:s0+s5] =	stream.linear.scatter [tilespmem:s24], [sflag:$0x7], $0x4000, $0x38;
	[tilespmem:$0x15A00] =	vst v63  }
.LBB2_7:
0x127: {  	p1 =	sne.s32 s2, $0x1  }
.Ltmp6:
0x128: {  	_ = 	snop;
	(pc) =	sbr.rel @p1 .LBB2_7-.Ltmp6, $3  }
0x129: {  	_ = 	snop  }
0x12a: {  	s2 =	sadd.s32 $0xFFFFFFFF, s2;
	s0 =	sadd.s32 $0x1000, s0;
	_ =	sdelay $0x1  }
0x12b: {  	[hbm4b:s0+s5] =	stream.linear.scatter [tilespmem:s24], [sflag:$0x7], $0x4000, $0x38;
	[tilespmem:$0x15A00] =	vst v63  }
.LBB2_8:
0x12c: {  	[smem:$0x7F3] =	sst s3  }
0x12d: {  	s0 =	rddreg [dreg:$0x8]  }
0x12e: {  	s12 =	rddreg [dreg:$0x9]  }
0x12f: {  	[hbm4b:s0+s5] =	stream.linear.scatter [tilespmem:s24], [sflag:$0x7], $0x4000, $0x38;
	[tilespmem:$0x15A00] =	vst v63  }
0x130: {  	s13 =	rddreg [dreg:$0xa]  }
0x131: {  	[hbm4b:s12+s5] =	stream.linear.scatter [tilespmem:s24], [sflag:$0x7], $0x4000, $0x38;
	[tilespmem:$0x15A00] =	vst v63  }
0x132: {  	s19 =	rddreg [dreg:$0xb]  }
0x133: {  	[hbm4b:s13+s5] =	stream.linear.scatter [tilespmem:s24], [sflag:$0x7], $0x4000, $0x38;
	[tilespmem:$0x15A00] =	vst v63  }
0x134: {  	s22 =	rddreg [dreg:$0xc]  }
0x135: {  	[hbm4b:s19+s5] =	stream.linear.scatter [tilespmem:s24], [sflag:$0x7], $0x4000, $0x38;
	[tilespmem:$0x15A00] =	vst v63  }
0x136: {  	s28 =	rddreg [dreg:$0xd]  }
0x137: {  	[hbm4b:s22+s5] =	stream.linear.scatter [tilespmem:s24], [sflag:$0x7], $0x4000, $0x38;
	[tilespmem:$0x15A00] =	vst v63  }
0x138: {  	s2 =	rddreg [dreg:$0xe]  }
0x139: {  	[hbm4b:s28+s5] =	stream.linear.scatter [tilespmem:s24], [sflag:$0x7], $0x4000, $0x38;
	[tilespmem:$0x15A00] =	vst v63  }
0x13a: {  	s3 =	rddreg [dreg:$0xf]  }
0x13b: {  	[hbm4b:s2+s5] =	stream.linear.scatter [tilespmem:s24], [sflag:$0x7], $0x4000, $0x38;
	[tilespmem:$0x15A00] =	vst v63  }
0x13c: {  	s7 =	rddreg [dreg:$0x10]  }
0x13d: {  	[hbm4b:s3+s5] =	stream.linear.scatter [tilespmem:s24], [sflag:$0x7], $0x4000, $0x38;
	[tilespmem:$0x15A00] =	vst v63  }
0x13e: {  	s8 =	rddreg [dreg:$0x11]  }
0x13f: {  	[hbm4b:s7+s5] =	stream.linear.scatter [tilespmem:s24], [sflag:$0x7], $0x4000, $0x38;
	[tilespmem:$0x15A00] =	vst v63  }
0x140: {  	s9 =	rddreg [dreg:$0x12]  }
0x141: {  	[hbm4b:s8+s5] =	stream.linear.scatter [tilespmem:s24], [sflag:$0x7], $0x4000, $0x38;
	[tilespmem:$0x15A00] =	vst v63  }
0x142: {  	s10 =	rddreg [dreg:$0x14]  }
0x143: {  	[hbm4b:s9+s5] =	stream.linear.scatter [tilespmem:s24], [sflag:$0x7], $0x4000, $0x38;
	[tilespmem:$0x15A00] =	vst v63  }
0x144: {  	s11 =	rddreg [dreg:$0x15]  }
0x145: {  	[hbm4b:s10+s5] =	stream.linear.scatter [tilespmem:s24], [sflag:$0x7], $0x4000, $0x38;
	[tilespmem:$0x15A00] =	vst v63  }
0x146: {  	s12 =	rddreg [dreg:$0x16]  }
0x147: {  	[hbm4b:s11+s5] =	stream.linear.scatter [tilespmem:s24], [sflag:$0x7], $0x4000, $0x38;
	[tilespmem:$0x15A00] =	vst v63  }
0x148: {  	s13 =	rddreg [dreg:$0x17]  }
0x149: {  	[hbm4b:s12+s5] =	stream.linear.scatter [tilespmem:s24], [sflag:$0x7], $0x4000, $0x38;
	[tilespmem:$0x15A00] =	vst v63  }
0x14a: {  	s19 =	rddreg [dreg:$0x18]  }
0x14b: {  	[hbm4b:s13+s5] =	stream.linear.scatter [tilespmem:s24], [sflag:$0x7], $0x4000, $0x38;
	[tilespmem:$0x15A00] =	vst v63  }
0x14c: {  	s22 =	rddreg [dreg:$0x19]  }
0x14d: {  	[hbm4b:s19+s5] =	stream.linear.scatter [tilespmem:s24], [sflag:$0x7], $0x4000, $0x38;
	[tilespmem:$0x15A00] =	vst v63  }
0x14e: {  	s28 =	rddreg [dreg:$0x1a]  }
0x14f: {  	[hbm4b:s22+s5] =	stream.linear.scatter [tilespmem:s24], [sflag:$0x7], $0x4000, $0x38;
	[tilespmem:$0x15A00] =	vst v63  }
0x150: {  	s2 =	rddreg [dreg:$0x1b]  }
0x151: {  	[hbm4b:s28+s5] =	stream.linear.scatter [tilespmem:s24], [sflag:$0x7], $0x4000, $0x38;
	[tilespmem:$0x15A00] =	vst v63  }
0x152: {  	s3 =	rddreg [dreg:$0x1c]  }
0x153: {  	[hbm4b:s2+s5] =	stream.linear.scatter [tilespmem:s24], [sflag:$0x7], $0x4000, $0x38;
	[tilespmem:$0x15A00] =	vst v63  }
0x154: {  	s7 =	rddreg [dreg:$0x1d]  }
0x155: {  	[hbm4b:s3+s5] =	stream.linear.scatter [tilespmem:s24], [sflag:$0x7], $0x4000, $0x38;
	[tilespmem:$0x15A00] =	vst v63  }
0x156: {  	s8 =	rddreg [dreg:$0x1e]  }
0x157: {  	[hbm4b:s7+s5] =	stream.linear.scatter [tilespmem:s24], [sflag:$0x7], $0x4000, $0x38;
	[tilespmem:$0x15A00] =	vst v63  }
0x158: {  	s9 =	rddreg [dreg:$0x1f]  }
0x159: {  	[hbm4b:s8+s5] =	stream.linear.scatter [tilespmem:s24], [sflag:$0x7], $0x4000, $0x38;
	[tilespmem:$0x15A00] =	vst v63  }
0x15a: {  	s10 =	sld [smem:$0x7F5]  }
0x15b: {  	[hbm4b:s9+s5] =	stream.linear.scatter [tilespmem:s24], [sflag:$0x7], $0x4000, $0x38;
	[tilespmem:$0x15A00] =	vst v63  }
0x15c: {  	s11 =	sld [smem:$0x7F6]  }
0x15d: {  	[hbm4b:s10+s5] =	stream.linear.scatter [tilespmem:s24], [sflag:$0x7], $0x4000, $0x38;
	[tilespmem:$0x15A00] =	vst v63  }
0x15e: {  	s12 =	sld [smem:$0x7F7]  }
0x15f: {  	[hbm4b:s11+s5] =	stream.linear.scatter [tilespmem:s24], [sflag:$0x7], $0x4000, $0x38;
	[tilespmem:$0x15A00] =	vst v63  }
0x160: {  	s13 =	sld [smem:$0x7F8]  }
0x161: {  	[hbm4b:s12+s5] =	stream.linear.scatter [tilespmem:s24], [sflag:$0x7], $0x4000, $0x38;
	[tilespmem:$0x15A00] =	vst v63  }
0x162: {  	s19 =	sld [smem:$0x7F9]  }
0x163: {  	[hbm4b:s13+s5] =	stream.linear.scatter [tilespmem:s24], [sflag:$0x7], $0x4000, $0x38;
	[tilespmem:$0x15A00] =	vst v63  }
0x164: {  	p1 =	slt.s32 s31, $0x1;
	s22 =	sld [smem:$0x7FA]  }
0x165: {  	[hbm4b:s19+s5] =	stream.linear.scatter [tilespmem:s24], [sflag:$0x7], $0x4000, $0x38;
	[tilespmem:$0x15A00] =	vst v63  }
.Ltmp7:
0x166: {  	_ = 	snop;
	(pc) =	sbr.rel @p1 .LBB2_10-.Ltmp7, $4  }
0x167: {  	s28 =	sld [smem:$0x7FB]  }
0x168: {  	[hbm4b:s22+s5] =	stream.linear.scatter [tilespmem:s24], [sflag:$0x7], $0x4000, $0x38;
	[tilespmem:$0x15A00] =	vst v63  }
0x169: {  	_ = 	snop  }
0x16a: {  	[hbm4b:s28+s5] =	stream.linear.scatter [tilespmem:s24], [sflag:$0x7], $0x4000, $0x38;
	[tilespmem:$0x15A00] =	vst v63  }
0x16b: {  	v8 =	vld [tilespmem:s29+$0x0];
	_ =	sdelay $0x4  }
0x16c: {  	v9 =	vshll.u32 v8, $0x2  }
0x16d: {  	v8 =	vand.u32 $0x7, v8;
	v9 =	vand.u32 $0xFFFFFFE0, v9  }
0x16e: {  	v8 =	vor.u32 v8, v9  }
0x16f: {  	v9 =	vperm.xlane v8, v4;
	_ =	sdelay $0x1  }
0x170: {  	v9 =	vadd.s32 v5, v9;
	_ =	sdelay $0x1  }
0x171: {  	v8 =	vperm.xlane v8, v6;
	_ =	sdelay $0x1  }
0x172: {  	v8 =	vadd.s32 v5, v8  }
0x173: {  	[tilespmem:s25], [sflag:$0x1] =	stream.indirect_vreg.gather [hbm4b:s1+s5], $0x80, v9, vm0, $0xb8;
	[tilespmem:$0x15A00] =	vst v63  }
0x174: {  	s0 =	simm.s32 $0x2180  }
0x175: {  	[tilespmem:s0], [sflag:$0x1] =	stream.indirect_vreg.gather [hbm4b:s16+s5], $0x80, v9, vm0, $0xb8;
	[tilespmem:$0x15A00] =	vst v63  }
0x176: {  	s22 =	simm.s32 $0x2980  }
0x177: {  	[tilespmem:s22], [sflag:$0x1] =	stream.indirect_vreg.gather [hbm4b:s1+s5], $0x80, v8, vm0, $0xb8;
	[tilespmem:$0x15A00] =	vst v63  }
0x178: {  	s28 =	simm.s32 $0x3180  }
0x179: {  	[tilespmem:s28], [sflag:$0x1] =	stream.indirect_vreg.gather [hbm4b:s16+s5], $0x80, v8, vm0, $0xb8;
	[tilespmem:$0x15A00] =	vst v63  }
0x17a: {  	v8 =	vld [tilespmem:s29+$0x10];
	_ =	sdelay $0x4  }
0x17b: {  	v61 =	vshll.u32 v8, $0x2  }
0x17c: {  	v8 =	vand.u32 $0x7, v8;
	v9 =	vand.u32 $0xFFFFFFE0, v61  }
0x17d: {  	v8 =	vor.u32 v8, v9  }
0x17e: {  	v9 =	vperm.xlane v8, v4;
	_ =	sdelay $0x1  }
0x17f: {  	v9 =	vadd.s32 v5, v9;
	_ =	sdelay $0x1  }
0x180: {  	v8 =	vperm.xlane v8, v6;
	_ =	sdelay $0x1  }
0x181: {  	s2 =	simm.s32 $0x3980;
	v8 =	vadd.s32 v5, v8  }
0x182: {  	[tilespmem:s2], [sflag:$0x1] =	stream.indirect_vreg.gather [hbm4b:s1+s5], $0x80, v9, vm0, $0xb8;
	[tilespmem:$0x15A00] =	vst v63  }
0x183: {  	s3 =	simm.s32 $0x4180  }
0x184: {  	[tilespmem:s3], [sflag:$0x1] =	stream.indirect_vreg.gather [hbm4b:s16+s5], $0x80, v9, vm0, $0xb8;
	[tilespmem:$0x15A00] =	vst v63  }
0x185: {  	s7 =	simm.s32 $0x4980  }
0x186: {  	[tilespmem:s7], [sflag:$0x1] =	stream.indirect_vreg.gather [hbm4b:s1+s5], $0x80, v8, vm0, $0xb8;
	[tilespmem:$0x15A00] =	vst v63  }
0x187: {  	s8 =	simm.s32 $0x5180  }
0x188: {  	[tilespmem:s8], [sflag:$0x1] =	stream.indirect_vreg.gather [hbm4b:s16+s5], $0x80, v8, vm0, $0xb8;
	[tilespmem:$0x15A00] =	vst v63  }
0x189: {  	v8 =	vld [tilespmem:s29+$0x880];
	_ =	sdelay $0x4  }
0x18a: {  	v62 =	vshll.u32 v8, $0x2  }
0x18b: {  	v8 =	vand.u32 $0x7, v8;
	v9 =	vand.u32 $0xFFFFFFE0, v62  }
0x18c: {  	v8 =	vor.u32 v8, v9  }
0x18d: {  	v9 =	vperm.xlane v8, v4;
	_ =	sdelay $0x1  }
0x18e: {  	v9 =	vadd.s32 v5, v9;
	_ =	sdelay $0x1  }
0x18f: {  	v8 =	vperm.xlane v8, v6;
	_ =	sdelay $0x1  }
0x190: {  	s9 =	simm.s32 $0x5980;
	v8 =	vadd.s32 v5, v8  }
0x191: {  	[tilespmem:s9], [sflag:$0x2] =	stream.indirect_vreg.gather [hbm4b:s1+s5], $0x80, v9, vm0, $0xb8;
	[tilespmem:$0x15A00] =	vst v63  }
0x192: {  	s10 =	simm.s32 $0x6180  }
0x193: {  	[tilespmem:s10], [sflag:$0x2] =	stream.indirect_vreg.gather [hbm4b:s16+s5], $0x80, v9, vm0, $0xb8;
	[tilespmem:$0x15A00] =	vst v63  }
0x194: {  	s11 =	simm.s32 $0x6980  }
0x195: {  	[tilespmem:s11], [sflag:$0x2] =	stream.indirect_vreg.gather [hbm4b:s1+s5], $0x80, v8, vm0, $0xb8;
	[tilespmem:$0x15A00] =	vst v63  }
0x196: {  	s12 =	simm.s32 $0x7180  }
0x197: {  	[tilespmem:s12], [sflag:$0x2] =	stream.indirect_vreg.gather [hbm4b:s16+s5], $0x80, v8, vm0, $0xb8;
	[tilespmem:$0x15A00] =	vst v63  }
0x198: {  	v8 =	vld [tilespmem:s29+$0x890];
	_ =	sdelay $0x4  }
0x199: {  	v63 =	vshll.u32 v8, $0x2  }
0x19a: {  	v8 =	vand.u32 $0x7, v8;
	v9 =	vand.u32 $0xFFFFFFE0, v63  }
0x19b: {  	v8 =	vor.u32 v8, v9  }
0x19c: {  	v9 =	vperm.xlane v8, v4;
	_ =	sdelay $0x1  }
0x19d: {  	v9 =	vadd.s32 v5, v9;
	_ =	sdelay $0x1  }
0x19e: {  	v8 =	vperm.xlane v8, v6;
	_ =	sdelay $0x1  }
0x19f: {  	s13 =	simm.s32 $0x7980;
	v8 =	vadd.s32 v5, v8  }
0x1a0: {  	[tilespmem:s13], [sflag:$0x2] =	stream.indirect_vreg.gather [hbm4b:s1+s5], $0x80, v9, vm0, $0xb8;
	[tilespmem:$0x15A00] =	vst v63  }
0x1a1: {  	s19 =	simm.s32 $0x8180  }
0x1a2: {  	[tilespmem:s19], [sflag:$0x2] =	stream.indirect_vreg.gather [hbm4b:s16+s5], $0x80, v9, vm0, $0xb8;
	[tilespmem:$0x15A00] =	vst v63  }
0x1a3: {  	s22 =	simm.s32 $0x8980  }
0x1a4: {  	[tilespmem:s22], [sflag:$0x2] =	stream.indirect_vreg.gather [hbm4b:s1+s5], $0x80, v8, vm0, $0xb8;
	[tilespmem:$0x15A00] =	vst v63  }
0x1a5: {  	s28 =	simm.s32 $0x9180  }
0x1a6: {  	[tilespmem:s28], [sflag:$0x2] =	stream.indirect_vreg.gather [hbm4b:s16+s5], $0x80, v8, vm0, $0xb8;
	[tilespmem:$0x15A00] =	vst v63  }
.LBB2_10:
0x1a7: {  	s0 =	sadd.s32 $0x1, s30  }
0x1a8: {  	s2 =	sand.u32 $0x1, s0  }
0x1a9: {  	p1 =	slt.s32 s31, $0x0;
	p2 =	seq.s32 s2, $0x1  }
0x1aa: {  	s28 =	sshrl.u32 s0, $0x1F;
	p1 =	por !p1, !p2  }
0x1ab: {  	s0 =	sadd.s32 s28, s0;
	s2 =	simm.s32 $0x1;
	p1 =	por !p1, !p1  }
0x1ac: {  	s0 =	sshra.s32 s0, $0x1;
	s2 =	simm.s32 @!p1 $0x0  }
0x1ad: {  	s0 =	ssub.s32 s0, s2  }
0x1ae: {  	p1 =	slt.s32 s0, $0x1  }
.Ltmp8:
0x1af: {  	_ = 	snop;
	(pc) =	sbr.rel @!p1 .LBB2_11-.Ltmp8, $2  }
0x1b0: {  	_ =	sdelay $0x2  }
0x1b1: {  	s3 =	simm.s32 $0x0;
	s22 =	smov.u32 s29;
	s2 =	sld [smem:$0x7FD]  }
.LBB2_24:
0x1b2: {  	p1 =	sgt.s32 s31, $0x1  }
.Ltmp9:
0x1b3: {  	_ = 	snop;
	(pc) =	sbr.rel @!p1 .LBB2_25-.Ltmp9, $1  }
0x1b4: {  	_ =	sdelay $0x3  }
0x1b5: {  	_ =	swait.ge [sflag:s15], $0x4000  }
.Ltmp10:
0x1b6: {  	[sflag:s15] =	ssyncset.done $0x0;
	(pc) =	sbr.rel @p0 .LBB2_30-.Ltmp10, $4  }
.Ltmp11:
0x1b7: {  	s0 =	simm.s32 $0x6;
	[sflag:s15] =	ssyncadd.s32 $0xFFFFC000;
	(pc) =	sbr.rel @!p0 .LBB2_27-.Ltmp11, $4  }
0x1b8: {  	_ =	swait.ge [sflag:s0], $0x4000  }
0x1b9: {  	[sflag:s0] =	ssyncset.done $0x0;
	s2 =	sld [smem:$0x7F4]  }
0x1ba: {  	s9 =	simm.s32 $0x15980;
	[sflag:s0] =	ssyncadd.s32 $0xFFFFC000;
	s0 =	sld [smem:$0x7F3]  }
0x1bb: {  	_ = 	snop  }
.LBB2_23:
0x1bc: {  	s3 =	sadd.s32 $0x1, s3  }
0x1bd: {  	p1 =	sne.s32 s3, s0  }
.Ltmp12:
0x1be: {  	_ = 	snop;
	(pc) =	sbr.rel @!p1 .LBB2_24-.Ltmp12, $2  }
0x1bf: {  	_ =	sdelay $0x2  }
0x1c0: {  	s22 =	sadd.s32 $0x80, s22;
	s2 =	sadd.s32 $0x80, s2  }
.LBB2_11:
0x1c1: {  	s8 =	sshll.u32 s3, $0x1  }
0x1c2: {  	p2 =	sge.s32 s8, s30  }
.Ltmp13:
0x1c3: {  	_ = 	snop;
	(pc) =	sbr.rel @p2 .LBB2_17-.Ltmp13, $3  }
0x1c4: {  	_ =	sdelay $0x1  }
0x1c5: {  	s7 =	sshllo.u32 s3, $0x1  }
0x1c6: {  	p1 =	sge.s32 s7, s30  }
.Ltmp14:
0x1c7: {  	(pc) =	sbr.rel @p1 .LBB2_14-.Ltmp14, $1  }
0x1c8: {  	_ =	sdelay $0x3  }
0x1c9: {  	p2 =	seq.s32 s3, $0x0  }
0x1ca: {  	s9 =	simm.s32 @!p2 $0x6  }
0x1cb: {  	_ =	swait.ge @!p2 [sflag:s9], $0x4000  }
0x1cc: {  	s10 =	sshll.u32 s7, $0x6;
	[sflag:s9] =	ssyncset.done @!p2 $0x0  }
0x1cd: {  	[sflag:s9] =	ssyncadd.s32 @!p2 $0xFFFFC000;
	s9 =	sor.u32 s29, s10  }
0x1ce: {  	v8 =	vld [tilespmem:s9+$0x0];
	_ =	sdelay $0x4  }
0x1cf: {  	v9 =	vshll.u32 v8, $0x2  }
0x1d0: {  	v8 =	vand.u32 $0x7, v8;
	v9 =	vand.u32 $0xFFFFFFE0, v9  }
0x1d1: {  	v8 =	vor.u32 v8, v9  }
0x1d2: {  	v9 =	vperm.xlane v8, v4;
	_ =	sdelay $0x1  }
0x1d3: {  	v9 =	vadd.s32 v5, v9;
	_ =	sdelay $0x1  }
0x1d4: {  	v8 =	vperm.xlane v8, v6;
	_ =	sdelay $0x1  }
0x1d5: {  	v8 =	vadd.s32 v5, v8  }
0x1d6: {  	[tilespmem:s14], [sflag:$0x3] =	stream.indirect_vreg.gather [hbm4b:s1+s5], $0x80, v9, vm0, $0xb8;
	[tilespmem:$0x15A00] =	vst v63  }
0x1d7: {  	s11 =	simm.s32 $0xA180  }
0x1d8: {  	[tilespmem:s11], [sflag:$0x3] =	stream.indirect_vreg.gather [hbm4b:s16+s5], $0x80, v9, vm0, $0xb8;
	[tilespmem:$0x15A00] =	vst v63  }
0x1d9: {  	s12 =	simm.s32 $0xA980  }
0x1da: {  	[tilespmem:s12], [sflag:$0x3] =	stream.indirect_vreg.gather [hbm4b:s1+s5], $0x80, v8, vm0, $0xb8;
	[tilespmem:$0x15A00] =	vst v63  }
0x1db: {  	s13 =	simm.s32 $0xB180  }
0x1dc: {  	[tilespmem:s13], [sflag:$0x3] =	stream.indirect_vreg.gather [hbm4b:s16+s5], $0x80, v8, vm0, $0xb8;
	[tilespmem:$0x15A00] =	vst v63  }
0x1dd: {  	v8 =	vld [tilespmem:s9+$0x10];
	_ =	sdelay $0x4  }
0x1de: {  	v61 =	vshll.u32 v8, $0x2  }
0x1df: {  	v8 =	vand.u32 $0x7, v8;
	v9 =	vand.u32 $0xFFFFFFE0, v61  }
0x1e0: {  	v8 =	vor.u32 v8, v9  }
0x1e1: {  	v9 =	vperm.xlane v8, v4;
	_ =	sdelay $0x1  }
0x1e2: {  	v9 =	vadd.s32 v5, v9;
	_ =	sdelay $0x1  }
0x1e3: {  	v8 =	vperm.xlane v8, v6;
	_ =	sdelay $0x1  }
0x1e4: {  	s19 =	simm.s32 $0xB980;
	v8 =	vadd.s32 v5, v8  }
0x1e5: {  	[tilespmem:s19], [sflag:$0x3] =	stream.indirect_vreg.gather [hbm4b:s1+s5], $0x80, v9, vm0, $0xb8;
	[tilespmem:$0x15A00] =	vst v63  }
0x1e6: {  	s28 =	simm.s32 $0xC180  }
0x1e7: {  	[tilespmem:s28], [sflag:$0x3] =	stream.indirect_vreg.gather [hbm4b:s16+s5], $0x80, v9, vm0, $0xb8;
	[tilespmem:$0x15A00] =	vst v63  }
0x1e8: {  	s11 =	simm.s32 $0xC980  }
0x1e9: {  	[tilespmem:s11], [sflag:$0x3] =	stream.indirect_vreg.gather [hbm4b:s1+s5], $0x80, v8, vm0, $0xb8;
	[tilespmem:$0x15A00] =	vst v63  }
0x1ea: {  	s12 =	simm.s32 $0xD180  }
0x1eb: {  	[tilespmem:s12], [sflag:$0x3] =	stream.indirect_vreg.gather [hbm4b:s16+s5], $0x80, v8, vm0, $0xb8;
	[tilespmem:$0x15A00] =	vst v63  }
0x1ec: {  	v8 =	vld [tilespmem:s9+$0x880];
	_ =	sdelay $0x4  }
0x1ed: {  	v62 =	vshll.u32 v8, $0x2  }
0x1ee: {  	v8 =	vand.u32 $0x7, v8;
	v9 =	vand.u32 $0xFFFFFFE0, v62  }
0x1ef: {  	v8 =	vor.u32 v8, v9  }
0x1f0: {  	v9 =	vperm.xlane v8, v4;
	_ =	sdelay $0x1  }
0x1f1: {  	v9 =	vadd.s32 v5, v9;
	_ =	sdelay $0x1  }
0x1f2: {  	v8 =	vperm.xlane v8, v6;
	_ =	sdelay $0x1  }
0x1f3: {  	s13 =	simm.s32 $0xD980;
	v8 =	vadd.s32 v5, v8  }
0x1f4: {  	[tilespmem:s13], [sflag:$0x4] =	stream.indirect_vreg.gather [hbm4b:s1+s5], $0x80, v9, vm0, $0xb8;
	[tilespmem:$0x15A00] =	vst v63  }
0x1f5: {  	s19 =	simm.s32 $0xE180  }
0x1f6: {  	[tilespmem:s19], [sflag:$0x4] =	stream.indirect_vreg.gather [hbm4b:s16+s5], $0x80, v9, vm0, $0xb8;
	[tilespmem:$0x15A00] =	vst v63  }
0x1f7: {  	s28 =	simm.s32 $0xE980  }
0x1f8: {  	[tilespmem:s28], [sflag:$0x4] =	stream.indirect_vreg.gather [hbm4b:s1+s5], $0x80, v8, vm0, $0xb8;
	[tilespmem:$0x15A00] =	vst v63  }
0x1f9: {  	s11 =	simm.s32 $0xF180  }
0x1fa: {  	[tilespmem:s11], [sflag:$0x4] =	stream.indirect_vreg.gather [hbm4b:s16+s5], $0x80, v8, vm0, $0xb8;
	[tilespmem:$0x15A00] =	vst v63  }
0x1fb: {  	v8 =	vld [tilespmem:s9+$0x890];
	_ =	sdelay $0x4  }
0x1fc: {  	v63 =	vshll.u32 v8, $0x2  }
0x1fd: {  	v8 =	vand.u32 $0x7, v8;
	v9 =	vand.u32 $0xFFFFFFE0, v63  }
0x1fe: {  	v8 =	vor.u32 v8, v9  }
0x1ff: {  	v9 =	vperm.xlane v8, v4;
	_ =	sdelay $0x1  }
0x200: {  	v9 =	vadd.s32 v5, v9;
	_ =	sdelay $0x1  }
0x201: {  	v8 =	vperm.xlane v8, v6;
	_ =	sdelay $0x1  }
0x202: {  	s12 =	simm.s32 $0xF980;
	v8 =	vadd.s32 v5, v8  }
0x203: {  	[tilespmem:s12], [sflag:$0x4] =	stream.indirect_vreg.gather [hbm4b:s1+s5], $0x80, v9, vm0, $0xb8;
	[tilespmem:$0x15A00] =	vst v63  }
0x204: {  	s13 =	simm.s32 $0x10180  }
0x205: {  	[tilespmem:s13], [sflag:$0x4] =	stream.indirect_vreg.gather [hbm4b:s16+s5], $0x80, v9, vm0, $0xb8;
	[tilespmem:$0x15A00] =	vst v63  }
0x206: {  	s19 =	simm.s32 $0x10980  }
0x207: {  	[tilespmem:s19], [sflag:$0x4] =	stream.indirect_vreg.gather [hbm4b:s1+s5], $0x80, v8, vm0, $0xb8;
	[tilespmem:$0x15A00] =	vst v63  }
0x208: {  	s28 =	simm.s32 $0x11180  }
0x209: {  	[tilespmem:s28], [sflag:$0x4] =	stream.indirect_vreg.gather [hbm4b:s16+s5], $0x80, v8, vm0, $0xb8;
	[tilespmem:$0x15A00] =	vst v63  }
.LBB2_14:
0x20a: {  	_ =	swait.ge [sflag:s23], $0x4000  }
0x20b: {  	[sflag:s23] =	ssyncset.done $0x0  }
0x20c: {  	[sflag:s23] =	ssyncadd.s32 $0xFFFFC000  }
0x20d: {  	s12 =	simm.s32 $0x0;
	_ =	swait.ge [sflag:s20], $0x4000  }
0x20e: {  	s9 =	sand.u32 $0x3000, s12;
	s10 =	sand.u32 $0x380, s12;
	[sflag:s20] =	ssyncset.done $0x0  }
0x20f: {  	s9 =	sor.u32 s10, s9;
	[sflag:s20] =	ssyncadd.s32 $0xFFFFC000  }
0x210: {  	v8 =	vld [tilespmem:s9+$0x5980]  }
0x211: {  	v35 =	vld [tilespmem:s9+$0x5990]  }
0x212: {  	v38 =	vld [tilespmem:s9+$0x59A0]  }
0x213: {  	v39 =	vld [tilespmem:s9+$0x59B0]  }
0x214: {  	v31 =	vld [tilespmem:s9+$0x59C0]  }
0x215: {  	v22 =	vmov s22;
	v40 =	vld [tilespmem:s9+$0x59D0]  }
0x216: {  	v33 =	vld [tilespmem:s9+$0x59E0]  }
0x217: {  	v32 =	vld [tilespmem:s9+$0x59F0]  }
0x218: {  	v28 =	vld [tilespmem:s9+$0x5D80]  }
0x219: {  	v24 =	vld [tilespmem:s9+$0x5D90]  }
0x21a: {  	v21 =	vld.idx.msk [tilespmem:v22+s21+$0x0], $0xffff  }
0x21b: {  	v23 =	vld [tilespmem:s9+$0x5DA0]  }
0x21c: {  	v20 =	vld [tilespmem:s9+$0x5DB0]  }
0x21d: {  	v19 =	vld [tilespmem:s9+$0x5DC0]  }
0x21e: {  	v18 =	vld [tilespmem:s9+$0x5DD0]  }
0x21f: {  	v17 =	vld [tilespmem:s9+$0x5DE0]  }
0x220: {  	v16 =	vld [tilespmem:s9+$0x5DF0]  }
0x221: {  	v15 =	vld [tilespmem:s9+$0x6180]  }
0x222: {  	v14 =	vld [tilespmem:s9+$0x6190]  }
0x223: {  	v13 =	vld [tilespmem:s9+$0x61A0]  }
0x224: {  	v12 =	vld [tilespmem:s9+$0x61B0]  }
0x225: {  	v11 =	vld [tilespmem:s9+$0x61C0]  }
0x226: {  	s28 =	sshll.u32 s3, $0x7;
	v10 =	vld [tilespmem:s9+$0x61D0]  }
0x227: {  	s13 =	simm.s32 $0x200;
	s11 =	sor.u32 s29, s28;
	s10 =	smov.u32 s22;
	v9 =	vld [tilespmem:s9+$0x61E0]  }
.LBB2_15:
0x228: {  	p2 =	sne.s32 s13, $0x3E00;
	v37 =	vld [tilespmem:s9+$0x61F0]  }
0x229: {  	v36 =	vld [tilespmem:s9+$0x6580]  }
0x22a: {  	v34 =	vld [tilespmem:s9+$0x6590]  }
0x22b: {  	v30 =	vld [tilespmem:s9+$0x65A0]  }
0x22c: {  	v26 =	vld.idx.msk [tilespmem:v22+s5+$0x0], $0xffff  }
0x22d: {  	v29 =	vld [tilespmem:s9+$0x65B0]  }
0x22e: {  	v27 =	vld [tilespmem:s9+$0x65C0]  }
0x22f: {  	v25 =	vld [tilespmem:s9+$0x65D0]  }
0x230: {  	v22 =	vld [tilespmem:s9+$0x65E0]  }
0x231: {  	v41 =	vld [tilespmem:s9+$0x19D0]  }
0x232: {  	vm1 =	vlt.s32 v26, v7;
	v42 =	vld [tilespmem:s9+$0x19B0]  }
0x233: {  	v26 =	vsel vm1, $0x3F800000, v2;
	v43 =	vld [tilespmem:s9+$0x1990]  }
0x234: {  	v21 =	vmul.f32 v26, v21;
	v44 =	vld [tilespmem:s9+$0x19A0]  }
0x235: {  	v45 =	vld [tilespmem:s9+$0x19C0]  }
0x236: {  	v26 =	vsub.f32 v26, v21;
	v38 =	vmul.f32 v38, v21;
	v39 =	vmul.f32 v39, v21;
	v46 =	vld [tilespmem:s9+$0x19E0]  }
0x237: {  	v47 =	vmul.f32 v31, v21;
	v40 =	vmul.f32 v40, v21;
	v31 =	vld [tilespmem:s9+$0x65F0]  }
0x238: {  	v35 =	vmul.f32 v35, v21;
	v43 =	vmul.f32 v43, v26;
	v48 =	vld [tilespmem:s9+$0x19F0]  }
0x239: {  	v42 =	vmul.f32 v42, v26;
	v44 =	vmul.f32 v44, v26;
	v49 =	vld [tilespmem:s9+$0x1D80]  }
0x23a: {  	v41 =	vmul.f32 v41, v26;
	v35 =	vadd.f32 v35, v43;
	v43 =	vmul.f32 v45, v26;
	v45 =	vld [tilespmem:s9+$0x1D90]  }
0x23b: {  	v39 =	vadd.f32 v39, v42;
	v38 =	vadd.f32 v38, v44;
	v42 =	vmul.f32 v46, v26;
	v44 =	vld [tilespmem:s9+$0x1DA0]  }
0x23c: {  	v33 =	vmul.f32 v33, v21;
	v40 =	vadd.f32 v40, v41;
	[tilespmem:s9+$0x1990] =	vst v35;
	v35 =	vadd.f32 v47, v43;
	v41 =	vld [tilespmem:s9+$0x1DB0]  }
0x23d: {  	v32 =	vmul.f32 v32, v21;
	[tilespmem:s9+$0x19A0] =	vst v38;
	v38 =	vmul.f32 v48, v26;
	v43 =	vld [tilespmem:s9+$0x1DC0]  }
0x23e: {  	v28 =	vmul.f32 v28, v21;
	v33 =	vadd.f32 v33, v42;
	[tilespmem:s9+$0x19B0] =	vst v39;
	v39 =	vmul.f32 v49, v26;
	v42 =	vld [tilespmem:s9+$0x1DD0]  }
0x23f: {  	v24 =	vmul.f32 v24, v21;
	[tilespmem:s9+$0x19C0] =	vst v35;
	v32 =	vadd.f32 v32, v38;
	v35 =	vmul.f32 v45, v26;
	v38 =	vld [tilespmem:s9+$0x1DE0]  }
0x240: {  	v23 =	vmul.f32 v23, v21;
	[tilespmem:s9+$0x19D0] =	vst v40;
	v28 =	vadd.f32 v28, v39;
	v39 =	vmul.f32 v44, v26;
	v40 =	vld [tilespmem:s9+$0x1DF0]  }
0x241: {  	v20 =	vmul.f32 v20, v21;
	[tilespmem:s9+$0x19E0] =	vst v33;
	v24 =	vadd.f32 v24, v35;
	v33 =	vmul.f32 v41, v26;
	v35 =	vld [tilespmem:s9+$0x2180]  }
0x242: {  	v19 =	vmul.f32 v19, v21;
	[tilespmem:s9+$0x19F0] =	vst v32;
	v23 =	vadd.f32 v23, v39;
	v32 =	vmul.f32 v43, v26;
	v39 =	vld [tilespmem:s9+$0x2190]  }
0x243: {  	v18 =	vmul.f32 v18, v21;
	[tilespmem:s9+$0x1D80] =	vst v28;
	v20 =	vadd.f32 v20, v33;
	v28 =	vmul.f32 v42, v26;
	v33 =	vld [tilespmem:s9+$0x21A0]  }
0x244: {  	v17 =	vmul.f32 v17, v21;
	[tilespmem:s9+$0x1D90] =	vst v24;
	v19 =	vadd.f32 v19, v32;
	v24 =	vmul.f32 v38, v26;
	v32 =	vld [tilespmem:s9+$0x21B0]  }
0x245: {  	v16 =	vmul.f32 v16, v21;
	[tilespmem:s9+$0x1DA0] =	vst v23;
	v18 =	vadd.f32 v18, v28;
	v23 =	vmul.f32 v40, v26;
	v28 =	vld [tilespmem:s9+$0x21C0]  }
0x246: {  	v15 =	vmul.f32 v15, v21;
	[tilespmem:s9+$0x1DB0] =	vst v20;
	v17 =	vadd.f32 v17, v24;
	v20 =	vmul.f32 v35, v26;
	v24 =	vld [tilespmem:s9+$0x21D0]  }
0x247: {  	v14 =	vmul.f32 v14, v21;
	[tilespmem:s9+$0x1DC0] =	vst v19;
	v16 =	vadd.f32 v16, v23;
	v19 =	vmul.f32 v39, v26;
	v23 =	vld [tilespmem:s9+$0x21E0]  }
0x248: {  	v13 =	vmul.f32 v13, v21;
	[tilespmem:s9+$0x1DD0] =	vst v18;
	v15 =	vadd.f32 v15, v20;
	v18 =	vmul.f32 v33, v26;
	v20 =	vld [tilespmem:s9+$0x21F0]  }
0x249: {  	v12 =	vmul.f32 v12, v21;
	[tilespmem:s9+$0x1DE0] =	vst v17;
	v14 =	vadd.f32 v14, v19;
	v17 =	vmul.f32 v32, v26;
	v19 =	vld [tilespmem:s9+$0x2580]  }
0x24a: {  	v11 =	vmul.f32 v11, v21;
	[tilespmem:s9+$0x1DF0] =	vst v16;
	v13 =	vadd.f32 v13, v18;
	v16 =	vmul.f32 v28, v26;
	v18 =	vld [tilespmem:s9+$0x2590]  }
0x24b: {  	v10 =	vmul.f32 v10, v21;
	[tilespmem:s9+$0x2180] =	vst v15;
	v12 =	vadd.f32 v12, v17;
	v15 =	vmul.f32 v24, v26;
	v17 =	vld [tilespmem:s9+$0x25A0]  }
0x24c: {  	v9 =	vmul.f32 v9, v21;
	[tilespmem:s9+$0x2190] =	vst v14;
	v11 =	vadd.f32 v11, v16;
	v14 =	vmul.f32 v23, v26;
	v16 =	vld [tilespmem:s9+$0x25B0]  }
0x24d: {  	[tilespmem:s9+$0x21A0] =	vst v13;
	v10 =	vadd.f32 v10, v15;
	v13 =	vmul.f32 v20, v26;
	v15 =	vmul.f32 v37, v21;
	v20 =	vld [tilespmem:s9+$0x25C0]  }
0x24e: {  	[tilespmem:s9+$0x21B0] =	vst v12;
	v9 =	vadd.f32 v9, v14;
	v12 =	vmul.f32 v19, v26;
	v14 =	vmul.f32 v36, v21;
	v19 =	vld [tilespmem:s9+$0x25D0]  }
0x24f: {  	s12 =	sadd.s32 $0x80, s12;
	[tilespmem:s9+$0x21C0] =	vst v11;
	v11 =	vadd.f32 v15, v13;
	v13 =	vmul.f32 v18, v26;
	v15 =	vmul.f32 v34, v21;
	v18 =	vld [tilespmem:s9+$0x25E0]  }
0x250: {  	s19 =	sand.u32 $0x3000, s13;
	s28 =	sand.u32 $0x380, s12;
	[tilespmem:s9+$0x21D0] =	vst v10;
	v10 =	vadd.f32 v14, v12;
	v12 =	vmul.f32 v17, v26;
	v14 =	vmul.f32 v30, v21;
	v17 =	vld [tilespmem:s9+$0x25F0]  }
0x251: {  	s19 =	sor.u32 s28, s19;
	v23 =	vld [tilespmem:s9+$0x1980];
	[tilespmem:s9+$0x21E0] =	vst v9;
	v9 =	vadd.f32 v15, v13;
	v13 =	vmul.f32 v16, v26;
	v15 =	vmul.f32 v29, v21  }
0x252: {  	v16 =	vld [tilespmem:s19+$0x5980];
	[tilespmem:s9+$0x21F0] =	vst v11;
	v11 =	vadd.f32 v14, v12;
	v12 =	vmul.f32 v20, v26;
	v14 =	vmul.f32 v27, v21  }
0x253: {  	v35 =	vld [tilespmem:s19+$0x5990];
	[tilespmem:s9+$0x2580] =	vst v10;
	v10 =	vadd.f32 v15, v13;
	v13 =	vmul.f32 v19, v26;
	v15 =	vmul.f32 v25, v21  }
0x254: {  	v38 =	vld [tilespmem:s19+$0x59A0];
	[tilespmem:s9+$0x2590] =	vst v9;
	v9 =	vadd.f32 v14, v12;
	v12 =	vmul.f32 v18, v26;
	v14 =	vmul.f32 v22, v21  }
0x255: {  	v39 =	vld [tilespmem:s19+$0x59B0];
	[tilespmem:s9+$0x25A0] =	vst v11;
	v11 =	vadd.f32 v15, v13;
	v13 =	vmul.f32 v17, v26;
	v15 =	vmul.f32 v31, v21  }
0x256: {  	s10 =	sadd.s32 $0x1, s10;
	v18 =	vmul.f32 v8, v21;
	v31 =	vld [tilespmem:s19+$0x59C0];
	v17 =	vmul.f32 v26, v23;
	[tilespmem:s9+$0x25B0] =	vst v10;
	v10 =	vadd.f32 v14, v12  }
0x257: {  	v22 =	vmov s10;
	v40 =	vld [tilespmem:s19+$0x59D0];
	[tilespmem:s9+$0x25C0] =	vst v9;
	v9 =	vadd.f32 v15, v13;
	v8 =	vmov v16  }
0x258: {  	v33 =	vld [tilespmem:s19+$0x59E0];
	v12 =	vadd.f32 v17, v18;
	[tilespmem:s9+$0x25D0] =	vst v11  }
0x259: {  	v32 =	vld [tilespmem:s19+$0x59F0];
	[tilespmem:s9+$0x25E0] =	vst v10  }
0x25a: {  	v28 =	vld [tilespmem:s19+$0x5D80];
	[tilespmem:s9+$0x25F0] =	vst v9  }
0x25b: {  	v24 =	vld [tilespmem:s19+$0x5D90];
	[tilespmem:s9+$0x1980] =	vst v12;
	s9 =	smov.u32 s19  }
0x25c: {  	v21 =	vld.idx.msk [tilespmem:v22+s21+$0x0], $0xffff  }
0x25d: {  	v23 =	vld [tilespmem:s9+$0x5DA0]  }
0x25e: {  	v20 =	vld [tilespmem:s9+$0x5DB0]  }
0x25f: {  	v19 =	vld [tilespmem:s9+$0x5DC0]  }
0x260: {  	v18 =	vld [tilespmem:s9+$0x5DD0]  }
0x261: {  	v17 =	vld [tilespmem:s9+$0x5DE0]  }
0x262: {  	v16 =	vld [tilespmem:s9+$0x5DF0]  }
0x263: {  	v15 =	vld [tilespmem:s9+$0x6180]  }
0x264: {  	v14 =	vld [tilespmem:s9+$0x6190]  }
.Ltmp15:
0x265: {  	v13 =	vld [tilespmem:s9+$0x61A0];
	(pc) =	sbr.rel @p2 .LBB2_15-.Ltmp15, $4  }
0x266: {  	v12 =	vld [tilespmem:s9+$0x61B0]  }
0x267: {  	v11 =	vld [tilespmem:s9+$0x61C0]  }
0x268: {  	v10 =	vld [tilespmem:s9+$0x61D0]  }
0x269: {  	s13 =	sadd.s32 $0x200, s13;
	v9 =	vld [tilespmem:s9+$0x61E0]  }
0x26a: {  	v41 =	vld [tilespmem:s9+$0x61F0]  }
0x26b: {  	v37 =	vld [tilespmem:s9+$0x6580]  }
0x26c: {  	v36 =	vld [tilespmem:s9+$0x6590]  }
0x26d: {  	v34 =	vld [tilespmem:s9+$0x65A0]  }
0x26e: {  	v26 =	vld.idx.msk [tilespmem:v22+s5+$0x0], $0xffff  }
0x26f: {  	v30 =	vld [tilespmem:s9+$0x65B0]  }
0x270: {  	v27 =	vld [tilespmem:s9+$0x65C0]  }
0x271: {  	v25 =	vld [tilespmem:s9+$0x65D0]  }
0x272: {  	v22 =	vld [tilespmem:s9+$0x65E0]  }
0x273: {  	v42 =	vld [tilespmem:s9+$0x19D0];
	vm1 =	vlt.s32 v26, v7  }
0x274: {  	v43 =	vld [tilespmem:s9+$0x1990];
	v26 =	vsel vm1, $0x3F800000, v2  }
0x275: {  	v44 =	vld [tilespmem:s9+$0x19A0];
	v21 =	vmul.f32 v26, v21  }
0x276: {  	v45 =	vld [tilespmem:s9+$0x19B0]  }
0x277: {  	v46 =	vld [tilespmem:s9+$0x19C0];
	v26 =	vsub.f32 v26, v21  }
0x278: {  	v47 =	vld [tilespmem:s9+$0x19E0]  }
0x279: {  	v29 =	vld [tilespmem:s9+$0x65F0];
	v35 =	vmul.f32 v35, v21;
	v43 =	vmul.f32 v43, v26  }
0x27a: {  	v48 =	vld [tilespmem:s9+$0x19F0];
	v38 =	vmul.f32 v38, v21;
	v44 =	vmul.f32 v44, v26  }
0x27b: {  	v49 =	vld [tilespmem:s9+$0x1D80];
	v39 =	vmul.f32 v39, v21;
	v45 =	vmul.f32 v45, v26;
	v35 =	vadd.f32 v35, v43  }
0x27c: {  	v63 =	vld [tilespmem:s9+$0x1D90];
	v31 =	vmul.f32 v31, v21;
	v62 =	vmul.f32 v46, v26;
	v38 =	vadd.f32 v38, v44  }
0x27d: {  	v50 =	vld [tilespmem:s9+$0x1DA0];
	v40 =	vmul.f32 v40, v21;
	v42 =	vmul.f32 v42, v26;
	v39 =	vadd.f32 v39, v45;
	[tilespmem:s9+$0x1990] =	vst v35  }
0x27e: {  	v52 =	vld [tilespmem:s9+$0x1DB0];
	v33 =	vmul.f32 v33, v21;
	v51 =	vmul.f32 v47, v26;
	v31 =	vadd.f32 v31, v62;
	[tilespmem:s9+$0x19A0] =	vst v38  }
0x27f: {  	v57 =	vld [tilespmem:s9+$0x1DD0];
	v32 =	vmul.f32 v32, v21;
	v54 =	vmul.f32 v48, v26;
	v53 =	vadd.f32 v40, v42;
	[tilespmem:s9+$0x19B0] =	vst v39  }
0x280: {  	v60 =	vld [tilespmem:s9+$0x1DE0];
	v28 =	vmul.f32 v28, v21;
	v56 =	vmul.f32 v49, v26;
	v33 =	vadd.f32 v33, v51;
	[tilespmem:s9+$0x19C0] =	vst v31  }
0x281: {  	v55 =	vld [tilespmem:s9+$0x1DC0];
	v24 =	vmul.f32 v24, v21;
	v59 =	vmul.f32 v63, v26;
	v58 =	vadd.f32 v32, v54;
	[tilespmem:s9+$0x19D0] =	vst v53  }
0x282: {  	v23 =	vmul.f32 v23, v21;
	v61 =	vmul.f32 v50, v26;
	v47 =	vld [tilespmem:s9+$0x21A0];
	v28 =	vadd.f32 v28, v56;
	[tilespmem:s9+$0x19E0] =	vst v33  }
0x283: {  	v20 =	vmul.f32 v20, v21;
	v63 =	vmul.f32 v52, v26;
	v49 =	vld [tilespmem:s9+$0x21B0];
	v24 =	vadd.f32 v24, v59;
	[tilespmem:s9+$0x19F0] =	vst v58  }
0x284: {  	v18 =	vmul.f32 v18, v21;
	v46 =	vmul.f32 v57, v26;
	v57 =	vld [tilespmem:s9+$0x21F0];
	v23 =	vadd.f32 v23, v61;
	[tilespmem:s9+$0x1D80] =	vst v28  }
0x285: {  	v17 =	vmul.f32 v17, v21;
	v48 =	vmul.f32 v60, v26;
	v62 =	vld [tilespmem:s9+$0x1DF0];
	v20 =	vadd.f32 v20, v63;
	[tilespmem:s9+$0x1D90] =	vst v24  }
0x286: {  	v19 =	vmul.f32 v19, v21;
	v43 =	vld [tilespmem:s9+$0x2180];
	v44 =	vmul.f32 v55, v26;
	v18 =	vadd.f32 v18, v46;
	[tilespmem:s9+$0x1DA0] =	vst v23  }
0x287: {  	v13 =	vmul.f32 v13, v21;
	v45 =	vld [tilespmem:s9+$0x2190];
	v17 =	vadd.f32 v17, v48;
	[tilespmem:s9+$0x1DB0] =	vst v20;
	v56 =	vmul.f32 v47, v26  }
0x288: {  	v12 =	vmul.f32 v12, v21;
	v51 =	vld [tilespmem:s9+$0x21C0];
	v19 =	vadd.f32 v19, v44;
	[tilespmem:s9+$0x1DD0] =	vst v18;
	v58 =	vmul.f32 v49, v26  }
0x289: {  	v55 =	vld [tilespmem:s9+$0x21E0];
	v32 =	vmul.f32 v41, v21;
	[tilespmem:s9+$0x1DE0] =	vst v17;
	v31 =	vmul.f32 v57, v26;
	v13 =	vadd.f32 v13, v56  }
0x28a: {  	v16 =	vmul.f32 v16, v21;
	v59 =	vld [tilespmem:s9+$0x2580];
	[tilespmem:s9+$0x1DC0] =	vst v19;
	v50 =	vmul.f32 v62, v26;
	v12 =	vadd.f32 v12, v58  }
0x28b: {  	v15 =	vmul.f32 v15, v21;
	v61 =	vld [tilespmem:s9+$0x2590];
	v52 =	vmul.f32 v43, v26;
	v40 =	vadd.f32 v32, v31;
	[tilespmem:s9+$0x21A0] =	vst v13  }
0x28c: {  	v14 =	vmul.f32 v14, v21;
	v63 =	vld [tilespmem:s9+$0x25A0];
	v54 =	vmul.f32 v45, v26;
	v16 =	vadd.f32 v16, v50;
	[tilespmem:s9+$0x21B0] =	vst v12  }
0x28d: {  	v11 =	vmul.f32 v11, v21;
	v53 =	vld [tilespmem:s9+$0x21D0];
	v60 =	vmul.f32 v51, v26;
	v15 =	vadd.f32 v15, v52;
	[tilespmem:s9+$0x21F0] =	vst v40  }
0x28e: {  	v9 =	vmul.f32 v9, v21;
	v28 =	vld [tilespmem:s9+$0x25B0];
	v24 =	vmul.f32 v55, v26;
	v14 =	vadd.f32 v14, v54;
	[tilespmem:s9+$0x1DF0] =	vst v16  }
0x28f: {  	v33 =	vld [tilespmem:s9+$0x25C0];
	v38 =	vmul.f32 v37, v21;
	v35 =	vmul.f32 v59, v26;
	v11 =	vadd.f32 v11, v60;
	[tilespmem:s9+$0x2180] =	vst v15  }
0x290: {  	v42 =	vmul.f32 v36, v21;
	v39 =	vld [tilespmem:s9+$0x25D0];
	v41 =	vmul.f32 v61, v26;
	v9 =	vadd.f32 v9, v24;
	[tilespmem:s9+$0x2190] =	vst v14  }
0x291: {  	v46 =	vmul.f32 v34, v21;
	v47 =	vld [tilespmem:s9+$0x25F0];
	v45 =	vmul.f32 v63, v26;
	v44 =	vadd.f32 v38, v35;
	[tilespmem:s9+$0x21C0] =	vst v11  }
0x292: {  	v10 =	vmul.f32 v10, v21;
	v48 =	vld [tilespmem:s9+$0x1980];
	v62 =	vmul.f32 v53, v26;
	v13 =	vadd.f32 v42, v41;
	[tilespmem:s9+$0x21E0] =	vst v9  }
0x293: {  	v43 =	vld [tilespmem:s9+$0x25E0];
	v49 =	vmul.f32 v28, v26;
	v50 =	vmul.f32 v30, v21;
	v51 =	vadd.f32 v46, v45;
	[tilespmem:s9+$0x2580] =	vst v44  }
0x294: {  	v52 =	vmul.f32 v33, v26;
	v53 =	vmul.f32 v27, v21;
	v10 =	vadd.f32 v10, v62;
	[tilespmem:s9+$0x2590] =	vst v13  }
0x295: {  	v56 =	vmul.f32 v25, v21;
	v55 =	vmul.f32 v39, v26;
	v54 =	vadd.f32 v50, v49;
	[tilespmem:s9+$0x25A0] =	vst v51  }
0x296: {  	v61 =	vmul.f32 v29, v21;
	v60 =	vmul.f32 v47, v26;
	v12 =	vadd.f32 v53, v52;
	[tilespmem:s9+$0x21D0] =	vst v10  }
0x297: {  	v8 =	vmul.f32 v8, v21;
	v59 =	vadd.f32 v56, v55;
	v9 =	vmul.f32 v26, v48;
	[tilespmem:s9+$0x25B0] =	vst v54  }
0x298: {  	v58 =	vmul.f32 v22, v21;
	v57 =	vmul.f32 v43, v26;
	v63 =	vadd.f32 v61, v60;
	[tilespmem:s9+$0x25C0] =	vst v12  }
0x299: {  	[tilespmem:s9+$0x25D0] =	vst v59;
	v8 =	vadd.f32 v9, v8  }
0x29a: {  	s10 =	sadd.s32 s6, s11;
	v62 =	vadd.f32 v58, v57;
	[tilespmem:s9+$0x25F0] =	vst v63  }
0x29b: {  	s10 =	sshll.u32 s10, $0x6;
	[tilespmem:s9+$0x1980] =	vst v8  }
0x29c: {  	s28 =	sadd.s32 s4, s10;
	[tilespmem:s9+$0x25E0] =	vst v62  }
0x29d: {  	[hbm4b:s28+s5] =	stream.linear.scatter [tilespmem:s25], [sflag:$0x5], $0x4000, $0x38;
	[tilespmem:$0x15A00] =	vst v63  }
.LBB2_17:
.Ltmp16:
0x29e: {  	(pc) =	sbr.rel @p1 .LBB2_23-.Ltmp16, $1  }
0x29f: {  	_ =	sdelay $0x3  }
0x2a0: {  	s8 =	sadd.s32 $0x2, s8  }
0x2a1: {  	p1 =	sge.s32 s8, s30  }
.Ltmp17:
0x2a2: {  	_ = 	snop;
	(pc) =	sbr.rel @p1 .LBB2_20-.Ltmp17, $1  }
0x2a3: {  	_ =	sdelay $0x3  }
0x2a4: {  	_ =	swait.ge [sflag:s15], $0x4000  }
0x2a5: {  	s8 =	sshll.u32 s8, $0x6;
	[sflag:s15] =	ssyncset.done $0x0  }
0x2a6: {  	s8 =	sor.u32 s29, s8;
	[sflag:s15] =	ssyncadd.s32 $0xFFFFC000  }
0x2a7: {  	v8 =	vld [tilespmem:s8+$0x0];
	_ =	sdelay $0x4  }
0x2a8: {  	v9 =	vshll.u32 v8, $0x2  }
0x2a9: {  	v8 =	vand.u32 $0x7, v8;
	v9 =	vand.u32 $0xFFFFFFE0, v9  }
0x2aa: {  	v8 =	vor.u32 v8, v9  }
0x2ab: {  	v9 =	vperm.xlane v8, v4;
	_ =	sdelay $0x1  }
0x2ac: {  	v9 =	vadd.s32 v5, v9;
	_ =	sdelay $0x1  }
0x2ad: {  	v8 =	vperm.xlane v8, v6;
	_ =	sdelay $0x1  }
0x2ae: {  	v8 =	vadd.s32 v5, v8  }
0x2af: {  	[tilespmem:s25], [sflag:$0x1] =	stream.indirect_vreg.gather [hbm4b:s1+s5], $0x80, v9, vm0, $0xb8;
	[tilespmem:$0x15A00] =	vst v63  }
0x2b0: {  	s9 =	simm.s32 $0x2180  }
0x2b1: {  	[tilespmem:s9], [sflag:$0x1] =	stream.indirect_vreg.gather [hbm4b:s16+s5], $0x80, v9, vm0, $0xb8;
	[tilespmem:$0x15A00] =	vst v63  }
0x2b2: {  	s19 =	simm.s32 $0x2980  }
0x2b3: {  	[tilespmem:s19], [sflag:$0x1] =	stream.indirect_vreg.gather [hbm4b:s1+s5], $0x80, v8, vm0, $0xb8;
	[tilespmem:$0x15A00] =	vst v63  }
0x2b4: {  	s28 =	simm.s32 $0x3180  }
0x2b5: {  	[tilespmem:s28], [sflag:$0x1] =	stream.indirect_vreg.gather [hbm4b:s16+s5], $0x80, v8, vm0, $0xb8;
	[tilespmem:$0x15A00] =	vst v63  }
0x2b6: {  	v8 =	vld [tilespmem:s8+$0x10];
	_ =	sdelay $0x4  }
0x2b7: {  	v61 =	vshll.u32 v8, $0x2  }
0x2b8: {  	v8 =	vand.u32 $0x7, v8;
	v9 =	vand.u32 $0xFFFFFFE0, v61  }
0x2b9: {  	v8 =	vor.u32 v8, v9  }
0x2ba: {  	v9 =	vperm.xlane v8, v4;
	_ =	sdelay $0x1  }
0x2bb: {  	v9 =	vadd.s32 v5, v9;
	_ =	sdelay $0x1  }
0x2bc: {  	v8 =	vperm.xlane v8, v6;
	_ =	sdelay $0x1  }
0x2bd: {  	s10 =	simm.s32 $0x3980;
	v8 =	vadd.s32 v5, v8  }
0x2be: {  	[tilespmem:s10], [sflag:$0x1] =	stream.indirect_vreg.gather [hbm4b:s1+s5], $0x80, v9, vm0, $0xb8;
	[tilespmem:$0x15A00] =	vst v63  }
0x2bf: {  	s11 =	simm.s32 $0x4180  }
0x2c0: {  	[tilespmem:s11], [sflag:$0x1] =	stream.indirect_vreg.gather [hbm4b:s16+s5], $0x80, v9, vm0, $0xb8;
	[tilespmem:$0x15A00] =	vst v63  }
0x2c1: {  	s12 =	simm.s32 $0x4980  }
0x2c2: {  	[tilespmem:s12], [sflag:$0x1] =	stream.indirect_vreg.gather [hbm4b:s1+s5], $0x80, v8, vm0, $0xb8;
	[tilespmem:$0x15A00] =	vst v63  }
0x2c3: {  	s13 =	simm.s32 $0x5180  }
0x2c4: {  	[tilespmem:s13], [sflag:$0x1] =	stream.indirect_vreg.gather [hbm4b:s16+s5], $0x80, v8, vm0, $0xb8;
	[tilespmem:$0x15A00] =	vst v63  }
0x2c5: {  	v8 =	vld [tilespmem:s8+$0x880];
	_ =	sdelay $0x4  }
0x2c6: {  	v62 =	vshll.u32 v8, $0x2  }
0x2c7: {  	v8 =	vand.u32 $0x7, v8;
	v9 =	vand.u32 $0xFFFFFFE0, v62  }
0x2c8: {  	v8 =	vor.u32 v8, v9  }
0x2c9: {  	v9 =	vperm.xlane v8, v4;
	_ =	sdelay $0x1  }
0x2ca: {  	v9 =	vadd.s32 v5, v9;
	_ =	sdelay $0x1  }
0x2cb: {  	v8 =	vperm.xlane v8, v6;
	_ =	sdelay $0x1  }
0x2cc: {  	s19 =	simm.s32 $0x5980;
	v8 =	vadd.s32 v5, v8  }
0x2cd: {  	[tilespmem:s19], [sflag:$0x2] =	stream.indirect_vreg.gather [hbm4b:s1+s5], $0x80, v9, vm0, $0xb8;
	[tilespmem:$0x15A00] =	vst v63  }
0x2ce: {  	s28 =	simm.s32 $0x6180  }
0x2cf: {  	[tilespmem:s28], [sflag:$0x2] =	stream.indirect_vreg.gather [hbm4b:s16+s5], $0x80, v9, vm0, $0xb8;
	[tilespmem:$0x15A00] =	vst v63  }
0x2d0: {  	s10 =	simm.s32 $0x6980  }
0x2d1: {  	[tilespmem:s10], [sflag:$0x2] =	stream.indirect_vreg.gather [hbm4b:s1+s5], $0x80, v8, vm0, $0xb8;
	[tilespmem:$0x15A00] =	vst v63  }
0x2d2: {  	s11 =	simm.s32 $0x7180  }
0x2d3: {  	[tilespmem:s11], [sflag:$0x2] =	stream.indirect_vreg.gather [hbm4b:s16+s5], $0x80, v8, vm0, $0xb8;
	[tilespmem:$0x15A00] =	vst v63  }
0x2d4: {  	v8 =	vld [tilespmem:s8+$0x890];
	_ =	sdelay $0x4  }
0x2d5: {  	v63 =	vshll.u32 v8, $0x2  }
0x2d6: {  	v8 =	vand.u32 $0x7, v8;
	v9 =	vand.u32 $0xFFFFFFE0, v63  }
0x2d7: {  	v8 =	vor.u32 v8, v9  }
0x2d8: {  	v9 =	vperm.xlane v8, v4;
	_ =	sdelay $0x1  }
0x2d9: {  	v9 =	vadd.s32 v5, v9;
	_ =	sdelay $0x1  }
0x2da: {  	v8 =	vperm.xlane v8, v6;
	_ =	sdelay $0x1  }
0x2db: {  	s12 =	simm.s32 $0x7980;
	v8 =	vadd.s32 v5, v8  }
0x2dc: {  	[tilespmem:s12], [sflag:$0x2] =	stream.indirect_vreg.gather [hbm4b:s1+s5], $0x80, v9, vm0, $0xb8;
	[tilespmem:$0x15A00] =	vst v63  }
0x2dd: {  	s13 =	simm.s32 $0x8180  }
0x2de: {  	[tilespmem:s13], [sflag:$0x2] =	stream.indirect_vreg.gather [hbm4b:s16+s5], $0x80, v9, vm0, $0xb8;
	[tilespmem:$0x15A00] =	vst v63  }
0x2df: {  	s19 =	simm.s32 $0x8980  }
0x2e0: {  	[tilespmem:s19], [sflag:$0x2] =	stream.indirect_vreg.gather [hbm4b:s1+s5], $0x80, v8, vm0, $0xb8;
	[tilespmem:$0x15A00] =	vst v63  }
0x2e1: {  	s28 =	simm.s32 $0x9180  }
0x2e2: {  	[tilespmem:s28], [sflag:$0x2] =	stream.indirect_vreg.gather [hbm4b:s16+s5], $0x80, v8, vm0, $0xb8;
	[tilespmem:$0x15A00] =	vst v63  }
.LBB2_20:
0x2e3: {  	_ =	swait.ge [sflag:s17], $0x4000  }
0x2e4: {  	[sflag:s17] =	ssyncset.done $0x0  }
0x2e5: {  	[sflag:s17] =	ssyncadd.s32 $0xFFFFC000  }
0x2e6: {  	s9 =	simm.s32 $0x0;
	_ =	swait.ge [sflag:s18], $0x4000  }
0x2e7: {  	s8 =	sand.u32 $0x3000, s9;
	s10 =	sand.u32 $0x380, s9;
	[sflag:s18] =	ssyncset.done $0x0  }
0x2e8: {  	s8 =	sor.u32 s10, s8;
	[sflag:s18] =	ssyncadd.s32 $0xFFFFC000  }
0x2e9: {  	v8 =	vld [tilespmem:s8+$0xD980]  }
0x2ea: {  	v35 =	vld [tilespmem:s8+$0xD990]  }
0x2eb: {  	v38 =	vld [tilespmem:s8+$0xD9A0]  }
0x2ec: {  	v39 =	vld [tilespmem:s8+$0xD9B0]  }
0x2ed: {  	v31 =	vld [tilespmem:s8+$0xD9C0]  }
0x2ee: {  	v22 =	vmov s2;
	v40 =	vld [tilespmem:s8+$0xD9D0]  }
0x2ef: {  	v33 =	vld [tilespmem:s8+$0xD9E0]  }
0x2f0: {  	v32 =	vld [tilespmem:s8+$0xD9F0]  }
0x2f1: {  	v28 =	vld [tilespmem:s8+$0xDD80]  }
0x2f2: {  	v24 =	vld [tilespmem:s8+$0xDD90]  }
0x2f3: {  	v21 =	vld.idx.msk [tilespmem:v22+s21+$0x0], $0xffff  }
0x2f4: {  	v23 =	vld [tilespmem:s8+$0xDDA0]  }
0x2f5: {  	v20 =	vld [tilespmem:s8+$0xDDB0]  }
0x2f6: {  	v19 =	vld [tilespmem:s8+$0xDDC0]  }
0x2f7: {  	v18 =	vld [tilespmem:s8+$0xDDD0]  }
0x2f8: {  	v17 =	vld [tilespmem:s8+$0xDDE0]  }
0x2f9: {  	v16 =	vld [tilespmem:s8+$0xDDF0]  }
0x2fa: {  	v15 =	vld [tilespmem:s8+$0xE180]  }
0x2fb: {  	v14 =	vld [tilespmem:s8+$0xE190]  }
0x2fc: {  	v13 =	vld [tilespmem:s8+$0xE1A0]  }
0x2fd: {  	v12 =	vld [tilespmem:s8+$0xE1B0]  }
0x2fe: {  	v11 =	vld [tilespmem:s8+$0xE1C0]  }
0x2ff: {  	s7 =	sshll.u32 s7, $0x6;
	v10 =	vld [tilespmem:s8+$0xE1D0]  }
0x300: {  	s11 =	simm.s32 $0x200;
	s7 =	sor.u32 s29, s7;
	s10 =	smov.u32 s2;
	v9 =	vld [tilespmem:s8+$0xE1E0]  }
.LBB2_21:
0x301: {  	p1 =	sne.s32 s11, $0x3E00;
	v37 =	vld [tilespmem:s8+$0xE1F0]  }
0x302: {  	v36 =	vld [tilespmem:s8+$0xE580]  }
0x303: {  	v34 =	vld [tilespmem:s8+$0xE590]  }
0x304: {  	v30 =	vld [tilespmem:s8+$0xE5A0]  }
0x305: {  	v26 =	vld.idx.msk [tilespmem:v22+s5+$0x0], $0xffff  }
0x306: {  	v29 =	vld [tilespmem:s8+$0xE5B0]  }
0x307: {  	v27 =	vld [tilespmem:s8+$0xE5C0]  }
0x308: {  	v25 =	vld [tilespmem:s8+$0xE5D0]  }
0x309: {  	v22 =	vld [tilespmem:s8+$0xE5E0]  }
0x30a: {  	v41 =	vld [tilespmem:s8+$0x99D0]  }
0x30b: {  	vm1 =	vlt.s32 v26, v7;
	v42 =	vld [tilespmem:s8+$0x99B0]  }
0x30c: {  	v26 =	vsel vm1, $0x3F800000, v2;
	v43 =	vld [tilespmem:s8+$0x9990]  }
0x30d: {  	v21 =	vmul.f32 v26, v21;
	v44 =	vld [tilespmem:s8+$0x99A0]  }
0x30e: {  	v45 =	vld [tilespmem:s8+$0x99C0]  }
0x30f: {  	v26 =	vsub.f32 v26, v21;
	v38 =	vmul.f32 v38, v21;
	v39 =	vmul.f32 v39, v21;
	v46 =	vld [tilespmem:s8+$0x99E0]  }
0x310: {  	v47 =	vmul.f32 v31, v21;
	v40 =	vmul.f32 v40, v21;
	v31 =	vld [tilespmem:s8+$0xE5F0]  }
0x311: {  	v35 =	vmul.f32 v35, v21;
	v43 =	vmul.f32 v43, v26;
	v48 =	vld [tilespmem:s8+$0x99F0]  }
0x312: {  	v42 =	vmul.f32 v42, v26;
	v44 =	vmul.f32 v44, v26;
	v49 =	vld [tilespmem:s8+$0x9D80]  }
0x313: {  	v41 =	vmul.f32 v41, v26;
	v35 =	vadd.f32 v35, v43;
	v43 =	vmul.f32 v45, v26;
	v45 =	vld [tilespmem:s8+$0x9D90]  }
0x314: {  	v39 =	vadd.f32 v39, v42;
	v38 =	vadd.f32 v38, v44;
	v42 =	vmul.f32 v46, v26;
	v44 =	vld [tilespmem:s8+$0x9DA0]  }
0x315: {  	v33 =	vmul.f32 v33, v21;
	v40 =	vadd.f32 v40, v41;
	[tilespmem:s8+$0x9990] =	vst v35;
	v35 =	vadd.f32 v47, v43;
	v41 =	vld [tilespmem:s8+$0x9DB0]  }
0x316: {  	v32 =	vmul.f32 v32, v21;
	[tilespmem:s8+$0x99A0] =	vst v38;
	v38 =	vmul.f32 v48, v26;
	v43 =	vld [tilespmem:s8+$0x9DC0]  }
0x317: {  	v28 =	vmul.f32 v28, v21;
	v33 =	vadd.f32 v33, v42;
	[tilespmem:s8+$0x99B0] =	vst v39;
	v39 =	vmul.f32 v49, v26;
	v42 =	vld [tilespmem:s8+$0x9DD0]  }
0x318: {  	v24 =	vmul.f32 v24, v21;
	[tilespmem:s8+$0x99C0] =	vst v35;
	v32 =	vadd.f32 v32, v38;
	v35 =	vmul.f32 v45, v26;
	v38 =	vld [tilespmem:s8+$0x9DE0]  }
0x319: {  	v23 =	vmul.f32 v23, v21;
	[tilespmem:s8+$0x99D0] =	vst v40;
	v28 =	vadd.f32 v28, v39;
	v39 =	vmul.f32 v44, v26;
	v40 =	vld [tilespmem:s8+$0x9DF0]  }
0x31a: {  	v20 =	vmul.f32 v20, v21;
	[tilespmem:s8+$0x99E0] =	vst v33;
	v24 =	vadd.f32 v24, v35;
	v33 =	vmul.f32 v41, v26;
	v35 =	vld [tilespmem:s8+$0xA180]  }
0x31b: {  	v19 =	vmul.f32 v19, v21;
	[tilespmem:s8+$0x99F0] =	vst v32;
	v23 =	vadd.f32 v23, v39;
	v32 =	vmul.f32 v43, v26;
	v39 =	vld [tilespmem:s8+$0xA190]  }
0x31c: {  	v18 =	vmul.f32 v18, v21;
	[tilespmem:s8+$0x9D80] =	vst v28;
	v20 =	vadd.f32 v20, v33;
	v28 =	vmul.f32 v42, v26;
	v33 =	vld [tilespmem:s8+$0xA1A0]  }
0x31d: {  	v17 =	vmul.f32 v17, v21;
	[tilespmem:s8+$0x9D90] =	vst v24;
	v19 =	vadd.f32 v19, v32;
	v24 =	vmul.f32 v38, v26;
	v32 =	vld [tilespmem:s8+$0xA1B0]  }
0x31e: {  	v16 =	vmul.f32 v16, v21;
	[tilespmem:s8+$0x9DA0] =	vst v23;
	v18 =	vadd.f32 v18, v28;
	v23 =	vmul.f32 v40, v26;
	v28 =	vld [tilespmem:s8+$0xA1C0]  }
0x31f: {  	v15 =	vmul.f32 v15, v21;
	[tilespmem:s8+$0x9DB0] =	vst v20;
	v17 =	vadd.f32 v17, v24;
	v20 =	vmul.f32 v35, v26;
	v24 =	vld [tilespmem:s8+$0xA1D0]  }
0x320: {  	v14 =	vmul.f32 v14, v21;
	[tilespmem:s8+$0x9DC0] =	vst v19;
	v16 =	vadd.f32 v16, v23;
	v19 =	vmul.f32 v39, v26;
	v23 =	vld [tilespmem:s8+$0xA1E0]  }
0x321: {  	v13 =	vmul.f32 v13, v21;
	[tilespmem:s8+$0x9DD0] =	vst v18;
	v15 =	vadd.f32 v15, v20;
	v18 =	vmul.f32 v33, v26;
	v20 =	vld [tilespmem:s8+$0xA1F0]  }
0x322: {  	v12 =	vmul.f32 v12, v21;
	[tilespmem:s8+$0x9DE0] =	vst v17;
	v14 =	vadd.f32 v14, v19;
	v17 =	vmul.f32 v32, v26;
	v19 =	vld [tilespmem:s8+$0xA580]  }
0x323: {  	v11 =	vmul.f32 v11, v21;
	[tilespmem:s8+$0x9DF0] =	vst v16;
	v13 =	vadd.f32 v13, v18;
	v16 =	vmul.f32 v28, v26;
	v18 =	vld [tilespmem:s8+$0xA590]  }
0x324: {  	v10 =	vmul.f32 v10, v21;
	[tilespmem:s8+$0xA180] =	vst v15;
	v12 =	vadd.f32 v12, v17;
	v15 =	vmul.f32 v24, v26;
	v17 =	vld [tilespmem:s8+$0xA5A0]  }
0x325: {  	v9 =	vmul.f32 v9, v21;
	[tilespmem:s8+$0xA190] =	vst v14;
	v11 =	vadd.f32 v11, v16;
	v14 =	vmul.f32 v23, v26;
	v16 =	vld [tilespmem:s8+$0xA5B0]  }
0x326: {  	[tilespmem:s8+$0xA1A0] =	vst v13;
	v10 =	vadd.f32 v10, v15;
	v13 =	vmul.f32 v20, v26;
	v15 =	vmul.f32 v37, v21;
	v20 =	vld [tilespmem:s8+$0xA5C0]  }
0x327: {  	[tilespmem:s8+$0xA1B0] =	vst v12;
	v9 =	vadd.f32 v9, v14;
	v12 =	vmul.f32 v19, v26;
	v14 =	vmul.f32 v36, v21;
	v19 =	vld [tilespmem:s8+$0xA5D0]  }
0x328: {  	s9 =	sadd.s32 $0x80, s9;
	[tilespmem:s8+$0xA1C0] =	vst v11;
	v11 =	vadd.f32 v15, v13;
	v13 =	vmul.f32 v18, v26;
	v15 =	vmul.f32 v34, v21;
	v18 =	vld [tilespmem:s8+$0xA5E0]  }
0x329: {  	s12 =	sand.u32 $0x3000, s11;
	s13 =	sand.u32 $0x380, s9;
	[tilespmem:s8+$0xA1D0] =	vst v10;
	v10 =	vadd.f32 v14, v12;
	v12 =	vmul.f32 v17, v26;
	v14 =	vmul.f32 v30, v21;
	v17 =	vld [tilespmem:s8+$0xA5F0]  }
0x32a: {  	s12 =	sor.u32 s13, s12;
	v23 =	vld [tilespmem:s8+$0x9980];
	[tilespmem:s8+$0xA1E0] =	vst v9;
	v9 =	vadd.f32 v15, v13;
	v13 =	vmul.f32 v16, v26;
	v15 =	vmul.f32 v29, v21  }
0x32b: {  	v16 =	vld [tilespmem:s12+$0xD980];
	[tilespmem:s8+$0xA1F0] =	vst v11;
	v11 =	vadd.f32 v14, v12;
	v12 =	vmul.f32 v20, v26;
	v14 =	vmul.f32 v27, v21  }
0x32c: {  	v35 =	vld [tilespmem:s12+$0xD990];
	[tilespmem:s8+$0xA580] =	vst v10;
	v10 =	vadd.f32 v15, v13;
	v13 =	vmul.f32 v19, v26;
	v15 =	vmul.f32 v25, v21  }
0x32d: {  	v38 =	vld [tilespmem:s12+$0xD9A0];
	[tilespmem:s8+$0xA590] =	vst v9;
	v9 =	vadd.f32 v14, v12;
	v12 =	vmul.f32 v18, v26;
	v14 =	vmul.f32 v22, v21  }
0x32e: {  	v39 =	vld [tilespmem:s12+$0xD9B0];
	[tilespmem:s8+$0xA5A0] =	vst v11;
	v11 =	vadd.f32 v15, v13;
	v13 =	vmul.f32 v17, v26;
	v15 =	vmul.f32 v31, v21  }
0x32f: {  	s10 =	sadd.s32 $0x1, s10;
	v18 =	vmul.f32 v8, v21;
	v31 =	vld [tilespmem:s12+$0xD9C0];
	v17 =	vmul.f32 v26, v23;
	[tilespmem:s8+$0xA5B0] =	vst v10;
	v10 =	vadd.f32 v14, v12  }
0x330: {  	v22 =	vmov s10;
	v40 =	vld [tilespmem:s12+$0xD9D0];
	[tilespmem:s8+$0xA5C0] =	vst v9;
	v9 =	vadd.f32 v15, v13;
	v8 =	vmov v16  }
0x331: {  	v33 =	vld [tilespmem:s12+$0xD9E0];
	v12 =	vadd.f32 v17, v18;
	[tilespmem:s8+$0xA5D0] =	vst v11  }
0x332: {  	v32 =	vld [tilespmem:s12+$0xD9F0];
	[tilespmem:s8+$0xA5E0] =	vst v10  }
0x333: {  	v28 =	vld [tilespmem:s12+$0xDD80];
	[tilespmem:s8+$0xA5F0] =	vst v9  }
0x334: {  	v24 =	vld [tilespmem:s12+$0xDD90];
	[tilespmem:s8+$0x9980] =	vst v12;
	s8 =	smov.u32 s12  }
0x335: {  	v21 =	vld.idx.msk [tilespmem:v22+s21+$0x0], $0xffff  }
0x336: {  	v23 =	vld [tilespmem:s8+$0xDDA0]  }
0x337: {  	v20 =	vld [tilespmem:s8+$0xDDB0]  }
0x338: {  	v19 =	vld [tilespmem:s8+$0xDDC0]  }
0x339: {  	v18 =	vld [tilespmem:s8+$0xDDD0]  }
0x33a: {  	v17 =	vld [tilespmem:s8+$0xDDE0]  }
0x33b: {  	v16 =	vld [tilespmem:s8+$0xDDF0]  }
0x33c: {  	v15 =	vld [tilespmem:s8+$0xE180]  }
0x33d: {  	v14 =	vld [tilespmem:s8+$0xE190]  }
.Ltmp18:
0x33e: {  	v13 =	vld [tilespmem:s8+$0xE1A0];
	(pc) =	sbr.rel @p1 .LBB2_21-.Ltmp18, $4  }
0x33f: {  	v12 =	vld [tilespmem:s8+$0xE1B0]  }
0x340: {  	v11 =	vld [tilespmem:s8+$0xE1C0]  }
0x341: {  	v10 =	vld [tilespmem:s8+$0xE1D0]  }
0x342: {  	s11 =	sadd.s32 $0x200, s11;
	v9 =	vld [tilespmem:s8+$0xE1E0]  }
0x343: {  	v41 =	vld [tilespmem:s8+$0xE1F0]  }
0x344: {  	v37 =	vld [tilespmem:s8+$0xE580]  }
0x345: {  	v36 =	vld [tilespmem:s8+$0xE590]  }
0x346: {  	v34 =	vld [tilespmem:s8+$0xE5A0]  }
0x347: {  	v26 =	vld.idx.msk [tilespmem:v22+s5+$0x0], $0xffff  }
0x348: {  	v30 =	vld [tilespmem:s8+$0xE5B0]  }
0x349: {  	v27 =	vld [tilespmem:s8+$0xE5C0]  }
0x34a: {  	v25 =	vld [tilespmem:s8+$0xE5D0]  }
0x34b: {  	v22 =	vld [tilespmem:s8+$0xE5E0]  }
0x34c: {  	v42 =	vld [tilespmem:s8+$0x99D0];
	vm1 =	vlt.s32 v26, v7  }
0x34d: {  	v43 =	vld [tilespmem:s8+$0x9990];
	v26 =	vsel vm1, $0x3F800000, v2  }
0x34e: {  	v44 =	vld [tilespmem:s8+$0x99A0];
	v21 =	vmul.f32 v26, v21  }
0x34f: {  	v45 =	vld [tilespmem:s8+$0x99B0]  }
0x350: {  	v46 =	vld [tilespmem:s8+$0x99C0];
	v26 =	vsub.f32 v26, v21  }
0x351: {  	v47 =	vld [tilespmem:s8+$0x99E0]  }
0x352: {  	v29 =	vld [tilespmem:s8+$0xE5F0];
	v35 =	vmul.f32 v35, v21;
	v43 =	vmul.f32 v43, v26  }
0x353: {  	v48 =	vld [tilespmem:s8+$0x99F0];
	v38 =	vmul.f32 v38, v21;
	v44 =	vmul.f32 v44, v26  }
0x354: {  	v49 =	vld [tilespmem:s8+$0x9D80];
	v39 =	vmul.f32 v39, v21;
	v45 =	vmul.f32 v45, v26;
	v35 =	vadd.f32 v35, v43  }
0x355: {  	v63 =	vld [tilespmem:s8+$0x9D90];
	v31 =	vmul.f32 v31, v21;
	v62 =	vmul.f32 v46, v26;
	v38 =	vadd.f32 v38, v44  }
0x356: {  	v50 =	vld [tilespmem:s8+$0x9DA0];
	v40 =	vmul.f32 v40, v21;
	v42 =	vmul.f32 v42, v26;
	v39 =	vadd.f32 v39, v45;
	[tilespmem:s8+$0x9990] =	vst v35  }
0x357: {  	v52 =	vld [tilespmem:s8+$0x9DB0];
	v33 =	vmul.f32 v33, v21;
	v51 =	vmul.f32 v47, v26;
	v31 =	vadd.f32 v31, v62;
	[tilespmem:s8+$0x99A0] =	vst v38  }
0x358: {  	v57 =	vld [tilespmem:s8+$0x9DD0];
	v32 =	vmul.f32 v32, v21;
	v54 =	vmul.f32 v48, v26;
	v53 =	vadd.f32 v40, v42;
	[tilespmem:s8+$0x99B0] =	vst v39  }
0x359: {  	v60 =	vld [tilespmem:s8+$0x9DE0];
	v28 =	vmul.f32 v28, v21;
	v56 =	vmul.f32 v49, v26;
	v33 =	vadd.f32 v33, v51;
	[tilespmem:s8+$0x99C0] =	vst v31  }
0x35a: {  	v55 =	vld [tilespmem:s8+$0x9DC0];
	v24 =	vmul.f32 v24, v21;
	v59 =	vmul.f32 v63, v26;
	v58 =	vadd.f32 v32, v54;
	[tilespmem:s8+$0x99D0] =	vst v53  }
0x35b: {  	v23 =	vmul.f32 v23, v21;
	v61 =	vmul.f32 v50, v26;
	v47 =	vld [tilespmem:s8+$0xA1A0];
	v28 =	vadd.f32 v28, v56;
	[tilespmem:s8+$0x99E0] =	vst v33  }
0x35c: {  	v20 =	vmul.f32 v20, v21;
	v63 =	vmul.f32 v52, v26;
	v49 =	vld [tilespmem:s8+$0xA1B0];
	v24 =	vadd.f32 v24, v59;
	[tilespmem:s8+$0x99F0] =	vst v58  }
0x35d: {  	v18 =	vmul.f32 v18, v21;
	v46 =	vmul.f32 v57, v26;
	v57 =	vld [tilespmem:s8+$0xA1F0];
	v23 =	vadd.f32 v23, v61;
	[tilespmem:s8+$0x9D80] =	vst v28  }
0x35e: {  	v17 =	vmul.f32 v17, v21;
	v48 =	vmul.f32 v60, v26;
	v62 =	vld [tilespmem:s8+$0x9DF0];
	v20 =	vadd.f32 v20, v63;
	[tilespmem:s8+$0x9D90] =	vst v24  }
0x35f: {  	v19 =	vmul.f32 v19, v21;
	v43 =	vld [tilespmem:s8+$0xA180];
	v44 =	vmul.f32 v55, v26;
	v18 =	vadd.f32 v18, v46;
	[tilespmem:s8+$0x9DA0] =	vst v23  }
0x360: {  	v13 =	vmul.f32 v13, v21;
	v45 =	vld [tilespmem:s8+$0xA190];
	v17 =	vadd.f32 v17, v48;
	[tilespmem:s8+$0x9DB0] =	vst v20;
	v56 =	vmul.f32 v47, v26  }
0x361: {  	v12 =	vmul.f32 v12, v21;
	v51 =	vld [tilespmem:s8+$0xA1C0];
	v19 =	vadd.f32 v19, v44;
	[tilespmem:s8+$0x9DD0] =	vst v18;
	v58 =	vmul.f32 v49, v26  }
0x362: {  	v55 =	vld [tilespmem:s8+$0xA1E0];
	v32 =	vmul.f32 v41, v21;
	[tilespmem:s8+$0x9DE0] =	vst v17;
	v31 =	vmul.f32 v57, v26;
	v13 =	vadd.f32 v13, v56  }
0x363: {  	v16 =	vmul.f32 v16, v21;
	v59 =	vld [tilespmem:s8+$0xA580];
	[tilespmem:s8+$0x9DC0] =	vst v19;
	v50 =	vmul.f32 v62, v26;
	v12 =	vadd.f32 v12, v58  }
0x364: {  	v15 =	vmul.f32 v15, v21;
	v61 =	vld [tilespmem:s8+$0xA590];
	v52 =	vmul.f32 v43, v26;
	v40 =	vadd.f32 v32, v31;
	[tilespmem:s8+$0xA1A0] =	vst v13  }
0x365: {  	v14 =	vmul.f32 v14, v21;
	v63 =	vld [tilespmem:s8+$0xA5A0];
	v54 =	vmul.f32 v45, v26;
	v16 =	vadd.f32 v16, v50;
	[tilespmem:s8+$0xA1B0] =	vst v12  }
0x366: {  	v11 =	vmul.f32 v11, v21;
	v53 =	vld [tilespmem:s8+$0xA1D0];
	v60 =	vmul.f32 v51, v26;
	v15 =	vadd.f32 v15, v52;
	[tilespmem:s8+$0xA1F0] =	vst v40  }
0x367: {  	v9 =	vmul.f32 v9, v21;
	v28 =	vld [tilespmem:s8+$0xA5B0];
	v24 =	vmul.f32 v55, v26;
	v14 =	vadd.f32 v14, v54;
	[tilespmem:s8+$0x9DF0] =	vst v16  }
0x368: {  	v33 =	vld [tilespmem:s8+$0xA5C0];
	v38 =	vmul.f32 v37, v21;
	v35 =	vmul.f32 v59, v26;
	v11 =	vadd.f32 v11, v60;
	[tilespmem:s8+$0xA180] =	vst v15  }
0x369: {  	v42 =	vmul.f32 v36, v21;
	v39 =	vld [tilespmem:s8+$0xA5D0];
	v41 =	vmul.f32 v61, v26;
	v9 =	vadd.f32 v9, v24;
	[tilespmem:s8+$0xA190] =	vst v14  }
0x36a: {  	v46 =	vmul.f32 v34, v21;
	v47 =	vld [tilespmem:s8+$0xA5F0];
	v45 =	vmul.f32 v63, v26;
	v44 =	vadd.f32 v38, v35;
	[tilespmem:s8+$0xA1C0] =	vst v11  }
0x36b: {  	v10 =	vmul.f32 v10, v21;
	v48 =	vld [tilespmem:s8+$0x9980];
	v62 =	vmul.f32 v53, v26;
	v13 =	vadd.f32 v42, v41;
	[tilespmem:s8+$0xA1E0] =	vst v9  }
0x36c: {  	v43 =	vld [tilespmem:s8+$0xA5E0];
	v49 =	vmul.f32 v28, v26;
	v50 =	vmul.f32 v30, v21;
	v51 =	vadd.f32 v46, v45;
	[tilespmem:s8+$0xA580] =	vst v44  }
0x36d: {  	v52 =	vmul.f32 v33, v26;
	v53 =	vmul.f32 v27, v21;
	v10 =	vadd.f32 v10, v62;
	[tilespmem:s8+$0xA590] =	vst v13  }
0x36e: {  	v56 =	vmul.f32 v25, v21;
	v55 =	vmul.f32 v39, v26;
	v54 =	vadd.f32 v50, v49;
	[tilespmem:s8+$0xA5A0] =	vst v51  }
0x36f: {  	v61 =	vmul.f32 v29, v21;
	v60 =	vmul.f32 v47, v26;
	v12 =	vadd.f32 v53, v52;
	[tilespmem:s8+$0xA1D0] =	vst v10  }
0x370: {  	v8 =	vmul.f32 v8, v21;
	v59 =	vadd.f32 v56, v55;
	v9 =	vmul.f32 v26, v48;
	[tilespmem:s8+$0xA5B0] =	vst v54  }
0x371: {  	v58 =	vmul.f32 v22, v21;
	v57 =	vmul.f32 v43, v26;
	v63 =	vadd.f32 v61, v60;
	[tilespmem:s8+$0xA5C0] =	vst v12  }
.Ltmp19:
0x372: {  	[tilespmem:s8+$0xA5D0] =	vst v59;
	v8 =	vadd.f32 v9, v8;
	(pc) =	sbr.rel .LBB2_23-.Ltmp19, $4  }
0x373: {  	s7 =	sadd.s32 s6, s7;
	v62 =	vadd.f32 v58, v57;
	[tilespmem:s8+$0xA5F0] =	vst v63  }
0x374: {  	s7 =	sshll.u32 s7, $0x6;
	[tilespmem:s8+$0x9980] =	vst v8  }
0x375: {  	s7 =	sadd.s32 s4, s7;
	[tilespmem:s8+$0xA5E0] =	vst v62  }
0x376: {  	[hbm4b:s7+s5] =	stream.linear.scatter [tilespmem:s14], [sflag:$0x6], $0x4000, $0x38;
	[tilespmem:$0x15A00] =	vst v63  }
.LBB2_25:
0x377: {  	p0 =	sne.s32 s31, $0x1  }
0x378: {  	s0 =	simm.s32 @!p0 $0x5  }
0x379: {  	_ =	swait.ge @!p0 [sflag:s0], $0x4000  }
0x37a: {  	[sflag:s0] =	ssyncset.done @!p0 $0x0;
	s2 =	sld [smem:$0x7F4]  }
0x37b: {  	s9 =	simm.s32 $0x15980;
	[sflag:s0] =	ssyncadd.s32 @!p0 $0xFFFFC000;
	s0 =	sld [smem:$0x7F3]  }
.LBB2_27:
0x37c: {  	_ =	sdelay $0x1  }
0x37d: {  	p0 =	sne.s32 s0, $0x1  }
.Ltmp20:
0x37e: {  	_ = 	snop;
	(pc) =	sbr.rel @!p0 .LBB2_29-.Ltmp20, $3  }
0x37f: {  	_ =	sdelay $0x1  }
0x380: {  	_ =	swait.ge [sflag:s26], $0x4000  }
0x381: {  	[sflag:s26] =	ssyncset.done $0x0;
	s0 =	sadd.s32 $0xFFFFFFFF, s0  }
.LBB2_28:
0x382: {  	p0 =	sne.s32 s0, $0x1;
	s0 =	sadd.s32 $0xFFFFFFFF, s0;
	[sflag:s26] =	ssyncadd.s32 $0xFFFFC000  }
.Ltmp21:
0x383: {  	(pc) =	sbr.rel @p0 .LBB2_28-.Ltmp21, $3  }
0x384: {  	_ =	sdelay $0x1  }
0x385: {  	_ =	swait.ge [sflag:s26], $0x4000  }
0x386: {  	[sflag:s26] =	ssyncset.done $0x0  }
.Ltmp22:
0x387: {  	_ = 	snop;
	(pc) =	sbr.rel .LBB2_29-.Ltmp22, $1  }
0x388: {  	_ =	sdelay $0x3  }
.LBB2_31:
0x389: {  	_ =	sfence.sel $0x180000  }
0x38a: {  	[bflag:$0x0] =	sbarrier.arrive $0xFFFF  }
0x38b: {  	_ =	strace $0x90000047  }
0x38c: {  	s0 =	stileid.u32;
	[bflag:$0x2] =	sbarrier.arrive $0xFFFF  }
0x38d: {  	p0 =	sne.s32 s0, $0x0;
	s0 =	rddreg [dreg:$0x4]  }
0x38e: {  	s0 =	sadd.s32 @!p0 $0x100000, s0  }
0x38f: {  	[sflag:s0] =	ssyncadd.tile.s32 @!p0 $0x1;
	_ =	shalt  }
.Lfunc_end2:
_tile_overlayer_lowered:
.L_overlay_start_2:
0x390: {  	(tag) =	ssettag $0x2  }
0x391: {  	s0 =	rddreg [dreg:$0x0];
	s2 =	stileid.u32  }
0x392: {  	s1 =	rddreg [dreg:$0x1];
	p0 =	sne.s32 s2, $0x0  }
0x393: {  	s3 =	rddreg [dreg:$0x2];
	[bflag:$0x3] =	sbarrier.arrive $0xFFFF;
	s2 =	simm.s32 @!p0 $0x1C08  }
0x394: {  	[timem:s3], [sflag:s2] =	dma.local @!p0 [hbm:s0], s1  }
0x395: {  	s0 =	simm.s32 @!p0 $0x8  }
0x396: {  	_ =	swait.ge @!p0 [sflag:s0], s1  }
0x397: {  	s1 =	ssub.s32 @!p0 $0x0, s1;
	[sflag:s0] =	ssyncset.done @!p0 $0x0  }
0x398: {  	[sflag:s0] =	ssyncadd.s32 @!p0 s1  }
0x399: {  	[bflag:$0x3] =	sbarrier.arrive $0xFFFF  }
0x39a: {  	_ =	shalt  }

</sc_bundles>
